<compile_context>
chip_gen: v7x
topology: tpu7x:2x2x1
jax: 0.10.2.dev20260603
libtpu: 0.0.44.dev20260713+nightly
codegen_flags: <defaults>
</compile_context>

<pallas_src>
import functools

import jax
import jax.numpy as jnp
from jax import lax
from jax.experimental import pallas as pl
from jax.experimental.pallas import tpu as pltpu
from jax.experimental.pallas import tpu_sc as plsc

B, S = 1024, 50
MWL, CFD, EMB = 20, 4, 32
IDX_PER_PAIR = MWL * CFD
EXTRA = 16
FEAT = IDX_PER_PAIR + EXTRA
OUT_W = MWL * EMB + EXTRA

NC, NS = 2, 16
NW = NC * NS

P = B * S
C = 16
ROWS = C * IDX_PER_PAIR
GCH = ROWS // 128
TOTAL_CHUNKS = P // C
W_CHUNKS = TOTAL_CHUNKS // NW


def kernel(batch_features, embedding_weight):
    idx3 = (
        batch_features[:, :, :IDX_PER_PAIR]
        .astype(jnp.int32)
        .reshape(TOTAL_CHUNKS, GCH, 128)
    )
    extras = batch_features[:, :, IDX_PER_PAIR:].reshape(P, EXTRA)

    mesh = plsc.VectorSubcoreMesh(core_axis_name="c", subcore_axis_name="s")

    @functools.partial(
        pl.kernel,
        mesh=mesh,
        out_type=jax.ShapeDtypeStruct((P, OUT_W), jnp.float32),
        compiler_params=pltpu.CompilerParams(use_tc_tiling_on_sc=False),
        scratch_types=[
            pltpu.VMEM((GCH, 128), jnp.int32),
            pltpu.VMEM((GCH, 128), jnp.int32),
            pltpu.VMEM((ROWS, EMB), jnp.float32),
            pltpu.VMEM((ROWS, EMB), jnp.float32),
            pltpu.VMEM((C, OUT_W), jnp.float32),
            pltpu.VMEM((C, OUT_W), jnp.float32),
            pltpu.SemaphoreType.DMA,
            pltpu.SemaphoreType.DMA,
            pltpu.SemaphoreType.DMA,
            pltpu.SemaphoreType.DMA,
            pltpu.SemaphoreType.DMA,
            pltpu.SemaphoreType.DMA,
        ],
    )
    def k(idx_hbm, extras_hbm, table_hbm, out_hbm,
          i0, i1, r0, r1, o0, o1, sg0, sg1, se0, se1, so0, so1):
        iv, rv, ov = (i0, i1), (r0, r1), (o0, o1)
        sg, se, so = (sg0, sg1), (se0, se1), (so0, so1)

        wid = lax.axis_index("s") * NC + lax.axis_index("c")
        wcbase = wid * W_CHUNKS

        def fire(p, wc):
            pltpu.sync_copy(idx_hbm.at[wc], iv[p])
            for j in range(GCH):
                pltpu.async_copy(
                    table_hbm.at[iv[p].at[j]],
                    rv[p].at[pl.ds(j * 128, 128)],
                    sg[p],
                )

        def drain(p):
            for j in range(GCH):
                pltpu.make_async_copy(
                    table_hbm.at[iv[p].at[j]],
                    rv[p].at[pl.ds(j * 128, 128)],
                    sg[p],
                ).wait()

        def pool_and_out(p, wc, do_wait):
            pair = wc * C

            @pl.when(do_wait)
            def _():
                pltpu.make_async_copy(
                    ov[p], out_hbm.at[pl.ds(pair, C)], so[p]).wait()

            ecp = pltpu.make_async_copy(
                extras_hbm.at[pl.ds(pair, C)],
                ov[p].at[:, pl.ds(MWL * EMB, EXTRA)],
                se[p],
            )
            ecp.start()

            def poolbody(pp, c2):
                rbase = pp * IDX_PER_PAIR
                for g2 in range(MWL):
                    for hh in range(2):
                        cs = pl.ds(hh * 16, 16)
                        r = (
                            rv[p][rbase + g2 * 4 + 0, cs]
                            + rv[p][rbase + g2 * 4 + 1, cs]
                            + rv[p][rbase + g2 * 4 + 2, cs]
                            + rv[p][rbase + g2 * 4 + 3, cs]
                        )
                        ov[p][pp, pl.ds(g2 * EMB + hh * 16, 16)] = r
                return c2

            lax.fori_loop(0, C, poolbody, 0)
            ecp.wait()
            pltpu.async_copy(ov[p], out_hbm.at[pl.ds(pair, C)], so[p])

        fire(0, wcbase)

        def body(u, carry):
            wc0 = wcbase + 2 * u
            wc1 = wc0 + 1
            wc2 = lax.min(wc0 + 2, TOTAL_CHUNKS - 1)

            fire(1, wc1)
            drain(0)
            pool_and_out(0, wc0, u > 0)
            fire(0, wc2)
            drain(1)
            pool_and_out(1, wc1, u > 0)
            return carry

        lax.fori_loop(0, W_CHUNKS // 2, body, 0)

        drain(0)
        pltpu.make_async_copy(o0, out_hbm.at[pl.ds(0, C)], so0).wait()
        pltpu.make_async_copy(o1, out_hbm.at[pl.ds(0, C)], so1).wait()

    out = k(idx3, extras, embedding_weight)
    return out.reshape(B, S, OUT_W)

# --- scband reference (transcript-rebuilt; emitter-appended) ---
"""Pipeline reference for scband-encoder-85684597555598 (READ-ONLY COPY).

The authoritative reference and input builder live on the scoring server;
editing this copy changes nothing except your own understanding.
"""

import jax, jax.numpy as jnp
import numpy as np

NUM_EMBEDDINGS = 100000
EMBEDDING_DIM = 32
MAX_WORD_LENGTH = 20
CHAR_FEATURE_DIM = 4
ADDITIONAL_STATE_FEATURES = 16


def setup_inputs(seed: int = 0) -> dict:
    key = jax.random.key(seed)
    k1, k2 = jax.random.split(key)
    feat_width = MAX_WORD_LENGTH * CHAR_FEATURE_DIM + ADDITIONAL_STATE_FEATURES
    batch_features = jax.random.randint(k1, (1024, 50, feat_width), 0, NUM_EMBEDDINGS).astype(jnp.float32)
    embedding_weight = jax.random.normal(k2, (NUM_EMBEDDINGS, EMBEDDING_DIM), dtype=jnp.float32)
    return {"batch_features": batch_features, "embedding_weight": embedding_weight}


def reference(batch_features, embedding_weight):
    # Eval-mode: dropout is identity.
    B, S, _ = batch_features.shape
    char_features = batch_features[:, :, : MAX_WORD_LENGTH * CHAR_FEATURE_DIM]
    char_features = char_features.reshape(B, S, MAX_WORD_LENGTH, CHAR_FEATURE_DIM)
    char_features_flat = char_features.reshape(-1, CHAR_FEATURE_DIM).astype(jnp.int32)
    # embedding lookup: [B*S*MWL, CFD, EMB]
    embedded_chars = jnp.take(embedding_weight, char_features_flat, axis=0)
    embedded_chars_combined = embedded_chars.sum(axis=1)  # [B*S*MWL, EMB]
    embedded_chars_reshaped = embedded_chars_combined.reshape(B, S, MAX_WORD_LENGTH * EMBEDDING_DIM)
    additional_features = batch_features[:, :, MAX_WORD_LENGTH * CHAR_FEATURE_DIM:]
    combined_features = jnp.concatenate((embedded_chars_reshaped, additional_features), axis=-1)
    return combined_features

if __name__ == "__main__":
    import jax
    _d = setup_inputs()
    print(jax.jit(kernel)(*tuple(_d.values())))

</pallas_src>

<mosaic_0001>
#map = affine_map<(d0, d1) -> (0, 0, 0)>
#map1 = affine_map<(d0, d1) -> (0, 0)>
module attributes {stable_mosaic.version = 14 : i64} {
  func.func @k(%arg0: i32, %arg1: i32, %arg2: memref<3200x10x128xi32, #tpu.memory_space<hbm>>, %arg3: memref<51200x16xf32, #tpu.memory_space<hbm>>, %arg4: memref<100000x32xf32, #tpu.memory_space<hbm>>, %arg5: memref<51200x656xf32, #tpu.memory_space<hbm>>, %arg6: memref<10x128xi32, #tpu.memory_space<vmem>>, %arg7: memref<10x128xi32, #tpu.memory_space<vmem>>, %arg8: memref<1280x32xf32, #tpu.memory_space<vmem>>, %arg9: memref<1280x32xf32, #tpu.memory_space<vmem>>, %arg10: memref<16x656xf32, #tpu.memory_space<vmem>>, %arg11: memref<16x656xf32, #tpu.memory_space<vmem>>, %arg12: memref<!tpu.dma_semaphore, #tpu.memory_space<semaphore_mem>>, %arg13: memref<!tpu.dma_semaphore, #tpu.memory_space<semaphore_mem>>, %arg14: memref<!tpu.dma_semaphore, #tpu.memory_space<semaphore_mem>>, %arg15: memref<!tpu.dma_semaphore, #tpu.memory_space<semaphore_mem>>, %arg16: memref<!tpu.dma_semaphore, #tpu.memory_space<semaphore_mem>>, %arg17: memref<!tpu.dma_semaphore, #tpu.memory_space<semaphore_mem>>) attributes {dimension_semantics = [#tpu.dimension_semantics<core_parallel>, #tpu.dimension_semantics<subcore_parallel>], iteration_bounds = array<i64: 2, 16>, scalar_prefetch = 0 : i64, scratch_operands = 12 : i64, tpu.core_type = #tpu.core_type<sc_vector_subcore>, window_params = [{transform_indices = #map}, {transform_indices = #map1}, {transform_indices = #map1}, {transform_indices = #map1}]} {
    %mul3A = arith.constant 2 : i32
    %mul3A_0 = arith.muli %arg1, %mul3A : i32
    %add3A = arith.addi %mul3A_0, %arg0 : i32
    %mul3A_1 = arith.constant 100 : i32
    %mul3A_2 = arith.muli %add3A, %mul3A_1 : i32
    "tpu.region"() ({
      %run_scoped3A = tpu.sem_alloc : memref<!tpu.dma_semaphore, #tpu.memory_space<semaphore_mem>>
      %dma_start3A_218 = arith.constant 0 : i32
      %dma_start3A_219 = arith.constant 0 : i32
      %dma_start3A_220 = tpu.memref_slice %arg2[%mul3A_2, %dma_start3A_218, %dma_start3A_219] : memref<3200x10x128xi32, #tpu.memory_space<hbm>> -> memref<1x10x128xi32, #tpu.memory_space<hbm>>
      %dma_start3A_221 = tpu.memref_squeeze %dma_start3A_220 : memref<1x10x128xi32, #tpu.memory_space<hbm>> -> memref<10x128xi32, #tpu.memory_space<hbm>>
      %dma_start3A_222 = arith.constant 0 : i32
      %dma_start3A_223 = arith.constant 0 : i32
      %dma_start3A_224 = tpu.memref_slice %arg2[%mul3A_2, %dma_start3A_222, %dma_start3A_223] : memref<3200x10x128xi32, #tpu.memory_space<hbm>> -> memref<1x10x128xi32, #tpu.memory_space<hbm>>
      %dma_start3A_225 = tpu.memref_squeeze %dma_start3A_224 : memref<1x10x128xi32, #tpu.memory_space<hbm>> -> memref<10x128xi32, #tpu.memory_space<hbm>>
      tpu.enqueue_dma source(%dma_start3A_225 : memref<10x128xi32, #tpu.memory_space<hbm>>) target(%arg6 : memref<10x128xi32, #tpu.memory_space<vmem>>) target_semaphore(%run_scoped3A : memref<!tpu.dma_semaphore, #tpu.memory_space<semaphore_mem>>)
      %dma_wait3A_226 = arith.constant 0 : i32
      %dma_wait3A_227 = arith.constant 0 : i32
      %dma_wait3A_228 = tpu.memref_slice %arg2[%mul3A_2, %dma_wait3A_226, %dma_wait3A_227] : memref<3200x10x128xi32, #tpu.memory_space<hbm>> -> memref<1x10x128xi32, #tpu.memory_space<hbm>>
      %dma_wait3A_229 = tpu.memref_squeeze %dma_wait3A_228 : memref<1x10x128xi32, #tpu.memory_space<hbm>> -> memref<10x128xi32, #tpu.memory_space<hbm>>
      %dma_wait3A_230 = arith.constant 0 : i32
      %dma_wait3A_231 = arith.constant 0 : i32
      %dma_wait3A_232 = tpu.memref_slice %arg2[%mul3A_2, %dma_wait3A_230, %dma_wait3A_231] : memref<3200x10x128xi32, #tpu.memory_space<hbm>> -> memref<1x10x128xi32, #tpu.memory_space<hbm>>
      %dma_wait3A_233 = tpu.memref_squeeze %dma_wait3A_232 : memref<1x10x128xi32, #tpu.memory_space<hbm>> -> memref<10x128xi32, #tpu.memory_space<hbm>>
      tpu.wait_dma2 semaphore(%run_scoped3A : memref<!tpu.dma_semaphore, #tpu.memory_space<semaphore_mem>>) src(%dma_wait3A_233 : memref<10x128xi32, #tpu.memory_space<hbm>>) dst(%arg6 : memref<10x128xi32, #tpu.memory_space<vmem>>)
      tpu.yield
    }) : () -> ()
    %dma_start3A = arith.constant 0 : i32
    %dma_start3A_3 = arith.constant 0 : i32
    %dma_start3A_4 = arith.constant 0 : i32
    %dma_start3A_5 = tpu.memref_slice %arg8[%dma_start3A_3, %dma_start3A_4] : memref<1280x32xf32, #tpu.memory_space<vmem>> -> memref<128x32xf32, #tpu.memory_space<vmem>>
    %dma_start3A_6 = arith.constant 0 : i32
    %dma_start3A_7 = tpu.memref_slice %arg6[%dma_start3A, %dma_start3A_6] : memref<10x128xi32, #tpu.memory_space<vmem>> -> memref<1x128xi32, #tpu.memory_space<vmem>>
    %dma_start3A_8 = tpu.memref_squeeze %dma_start3A_7 : memref<1x128xi32, #tpu.memory_space<vmem>> -> memref<128xi32, #tpu.memory_space<vmem>>
    %dma_start3A_9 = arith.constant 0 : i32
    %dma_start3A_10 = arith.constant 0 : i32
    %dma_start3A_11 = tpu.memref_slice %arg4[%dma_start3A_9, %dma_start3A_10] : memref<100000x32xf32, #tpu.memory_space<hbm>> -> memref<100000x32xf32, #tpu.memory_space<hbm>>
    tpu.enqueue_indirect_dma source(%dma_start3A_11 : memref<100000x32xf32, #tpu.memory_space<hbm>>) target(%dma_start3A_5 : memref<128x32xf32, #tpu.memory_space<vmem>>) offsets(%dma_start3A_8 : memref<128xi32, #tpu.memory_space<vmem>>) semaphore(%arg12 : memref<!tpu.dma_semaphore, #tpu.memory_space<semaphore_mem>>)
    %dma_start3A_12 = arith.constant 1 : i32
    %dma_start3A_13 = arith.constant 128 : i32
    %dma_start3A_14 = arith.constant 0 : i32
    %dma_start3A_15 = tpu.memref_slice %arg8[%dma_start3A_13, %dma_start3A_14] : memref<1280x32xf32, #tpu.memory_space<vmem>> -> memref<128x32xf32, #tpu.memory_space<vmem>>
    %dma_start3A_16 = arith.constant 0 : i32
    %dma_start3A_17 = tpu.memref_slice %arg6[%dma_start3A_12, %dma_start3A_16] : memref<10x128xi32, #tpu.memory_space<vmem>> -> memref<1x128xi32, #tpu.memory_space<vmem>>
    %dma_start3A_18 = tpu.memref_squeeze %dma_start3A_17 : memref<1x128xi32, #tpu.memory_space<vmem>> -> memref<128xi32, #tpu.memory_space<vmem>>
    %dma_start3A_19 = arith.constant 0 : i32
    %dma_start3A_20 = arith.constant 0 : i32
    %dma_start3A_21 = tpu.memref_slice %arg4[%dma_start3A_19, %dma_start3A_20] : memref<100000x32xf32, #tpu.memory_space<hbm>> -> memref<100000x32xf32, #tpu.memory_space<hbm>>
    tpu.enqueue_indirect_dma source(%dma_start3A_21 : memref<100000x32xf32, #tpu.memory_space<hbm>>) target(%dma_start3A_15 : memref<128x32xf32, #tpu.memory_space<vmem>>) offsets(%dma_start3A_18 : memref<128xi32, #tpu.memory_space<vmem>>) semaphore(%arg12 : memref<!tpu.dma_semaphore, #tpu.memory_space<semaphore_mem>>)
    %dma_start3A_22 = arith.constant 2 : i32
    %dma_start3A_23 = arith.constant 256 : i32
    %dma_start3A_24 = arith.constant 0 : i32
    %dma_start3A_25 = tpu.memref_slice %arg8[%dma_start3A_23, %dma_start3A_24] : memref<1280x32xf32, #tpu.memory_space<vmem>> -> memref<128x32xf32, #tpu.memory_space<vmem>>
    %dma_start3A_26 = arith.constant 0 : i32
    %dma_start3A_27 = tpu.memref_slice %arg6[%dma_start3A_22, %dma_start3A_26] : memref<10x128xi32, #tpu.memory_space<vmem>> -> memref<1x128xi32, #tpu.memory_space<vmem>>
    %dma_start3A_28 = tpu.memref_squeeze %dma_start3A_27 : memref<1x128xi32, #tpu.memory_space<vmem>> -> memref<128xi32, #tpu.memory_space<vmem>>
    %dma_start3A_29 = arith.constant 0 : i32
    %dma_start3A_30 = arith.constant 0 : i32
    %dma_start3A_31 = tpu.memref_slice %arg4[%dma_start3A_29, %dma_start3A_30] : memref<100000x32xf32, #tpu.memory_space<hbm>> -> memref<100000x32xf32, #tpu.memory_space<hbm>>
    tpu.enqueue_indirect_dma source(%dma_start3A_31 : memref<100000x32xf32, #tpu.memory_space<hbm>>) target(%dma_start3A_25 : memref<128x32xf32, #tpu.memory_space<vmem>>) offsets(%dma_start3A_28 : memref<128xi32, #tpu.memory_space<vmem>>) semaphore(%arg12 : memref<!tpu.dma_semaphore, #tpu.memory_space<semaphore_mem>>)
    %dma_start3A_32 = arith.constant 3 : i32
    %dma_start3A_33 = arith.constant 384 : i32
    %dma_start3A_34 = arith.constant 0 : i32
    %dma_start3A_35 = tpu.memref_slice %arg8[%dma_start3A_33, %dma_start3A_34] : memref<1280x32xf32, #tpu.memory_space<vmem>> -> memref<128x32xf32, #tpu.memory_space<vmem>>
    %dma_start3A_36 = arith.constant 0 : i32
    %dma_start3A_37 = tpu.memref_slice %arg6[%dma_start3A_32, %dma_start3A_36] : memref<10x128xi32, #tpu.memory_space<vmem>> -> memref<1x128xi32, #tpu.memory_space<vmem>>
    %dma_start3A_38 = tpu.memref_squeeze %dma_start3A_37 : memref<1x128xi32, #tpu.memory_space<vmem>> -> memref<128xi32, #tpu.memory_space<vmem>>
    %dma_start3A_39 = arith.constant 0 : i32
    %dma_start3A_40 = arith.constant 0 : i32
    %dma_start3A_41 = tpu.memref_slice %arg4[%dma_start3A_39, %dma_start3A_40] : memref<100000x32xf32, #tpu.memory_space<hbm>> -> memref<100000x32xf32, #tpu.memory_space<hbm>>
    tpu.enqueue_indirect_dma source(%dma_start3A_41 : memref<100000x32xf32, #tpu.memory_space<hbm>>) target(%dma_start3A_35 : memref<128x32xf32, #tpu.memory_space<vmem>>) offsets(%dma_start3A_38 : memref<128xi32, #tpu.memory_space<vmem>>) semaphore(%arg12 : memref<!tpu.dma_semaphore, #tpu.memory_space<semaphore_mem>>)
    %dma_start3A_42 = arith.constant 4 : i32
    %dma_start3A_43 = arith.constant 512 : i32
    %dma_start3A_44 = arith.constant 0 : i32
    %dma_start3A_45 = tpu.memref_slice %arg8[%dma_start3A_43, %dma_start3A_44] : memref<1280x32xf32, #tpu.memory_space<vmem>> -> memref<128x32xf32, #tpu.memory_space<vmem>>
    %dma_start3A_46 = arith.constant 0 : i32
    %dma_start3A_47 = tpu.memref_slice %arg6[%dma_start3A_42, %dma_start3A_46] : memref<10x128xi32, #tpu.memory_space<vmem>> -> memref<1x128xi32, #tpu.memory_space<vmem>>
    %dma_start3A_48 = tpu.memref_squeeze %dma_start3A_47 : memref<1x128xi32, #tpu.memory_space<vmem>> -> memref<128xi32, #tpu.memory_space<vmem>>
    %dma_start3A_49 = arith.constant 0 : i32
    %dma_start3A_50 = arith.constant 0 : i32
    %dma_start3A_51 = tpu.memref_slice %arg4[%dma_start3A_49, %dma_start3A_50] : memref<100000x32xf32, #tpu.memory_space<hbm>> -> memref<100000x32xf32, #tpu.memory_space<hbm>>
    tpu.enqueue_indirect_dma source(%dma_start3A_51 : memref<100000x32xf32, #tpu.memory_space<hbm>>) target(%dma_start3A_45 : memref<128x32xf32, #tpu.memory_space<vmem>>) offsets(%dma_start3A_48 : memref<128xi32, #tpu.memory_space<vmem>>) semaphore(%arg12 : memref<!tpu.dma_semaphore, #tpu.memory_space<semaphore_mem>>)
    %dma_start3A_52 = arith.constant 5 : i32
    %dma_start3A_53 = arith.constant 640 : i32
    %dma_start3A_54 = arith.constant 0 : i32
    %dma_start3A_55 = tpu.memref_slice %arg8[%dma_start3A_53, %dma_start3A_54] : memref<1280x32xf32, #tpu.memory_space<vmem>> -> memref<128x32xf32, #tpu.memory_space<vmem>>
    %dma_start3A_56 = arith.constant 0 : i32
    %dma_start3A_57 = tpu.memref_slice %arg6[%dma_start3A_52, %dma_start3A_56] : memref<10x128xi32, #tpu.memory_space<vmem>> -> memref<1x128xi32, #tpu.memory_space<vmem>>
    %dma_start3A_58 = tpu.memref_squeeze %dma_start3A_57 : memref<1x128xi32, #tpu.memory_space<vmem>> -> memref<128xi32, #tpu.memory_space<vmem>>
    %dma_start3A_59 = arith.constant 0 : i32
    %dma_start3A_60 = arith.constant 0 : i32
    %dma_start3A_61 = tpu.memref_slice %arg4[%dma_start3A_59, %dma_start3A_60] : memref<100000x32xf32, #tpu.memory_space<hbm>> -> memref<100000x32xf32, #tpu.memory_space<hbm>>
    tpu.enqueue_indirect_dma source(%dma_start3A_61 : memref<100000x32xf32, #tpu.memory_space<hbm>>) target(%dma_start3A_55 : memref<128x32xf32, #tpu.memory_space<vmem>>) offsets(%dma_start3A_58 : memref<128xi32, #tpu.memory_space<vmem>>) semaphore(%arg12 : memref<!tpu.dma_semaphore, #tpu.memory_space<semaphore_mem>>)
    %dma_start3A_62 = arith.constant 6 : i32
    %dma_start3A_63 = arith.constant 768 : i32
    %dma_start3A_64 = arith.constant 0 : i32
    %dma_start3A_65 = tpu.memref_slice %arg8[%dma_start3A_63, %dma_start3A_64] : memref<1280x32xf32, #tpu.memory_space<vmem>> -> memref<128x32xf32, #tpu.memory_space<vmem>>
    %dma_start3A_66 = arith.constant 0 : i32
    %dma_start3A_67 = tpu.memref_slice %arg6[%dma_start3A_62, %dma_start3A_66] : memref<10x128xi32, #tpu.memory_space<vmem>> -> memref<1x128xi32, #tpu.memory_space<vmem>>
    %dma_start3A_68 = tpu.memref_squeeze %dma_start3A_67 : memref<1x128xi32, #tpu.memory_space<vmem>> -> memref<128xi32, #tpu.memory_space<vmem>>
    %dma_start3A_69 = arith.constant 0 : i32
    %dma_start3A_70 = arith.constant 0 : i32
    %dma_start3A_71 = tpu.memref_slice %arg4[%dma_start3A_69, %dma_start3A_70] : memref<100000x32xf32, #tpu.memory_space<hbm>> -> memref<100000x32xf32, #tpu.memory_space<hbm>>
    tpu.enqueue_indirect_dma source(%dma_start3A_71 : memref<100000x32xf32, #tpu.memory_space<hbm>>) target(%dma_start3A_65 : memref<128x32xf32, #tpu.memory_space<vmem>>) offsets(%dma_start3A_68 : memref<128xi32, #tpu.memory_space<vmem>>) semaphore(%arg12 : memref<!tpu.dma_semaphore, #tpu.memory_space<semaphore_mem>>)
    %dma_start3A_72 = arith.constant 7 : i32
    %dma_start3A_73 = arith.constant 896 : i32
    %dma_start3A_74 = arith.constant 0 : i32
    %dma_start3A_75 = tpu.memref_slice %arg8[%dma_start3A_73, %dma_start3A_74] : memref<1280x32xf32, #tpu.memory_space<vmem>> -> memref<128x32xf32, #tpu.memory_space<vmem>>
    %dma_start3A_76 = arith.constant 0 : i32
    %dma_start3A_77 = tpu.memref_slice %arg6[%dma_start3A_72, %dma_start3A_76] : memref<10x128xi32, #tpu.memory_space<vmem>> -> memref<1x128xi32, #tpu.memory_space<vmem>>
    %dma_start3A_78 = tpu.memref_squeeze %dma_start3A_77 : memref<1x128xi32, #tpu.memory_space<vmem>> -> memref<128xi32, #tpu.memory_space<vmem>>
    %dma_start3A_79 = arith.constant 0 : i32
    %dma_start3A_80 = arith.constant 0 : i32
    %dma_start3A_81 = tpu.memref_slice %arg4[%dma_start3A_79, %dma_start3A_80] : memref<100000x32xf32, #tpu.memory_space<hbm>> -> memref<100000x32xf32, #tpu.memory_space<hbm>>
    tpu.enqueue_indirect_dma source(%dma_start3A_81 : memref<100000x32xf32, #tpu.memory_space<hbm>>) target(%dma_start3A_75 : memref<128x32xf32, #tpu.memory_space<vmem>>) offsets(%dma_start3A_78 : memref<128xi32, #tpu.memory_space<vmem>>) semaphore(%arg12 : memref<!tpu.dma_semaphore, #tpu.memory_space<semaphore_mem>>)
    %dma_start3A_82 = arith.constant 8 : i32
    %dma_start3A_83 = arith.constant 1024 : i32
    %dma_start3A_84 = arith.constant 0 : i32
    %dma_start3A_85 = tpu.memref_slice %arg8[%dma_start3A_83, %dma_start3A_84] : memref<1280x32xf32, #tpu.memory_space<vmem>> -> memref<128x32xf32, #tpu.memory_space<vmem>>
    %dma_start3A_86 = arith.constant 0 : i32
    %dma_start3A_87 = tpu.memref_slice %arg6[%dma_start3A_82, %dma_start3A_86] : memref<10x128xi32, #tpu.memory_space<vmem>> -> memref<1x128xi32, #tpu.memory_space<vmem>>
    %dma_start3A_88 = tpu.memref_squeeze %dma_start3A_87 : memref<1x128xi32, #tpu.memory_space<vmem>> -> memref<128xi32, #tpu.memory_space<vmem>>
    %dma_start3A_89 = arith.constant 0 : i32
    %dma_start3A_90 = arith.constant 0 : i32
    %dma_start3A_91 = tpu.memref_slice %arg4[%dma_start3A_89, %dma_start3A_90] : memref<100000x32xf32, #tpu.memory_space<hbm>> -> memref<100000x32xf32, #tpu.memory_space<hbm>>
    tpu.enqueue_indirect_dma source(%dma_start3A_91 : memref<100000x32xf32, #tpu.memory_space<hbm>>) target(%dma_start3A_85 : memref<128x32xf32, #tpu.memory_space<vmem>>) offsets(%dma_start3A_88 : memref<128xi32, #tpu.memory_space<vmem>>) semaphore(%arg12 : memref<!tpu.dma_semaphore, #tpu.memory_space<semaphore_mem>>)
    %dma_start3A_92 = arith.constant 9 : i32
    %dma_start3A_93 = arith.constant 1152 : i32
    %dma_start3A_94 = arith.constant 0 : i32
    %dma_start3A_95 = tpu.memref_slice %arg8[%dma_start3A_93, %dma_start3A_94] : memref<1280x32xf32, #tpu.memory_space<vmem>> -> memref<128x32xf32, #tpu.memory_space<vmem>>
    %dma_start3A_96 = arith.constant 0 : i32
    %dma_start3A_97 = tpu.memref_slice %arg6[%dma_start3A_92, %dma_start3A_96] : memref<10x128xi32, #tpu.memory_space<vmem>> -> memref<1x128xi32, #tpu.memory_space<vmem>>
    %dma_start3A_98 = tpu.memref_squeeze %dma_start3A_97 : memref<1x128xi32, #tpu.memory_space<vmem>> -> memref<128xi32, #tpu.memory_space<vmem>>
    %dma_start3A_99 = arith.constant 0 : i32
    %dma_start3A_100 = arith.constant 0 : i32
    %dma_start3A_101 = tpu.memref_slice %arg4[%dma_start3A_99, %dma_start3A_100] : memref<100000x32xf32, #tpu.memory_space<hbm>> -> memref<100000x32xf32, #tpu.memory_space<hbm>>
    tpu.enqueue_indirect_dma source(%dma_start3A_101 : memref<100000x32xf32, #tpu.memory_space<hbm>>) target(%dma_start3A_95 : memref<128x32xf32, #tpu.memory_space<vmem>>) offsets(%dma_start3A_98 : memref<128xi32, #tpu.memory_space<vmem>>) semaphore(%arg12 : memref<!tpu.dma_semaphore, #tpu.memory_space<semaphore_mem>>)
    %scan3A = arith.constant 0 : i32
    %scan3A_102 = arith.constant 0 : i32
    %scan3A_103 = arith.constant 50 : i32
    %scan3A_104 = arith.addi %scan3A_102, %scan3A_103 : i32
    %scan3A_105 = arith.constant 1 : i32
    scf.for %scan3A_218 = %scan3A_102 to %scan3A_104 step %scan3A_105  : i32 {
      %mul3A_219 = arith.constant 2 : i32
      %mul3A_220 = arith.muli %mul3A_219, %scan3A_218 : i32
      %add3A_221 = arith.addi %mul3A_2, %mul3A_220 : i32
      %add3A_222 = arith.constant 1 : i32
      %add3A_223 = arith.addi %add3A_221, %add3A_222 : i32
      %add3A_224 = arith.constant 2 : i32
      %add3A_225 = arith.addi %add3A_221, %add3A_224 : i32
      %min3A = arith.constant 3199 : i32
      %min3A_226 = arith.minsi %add3A_225, %min3A : i32
      "tpu.region"() ({
        %run_scoped3A = tpu.sem_alloc : memref<!tpu.dma_semaphore, #tpu.memory_space<semaphore_mem>>
        %dma_start3A_698 = arith.constant 0 : i32
        %dma_start3A_699 = arith.constant 0 : i32
        %dma_start3A_700 = tpu.memref_slice %arg2[%add3A_223, %dma_start3A_698, %dma_start3A_699] : memref<3200x10x128xi32, #tpu.memory_space<hbm>> -> memref<1x10x128xi32, #tpu.memory_space<hbm>>
        %dma_start3A_701 = tpu.memref_squeeze %dma_start3A_700 : memref<1x10x128xi32, #tpu.memory_space<hbm>> -> memref<10x128xi32, #tpu.memory_space<hbm>>
        %dma_start3A_702 = arith.constant 0 : i32
        %dma_start3A_703 = arith.constant 0 : i32
        %dma_start3A_704 = tpu.memref_slice %arg2[%add3A_223, %dma_start3A_702, %dma_start3A_703] : memref<3200x10x128xi32, #tpu.memory_space<hbm>> -> memref<1x10x128xi32, #tpu.memory_space<hbm>>
        %dma_start3A_705 = tpu.memref_squeeze %dma_start3A_704 : memref<1x10x128xi32, #tpu.memory_space<hbm>> -> memref<10x128xi32, #tpu.memory_space<hbm>>
        tpu.enqueue_dma source(%dma_start3A_705 : memref<10x128xi32, #tpu.memory_space<hbm>>) target(%arg7 : memref<10x128xi32, #tpu.memory_space<vmem>>) target_semaphore(%run_scoped3A : memref<!tpu.dma_semaphore, #tpu.memory_space<semaphore_mem>>)
        %dma_wait3A_706 = arith.constant 0 : i32
        %dma_wait3A_707 = arith.constant 0 : i32
        %dma_wait3A_708 = tpu.memref_slice %arg2[%add3A_223, %dma_wait3A_706, %dma_wait3A_707] : memref<3200x10x128xi32, #tpu.memory_space<hbm>> -> memref<1x10x128xi32, #tpu.memory_space<hbm>>
        %dma_wait3A_709 = tpu.memref_squeeze %dma_wait3A_708 : memref<1x10x128xi32, #tpu.memory_space<hbm>> -> memref<10x128xi32, #tpu.memory_space<hbm>>
        %dma_wait3A_710 = arith.constant 0 : i32
        %dma_wait3A_711 = arith.constant 0 : i32
        %dma_wait3A_712 = tpu.memref_slice %arg2[%add3A_223, %dma_wait3A_710, %dma_wait3A_711] : memref<3200x10x128xi32, #tpu.memory_space<hbm>> -> memref<1x10x128xi32, #tpu.memory_space<hbm>>
        %dma_wait3A_713 = tpu.memref_squeeze %dma_wait3A_712 : memref<1x10x128xi32, #tpu.memory_space<hbm>> -> memref<10x128xi32, #tpu.memory_space<hbm>>
        tpu.wait_dma2 semaphore(%run_scoped3A : memref<!tpu.dma_semaphore, #tpu.memory_space<semaphore_mem>>) src(%dma_wait3A_713 : memref<10x128xi32, #tpu.memory_space<hbm>>) dst(%arg7 : memref<10x128xi32, #tpu.memory_space<vmem>>)
        tpu.yield
      }) : () -> ()
      %dma_start3A_227 = arith.constant 0 : i32
      %dma_start3A_228 = arith.constant 0 : i32
      %dma_start3A_229 = arith.constant 0 : i32
      %dma_start3A_230 = tpu.memref_slice %arg9[%dma_start3A_228, %dma_start3A_229] : memref<1280x32xf32, #tpu.memory_space<vmem>> -> memref<128x32xf32, #tpu.memory_space<vmem>>
      %dma_start3A_231 = arith.constant 0 : i32
      %dma_start3A_232 = tpu.memref_slice %arg7[%dma_start3A_227, %dma_start3A_231] : memref<10x128xi32, #tpu.memory_space<vmem>> -> memref<1x128xi32, #tpu.memory_space<vmem>>
      %dma_start3A_233 = tpu.memref_squeeze %dma_start3A_232 : memref<1x128xi32, #tpu.memory_space<vmem>> -> memref<128xi32, #tpu.memory_space<vmem>>
      %dma_start3A_234 = arith.constant 0 : i32
      %dma_start3A_235 = arith.constant 0 : i32
      %dma_start3A_236 = tpu.memref_slice %arg4[%dma_start3A_234, %dma_start3A_235] : memref<100000x32xf32, #tpu.memory_space<hbm>> -> memref<100000x32xf32, #tpu.memory_space<hbm>>
      tpu.enqueue_indirect_dma source(%dma_start3A_236 : memref<100000x32xf32, #tpu.memory_space<hbm>>) target(%dma_start3A_230 : memref<128x32xf32, #tpu.memory_space<vmem>>) offsets(%dma_start3A_233 : memref<128xi32, #tpu.memory_space<vmem>>) semaphore(%arg13 : memref<!tpu.dma_semaphore, #tpu.memory_space<semaphore_mem>>)
      %dma_start3A_237 = arith.constant 1 : i32
      %dma_start3A_238 = arith.constant 128 : i32
      %dma_start3A_239 = arith.constant 0 : i32
      %dma_start3A_240 = tpu.memref_slice %arg9[%dma_start3A_238, %dma_start3A_239] : memref<1280x32xf32, #tpu.memory_space<vmem>> -> memref<128x32xf32, #tpu.memory_space<vmem>>
      %dma_start3A_241 = arith.constant 0 : i32
      %dma_start3A_242 = tpu.memref_slice %arg7[%dma_start3A_237, %dma_start3A_241] : memref<10x128xi32, #tpu.memory_space<vmem>> -> memref<1x128xi32, #tpu.memory_space<vmem>>
      %dma_start3A_243 = tpu.memref_squeeze %dma_start3A_242 : memref<1x128xi32, #tpu.memory_space<vmem>> -> memref<128xi32, #tpu.memory_space<vmem>>
      %dma_start3A_244 = arith.constant 0 : i32
      %dma_start3A_245 = arith.constant 0 : i32
      %dma_start3A_246 = tpu.memref_slice %arg4[%dma_start3A_244, %dma_start3A_245] : memref<100000x32xf32, #tpu.memory_space<hbm>> -> memref<100000x32xf32, #tpu.memory_space<hbm>>
      tpu.enqueue_indirect_dma source(%dma_start3A_246 : memref<100000x32xf32, #tpu.memory_space<hbm>>) target(%dma_start3A_240 : memref<128x32xf32, #tpu.memory_space<vmem>>) offsets(%dma_start3A_243 : memref<128xi32, #tpu.memory_space<vmem>>) semaphore(%arg13 : memref<!tpu.dma_semaphore, #tpu.memory_space<semaphore_mem>>)
      %dma_start3A_247 = arith.constant 2 : i32
      %dma_start3A_248 = arith.constant 256 : i32
      %dma_start3A_249 = arith.constant 0 : i32
      %dma_start3A_250 = tpu.memref_slice %arg9[%dma_start3A_248, %dma_start3A_249] : memref<1280x32xf32, #tpu.memory_space<vmem>> -> memref<128x32xf32, #tpu.memory_space<vmem>>
      %dma_start3A_251 = arith.constant 0 : i32
      %dma_start3A_252 = tpu.memref_slice %arg7[%dma_start3A_247, %dma_start3A_251] : memref<10x128xi32, #tpu.memory_space<vmem>> -> memref<1x128xi32, #tpu.memory_space<vmem>>
      %dma_start3A_253 = tpu.memref_squeeze %dma_start3A_252 : memref<1x128xi32, #tpu.memory_space<vmem>> -> memref<128xi32, #tpu.memory_space<vmem>>
      %dma_start3A_254 = arith.constant 0 : i32
      %dma_start3A_255 = arith.constant 0 : i32
      %dma_start3A_256 = tpu.memref_slice %arg4[%dma_start3A_254, %dma_start3A_255] : memref<100000x32xf32, #tpu.memory_space<hbm>> -> memref<100000x32xf32, #tpu.memory_space<hbm>>
      tpu.enqueue_indirect_dma source(%dma_start3A_256 : memref<100000x32xf32, #tpu.memory_space<hbm>>) target(%dma_start3A_250 : memref<128x32xf32, #tpu.memory_space<vmem>>) offsets(%dma_start3A_253 : memref<128xi32, #tpu.memory_space<vmem>>) semaphore(%arg13 : memref<!tpu.dma_semaphore, #tpu.memory_space<semaphore_mem>>)
      %dma_start3A_257 = arith.constant 3 : i32
      %dma_start3A_258 = arith.constant 384 : i32
      %dma_start3A_259 = arith.constant 0 : i32
      %dma_start3A_260 = tpu.memref_slice %arg9[%dma_start3A_258, %dma_start3A_259] : memref<1280x32xf32, #tpu.memory_space<vmem>> -> memref<128x32xf32, #tpu.memory_space<vmem>>
      %dma_start3A_261 = arith.constant 0 : i32
      %dma_start3A_262 = tpu.memref_slice %arg7[%dma_start3A_257, %dma_start3A_261] : memref<10x128xi32, #tpu.memory_space<vmem>> -> memref<1x128xi32, #tpu.memory_space<vmem>>
      %dma_start3A_263 = tpu.memref_squeeze %dma_start3A_262 : memref<1x128xi32, #tpu.memory_space<vmem>> -> memref<128xi32, #tpu.memory_space<vmem>>
      %dma_start3A_264 = arith.constant 0 : i32
      %dma_start3A_265 = arith.constant 0 : i32
      %dma_start3A_266 = tpu.memref_slice %arg4[%dma_start3A_264, %dma_start3A_265] : memref<100000x32xf32, #tpu.memory_space<hbm>> -> memref<100000x32xf32, #tpu.memory_space<hbm>>
      tpu.enqueue_indirect_dma source(%dma_start3A_266 : memref<100000x32xf32, #tpu.memory_space<hbm>>) target(%dma_start3A_260 : memref<128x32xf32, #tpu.memory_space<vmem>>) offsets(%dma_start3A_263 : memref<128xi32, #tpu.memory_space<vmem>>) semaphore(%arg13 : memref<!tpu.dma_semaphore, #tpu.memory_space<semaphore_mem>>)
      %dma_start3A_267 = arith.constant 4 : i32
      %dma_start3A_268 = arith.constant 512 : i32
      %dma_start3A_269 = arith.constant 0 : i32
      %dma_start3A_270 = tpu.memref_slice %arg9[%dma_start3A_268, %dma_start3A_269] : memref<1280x32xf32, #tpu.memory_space<vmem>> -> memref<128x32xf32, #tpu.memory_space<vmem>>
      %dma_start3A_271 = arith.constant 0 : i32
      %dma_start3A_272 = tpu.memref_slice %arg7[%dma_start3A_267, %dma_start3A_271] : memref<10x128xi32, #tpu.memory_space<vmem>> -> memref<1x128xi32, #tpu.memory_space<vmem>>
      %dma_start3A_273 = tpu.memref_squeeze %dma_start3A_272 : memref<1x128xi32, #tpu.memory_space<vmem>> -> memref<128xi32, #tpu.memory_space<vmem>>
      %dma_start3A_274 = arith.constant 0 : i32
      %dma_start3A_275 = arith.constant 0 : i32
      %dma_start3A_276 = tpu.memref_slice %arg4[%dma_start3A_274, %dma_start3A_275] : memref<100000x32xf32, #tpu.memory_space<hbm>> -> memref<100000x32xf32, #tpu.memory_space<hbm>>
      tpu.enqueue_indirect_dma source(%dma_start3A_276 : memref<100000x32xf32, #tpu.memory_space<hbm>>) target(%dma_start3A_270 : memref<128x32xf32, #tpu.memory_space<vmem>>) offsets(%dma_start3A_273 : memref<128xi32, #tpu.memory_space<vmem>>) semaphore(%arg13 : memref<!tpu.dma_semaphore, #tpu.memory_space<semaphore_mem>>)
      %dma_start3A_277 = arith.constant 5 : i32
      %dma_start3A_278 = arith.constant 640 : i32
      %dma_start3A_279 = arith.constant 0 : i32
      %dma_start3A_280 = tpu.memref_slice %arg9[%dma_start3A_278, %dma_start3A_279] : memref<1280x32xf32, #tpu.memory_space<vmem>> -> memref<128x32xf32, #tpu.memory_space<vmem>>
      %dma_start3A_281 = arith.constant 0 : i32
      %dma_start3A_282 = tpu.memref_slice %arg7[%dma_start3A_277, %dma_start3A_281] : memref<10x128xi32, #tpu.memory_space<vmem>> -> memref<1x128xi32, #tpu.memory_space<vmem>>
      %dma_start3A_283 = tpu.memref_squeeze %dma_start3A_282 : memref<1x128xi32, #tpu.memory_space<vmem>> -> memref<128xi32, #tpu.memory_space<vmem>>
      %dma_start3A_284 = arith.constant 0 : i32
      %dma_start3A_285 = arith.constant 0 : i32
      %dma_start3A_286 = tpu.memref_slice %arg4[%dma_start3A_284, %dma_start3A_285] : memref<100000x32xf32, #tpu.memory_space<hbm>> -> memref<100000x32xf32, #tpu.memory_space<hbm>>
      tpu.enqueue_indirect_dma source(%dma_start3A_286 : memref<100000x32xf32, #tpu.memory_space<hbm>>) target(%dma_start3A_280 : memref<128x32xf32, #tpu.memory_space<vmem>>) offsets(%dma_start3A_283 : memref<128xi32, #tpu.memory_space<vmem>>) semaphore(%arg13 : memref<!tpu.dma_semaphore, #tpu.memory_space<semaphore_mem>>)
      %dma_start3A_287 = arith.constant 6 : i32
      %dma_start3A_288 = arith.constant 768 : i32
      %dma_start3A_289 = arith.constant 0 : i32
      %dma_start3A_290 = tpu.memref_slice %arg9[%dma_start3A_288, %dma_start3A_289] : memref<1280x32xf32, #tpu.memory_space<vmem>> -> memref<128x32xf32, #tpu.memory_space<vmem>>
      %dma_start3A_291 = arith.constant 0 : i32
      %dma_start3A_292 = tpu.memref_slice %arg7[%dma_start3A_287, %dma_start3A_291] : memref<10x128xi32, #tpu.memory_space<vmem>> -> memref<1x128xi32, #tpu.memory_space<vmem>>
      %dma_start3A_293 = tpu.memref_squeeze %dma_start3A_292 : memref<1x128xi32, #tpu.memory_space<vmem>> -> memref<128xi32, #tpu.memory_space<vmem>>
      %dma_start3A_294 = arith.constant 0 : i32
      %dma_start3A_295 = arith.constant 0 : i32
      %dma_start3A_296 = tpu.memref_slice %arg4[%dma_start3A_294, %dma_start3A_295] : memref<100000x32xf32, #tpu.memory_space<hbm>> -> memref<100000x32xf32, #tpu.memory_space<hbm>>
      tpu.enqueue_indirect_dma source(%dma_start3A_296 : memref<100000x32xf32, #tpu.memory_space<hbm>>) target(%dma_start3A_290 : memref<128x32xf32, #tpu.memory_space<vmem>>) offsets(%dma_start3A_293 : memref<128xi32, #tpu.memory_space<vmem>>) semaphore(%arg13 : memref<!tpu.dma_semaphore, #tpu.memory_space<semaphore_mem>>)
      %dma_start3A_297 = arith.constant 7 : i32
      %dma_start3A_298 = arith.constant 896 : i32
      %dma_start3A_299 = arith.constant 0 : i32
      %dma_start3A_300 = tpu.memref_slice %arg9[%dma_start3A_298, %dma_start3A_299] : memref<1280x32xf32, #tpu.memory_space<vmem>> -> memref<128x32xf32, #tpu.memory_space<vmem>>
      %dma_start3A_301 = arith.constant 0 : i32
      %dma_start3A_302 = tpu.memref_slice %arg7[%dma_start3A_297, %dma_start3A_301] : memref<10x128xi32, #tpu.memory_space<vmem>> -> memref<1x128xi32, #tpu.memory_space<vmem>>
      %dma_start3A_303 = tpu.memref_squeeze %dma_start3A_302 : memref<1x128xi32, #tpu.memory_space<vmem>> -> memref<128xi32, #tpu.memory_space<vmem>>
      %dma_start3A_304 = arith.constant 0 : i32
      %dma_start3A_305 = arith.constant 0 : i32
      %dma_start3A_306 = tpu.memref_slice %arg4[%dma_start3A_304, %dma_start3A_305] : memref<100000x32xf32, #tpu.memory_space<hbm>> -> memref<100000x32xf32, #tpu.memory_space<hbm>>
      tpu.enqueue_indirect_dma source(%dma_start3A_306 : memref<100000x32xf32, #tpu.memory_space<hbm>>) target(%dma_start3A_300 : memref<128x32xf32, #tpu.memory_space<vmem>>) offsets(%dma_start3A_303 : memref<128xi32, #tpu.memory_space<vmem>>) semaphore(%arg13 : memref<!tpu.dma_semaphore, #tpu.memory_space<semaphore_mem>>)
      %dma_start3A_307 = arith.constant 8 : i32
      %dma_start3A_308 = arith.constant 1024 : i32
      %dma_start3A_309 = arith.constant 0 : i32
      %dma_start3A_310 = tpu.memref_slice %arg9[%dma_start3A_308, %dma_start3A_309] : memref<1280x32xf32, #tpu.memory_space<vmem>> -> memref<128x32xf32, #tpu.memory_space<vmem>>
      %dma_start3A_311 = arith.constant 0 : i32
      %dma_start3A_312 = tpu.memref_slice %arg7[%dma_start3A_307, %dma_start3A_311] : memref<10x128xi32, #tpu.memory_space<vmem>> -> memref<1x128xi32, #tpu.memory_space<vmem>>
      %dma_start3A_313 = tpu.memref_squeeze %dma_start3A_312 : memref<1x128xi32, #tpu.memory_space<vmem>> -> memref<128xi32, #tpu.memory_space<vmem>>
      %dma_start3A_314 = arith.constant 0 : i32
      %dma_start3A_315 = arith.constant 0 : i32
      %dma_start3A_316 = tpu.memref_slice %arg4[%dma_start3A_314, %dma_start3A_315] : memref<100000x32xf32, #tpu.memory_space<hbm>> -> memref<100000x32xf32, #tpu.memory_space<hbm>>
      tpu.enqueue_indirect_dma source(%dma_start3A_316 : memref<100000x32xf32, #tpu.memory_space<hbm>>) target(%dma_start3A_310 : memref<128x32xf32, #tpu.memory_space<vmem>>) offsets(%dma_start3A_313 : memref<128xi32, #tpu.memory_space<vmem>>) semaphore(%arg13 : memref<!tpu.dma_semaphore, #tpu.memory_space<semaphore_mem>>)
      %dma_start3A_317 = arith.constant 9 : i32
      %dma_start3A_318 = arith.constant 1152 : i32
      %dma_start3A_319 = arith.constant 0 : i32
      %dma_start3A_320 = tpu.memref_slice %arg9[%dma_start3A_318, %dma_start3A_319] : memref<1280x32xf32, #tpu.memory_space<vmem>> -> memref<128x32xf32, #tpu.memory_space<vmem>>
      %dma_start3A_321 = arith.constant 0 : i32
      %dma_start3A_322 = tpu.memref_slice %arg7[%dma_start3A_317, %dma_start3A_321] : memref<10x128xi32, #tpu.memory_space<vmem>> -> memref<1x128xi32, #tpu.memory_space<vmem>>
      %dma_start3A_323 = tpu.memref_squeeze %dma_start3A_322 : memref<1x128xi32, #tpu.memory_space<vmem>> -> memref<128xi32, #tpu.memory_space<vmem>>
      %dma_start3A_324 = arith.constant 0 : i32
      %dma_start3A_325 = arith.constant 0 : i32
      %dma_start3A_326 = tpu.memref_slice %arg4[%dma_start3A_324, %dma_start3A_325] : memref<100000x32xf32, #tpu.memory_space<hbm>> -> memref<100000x32xf32, #tpu.memory_space<hbm>>
      tpu.enqueue_indirect_dma source(%dma_start3A_326 : memref<100000x32xf32, #tpu.memory_space<hbm>>) target(%dma_start3A_320 : memref<128x32xf32, #tpu.memory_space<vmem>>) offsets(%dma_start3A_323 : memref<128xi32, #tpu.memory_space<vmem>>) semaphore(%arg13 : memref<!tpu.dma_semaphore, #tpu.memory_space<semaphore_mem>>)
      %dma_wait3A_327 = arith.constant 0 : i32
      %dma_wait3A_328 = arith.constant 0 : i32
      %dma_wait3A_329 = arith.constant 0 : i32
      %dma_wait3A_330 = tpu.memref_slice %arg8[%dma_wait3A_328, %dma_wait3A_329] : memref<1280x32xf32, #tpu.memory_space<vmem>> -> memref<128x32xf32, #tpu.memory_space<vmem>>
      %dma_wait3A_331 = arith.constant 0 : i32
      %dma_wait3A_332 = tpu.memref_slice %arg6[%dma_wait3A_327, %dma_wait3A_331] : memref<10x128xi32, #tpu.memory_space<vmem>> -> memref<1x128xi32, #tpu.memory_space<vmem>>
      %dma_wait3A_333 = tpu.memref_squeeze %dma_wait3A_332 : memref<1x128xi32, #tpu.memory_space<vmem>> -> memref<128xi32, #tpu.memory_space<vmem>>
      %dma_wait3A_334 = arith.constant 0 : i32
      %dma_wait3A_335 = arith.constant 0 : i32
      %dma_wait3A_336 = tpu.memref_slice %arg4[%dma_wait3A_334, %dma_wait3A_335] : memref<100000x32xf32, #tpu.memory_space<hbm>> -> memref<100000x32xf32, #tpu.memory_space<hbm>>
      tpu.wait_indirect_dma semaphore(%arg12 : memref<!tpu.dma_semaphore, #tpu.memory_space<semaphore_mem>>) src(%dma_wait3A_336 : memref<100000x32xf32, #tpu.memory_space<hbm>>) dst(%dma_wait3A_330 : memref<128x32xf32, #tpu.memory_space<vmem>>)
      %dma_wait3A_337 = arith.constant 1 : i32
      %dma_wait3A_338 = arith.constant 128 : i32
      %dma_wait3A_339 = arith.constant 0 : i32
      %dma_wait3A_340 = tpu.memref_slice %arg8[%dma_wait3A_338, %dma_wait3A_339] : memref<1280x32xf32, #tpu.memory_space<vmem>> -> memref<128x32xf32, #tpu.memory_space<vmem>>
      %dma_wait3A_341 = arith.constant 0 : i32
      %dma_wait3A_342 = tpu.memref_slice %arg6[%dma_wait3A_337, %dma_wait3A_341] : memref<10x128xi32, #tpu.memory_space<vmem>> -> memref<1x128xi32, #tpu.memory_space<vmem>>
      %dma_wait3A_343 = tpu.memref_squeeze %dma_wait3A_342 : memref<1x128xi32, #tpu.memory_space<vmem>> -> memref<128xi32, #tpu.memory_space<vmem>>
      %dma_wait3A_344 = arith.constant 0 : i32
      %dma_wait3A_345 = arith.constant 0 : i32
      %dma_wait3A_346 = tpu.memref_slice %arg4[%dma_wait3A_344, %dma_wait3A_345] : memref<100000x32xf32, #tpu.memory_space<hbm>> -> memref<100000x32xf32, #tpu.memory_space<hbm>>
      tpu.wait_indirect_dma semaphore(%arg12 : memref<!tpu.dma_semaphore, #tpu.memory_space<semaphore_mem>>) src(%dma_wait3A_346 : memref<100000x32xf32, #tpu.memory_space<hbm>>) dst(%dma_wait3A_340 : memref<128x32xf32, #tpu.memory_space<vmem>>)
      %dma_wait3A_347 = arith.constant 2 : i32
      %dma_wait3A_348 = arith.constant 256 : i32
      %dma_wait3A_349 = arith.constant 0 : i32
      %dma_wait3A_350 = tpu.memref_slice %arg8[%dma_wait3A_348, %dma_wait3A_349] : memref<1280x32xf32, #tpu.memory_space<vmem>> -> memref<128x32xf32, #tpu.memory_space<vmem>>
      %dma_wait3A_351 = arith.constant 0 : i32
      %dma_wait3A_352 = tpu.memref_slice %arg6[%dma_wait3A_347, %dma_wait3A_351] : memref<10x128xi32, #tpu.memory_space<vmem>> -> memref<1x128xi32, #tpu.memory_space<vmem>>
      %dma_wait3A_353 = tpu.memref_squeeze %dma_wait3A_352 : memref<1x128xi32, #tpu.memory_space<vmem>> -> memref<128xi32, #tpu.memory_space<vmem>>
      %dma_wait3A_354 = arith.constant 0 : i32
      %dma_wait3A_355 = arith.constant 0 : i32
      %dma_wait3A_356 = tpu.memref_slice %arg4[%dma_wait3A_354, %dma_wait3A_355] : memref<100000x32xf32, #tpu.memory_space<hbm>> -> memref<100000x32xf32, #tpu.memory_space<hbm>>
      tpu.wait_indirect_dma semaphore(%arg12 : memref<!tpu.dma_semaphore, #tpu.memory_space<semaphore_mem>>) src(%dma_wait3A_356 : memref<100000x32xf32, #tpu.memory_space<hbm>>) dst(%dma_wait3A_350 : memref<128x32xf32, #tpu.memory_space<vmem>>)
      %dma_wait3A_357 = arith.constant 3 : i32
      %dma_wait3A_358 = arith.constant 384 : i32
      %dma_wait3A_359 = arith.constant 0 : i32
      %dma_wait3A_360 = tpu.memref_slice %arg8[%dma_wait3A_358, %dma_wait3A_359] : memref<1280x32xf32, #tpu.memory_space<vmem>> -> memref<128x32xf32, #tpu.memory_space<vmem>>
      %dma_wait3A_361 = arith.constant 0 : i32
      %dma_wait3A_362 = tpu.memref_slice %arg6[%dma_wait3A_357, %dma_wait3A_361] : memref<10x128xi32, #tpu.memory_space<vmem>> -> memref<1x128xi32, #tpu.memory_space<vmem>>
      %dma_wait3A_363 = tpu.memref_squeeze %dma_wait3A_362 : memref<1x128xi32, #tpu.memory_space<vmem>> -> memref<128xi32, #tpu.memory_space<vmem>>
      %dma_wait3A_364 = arith.constant 0 : i32
      %dma_wait3A_365 = arith.constant 0 : i32
      %dma_wait3A_366 = tpu.memref_slice %arg4[%dma_wait3A_364, %dma_wait3A_365] : memref<100000x32xf32, #tpu.memory_space<hbm>> -> memref<100000x32xf32, #tpu.memory_space<hbm>>
      tpu.wait_indirect_dma semaphore(%arg12 : memref<!tpu.dma_semaphore, #tpu.memory_space<semaphore_mem>>) src(%dma_wait3A_366 : memref<100000x32xf32, #tpu.memory_space<hbm>>) dst(%dma_wait3A_360 : memref<128x32xf32, #tpu.memory_space<vmem>>)
      %dma_wait3A_367 = arith.constant 4 : i32
      %dma_wait3A_368 = arith.constant 512 : i32
      %dma_wait3A_369 = arith.constant 0 : i32
      %dma_wait3A_370 = tpu.memref_slice %arg8[%dma_wait3A_368, %dma_wait3A_369] : memref<1280x32xf32, #tpu.memory_space<vmem>> -> memref<128x32xf32, #tpu.memory_space<vmem>>
      %dma_wait3A_371 = arith.constant 0 : i32
      %dma_wait3A_372 = tpu.memref_slice %arg6[%dma_wait3A_367, %dma_wait3A_371] : memref<10x128xi32, #tpu.memory_space<vmem>> -> memref<1x128xi32, #tpu.memory_space<vmem>>
      %dma_wait3A_373 = tpu.memref_squeeze %dma_wait3A_372 : memref<1x128xi32, #tpu.memory_space<vmem>> -> memref<128xi32, #tpu.memory_space<vmem>>
      %dma_wait3A_374 = arith.constant 0 : i32
      %dma_wait3A_375 = arith.constant 0 : i32
      %dma_wait3A_376 = tpu.memref_slice %arg4[%dma_wait3A_374, %dma_wait3A_375] : memref<100000x32xf32, #tpu.memory_space<hbm>> -> memref<100000x32xf32, #tpu.memory_space<hbm>>
      tpu.wait_indirect_dma semaphore(%arg12 : memref<!tpu.dma_semaphore, #tpu.memory_space<semaphore_mem>>) src(%dma_wait3A_376 : memref<100000x32xf32, #tpu.memory_space<hbm>>) dst(%dma_wait3A_370 : memref<128x32xf32, #tpu.memory_space<vmem>>)
      %dma_wait3A_377 = arith.constant 5 : i32
      %dma_wait3A_378 = arith.constant 640 : i32
      %dma_wait3A_379 = arith.constant 0 : i32
      %dma_wait3A_380 = tpu.memref_slice %arg8[%dma_wait3A_378, %dma_wait3A_379] : memref<1280x32xf32, #tpu.memory_space<vmem>> -> memref<128x32xf32, #tpu.memory_space<vmem>>
      %dma_wait3A_381 = arith.constant 0 : i32
      %dma_wait3A_382 = tpu.memref_slice %arg6[%dma_wait3A_377, %dma_wait3A_381] : memref<10x128xi32, #tpu.memory_space<vmem>> -> memref<1x128xi32, #tpu.memory_space<vmem>>
      %dma_wait3A_383 = tpu.memref_squeeze %dma_wait3A_382 : memref<1x128xi32, #tpu.memory_space<vmem>> -> memref<128xi32, #tpu.memory_space<vmem>>
      %dma_wait3A_384 = arith.constant 0 : i32
      %dma_wait3A_385 = arith.constant 0 : i32
      %dma_wait3A_386 = tpu.memref_slice %arg4[%dma_wait3A_384, %dma_wait3A_385] : memref<100000x32xf32, #tpu.memory_space<hbm>> -> memref<100000x32xf32, #tpu.memory_space<hbm>>
      tpu.wait_indirect_dma semaphore(%arg12 : memref<!tpu.dma_semaphore, #tpu.memory_space<semaphore_mem>>) src(%dma_wait3A_386 : memref<100000x32xf32, #tpu.memory_space<hbm>>) dst(%dma_wait3A_380 : memref<128x32xf32, #tpu.memory_space<vmem>>)
      %dma_wait3A_387 = arith.constant 6 : i32
      %dma_wait3A_388 = arith.constant 768 : i32
      %dma_wait3A_389 = arith.constant 0 : i32
      %dma_wait3A_390 = tpu.memref_slice %arg8[%dma_wait3A_388, %dma_wait3A_389] : memref<1280x32xf32, #tpu.memory_space<vmem>> -> memref<128x32xf32, #tpu.memory_space<vmem>>
      %dma_wait3A_391 = arith.constant 0 : i32
      %dma_wait3A_392 = tpu.memref_slice %arg6[%dma_wait3A_387, %dma_wait3A_391] : memref<10x128xi32, #tpu.memory_space<vmem>> -> memref<1x128xi32, #tpu.memory_space<vmem>>
      %dma_wait3A_393 = tpu.memref_squeeze %dma_wait3A_392 : memref<1x128xi32, #tpu.memory_space<vmem>> -> memref<128xi32, #tpu.memory_space<vmem>>
      %dma_wait3A_394 = arith.constant 0 : i32
      %dma_wait3A_395 = arith.constant 0 : i32
      %dma_wait3A_396 = tpu.memref_slice %arg4[%dma_wait3A_394, %dma_wait3A_395] : memref<100000x32xf32, #tpu.memory_space<hbm>> -> memref<100000x32xf32, #tpu.memory_space<hbm>>
      tpu.wait_indirect_dma semaphore(%arg12 : memref<!tpu.dma_semaphore, #tpu.memory_space<semaphore_mem>>) src(%dma_wait3A_396 : memref<100000x32xf32, #tpu.memory_space<hbm>>) dst(%dma_wait3A_390 : memref<128x32xf32, #tpu.memory_space<vmem>>)
      %dma_wait3A_397 = arith.constant 7 : i32
      %dma_wait3A_398 = arith.constant 896 : i32
      %dma_wait3A_399 = arith.constant 0 : i32
      %dma_wait3A_400 = tpu.memref_slice %arg8[%dma_wait3A_398, %dma_wait3A_399] : memref<1280x32xf32, #tpu.memory_space<vmem>> -> memref<128x32xf32, #tpu.memory_space<vmem>>
      %dma_wait3A_401 = arith.constant 0 : i32
      %dma_wait3A_402 = tpu.memref_slice %arg6[%dma_wait3A_397, %dma_wait3A_401] : memref<10x128xi32, #tpu.memory_space<vmem>> -> memref<1x128xi32, #tpu.memory_space<vmem>>
      %dma_wait3A_403 = tpu.memref_squeeze %dma_wait3A_402 : memref<1x128xi32, #tpu.memory_space<vmem>> -> memref<128xi32, #tpu.memory_space<vmem>>
      %dma_wait3A_404 = arith.constant 0 : i32
      %dma_wait3A_405 = arith.constant 0 : i32
      %dma_wait3A_406 = tpu.memref_slice %arg4[%dma_wait3A_404, %dma_wait3A_405] : memref<100000x32xf32, #tpu.memory_space<hbm>> -> memref<100000x32xf32, #tpu.memory_space<hbm>>
      tpu.wait_indirect_dma semaphore(%arg12 : memref<!tpu.dma_semaphore, #tpu.memory_space<semaphore_mem>>) src(%dma_wait3A_406 : memref<100000x32xf32, #tpu.memory_space<hbm>>) dst(%dma_wait3A_400 : memref<128x32xf32, #tpu.memory_space<vmem>>)
      %dma_wait3A_407 = arith.constant 8 : i32
      %dma_wait3A_408 = arith.constant 1024 : i32
      %dma_wait3A_409 = arith.constant 0 : i32
      %dma_wait3A_410 = tpu.memref_slice %arg8[%dma_wait3A_408, %dma_wait3A_409] : memref<1280x32xf32, #tpu.memory_space<vmem>> -> memref<128x32xf32, #tpu.memory_space<vmem>>
      %dma_wait3A_411 = arith.constant 0 : i32
      %dma_wait3A_412 = tpu.memref_slice %arg6[%dma_wait3A_407, %dma_wait3A_411] : memref<10x128xi32, #tpu.memory_space<vmem>> -> memref<1x128xi32, #tpu.memory_space<vmem>>
      %dma_wait3A_413 = tpu.memref_squeeze %dma_wait3A_412 : memref<1x128xi32, #tpu.memory_space<vmem>> -> memref<128xi32, #tpu.memory_space<vmem>>
      %dma_wait3A_414 = arith.constant 0 : i32
      %dma_wait3A_415 = arith.constant 0 : i32
      %dma_wait3A_416 = tpu.memref_slice %arg4[%dma_wait3A_414, %dma_wait3A_415] : memref<100000x32xf32, #tpu.memory_space<hbm>> -> memref<100000x32xf32, #tpu.memory_space<hbm>>
      tpu.wait_indirect_dma semaphore(%arg12 : memref<!tpu.dma_semaphore, #tpu.memory_space<semaphore_mem>>) src(%dma_wait3A_416 : memref<100000x32xf32, #tpu.memory_space<hbm>>) dst(%dma_wait3A_410 : memref<128x32xf32, #tpu.memory_space<vmem>>)
      %dma_wait3A_417 = arith.constant 9 : i32
      %dma_wait3A_418 = arith.constant 1152 : i32
      %dma_wait3A_419 = arith.constant 0 : i32
      %dma_wait3A_420 = tpu.memref_slice %arg8[%dma_wait3A_418, %dma_wait3A_419] : memref<1280x32xf32, #tpu.memory_space<vmem>> -> memref<128x32xf32, #tpu.memory_space<vmem>>
      %dma_wait3A_421 = arith.constant 0 : i32
      %dma_wait3A_422 = tpu.memref_slice %arg6[%dma_wait3A_417, %dma_wait3A_421] : memref<10x128xi32, #tpu.memory_space<vmem>> -> memref<1x128xi32, #tpu.memory_space<vmem>>
      %dma_wait3A_423 = tpu.memref_squeeze %dma_wait3A_422 : memref<1x128xi32, #tpu.memory_space<vmem>> -> memref<128xi32, #tpu.memory_space<vmem>>
      %dma_wait3A_424 = arith.constant 0 : i32
      %dma_wait3A_425 = arith.constant 0 : i32
      %dma_wait3A_426 = tpu.memref_slice %arg4[%dma_wait3A_424, %dma_wait3A_425] : memref<100000x32xf32, #tpu.memory_space<hbm>> -> memref<100000x32xf32, #tpu.memory_space<hbm>>
      tpu.wait_indirect_dma semaphore(%arg12 : memref<!tpu.dma_semaphore, #tpu.memory_space<semaphore_mem>>) src(%dma_wait3A_426 : memref<100000x32xf32, #tpu.memory_space<hbm>>) dst(%dma_wait3A_420 : memref<128x32xf32, #tpu.memory_space<vmem>>)
      %gt3A = arith.constant 0 : i32
      %gt3A_427 = arith.cmpi sgt, %scan3A_218, %gt3A : i32
      %mul3A_428 = arith.constant 16 : i32
      %mul3A_429 = arith.muli %add3A_221, %mul3A_428 : i32
      %convert_element_type3A = arith.extui %gt3A_427 : i1 to i32
      %cond3A = arith.constant 0 : i32
      %cond3A_430 = arith.cmpi ne, %convert_element_type3A, %cond3A : i32
      scf.if %cond3A_430 {
        %dma_wait3A_698 = arith.constant 0 : i32
        %dma_wait3A_699 = tpu.memref_slice %arg5[%mul3A_429, %dma_wait3A_698] : memref<51200x656xf32, #tpu.memory_space<hbm>> -> memref<16x656xf32, #tpu.memory_space<hbm>>
        %dma_wait3A_700 = arith.constant 0 : i32
        %dma_wait3A_701 = tpu.memref_slice %arg5[%mul3A_429, %dma_wait3A_700] : memref<51200x656xf32, #tpu.memory_space<hbm>> -> memref<16x656xf32, #tpu.memory_space<hbm>>
        tpu.wait_dma2 semaphore(%arg16 : memref<!tpu.dma_semaphore, #tpu.memory_space<semaphore_mem>>) src(%arg10 : memref<16x656xf32, #tpu.memory_space<vmem>>) dst(%dma_wait3A_701 : memref<16x656xf32, #tpu.memory_space<hbm>>)
      } else {
      }
      %dma_start3A_431 = arith.constant 0 : i32
      %dma_start3A_432 = arith.constant 640 : i32
      %dma_start3A_433 = tpu.memref_slice %arg10[%dma_start3A_431, %dma_start3A_432] : memref<16x656xf32, #tpu.memory_space<vmem>> -> memref<16x16xf32, #tpu.memory_space<vmem>>
      %dma_start3A_434 = arith.constant 0 : i32
      %dma_start3A_435 = tpu.memref_slice %arg3[%mul3A_429, %dma_start3A_434] : memref<51200x16xf32, #tpu.memory_space<hbm>> -> memref<16x16xf32, #tpu.memory_space<hbm>>
      %dma_start3A_436 = arith.constant 0 : i32
      %dma_start3A_437 = arith.constant 640 : i32
      %dma_start3A_438 = tpu.memref_slice %arg10[%dma_start3A_436, %dma_start3A_437] : memref<16x656xf32, #tpu.memory_space<vmem>> -> memref<16x16xf32, #tpu.memory_space<vmem>>
      %dma_start3A_439 = arith.constant 0 : i32
      %dma_start3A_440 = tpu.memref_slice %arg3[%mul3A_429, %dma_start3A_439] : memref<51200x16xf32, #tpu.memory_space<hbm>> -> memref<16x16xf32, #tpu.memory_space<hbm>>
      tpu.enqueue_dma source(%dma_start3A_440 : memref<16x16xf32, #tpu.memory_space<hbm>>) target(%dma_start3A_438 : memref<16x16xf32, #tpu.memory_space<vmem>>) target_semaphore(%arg14 : memref<!tpu.dma_semaphore, #tpu.memory_space<semaphore_mem>>)
      %scan3A_441 = arith.constant 0 : i32
      %scan3A_442 = arith.constant 0 : i32
      %scan3A_443 = arith.constant 16 : i32
      %scan3A_444 = arith.addi %scan3A_442, %scan3A_443 : i32
      %scan3A_445 = arith.constant 1 : i32
      scf.for %scan3A_698 = %scan3A_442 to %scan3A_444 step %scan3A_445  : i32 {
        %mul3A_699 = arith.constant 80 : i32
        %mul3A_700 = arith.muli %scan3A_698, %mul3A_699 : i32
        %add3A_701 = arith.constant 0 : i32
        %add3A_702 = arith.addi %mul3A_700, %add3A_701 : i32
        %add3A_703 = arith.constant 0 : i32
        %add3A_704 = arith.addi %add3A_702, %add3A_703 : i32
        %get3A = arith.index_cast %add3A_704 : i32 to index
        %get3A_705 = arith.constant 0 : index
        %get3A_706 = tpu.vector_load %arg8[%get3A, %get3A_705] {strides = array<i32>} : memref<1280x32xf32, #tpu.memory_space<vmem>>, vector<1x16xf32>,
        %get3A_707 = vector.shape_cast %get3A_706 : vector<1x16xf32> to vector<16xf32>
        %add3A_708 = arith.constant 0 : i32
        %add3A_709 = arith.addi %mul3A_700, %add3A_708 : i32
        %add3A_710 = arith.constant 1 : i32
        %add3A_711 = arith.addi %add3A_709, %add3A_710 : i32
        %get3A_712 = arith.index_cast %add3A_711 : i32 to index
        %get3A_713 = arith.constant 0 : index
        %get3A_714 = tpu.vector_load %arg8[%get3A_712, %get3A_713] {strides = array<i32>} : memref<1280x32xf32, #tpu.memory_space<vmem>>, vector<1x16xf32>,
        %get3A_715 = vector.shape_cast %get3A_714 : vector<1x16xf32> to vector<16xf32>
        %add3A_716 = arith.addf %get3A_707, %get3A_715 : vector<16xf32>
        %add3A_717 = arith.constant 0 : i32
        %add3A_718 = arith.addi %mul3A_700, %add3A_717 : i32
        %add3A_719 = arith.constant 2 : i32
        %add3A_720 = arith.addi %add3A_718, %add3A_719 : i32
        %get3A_721 = arith.index_cast %add3A_720 : i32 to index
        %get3A_722 = arith.constant 0 : index
        %get3A_723 = tpu.vector_load %arg8[%get3A_721, %get3A_722] {strides = array<i32>} : memref<1280x32xf32, #tpu.memory_space<vmem>>, vector<1x16xf32>,
        %get3A_724 = vector.shape_cast %get3A_723 : vector<1x16xf32> to vector<16xf32>
        %add3A_725 = arith.addf %add3A_716, %get3A_724 : vector<16xf32>
        %add3A_726 = arith.constant 0 : i32
        %add3A_727 = arith.addi %mul3A_700, %add3A_726 : i32
        %add3A_728 = arith.constant 3 : i32
        %add3A_729 = arith.addi %add3A_727, %add3A_728 : i32
        %get3A_730 = arith.index_cast %add3A_729 : i32 to index
        %get3A_731 = arith.constant 0 : index
        %get3A_732 = tpu.vector_load %arg8[%get3A_730, %get3A_731] {strides = array<i32>} : memref<1280x32xf32, #tpu.memory_space<vmem>>, vector<1x16xf32>,
        %get3A_733 = vector.shape_cast %get3A_732 : vector<1x16xf32> to vector<16xf32>
        %add3A_734 = arith.addf %add3A_725, %get3A_733 : vector<16xf32>
        %swap3A = arith.index_cast %scan3A_698 : i32 to index
        %swap3A_735 = arith.constant 0 : index
        %swap3A_736 = tpu.vector_load %arg10[%swap3A, %swap3A_735] {strides = array<i32>} : memref<16x656xf32, #tpu.memory_space<vmem>>, vector<1x16xf32>,
        %swap3A_737 = vector.shape_cast %swap3A_736 : vector<1x16xf32> to vector<16xf32>
        %swap3A_738 = vector.shape_cast %add3A_734 : vector<16xf32> to vector<1x16xf32>
        tpu.vector_store %arg10[%swap3A, %swap3A_735], %swap3A_738 {strides = array<i32>} : memref<16x656xf32, #tpu.memory_space<vmem>>, vector<1x16xf32>,
        %add3A_739 = arith.constant 0 : i32
        %add3A_740 = arith.addi %mul3A_700, %add3A_739 : i32
        %add3A_741 = arith.constant 0 : i32
        %add3A_742 = arith.addi %add3A_740, %add3A_741 : i32
        %get3A_743 = arith.index_cast %add3A_742 : i32 to index
        %get3A_744 = arith.constant 16 : index
        %get3A_745 = tpu.vector_load %arg8[%get3A_743, %get3A_744] {strides = array<i32>} : memref<1280x32xf32, #tpu.memory_space<vmem>>, vector<1x16xf32>,
        %get3A_746 = vector.shape_cast %get3A_745 : vector<1x16xf32> to vector<16xf32>
        %add3A_747 = arith.constant 0 : i32
        %add3A_748 = arith.addi %mul3A_700, %add3A_747 : i32
        %add3A_749 = arith.constant 1 : i32
        %add3A_750 = arith.addi %add3A_748, %add3A_749 : i32
        %get3A_751 = arith.index_cast %add3A_750 : i32 to index
        %get3A_752 = arith.constant 16 : index
        %get3A_753 = tpu.vector_load %arg8[%get3A_751, %get3A_752] {strides = array<i32>} : memref<1280x32xf32, #tpu.memory_space<vmem>>, vector<1x16xf32>,
        %get3A_754 = vector.shape_cast %get3A_753 : vector<1x16xf32> to vector<16xf32>
        %add3A_755 = arith.addf %get3A_746, %get3A_754 : vector<16xf32>
        %add3A_756 = arith.constant 0 : i32
        %add3A_757 = arith.addi %mul3A_700, %add3A_756 : i32
        %add3A_758 = arith.constant 2 : i32
        %add3A_759 = arith.addi %add3A_757, %add3A_758 : i32
        %get3A_760 = arith.index_cast %add3A_759 : i32 to index
        %get3A_761 = arith.constant 16 : index
        %get3A_762 = tpu.vector_load %arg8[%get3A_760, %get3A_761] {strides = array<i32>} : memref<1280x32xf32, #tpu.memory_space<vmem>>, vector<1x16xf32>,
        %get3A_763 = vector.shape_cast %get3A_762 : vector<1x16xf32> to vector<16xf32>
        %add3A_764 = arith.addf %add3A_755, %get3A_763 : vector<16xf32>
        %add3A_765 = arith.constant 0 : i32
        %add3A_766 = arith.addi %mul3A_700, %add3A_765 : i32
        %add3A_767 = arith.constant 3 : i32
        %add3A_768 = arith.addi %add3A_766, %add3A_767 : i32
        %get3A_769 = arith.index_cast %add3A_768 : i32 to index
        %get3A_770 = arith.constant 16 : index
        %get3A_771 = tpu.vector_load %arg8[%get3A_769, %get3A_770] {strides = array<i32>} : memref<1280x32xf32, #tpu.memory_space<vmem>>, vector<1x16xf32>,
        %get3A_772 = vector.shape_cast %get3A_771 : vector<1x16xf32> to vector<16xf32>
        %add3A_773 = arith.addf %add3A_764, %get3A_772 : vector<16xf32>
        %swap3A_774 = arith.index_cast %scan3A_698 : i32 to index
        %swap3A_775 = arith.constant 16 : index
        %swap3A_776 = tpu.vector_load %arg10[%swap3A_774, %swap3A_775] {strides = array<i32>} : memref<16x656xf32, #tpu.memory_space<vmem>>, vector<1x16xf32>,
        %swap3A_777 = vector.shape_cast %swap3A_776 : vector<1x16xf32> to vector<16xf32>
        %swap3A_778 = vector.shape_cast %add3A_773 : vector<16xf32> to vector<1x16xf32>
        tpu.vector_store %arg10[%swap3A_774, %swap3A_775], %swap3A_778 {strides = array<i32>} : memref<16x656xf32, #tpu.memory_space<vmem>>, vector<1x16xf32>,
        %add3A_779 = arith.constant 4 : i32
        %add3A_780 = arith.addi %mul3A_700, %add3A_779 : i32
        %add3A_781 = arith.constant 0 : i32
        %add3A_782 = arith.addi %add3A_780, %add3A_781 : i32
        %get3A_783 = arith.index_cast %add3A_782 : i32 to index
        %get3A_784 = arith.constant 0 : index
        %get3A_785 = tpu.vector_load %arg8[%get3A_783, %get3A_784] {strides = array<i32>} : memref<1280x32xf32, #tpu.memory_space<vmem>>, vector<1x16xf32>,
        %get3A_786 = vector.shape_cast %get3A_785 : vector<1x16xf32> to vector<16xf32>
        %add3A_787 = arith.constant 4 : i32
        %add3A_788 = arith.addi %mul3A_700, %add3A_787 : i32
        %add3A_789 = arith.constant 1 : i32
        %add3A_790 = arith.addi %add3A_788, %add3A_789 : i32
        %get3A_791 = arith.index_cast %add3A_790 : i32 to index
        %get3A_792 = arith.constant 0 : index
        %get3A_793 = tpu.vector_load %arg8[%get3A_791, %get3A_792] {strides = array<i32>} : memref<1280x32xf32, #tpu.memory_space<vmem>>, vector<1x16xf32>,
        %get3A_794 = vector.shape_cast %get3A_793 : vector<1x16xf32> to vector<16xf32>
        %add3A_795 = arith.addf %get3A_786, %get3A_794 : vector<16xf32>
        %add3A_796 = arith.constant 4 : i32
        %add3A_797 = arith.addi %mul3A_700, %add3A_796 : i32
        %add3A_798 = arith.constant 2 : i32
        %add3A_799 = arith.addi %add3A_797, %add3A_798 : i32
        %get3A_800 = arith.index_cast %add3A_799 : i32 to index
        %get3A_801 = arith.constant 0 : index
        %get3A_802 = tpu.vector_load %arg8[%get3A_800, %get3A_801] {strides = array<i32>} : memref<1280x32xf32, #tpu.memory_space<vmem>>, vector<1x16xf32>,
        %get3A_803 = vector.shape_cast %get3A_802 : vector<1x16xf32> to vector<16xf32>
        %add3A_804 = arith.addf %add3A_795, %get3A_803 : vector<16xf32>
        %add3A_805 = arith.constant 4 : i32
        %add3A_806 = arith.addi %mul3A_700, %add3A_805 : i32
        %add3A_807 = arith.constant 3 : i32
        %add3A_808 = arith.addi %add3A_806, %add3A_807 : i32
        %get3A_809 = arith.index_cast %add3A_808 : i32 to index
        %get3A_810 = arith.constant 0 : index
        %get3A_811 = tpu.vector_load %arg8[%get3A_809, %get3A_810] {strides = array<i32>} : memref<1280x32xf32, #tpu.memory_space<vmem>>, vector<1x16xf32>,
        %get3A_812 = vector.shape_cast %get3A_811 : vector<1x16xf32> to vector<16xf32>
        %add3A_813 = arith.addf %add3A_804, %get3A_812 : vector<16xf32>
        %swap3A_814 = arith.index_cast %scan3A_698 : i32 to index
        %swap3A_815 = arith.constant 32 : index
        %swap3A_816 = tpu.vector_load %arg10[%swap3A_814, %swap3A_815] {strides = array<i32>} : memref<16x656xf32, #tpu.memory_space<vmem>>, vector<1x16xf32>,
        %swap3A_817 = vector.shape_cast %swap3A_816 : vector<1x16xf32> to vector<16xf32>
        %swap3A_818 = vector.shape_cast %add3A_813 : vector<16xf32> to vector<1x16xf32>
        tpu.vector_store %arg10[%swap3A_814, %swap3A_815], %swap3A_818 {strides = array<i32>} : memref<16x656xf32, #tpu.memory_space<vmem>>, vector<1x16xf32>,
        %add3A_819 = arith.constant 4 : i32
        %add3A_820 = arith.addi %mul3A_700, %add3A_819 : i32
        %add3A_821 = arith.constant 0 : i32
        %add3A_822 = arith.addi %add3A_820, %add3A_821 : i32
        %get3A_823 = arith.index_cast %add3A_822 : i32 to index
        %get3A_824 = arith.constant 16 : index
        %get3A_825 = tpu.vector_load %arg8[%get3A_823, %get3A_824] {strides = array<i32>} : memref<1280x32xf32, #tpu.memory_space<vmem>>, vector<1x16xf32>,
        %get3A_826 = vector.shape_cast %get3A_825 : vector<1x16xf32> to vector<16xf32>
        %add3A_827 = arith.constant 4 : i32
        %add3A_828 = arith.addi %mul3A_700, %add3A_827 : i32
        %add3A_829 = arith.constant 1 : i32
        %add3A_830 = arith.addi %add3A_828, %add3A_829 : i32
        %get3A_831 = arith.index_cast %add3A_830 : i32 to index
        %get3A_832 = arith.constant 16 : index
        %get3A_833 = tpu.vector_load %arg8[%get3A_831, %get3A_832] {strides = array<i32>} : memref<1280x32xf32, #tpu.memory_space<vmem>>, vector<1x16xf32>,
        %get3A_834 = vector.shape_cast %get3A_833 : vector<1x16xf32> to vector<16xf32>
        %add3A_835 = arith.addf %get3A_826, %get3A_834 : vector<16xf32>
        %add3A_836 = arith.constant 4 : i32
        %add3A_837 = arith.addi %mul3A_700, %add3A_836 : i32
        %add3A_838 = arith.constant 2 : i32
        %add3A_839 = arith.addi %add3A_837, %add3A_838 : i32
        %get3A_840 = arith.index_cast %add3A_839 : i32 to index
        %get3A_841 = arith.constant 16 : index
        %get3A_842 = tpu.vector_load %arg8[%get3A_840, %get3A_841] {strides = array<i32>} : memref<1280x32xf32, #tpu.memory_space<vmem>>, vector<1x16xf32>,
        %get3A_843 = vector.shape_cast %get3A_842 : vector<1x16xf32> to vector<16xf32>
        %add3A_844 = arith.addf %add3A_835, %get3A_843 : vector<16xf32>
        %add3A_845 = arith.constant 4 : i32
        %add3A_846 = arith.addi %mul3A_700, %add3A_845 : i32
        %add3A_847 = arith.constant 3 : i32
        %add3A_848 = arith.addi %add3A_846, %add3A_847 : i32
        %get3A_849 = arith.index_cast %add3A_848 : i32 to index
        %get3A_850 = arith.constant 16 : index
        %get3A_851 = tpu.vector_load %arg8[%get3A_849, %get3A_850] {strides = array<i32>} : memref<1280x32xf32, #tpu.memory_space<vmem>>, vector<1x16xf32>,
        %get3A_852 = vector.shape_cast %get3A_851 : vector<1x16xf32> to vector<16xf32>
        %add3A_853 = arith.addf %add3A_844, %get3A_852 : vector<16xf32>
        %swap3A_854 = arith.index_cast %scan3A_698 : i32 to index
        %swap3A_855 = arith.constant 48 : index
        %swap3A_856 = tpu.vector_load %arg10[%swap3A_854, %swap3A_855] {strides = array<i32>} : memref<16x656xf32, #tpu.memory_space<vmem>>, vector<1x16xf32>,
        %swap3A_857 = vector.shape_cast %swap3A_856 : vector<1x16xf32> to vector<16xf32>
        %swap3A_858 = vector.shape_cast %add3A_853 : vector<16xf32> to vector<1x16xf32>
        tpu.vector_store %arg10[%swap3A_854, %swap3A_855], %swap3A_858 {strides = array<i32>} : memref<16x656xf32, #tpu.memory_space<vmem>>, vector<1x16xf32>,
        %add3A_859 = arith.constant 8 : i32
        %add3A_860 = arith.addi %mul3A_700, %add3A_859 : i32
        %add3A_861 = arith.constant 0 : i32
        %add3A_862 = arith.addi %add3A_860, %add3A_861 : i32
        %get3A_863 = arith.index_cast %add3A_862 : i32 to index
        %get3A_864 = arith.constant 0 : index
        %get3A_865 = tpu.vector_load %arg8[%get3A_863, %get3A_864] {strides = array<i32>} : memref<1280x32xf32, #tpu.memory_space<vmem>>, vector<1x16xf32>,
        %get3A_866 = vector.shape_cast %get3A_865 : vector<1x16xf32> to vector<16xf32>
        %add3A_867 = arith.constant 8 : i32
        %add3A_868 = arith.addi %mul3A_700, %add3A_867 : i32
        %add3A_869 = arith.constant 1 : i32
        %add3A_870 = arith.addi %add3A_868, %add3A_869 : i32
        %get3A_871 = arith.index_cast %add3A_870 : i32 to index
        %get3A_872 = arith.constant 0 : index
        %get3A_873 = tpu.vector_load %arg8[%get3A_871, %get3A_872] {strides = array<i32>} : memref<1280x32xf32, #tpu.memory_space<vmem>>, vector<1x16xf32>,
        %get3A_874 = vector.shape_cast %get3A_873 : vector<1x16xf32> to vector<16xf32>
        %add3A_875 = arith.addf %get3A_866, %get3A_874 : vector<16xf32>
        %add3A_876 = arith.constant 8 : i32
        %add3A_877 = arith.addi %mul3A_700, %add3A_876 : i32
        %add3A_878 = arith.constant 2 : i32
        %add3A_879 = arith.addi %add3A_877, %add3A_878 : i32
        %get3A_880 = arith.index_cast %add3A_879 : i32 to index
        %get3A_881 = arith.constant 0 : index
        %get3A_882 = tpu.vector_load %arg8[%get3A_880, %get3A_881] {strides = array<i32>} : memref<1280x32xf32, #tpu.memory_space<vmem>>, vector<1x16xf32>,
        %get3A_883 = vector.shape_cast %get3A_882 : vector<1x16xf32> to vector<16xf32>
        %add3A_884 = arith.addf %add3A_875, %get3A_883 : vector<16xf32>
        %add3A_885 = arith.constant 8 : i32
        %add3A_886 = arith.addi %mul3A_700, %add3A_885 : i32
        %add3A_887 = arith.constant 3 : i32
        %add3A_888 = arith.addi %add3A_886, %add3A_887 : i32
        %get3A_889 = arith.index_cast %add3A_888 : i32 to index
        %get3A_890 = arith.constant 0 : index
        %get3A_891 = tpu.vector_load %arg8[%get3A_889, %get3A_890] {strides = array<i32>} : memref<1280x32xf32, #tpu.memory_space<vmem>>, vector<1x16xf32>,
        %get3A_892 = vector.shape_cast %get3A_891 : vector<1x16xf32> to vector<16xf32>
        %add3A_893 = arith.addf %add3A_884, %get3A_892 : vector<16xf32>
        %swap3A_894 = arith.index_cast %scan3A_698 : i32 to index
        %swap3A_895 = arith.constant 64 : index
        %swap3A_896 = tpu.vector_load %arg10[%swap3A_894, %swap3A_895] {strides = array<i32>} : memref<16x656xf32, #tpu.memory_space<vmem>>, vector<1x16xf32>,
        %swap3A_897 = vector.shape_cast %swap3A_896 : vector<1x16xf32> to vector<16xf32>
        %swap3A_898 = vector.shape_cast %add3A_893 : vector<16xf32> to vector<1x16xf32>
        tpu.vector_store %arg10[%swap3A_894, %swap3A_895], %swap3A_898 {strides = array<i32>} : memref<16x656xf32, #tpu.memory_space<vmem>>, vector<1x16xf32>,
        %add3A_899 = arith.constant 8 : i32
        %add3A_900 = arith.addi %mul3A_700, %add3A_899 : i32
        %add3A_901 = arith.constant 0 : i32
        %add3A_902 = arith.addi %add3A_900, %add3A_901 : i32
        %get3A_903 = arith.index_cast %add3A_902 : i32 to index
        %get3A_904 = arith.constant 16 : index
        %get3A_905 = tpu.vector_load %arg8[%get3A_903, %get3A_904] {strides = array<i32>} : memref<1280x32xf32, #tpu.memory_space<vmem>>, vector<1x16xf32>,
        %get3A_906 = vector.shape_cast %get3A_905 : vector<1x16xf32> to vector<16xf32>
        %add3A_907 = arith.constant 8 : i32
        %add3A_908 = arith.addi %mul3A_700, %add3A_907 : i32
        %add3A_909 = arith.constant 1 : i32
        %add3A_910 = arith.addi %add3A_908, %add3A_909 : i32
        %get3A_911 = arith.index_cast %add3A_910 : i32 to index
        %get3A_912 = arith.constant 16 : index
        %get3A_913 = tpu.vector_load %arg8[%get3A_911, %get3A_912] {strides = array<i32>} : memref<1280x32xf32, #tpu.memory_space<vmem>>, vector<1x16xf32>,
        %get3A_914 = vector.shape_cast %get3A_913 : vector<1x16xf32> to vector<16xf32>
        %add3A_915 = arith.addf %get3A_906, %get3A_914 : vector<16xf32>
        %add3A_916 = arith.constant 8 : i32
        %add3A_917 = arith.addi %mul3A_700, %add3A_916 : i32
        %add3A_918 = arith.constant 2 : i32
        %add3A_919 = arith.addi %add3A_917, %add3A_918 : i32
        %get3A_920 = arith.index_cast %add3A_919 : i32 to index
        %get3A_921 = arith.constant 16 : index
        %get3A_922 = tpu.vector_load %arg8[%get3A_920, %get3A_921] {strides = array<i32>} : memref<1280x32xf32, #tpu.memory_space<vmem>>, vector<1x16xf32>,
        %get3A_923 = vector.shape_cast %get3A_922 : vector<1x16xf32> to vector<16xf32>
        %add3A_924 = arith.addf %add3A_915, %get3A_923 : vector<16xf32>
        %add3A_925 = arith.constant 8 : i32
        %add3A_926 = arith.addi %mul3A_700, %add3A_925 : i32
        %add3A_927 = arith.constant 3 : i32
        %add3A_928 = arith.addi %add3A_926, %add3A_927 : i32
        %get3A_929 = arith.index_cast %add3A_928 : i32 to index
        %get3A_930 = arith.constant 16 : index
        %get3A_931 = tpu.vector_load %arg8[%get3A_929, %get3A_930] {strides = array<i32>} : memref<1280x32xf32, #tpu.memory_space<vmem>>, vector<1x16xf32>,
        %get3A_932 = vector.shape_cast %get3A_931 : vector<1x16xf32> to vector<16xf32>
        %add3A_933 = arith.addf %add3A_924, %get3A_932 : vector<16xf32>
        %swap3A_934 = arith.index_cast %scan3A_698 : i32 to index
        %swap3A_935 = arith.constant 80 : index
        %swap3A_936 = tpu.vector_load %arg10[%swap3A_934, %swap3A_935] {strides = array<i32>} : memref<16x656xf32, #tpu.memory_space<vmem>>, vector<1x16xf32>,
        %swap3A_937 = vector.shape_cast %swap3A_936 : vector<1x16xf32> to vector<16xf32>
        %swap3A_938 = vector.shape_cast %add3A_933 : vector<16xf32> to vector<1x16xf32>
        tpu.vector_store %arg10[%swap3A_934, %swap3A_935], %swap3A_938 {strides = array<i32>} : memref<16x656xf32, #tpu.memory_space<vmem>>, vector<1x16xf32>,
        %add3A_939 = arith.constant 12 : i32
        %add3A_940 = arith.addi %mul3A_700, %add3A_939 : i32
        %add3A_941 = arith.constant 0 : i32
        %add3A_942 = arith.addi %add3A_940, %add3A_941 : i32
        %get3A_943 = arith.index_cast %add3A_942 : i32 to index
        %get3A_944 = arith.constant 0 : index
        %get3A_945 = tpu.vector_load %arg8[%get3A_943, %get3A_944] {strides = array<i32>} : memref<1280x32xf32, #tpu.memory_space<vmem>>, vector<1x16xf32>,
        %get3A_946 = vector.shape_cast %get3A_945 : vector<1x16xf32> to vector<16xf32>
        %add3A_947 = arith.constant 12 : i32
        %add3A_948 = arith.addi %mul3A_700, %add3A_947 : i32
        %add3A_949 = arith.constant 1 : i32
        %add3A_950 = arith.addi %add3A_948, %add3A_949 : i32
        %get3A_951 = arith.index_cast %add3A_950 : i32 to index
        %get3A_952 = arith.constant 0 : index
        %get3A_953 = tpu.vector_load %arg8[%get3A_951, %get3A_952] {strides = array<i32>} : memref<1280x32xf32, #tpu.memory_space<vmem>>, vector<1x16xf32>,
        %get3A_954 = vector.shape_cast %get3A_953 : vector<1x16xf32> to vector<16xf32>
        %add3A_955 = arith.addf %get3A_946, %get3A_954 : vector<16xf32>
        %add3A_956 = arith.constant 12 : i32
        %add3A_957 = arith.addi %mul3A_700, %add3A_956 : i32
        %add3A_958 = arith.constant 2 : i32
        %add3A_959 = arith.addi %add3A_957, %add3A_958 : i32
        %get3A_960 = arith.index_cast %add3A_959 : i32 to index
        %get3A_961 = arith.constant 0 : index
        %get3A_962 = tpu.vector_load %arg8[%get3A_960, %get3A_961] {strides = array<i32>} : memref<1280x32xf32, #tpu.memory_space<vmem>>, vector<1x16xf32>,
        %get3A_963 = vector.shape_cast %get3A_962 : vector<1x16xf32> to vector<16xf32>
        %add3A_964 = arith.addf %add3A_955, %get3A_963 : vector<16xf32>
        %add3A_965 = arith.constant 12 : i32
        %add3A_966 = arith.addi %mul3A_700, %add3A_965 : i32
        %add3A_967 = arith.constant 3 : i32
        %add3A_968 = arith.addi %add3A_966, %add3A_967 : i32
        %get3A_969 = arith.index_cast %add3A_968 : i32 to index
        %get3A_970 = arith.constant 0 : index
        %get3A_971 = tpu.vector_load %arg8[%get3A_969, %get3A_970] {strides = array<i32>} : memref<1280x32xf32, #tpu.memory_space<vmem>>, vector<1x16xf32>,
        %get3A_972 = vector.shape_cast %get3A_971 : vector<1x16xf32> to vector<16xf32>
        %add3A_973 = arith.addf %add3A_964, %get3A_972 : vector<16xf32>
        %swap3A_974 = arith.index_cast %scan3A_698 : i32 to index
        %swap3A_975 = arith.constant 96 : index
        %swap3A_976 = tpu.vector_load %arg10[%swap3A_974, %swap3A_975] {strides = array<i32>} : memref<16x656xf32, #tpu.memory_space<vmem>>, vector<1x16xf32>,
        %swap3A_977 = vector.shape_cast %swap3A_976 : vector<1x16xf32> to vector<16xf32>
        %swap3A_978 = vector.shape_cast %add3A_973 : vector<16xf32> to vector<1x16xf32>
        tpu.vector_store %arg10[%swap3A_974, %swap3A_975], %swap3A_978 {strides = array<i32>} : memref<16x656xf32, #tpu.memory_space<vmem>>, vector<1x16xf32>,
        %add3A_979 = arith.constant 12 : i32
        %add3A_980 = arith.addi %mul3A_700, %add3A_979 : i32
        %add3A_981 = arith.constant 0 : i32
        %add3A_982 = arith.addi %add3A_980, %add3A_981 : i32
        %get3A_983 = arith.index_cast %add3A_982 : i32 to index
        %get3A_984 = arith.constant 16 : index
        %get3A_985 = tpu.vector_load %arg8[%get3A_983, %get3A_984] {strides = array<i32>} : memref<1280x32xf32, #tpu.memory_space<vmem>>, vector<1x16xf32>,
        %get3A_986 = vector.shape_cast %get3A_985 : vector<1x16xf32> to vector<16xf32>
        %add3A_987 = arith.constant 12 : i32
        %add3A_988 = arith.addi %mul3A_700, %add3A_987 : i32
        %add3A_989 = arith.constant 1 : i32
        %add3A_990 = arith.addi %add3A_988, %add3A_989 : i32
        %get3A_991 = arith.index_cast %add3A_990 : i32 to index
        %get3A_992 = arith.constant 16 : index
        %get3A_993 = tpu.vector_load %arg8[%get3A_991, %get3A_992] {strides = array<i32>} : memref<1280x32xf32, #tpu.memory_space<vmem>>, vector<1x16xf32>,
        %get3A_994 = vector.shape_cast %get3A_993 : vector<1x16xf32> to vector<16xf32>
        %add3A_995 = arith.addf %get3A_986, %get3A_994 : vector<16xf32>
        %add3A_996 = arith.constant 12 : i32
        %add3A_997 = arith.addi %mul3A_700, %add3A_996 : i32
        %add3A_998 = arith.constant 2 : i32
        %add3A_999 = arith.addi %add3A_997, %add3A_998 : i32
        %get3A_1000 = arith.index_cast %add3A_999 : i32 to index
        %get3A_1001 = arith.constant 16 : index
        %get3A_1002 = tpu.vector_load %arg8[%get3A_1000, %get3A_1001] {strides = array<i32>} : memref<1280x32xf32, #tpu.memory_space<vmem>>, vector<1x16xf32>,
        %get3A_1003 = vector.shape_cast %get3A_1002 : vector<1x16xf32> to vector<16xf32>
        %add3A_1004 = arith.addf %add3A_995, %get3A_1003 : vector<16xf32>
        %add3A_1005 = arith.constant 12 : i32
        %add3A_1006 = arith.addi %mul3A_700, %add3A_1005 : i32
        %add3A_1007 = arith.constant 3 : i32
        %add3A_1008 = arith.addi %add3A_1006, %add3A_1007 : i32
        %get3A_1009 = arith.index_cast %add3A_1008 : i32 to index
        %get3A_1010 = arith.constant 16 : index
        %get3A_1011 = tpu.vector_load %arg8[%get3A_1009, %get3A_1010] {strides = array<i32>} : memref<1280x32xf32, #tpu.memory_space<vmem>>, vector<1x16xf32>,
        %get3A_1012 = vector.shape_cast %get3A_1011 : vector<1x16xf32> to vector<16xf32>
        %add3A_1013 = arith.addf %add3A_1004, %get3A_1012 : vector<16xf32>
        %swap3A_1014 = arith.index_cast %scan3A_698 : i32 to index
        %swap3A_1015 = arith.constant 112 : index
        %swap3A_1016 = tpu.vector_load %arg10[%swap3A_1014, %swap3A_1015] {strides = array<i32>} : memref<16x656xf32, #tpu.memory_space<vmem>>, vector<1x16xf32>,
        %swap3A_1017 = vector.shape_cast %swap3A_1016 : vector<1x16xf32> to vector<16xf32>
        %swap3A_1018 = vector.shape_cast %add3A_1013 : vector<16xf32> to vector<1x16xf32>
        tpu.vector_store %arg10[%swap3A_1014, %swap3A_1015], %swap3A_1018 {strides = array<i32>} : memref<16x656xf32, #tpu.memory_space<vmem>>, vector<1x16xf32>,
        %add3A_1019 = arith.constant 16 : i32
        %add3A_1020 = arith.addi %mul3A_700, %add3A_1019 : i32
        %add3A_1021 = arith.constant 0 : i32
        %add3A_1022 = arith.addi %add3A_1020, %add3A_1021 : i32
        %get3A_1023 = arith.index_cast %add3A_1022 : i32 to index
        %get3A_1024 = arith.constant 0 : index
        %get3A_1025 = tpu.vector_load %arg8[%get3A_1023, %get3A_1024] {strides = array<i32>} : memref<1280x32xf32, #tpu.memory_space<vmem>>, vector<1x16xf32>,
        %get3A_1026 = vector.shape_cast %get3A_1025 : vector<1x16xf32> to vector<16xf32>
        %add3A_1027 = arith.constant 16 : i32
        %add3A_1028 = arith.addi %mul3A_700, %add3A_1027 : i32
        %add3A_1029 = arith.constant 1 : i32
        %add3A_1030 = arith.addi %add3A_1028, %add3A_1029 : i32
        %get3A_1031 = arith.index_cast %add3A_1030 : i32 to index
        %get3A_1032 = arith.constant 0 : index
        %get3A_1033 = tpu.vector_load %arg8[%get3A_1031, %get3A_1032] {strides = array<i32>} : memref<1280x32xf32, #tpu.memory_space<vmem>>, vector<1x16xf32>,
        %get3A_1034 = vector.shape_cast %get3A_1033 : vector<1x16xf32> to vector<16xf32>
        %add3A_1035 = arith.addf %get3A_1026, %get3A_1034 : vector<16xf32>
        %add3A_1036 = arith.constant 16 : i32
        %add3A_1037 = arith.addi %mul3A_700, %add3A_1036 : i32
        %add3A_1038 = arith.constant 2 : i32
        %add3A_1039 = arith.addi %add3A_1037, %add3A_1038 : i32
        %get3A_1040 = arith.index_cast %add3A_1039 : i32 to index
        %get3A_1041 = arith.constant 0 : index
        %get3A_1042 = tpu.vector_load %arg8[%get3A_1040, %get3A_1041] {strides = array<i32>} : memref<1280x32xf32, #tpu.memory_space<vmem>>, vector<1x16xf32>,
        %get3A_1043 = vector.shape_cast %get3A_1042 : vector<1x16xf32> to vector<16xf32>
        %add3A_1044 = arith.addf %add3A_1035, %get3A_1043 : vector<16xf32>
        %add3A_1045 = arith.constant 16 : i32
        %add3A_1046 = arith.addi %mul3A_700, %add3A_1045 : i32
        %add3A_1047 = arith.constant 3 : i32
        %add3A_1048 = arith.addi %add3A_1046, %add3A_1047 : i32
        %get3A_1049 = arith.index_cast %add3A_1048 : i32 to index
        %get3A_1050 = arith.constant 0 : index
        %get3A_1051 = tpu.vector_load %arg8[%get3A_1049, %get3A_1050] {strides = array<i32>} : memref<1280x32xf32, #tpu.memory_space<vmem>>, vector<1x16xf32>,
        %get3A_1052 = vector.shape_cast %get3A_1051 : vector<1x16xf32> to vector<16xf32>
        %add3A_1053 = arith.addf %add3A_1044, %get3A_1052 : vector<16xf32>
        %swap3A_1054 = arith.index_cast %scan3A_698 : i32 to index
        %swap3A_1055 = arith.constant 128 : index
        %swap3A_1056 = tpu.vector_load %arg10[%swap3A_1054, %swap3A_1055] {strides = array<i32>} : memref<16x656xf32, #tpu.memory_space<vmem>>, vector<1x16xf32>,
        %swap3A_1057 = vector.shape_cast %swap3A_1056 : vector<1x16xf32> to vector<16xf32>
        %swap3A_1058 = vector.shape_cast %add3A_1053 : vector<16xf32> to vector<1x16xf32>
        tpu.vector_store %arg10[%swap3A_1054, %swap3A_1055], %swap3A_1058 {strides = array<i32>} : memref<16x656xf32, #tpu.memory_space<vmem>>, vector<1x16xf32>,
        %add3A_1059 = arith.constant 16 : i32
        %add3A_1060 = arith.addi %mul3A_700, %add3A_1059 : i32
        %add3A_1061 = arith.constant 0 : i32
        %add3A_1062 = arith.addi %add3A_1060, %add3A_1061 : i32
        %get3A_1063 = arith.index_cast %add3A_1062 : i32 to index
        %get3A_1064 = arith.constant 16 : index
        %get3A_1065 = tpu.vector_load %arg8[%get3A_1063, %get3A_1064] {strides = array<i32>} : memref<1280x32xf32, #tpu.memory_space<vmem>>, vector<1x16xf32>,
        %get3A_1066 = vector.shape_cast %get3A_1065 : vector<1x16xf32> to vector<16xf32>
        %add3A_1067 = arith.constant 16 : i32
        %add3A_1068 = arith.addi %mul3A_700, %add3A_1067 : i32
        %add3A_1069 = arith.constant 1 : i32
        %add3A_1070 = arith.addi %add3A_1068, %add3A_1069 : i32
        %get3A_1071 = arith.index_cast %add3A_1070 : i32 to index
        %get3A_1072 = arith.constant 16 : index
        %get3A_1073 = tpu.vector_load %arg8[%get3A_1071, %get3A_1072] {strides = array<i32>} : memref<1280x32xf32, #tpu.memory_space<vmem>>, vector<1x16xf32>,
        %get3A_1074 = vector.shape_cast %get3A_1073 : vector<1x16xf32> to vector<16xf32>
        %add3A_1075 = arith.addf %get3A_1066, %get3A_1074 : vector<16xf32>
        %add3A_1076 = arith.constant 16 : i32
        %add3A_1077 = arith.addi %mul3A_700, %add3A_1076 : i32
        %add3A_1078 = arith.constant 2 : i32
        %add3A_1079 = arith.addi %add3A_1077, %add3A_1078 : i32
        %get3A_1080 = arith.index_cast %add3A_1079 : i32 to index
        %get3A_1081 = arith.constant 16 : index
        %get3A_1082 = tpu.vector_load %arg8[%get3A_1080, %get3A_1081] {strides = array<i32>} : memref<1280x32xf32, #tpu.memory_space<vmem>>, vector<1x16xf32>,
        %get3A_1083 = vector.shape_cast %get3A_1082 : vector<1x16xf32> to vector<16xf32>
        %add3A_1084 = arith.addf %add3A_1075, %get3A_1083 : vector<16xf32>
        %add3A_1085 = arith.constant 16 : i32
        %add3A_1086 = arith.addi %mul3A_700, %add3A_1085 : i32
        %add3A_1087 = arith.constant 3 : i32
        %add3A_1088 = arith.addi %add3A_1086, %add3A_1087 : i32
        %get3A_1089 = arith.index_cast %add3A_1088 : i32 to index
        %get3A_1090 = arith.constant 16 : index
        %get3A_1091 = tpu.vector_load %arg8[%get3A_1089, %get3A_1090] {strides = array<i32>} : memref<1280x32xf32, #tpu.memory_space<vmem>>, vector<1x16xf32>,
        %get3A_1092 = vector.shape_cast %get3A_1091 : vector<1x16xf32> to vector<16xf32>
        %add3A_1093 = arith.addf %add3A_1084, %get3A_1092 : vector<16xf32>
        %swap3A_1094 = arith.index_cast %scan3A_698 : i32 to index
        %swap3A_1095 = arith.constant 144 : index
        %swap3A_1096 = tpu.vector_load %arg10[%swap3A_1094, %swap3A_1095] {strides = array<i32>} : memref<16x656xf32, #tpu.memory_space<vmem>>, vector<1x16xf32>,
        %swap3A_1097 = vector.shape_cast %swap3A_1096 : vector<1x16xf32> to vector<16xf32>
        %swap3A_1098 = vector.shape_cast %add3A_1093 : vector<16xf32> to vector<1x16xf32>
        tpu.vector_store %arg10[%swap3A_1094, %swap3A_1095], %swap3A_1098 {strides = array<i32>} : memref<16x656xf32, #tpu.memory_space<vmem>>, vector<1x16xf32>,
        %add3A_1099 = arith.constant 20 : i32
        %add3A_1100 = arith.addi %mul3A_700, %add3A_1099 : i32
        %add3A_1101 = arith.constant 0 : i32
        %add3A_1102 = arith.addi %add3A_1100, %add3A_1101 : i32
        %get3A_1103 = arith.index_cast %add3A_1102 : i32 to index
        %get3A_1104 = arith.constant 0 : index
        %get3A_1105 = tpu.vector_load %arg8[%get3A_1103, %get3A_1104] {strides = array<i32>} : memref<1280x32xf32, #tpu.memory_space<vmem>>, vector<1x16xf32>,
        %get3A_1106 = vector.shape_cast %get3A_1105 : vector<1x16xf32> to vector<16xf32>
        %add3A_1107 = arith.constant 20 : i32
        %add3A_1108 = arith.addi %mul3A_700, %add3A_1107 : i32
        %add3A_1109 = arith.constant 1 : i32
        %add3A_1110 = arith.addi %add3A_1108, %add3A_1109 : i32
        %get3A_1111 = arith.index_cast %add3A_1110 : i32 to index
        %get3A_1112 = arith.constant 0 : index
        %get3A_1113 = tpu.vector_load %arg8[%get3A_1111, %get3A_1112] {strides = array<i32>} : memref<1280x32xf32, #tpu.memory_space<vmem>>, vector<1x16xf32>,
        %get3A_1114 = vector.shape_cast %get3A_1113 : vector<1x16xf32> to vector<16xf32>
        %add3A_1115 = arith.addf %get3A_1106, %get3A_1114 : vector<16xf32>
        %add3A_1116 = arith.constant 20 : i32
        %add3A_1117 = arith.addi %mul3A_700, %add3A_1116 : i32
        %add3A_1118 = arith.constant 2 : i32
        %add3A_1119 = arith.addi %add3A_1117, %add3A_1118 : i32
        %get3A_1120 = arith.index_cast %add3A_1119 : i32 to index
        %get3A_1121 = arith.constant 0 : index
        %get3A_1122 = tpu.vector_load %arg8[%get3A_1120, %get3A_1121] {strides = array<i32>} : memref<1280x32xf32, #tpu.memory_space<vmem>>, vector<1x16xf32>,
        %get3A_1123 = vector.shape_cast %get3A_1122 : vector<1x16xf32> to vector<16xf32>
        %add3A_1124 = arith.addf %add3A_1115, %get3A_1123 : vector<16xf32>
        %add3A_1125 = arith.constant 20 : i32
        %add3A_1126 = arith.addi %mul3A_700, %add3A_1125 : i32
        %add3A_1127 = arith.constant 3 : i32
        %add3A_1128 = arith.addi %add3A_1126, %add3A_1127 : i32
        %get3A_1129 = arith.index_cast %add3A_1128 : i32 to index
        %get3A_1130 = arith.constant 0 : index
        %get3A_1131 = tpu.vector_load %arg8[%get3A_1129, %get3A_1130] {strides = array<i32>} : memref<1280x32xf32, #tpu.memory_space<vmem>>, vector<1x16xf32>,
        %get3A_1132 = vector.shape_cast %get3A_1131 : vector<1x16xf32> to vector<16xf32>
        %add3A_1133 = arith.addf %add3A_1124, %get3A_1132 : vector<16xf32>
        %swap3A_1134 = arith.index_cast %scan3A_698 : i32 to index
        %swap3A_1135 = arith.constant 160 : index
        %swap3A_1136 = tpu.vector_load %arg10[%swap3A_1134, %swap3A_1135] {strides = array<i32>} : memref<16x656xf32, #tpu.memory_space<vmem>>, vector<1x16xf32>,
        %swap3A_1137 = vector.shape_cast %swap3A_1136 : vector<1x16xf32> to vector<16xf32>
        %swap3A_1138 = vector.shape_cast %add3A_1133 : vector<16xf32> to vector<1x16xf32>
        tpu.vector_store %arg10[%swap3A_1134, %swap3A_1135], %swap3A_1138 {strides = array<i32>} : memref<16x656xf32, #tpu.memory_space<vmem>>, vector<1x16xf32>,
        %add3A_1139 = arith.constant 20 : i32
        %add3A_1140 = arith.addi %mul3A_700, %add3A_1139 : i32
        %add3A_1141 = arith.constant 0 : i32
        %add3A_1142 = arith.addi %add3A_1140, %add3A_1141 : i32
        %get3A_1143 = arith.index_cast %add3A_1142 : i32 to index
        %get3A_1144 = arith.constant 16 : index
        %get3A_1145 = tpu.vector_load %arg8[%get3A_1143, %get3A_1144] {strides = array<i32>} : memref<1280x32xf32, #tpu.memory_space<vmem>>, vector<1x16xf32>,
        %get3A_1146 = vector.shape_cast %get3A_1145 : vector<1x16xf32> to vector<16xf32>
        %add3A_1147 = arith.constant 20 : i32
        %add3A_1148 = arith.addi %mul3A_700, %add3A_1147 : i32
        %add3A_1149 = arith.constant 1 : i32
        %add3A_1150 = arith.addi %add3A_1148, %add3A_1149 : i32
        %get3A_1151 = arith.index_cast %add3A_1150 : i32 to index
        %get3A_1152 = arith.constant 16 : index
        %get3A_1153 = tpu.vector_load %arg8[%get3A_1151, %get3A_1152] {strides = array<i32>} : memref<1280x32xf32, #tpu.memory_space<vmem>>, vector<1x16xf32>,
        %get3A_1154 = vector.shape_cast %get3A_1153 : vector<1x16xf32> to vector<16xf32>
        %add3A_1155 = arith.addf %get3A_1146, %get3A_1154 : vector<16xf32>
        %add3A_1156 = arith.constant 20 : i32
        %add3A_1157 = arith.addi %mul3A_700, %add3A_1156 : i32
        %add3A_1158 = arith.constant 2 : i32
        %add3A_1159 = arith.addi %add3A_1157, %add3A_1158 : i32
        %get3A_1160 = arith.index_cast %add3A_1159 : i32 to index
        %get3A_1161 = arith.constant 16 : index
        %get3A_1162 = tpu.vector_load %arg8[%get3A_1160, %get3A_1161] {strides = array<i32>} : memref<1280x32xf32, #tpu.memory_space<vmem>>, vector<1x16xf32>,
        %get3A_1163 = vector.shape_cast %get3A_1162 : vector<1x16xf32> to vector<16xf32>
        %add3A_1164 = arith.addf %add3A_1155, %get3A_1163 : vector<16xf32>
        %add3A_1165 = arith.constant 20 : i32
        %add3A_1166 = arith.addi %mul3A_700, %add3A_1165 : i32
        %add3A_1167 = arith.constant 3 : i32
        %add3A_1168 = arith.addi %add3A_1166, %add3A_1167 : i32
        %get3A_1169 = arith.index_cast %add3A_1168 : i32 to index
        %get3A_1170 = arith.constant 16 : index
        %get3A_1171 = tpu.vector_load %arg8[%get3A_1169, %get3A_1170] {strides = array<i32>} : memref<1280x32xf32, #tpu.memory_space<vmem>>, vector<1x16xf32>,
        %get3A_1172 = vector.shape_cast %get3A_1171 : vector<1x16xf32> to vector<16xf32>
        %add3A_1173 = arith.addf %add3A_1164, %get3A_1172 : vector<16xf32>
        %swap3A_1174 = arith.index_cast %scan3A_698 : i32 to index
        %swap3A_1175 = arith.constant 176 : index
        %swap3A_1176 = tpu.vector_load %arg10[%swap3A_1174, %swap3A_1175] {strides = array<i32>} : memref<16x656xf32, #tpu.memory_space<vmem>>, vector<1x16xf32>,
        %swap3A_1177 = vector.shape_cast %swap3A_1176 : vector<1x16xf32> to vector<16xf32>
        %swap3A_1178 = vector.shape_cast %add3A_1173 : vector<16xf32> to vector<1x16xf32>
        tpu.vector_store %arg10[%swap3A_1174, %swap3A_1175], %swap3A_1178 {strides = array<i32>} : memref<16x656xf32, #tpu.memory_space<vmem>>, vector<1x16xf32>,
        %add3A_1179 = arith.constant 24 : i32
        %add3A_1180 = arith.addi %mul3A_700, %add3A_1179 : i32
        %add3A_1181 = arith.constant 0 : i32
        %add3A_1182 = arith.addi %add3A_1180, %add3A_1181 : i32
        %get3A_1183 = arith.index_cast %add3A_1182 : i32 to index
        %get3A_1184 = arith.constant 0 : index
        %get3A_1185 = tpu.vector_load %arg8[%get3A_1183, %get3A_1184] {strides = array<i32>} : memref<1280x32xf32, #tpu.memory_space<vmem>>, vector<1x16xf32>,
        %get3A_1186 = vector.shape_cast %get3A_1185 : vector<1x16xf32> to vector<16xf32>
        %add3A_1187 = arith.constant 24 : i32
        %add3A_1188 = arith.addi %mul3A_700, %add3A_1187 : i32
        %add3A_1189 = arith.constant 1 : i32
        %add3A_1190 = arith.addi %add3A_1188, %add3A_1189 : i32
        %get3A_1191 = arith.index_cast %add3A_1190 : i32 to index
        %get3A_1192 = arith.constant 0 : index
        %get3A_1193 = tpu.vector_load %arg8[%get3A_1191, %get3A_1192] {strides = array<i32>} : memref<1280x32xf32, #tpu.memory_space<vmem>>, vector<1x16xf32>,
        %get3A_1194 = vector.shape_cast %get3A_1193 : vector<1x16xf32> to vector<16xf32>
        %add3A_1195 = arith.addf %get3A_1186, %get3A_1194 : vector<16xf32>
        %add3A_1196 = arith.constant 24 : i32
        %add3A_1197 = arith.addi %mul3A_700, %add3A_1196 : i32
        %add3A_1198 = arith.constant 2 : i32
        %add3A_1199 = arith.addi %add3A_1197, %add3A_1198 : i32
        %get3A_1200 = arith.index_cast %add3A_1199 : i32 to index
        %get3A_1201 = arith.constant 0 : index
        %get3A_1202 = tpu.vector_load %arg8[%get3A_1200, %get3A_1201] {strides = array<i32>} : memref<1280x32xf32, #tpu.memory_space<vmem>>, vector<1x16xf32>,
        %get3A_1203 = vector.shape_cast %get3A_1202 : vector<1x16xf32> to vector<16xf32>
        %add3A_1204 = arith.addf %add3A_1195, %get3A_1203 : vector<16xf32>
        %add3A_1205 = arith.constant 24 : i32
        %add3A_1206 = arith.addi %mul3A_700, %add3A_1205 : i32
        %add3A_1207 = arith.constant 3 : i32
        %add3A_1208 = arith.addi %add3A_1206, %add3A_1207 : i32
        %get3A_1209 = arith.index_cast %add3A_1208 : i32 to index
        %get3A_1210 = arith.constant 0 : index
        %get3A_1211 = tpu.vector_load %arg8[%get3A_1209, %get3A_1210] {strides = array<i32>} : memref<1280x32xf32, #tpu.memory_space<vmem>>, vector<1x16xf32>,
        %get3A_1212 = vector.shape_cast %get3A_1211 : vector<1x16xf32> to vector<16xf32>
        %add3A_1213 = arith.addf %add3A_1204, %get3A_1212 : vector<16xf32>
        %swap3A_1214 = arith.index_cast %scan3A_698 : i32 to index
        %swap3A_1215 = arith.constant 192 : index
        %swap3A_1216 = tpu.vector_load %arg10[%swap3A_1214, %swap3A_1215] {strides = array<i32>} : memref<16x656xf32, #tpu.memory_space<vmem>>, vector<1x16xf32>,
        %swap3A_1217 = vector.shape_cast %swap3A_1216 : vector<1x16xf32> to vector<16xf32>
        %swap3A_1218 = vector.shape_cast %add3A_1213 : vector<16xf32> to vector<1x16xf32>
        tpu.vector_store %arg10[%swap3A_1214, %swap3A_1215], %swap3A_1218 {strides = array<i32>} : memref<16x656xf32, #tpu.memory_space<vmem>>, vector<1x16xf32>,
        %add3A_1219 = arith.constant 24 : i32
        %add3A_1220 = arith.addi %mul3A_700, %add3A_1219 : i32
        %add3A_1221 = arith.constant 0 : i32
        %add3A_1222 = arith.addi %add3A_1220, %add3A_1221 : i32
        %get3A_1223 = arith.index_cast %add3A_1222 : i32 to index
        %get3A_1224 = arith.constant 16 : index
        %get3A_1225 = tpu.vector_load %arg8[%get3A_1223, %get3A_1224] {strides = array<i32>} : memref<1280x32xf32, #tpu.memory_space<vmem>>, vector<1x16xf32>,
        %get3A_1226 = vector.shape_cast %get3A_1225 : vector<1x16xf32> to vector<16xf32>
        %add3A_1227 = arith.constant 24 : i32
        %add3A_1228 = arith.addi %mul3A_700, %add3A_1227 : i32
        %add3A_1229 = arith.constant 1 : i32
        %add3A_1230 = arith.addi %add3A_1228, %add3A_1229 : i32
        %get3A_1231 = arith.index_cast %add3A_1230 : i32 to index
        %get3A_1232 = arith.constant 16 : index
        %get3A_1233 = tpu.vector_load %arg8[%get3A_1231, %get3A_1232] {strides = array<i32>} : memref<1280x32xf32, #tpu.memory_space<vmem>>, vector<1x16xf32>,
        %get3A_1234 = vector.shape_cast %get3A_1233 : vector<1x16xf32> to vector<16xf32>
        %add3A_1235 = arith.addf %get3A_1226, %get3A_1234 : vector<16xf32>
        %add3A_1236 = arith.constant 24 : i32
        %add3A_1237 = arith.addi %mul3A_700, %add3A_1236 : i32
        %add3A_1238 = arith.constant 2 : i32
        %add3A_1239 = arith.addi %add3A_1237, %add3A_1238 : i32
        %get3A_1240 = arith.index_cast %add3A_1239 : i32 to index
        %get3A_1241 = arith.constant 16 : index
        %get3A_1242 = tpu.vector_load %arg8[%get3A_1240, %get3A_1241] {strides = array<i32>} : memref<1280x32xf32, #tpu.memory_space<vmem>>, vector<1x16xf32>,
        %get3A_1243 = vector.shape_cast %get3A_1242 : vector<1x16xf32> to vector<16xf32>
        %add3A_1244 = arith.addf %add3A_1235, %get3A_1243 : vector<16xf32>
        %add3A_1245 = arith.constant 24 : i32
        %add3A_1246 = arith.addi %mul3A_700, %add3A_1245 : i32
        %add3A_1247 = arith.constant 3 : i32
        %add3A_1248 = arith.addi %add3A_1246, %add3A_1247 : i32
        %get3A_1249 = arith.index_cast %add3A_1248 : i32 to index
        %get3A_1250 = arith.constant 16 : index
        %get3A_1251 = tpu.vector_load %arg8[%get3A_1249, %get3A_1250] {strides = array<i32>} : memref<1280x32xf32, #tpu.memory_space<vmem>>, vector<1x16xf32>,
        %get3A_1252 = vector.shape_cast %get3A_1251 : vector<1x16xf32> to vector<16xf32>
        %add3A_1253 = arith.addf %add3A_1244, %get3A_1252 : vector<16xf32>
        %swap3A_1254 = arith.index_cast %scan3A_698 : i32 to index
        %swap3A_1255 = arith.constant 208 : index
        %swap3A_1256 = tpu.vector_load %arg10[%swap3A_1254, %swap3A_1255] {strides = array<i32>} : memref<16x656xf32, #tpu.memory_space<vmem>>, vector<1x16xf32>,
        %swap3A_1257 = vector.shape_cast %swap3A_1256 : vector<1x16xf32> to vector<16xf32>
        %swap3A_1258 = vector.shape_cast %add3A_1253 : vector<16xf32> to vector<1x16xf32>
        tpu.vector_store %arg10[%swap3A_1254, %swap3A_1255], %swap3A_1258 {strides = array<i32>} : memref<16x656xf32, #tpu.memory_space<vmem>>, vector<1x16xf32>,
        %add3A_1259 = arith.constant 28 : i32
        %add3A_1260 = arith.addi %mul3A_700, %add3A_1259 : i32
        %add3A_1261 = arith.constant 0 : i32
        %add3A_1262 = arith.addi %add3A_1260, %add3A_1261 : i32
        %get3A_1263 = arith.index_cast %add3A_1262 : i32 to index
        %get3A_1264 = arith.constant 0 : index
        %get3A_1265 = tpu.vector_load %arg8[%get3A_1263, %get3A_1264] {strides = array<i32>} : memref<1280x32xf32, #tpu.memory_space<vmem>>, vector<1x16xf32>,
        %get3A_1266 = vector.shape_cast %get3A_1265 : vector<1x16xf32> to vector<16xf32>
        %add3A_1267 = arith.constant 28 : i32
        %add3A_1268 = arith.addi %mul3A_700, %add3A_1267 : i32
        %add3A_1269 = arith.constant 1 : i32
        %add3A_1270 = arith.addi %add3A_1268, %add3A_1269 : i32
        %get3A_1271 = arith.index_cast %add3A_1270 : i32 to index
        %get3A_1272 = arith.constant 0 : index
        %get3A_1273 = tpu.vector_load %arg8[%get3A_1271, %get3A_1272] {strides = array<i32>} : memref<1280x32xf32, #tpu.memory_space<vmem>>, vector<1x16xf32>,
        %get3A_1274 = vector.shape_cast %get3A_1273 : vector<1x16xf32> to vector<16xf32>
        %add3A_1275 = arith.addf %get3A_1266, %get3A_1274 : vector<16xf32>
        %add3A_1276 = arith.constant 28 : i32
        %add3A_1277 = arith.addi %mul3A_700, %add3A_1276 : i32
        %add3A_1278 = arith.constant 2 : i32
        %add3A_1279 = arith.addi %add3A_1277, %add3A_1278 : i32
        %get3A_1280 = arith.index_cast %add3A_1279 : i32 to index
        %get3A_1281 = arith.constant 0 : index
        %get3A_1282 = tpu.vector_load %arg8[%get3A_1280, %get3A_1281] {strides = array<i32>} : memref<1280x32xf32, #tpu.memory_space<vmem>>, vector<1x16xf32>,
        %get3A_1283 = vector.shape_cast %get3A_1282 : vector<1x16xf32> to vector<16xf32>
        %add3A_1284 = arith.addf %add3A_1275, %get3A_1283 : vector<16xf32>
        %add3A_1285 = arith.constant 28 : i32
        %add3A_1286 = arith.addi %mul3A_700, %add3A_1285 : i32
        %add3A_1287 = arith.constant 3 : i32
        %add3A_1288 = arith.addi %add3A_1286, %add3A_1287 : i32
        %get3A_1289 = arith.index_cast %add3A_1288 : i32 to index
        %get3A_1290 = arith.constant 0 : index
        %get3A_1291 = tpu.vector_load %arg8[%get3A_1289, %get3A_1290] {strides = array<i32>} : memref<1280x32xf32, #tpu.memory_space<vmem>>, vector<1x16xf32>,
        %get3A_1292 = vector.shape_cast %get3A_1291 : vector<1x16xf32> to vector<16xf32>
        %add3A_1293 = arith.addf %add3A_1284, %get3A_1292 : vector<16xf32>
        %swap3A_1294 = arith.index_cast %scan3A_698 : i32 to index
        %swap3A_1295 = arith.constant 224 : index
        %swap3A_1296 = tpu.vector_load %arg10[%swap3A_1294, %swap3A_1295] {strides = array<i32>} : memref<16x656xf32, #tpu.memory_space<vmem>>, vector<1x16xf32>,
        %swap3A_1297 = vector.shape_cast %swap3A_1296 : vector<1x16xf32> to vector<16xf32>
        %swap3A_1298 = vector.shape_cast %add3A_1293 : vector<16xf32> to vector<1x16xf32>
        tpu.vector_store %arg10[%swap3A_1294, %swap3A_1295], %swap3A_1298 {strides = array<i32>} : memref<16x656xf32, #tpu.memory_space<vmem>>, vector<1x16xf32>,
        %add3A_1299 = arith.constant 28 : i32
        %add3A_1300 = arith.addi %mul3A_700, %add3A_1299 : i32
        %add3A_1301 = arith.constant 0 : i32
        %add3A_1302 = arith.addi %add3A_1300, %add3A_1301 : i32
        %get3A_1303 = arith.index_cast %add3A_1302 : i32 to index
        %get3A_1304 = arith.constant 16 : index
        %get3A_1305 = tpu.vector_load %arg8[%get3A_1303, %get3A_1304] {strides = array<i32>} : memref<1280x32xf32, #tpu.memory_space<vmem>>, vector<1x16xf32>,
        %get3A_1306 = vector.shape_cast %get3A_1305 : vector<1x16xf32> to vector<16xf32>
        %add3A_1307 = arith.constant 28 : i32
        %add3A_1308 = arith.addi %mul3A_700, %add3A_1307 : i32
        %add3A_1309 = arith.constant 1 : i32
        %add3A_1310 = arith.addi %add3A_1308, %add3A_1309 : i32
        %get3A_1311 = arith.index_cast %add3A_1310 : i32 to index
        %get3A_1312 = arith.constant 16 : index
        %get3A_1313 = tpu.vector_load %arg8[%get3A_1311, %get3A_1312] {strides = array<i32>} : memref<1280x32xf32, #tpu.memory_space<vmem>>, vector<1x16xf32>,
        %get3A_1314 = vector.shape_cast %get3A_1313 : vector<1x16xf32> to vector<16xf32>
        %add3A_1315 = arith.addf %get3A_1306, %get3A_1314 : vector<16xf32>
        %add3A_1316 = arith.constant 28 : i32
        %add3A_1317 = arith.addi %mul3A_700, %add3A_1316 : i32
        %add3A_1318 = arith.constant 2 : i32
        %add3A_1319 = arith.addi %add3A_1317, %add3A_1318 : i32
        %get3A_1320 = arith.index_cast %add3A_1319 : i32 to index
        %get3A_1321 = arith.constant 16 : index
        %get3A_1322 = tpu.vector_load %arg8[%get3A_1320, %get3A_1321] {strides = array<i32>} : memref<1280x32xf32, #tpu.memory_space<vmem>>, vector<1x16xf32>,
        %get3A_1323 = vector.shape_cast %get3A_1322 : vector<1x16xf32> to vector<16xf32>
        %add3A_1324 = arith.addf %add3A_1315, %get3A_1323 : vector<16xf32>
        %add3A_1325 = arith.constant 28 : i32
        %add3A_1326 = arith.addi %mul3A_700, %add3A_1325 : i32
        %add3A_1327 = arith.constant 3 : i32
        %add3A_1328 = arith.addi %add3A_1326, %add3A_1327 : i32
        %get3A_1329 = arith.index_cast %add3A_1328 : i32 to index
        %get3A_1330 = arith.constant 16 : index
        %get3A_1331 = tpu.vector_load %arg8[%get3A_1329, %get3A_1330] {strides = array<i32>} : memref<1280x32xf32, #tpu.memory_space<vmem>>, vector<1x16xf32>,
        %get3A_1332 = vector.shape_cast %get3A_1331 : vector<1x16xf32> to vector<16xf32>
        %add3A_1333 = arith.addf %add3A_1324, %get3A_1332 : vector<16xf32>
        %swap3A_1334 = arith.index_cast %scan3A_698 : i32 to index
        %swap3A_1335 = arith.constant 240 : index
        %swap3A_1336 = tpu.vector_load %arg10[%swap3A_1334, %swap3A_1335] {strides = array<i32>} : memref<16x656xf32, #tpu.memory_space<vmem>>, vector<1x16xf32>,
        %swap3A_1337 = vector.shape_cast %swap3A_1336 : vector<1x16xf32> to vector<16xf32>
        %swap3A_1338 = vector.shape_cast %add3A_1333 : vector<16xf32> to vector<1x16xf32>
        tpu.vector_store %arg10[%swap3A_1334, %swap3A_1335], %swap3A_1338 {strides = array<i32>} : memref<16x656xf32, #tpu.memory_space<vmem>>, vector<1x16xf32>,
        %add3A_1339 = arith.constant 32 : i32
        %add3A_1340 = arith.addi %mul3A_700, %add3A_1339 : i32
        %add3A_1341 = arith.constant 0 : i32
        %add3A_1342 = arith.addi %add3A_1340, %add3A_1341 : i32
        %get3A_1343 = arith.index_cast %add3A_1342 : i32 to index
        %get3A_1344 = arith.constant 0 : index
        %get3A_1345 = tpu.vector_load %arg8[%get3A_1343, %get3A_1344] {strides = array<i32>} : memref<1280x32xf32, #tpu.memory_space<vmem>>, vector<1x16xf32>,
        %get3A_1346 = vector.shape_cast %get3A_1345 : vector<1x16xf32> to vector<16xf32>
        %add3A_1347 = arith.constant 32 : i32
        %add3A_1348 = arith.addi %mul3A_700, %add3A_1347 : i32
        %add3A_1349 = arith.constant 1 : i32
        %add3A_1350 = arith.addi %add3A_1348, %add3A_1349 : i32
        %get3A_1351 = arith.index_cast %add3A_1350 : i32 to index
        %get3A_1352 = arith.constant 0 : index
        %get3A_1353 = tpu.vector_load %arg8[%get3A_1351, %get3A_1352] {strides = array<i32>} : memref<1280x32xf32, #tpu.memory_space<vmem>>, vector<1x16xf32>,
        %get3A_1354 = vector.shape_cast %get3A_1353 : vector<1x16xf32> to vector<16xf32>
        %add3A_1355 = arith.addf %get3A_1346, %get3A_1354 : vector<16xf32>
        %add3A_1356 = arith.constant 32 : i32
        %add3A_1357 = arith.addi %mul3A_700, %add3A_1356 : i32
        %add3A_1358 = arith.constant 2 : i32
        %add3A_1359 = arith.addi %add3A_1357, %add3A_1358 : i32
        %get3A_1360 = arith.index_cast %add3A_1359 : i32 to index
        %get3A_1361 = arith.constant 0 : index
        %get3A_1362 = tpu.vector_load %arg8[%get3A_1360, %get3A_1361] {strides = array<i32>} : memref<1280x32xf32, #tpu.memory_space<vmem>>, vector<1x16xf32>,
        %get3A_1363 = vector.shape_cast %get3A_1362 : vector<1x16xf32> to vector<16xf32>
        %add3A_1364 = arith.addf %add3A_1355, %get3A_1363 : vector<16xf32>
        %add3A_1365 = arith.constant 32 : i32
        %add3A_1366 = arith.addi %mul3A_700, %add3A_1365 : i32
        %add3A_1367 = arith.constant 3 : i32
        %add3A_1368 = arith.addi %add3A_1366, %add3A_1367 : i32
        %get3A_1369 = arith.index_cast %add3A_1368 : i32 to index
        %get3A_1370 = arith.constant 0 : index
        %get3A_1371 = tpu.vector_load %arg8[%get3A_1369, %get3A_1370] {strides = array<i32>} : memref<1280x32xf32, #tpu.memory_space<vmem>>, vector<1x16xf32>,
        %get3A_1372 = vector.shape_cast %get3A_1371 : vector<1x16xf32> to vector<16xf32>
        %add3A_1373 = arith.addf %add3A_1364, %get3A_1372 : vector<16xf32>
        %swap3A_1374 = arith.index_cast %scan3A_698 : i32 to index
        %swap3A_1375 = arith.constant 256 : index
        %swap3A_1376 = tpu.vector_load %arg10[%swap3A_1374, %swap3A_1375] {strides = array<i32>} : memref<16x656xf32, #tpu.memory_space<vmem>>, vector<1x16xf32>,
        %swap3A_1377 = vector.shape_cast %swap3A_1376 : vector<1x16xf32> to vector<16xf32>
        %swap3A_1378 = vector.shape_cast %add3A_1373 : vector<16xf32> to vector<1x16xf32>
        tpu.vector_store %arg10[%swap3A_1374, %swap3A_1375], %swap3A_1378 {strides = array<i32>} : memref<16x656xf32, #tpu.memory_space<vmem>>, vector<1x16xf32>,
        %add3A_1379 = arith.constant 32 : i32
        %add3A_1380 = arith.addi %mul3A_700, %add3A_1379 : i32
        %add3A_1381 = arith.constant 0 : i32
        %add3A_1382 = arith.addi %add3A_1380, %add3A_1381 : i32
        %get3A_1383 = arith.index_cast %add3A_1382 : i32 to index
        %get3A_1384 = arith.constant 16 : index
        %get3A_1385 = tpu.vector_load %arg8[%get3A_1383, %get3A_1384] {strides = array<i32>} : memref<1280x32xf32, #tpu.memory_space<vmem>>, vector<1x16xf32>,
        %get3A_1386 = vector.shape_cast %get3A_1385 : vector<1x16xf32> to vector<16xf32>
        %add3A_1387 = arith.constant 32 : i32
        %add3A_1388 = arith.addi %mul3A_700, %add3A_1387 : i32
        %add3A_1389 = arith.constant 1 : i32
        %add3A_1390 = arith.addi %add3A_1388, %add3A_1389 : i32
        %get3A_1391 = arith.index_cast %add3A_1390 : i32 to index
        %get3A_1392 = arith.constant 16 : index
        %get3A_1393 = tpu.vector_load %arg8[%get3A_1391, %get3A_1392] {strides = array<i32>} : memref<1280x32xf32, #tpu.memory_space<vmem>>, vector<1x16xf32>,
        %get3A_1394 = vector.shape_cast %get3A_1393 : vector<1x16xf32> to vector<16xf32>
        %add3A_1395 = arith.addf %get3A_1386, %get3A_1394 : vector<16xf32>
        %add3A_1396 = arith.constant 32 : i32
        %add3A_1397 = arith.addi %mul3A_700, %add3A_1396 : i32
        %add3A_1398 = arith.constant 2 : i32
        %add3A_1399 = arith.addi %add3A_1397, %add3A_1398 : i32
        %get3A_1400 = arith.index_cast %add3A_1399 : i32 to index
        %get3A_1401 = arith.constant 16 : index
        %get3A_1402 = tpu.vector_load %arg8[%get3A_1400, %get3A_1401] {strides = array<i32>} : memref<1280x32xf32, #tpu.memory_space<vmem>>, vector<1x16xf32>,
        %get3A_1403 = vector.shape_cast %get3A_1402 : vector<1x16xf32> to vector<16xf32>
        %add3A_1404 = arith.addf %add3A_1395, %get3A_1403 : vector<16xf32>
        %add3A_1405 = arith.constant 32 : i32
        %add3A_1406 = arith.addi %mul3A_700, %add3A_1405 : i32
        %add3A_1407 = arith.constant 3 : i32
        %add3A_1408 = arith.addi %add3A_1406, %add3A_1407 : i32
        %get3A_1409 = arith.index_cast %add3A_1408 : i32 to index
        %get3A_1410 = arith.constant 16 : index
        %get3A_1411 = tpu.vector_load %arg8[%get3A_1409, %get3A_1410] {strides = array<i32>} : memref<1280x32xf32, #tpu.memory_space<vmem>>, vector<1x16xf32>,
        %get3A_1412 = vector.shape_cast %get3A_1411 : vector<1x16xf32> to vector<16xf32>
        %add3A_1413 = arith.addf %add3A_1404, %get3A_1412 : vector<16xf32>
        %swap3A_1414 = arith.index_cast %scan3A_698 : i32 to index
        %swap3A_1415 = arith.constant 272 : index
        %swap3A_1416 = tpu.vector_load %arg10[%swap3A_1414, %swap3A_1415] {strides = array<i32>} : memref<16x656xf32, #tpu.memory_space<vmem>>, vector<1x16xf32>,
        %swap3A_1417 = vector.shape_cast %swap3A_1416 : vector<1x16xf32> to vector<16xf32>
        %swap3A_1418 = vector.shape_cast %add3A_1413 : vector<16xf32> to vector<1x16xf32>
        tpu.vector_store %arg10[%swap3A_1414, %swap3A_1415], %swap3A_1418 {strides = array<i32>} : memref<16x656xf32, #tpu.memory_space<vmem>>, vector<1x16xf32>,
        %add3A_1419 = arith.constant 36 : i32
        %add3A_1420 = arith.addi %mul3A_700, %add3A_1419 : i32
        %add3A_1421 = arith.constant 0 : i32
        %add3A_1422 = arith.addi %add3A_1420, %add3A_1421 : i32
        %get3A_1423 = arith.index_cast %add3A_1422 : i32 to index
        %get3A_1424 = arith.constant 0 : index
        %get3A_1425 = tpu.vector_load %arg8[%get3A_1423, %get3A_1424] {strides = array<i32>} : memref<1280x32xf32, #tpu.memory_space<vmem>>, vector<1x16xf32>,
        %get3A_1426 = vector.shape_cast %get3A_1425 : vector<1x16xf32> to vector<16xf32>
        %add3A_1427 = arith.constant 36 : i32
        %add3A_1428 = arith.addi %mul3A_700, %add3A_1427 : i32
        %add3A_1429 = arith.constant 1 : i32
        %add3A_1430 = arith.addi %add3A_1428, %add3A_1429 : i32
        %get3A_1431 = arith.index_cast %add3A_1430 : i32 to index
        %get3A_1432 = arith.constant 0 : index
        %get3A_1433 = tpu.vector_load %arg8[%get3A_1431, %get3A_1432] {strides = array<i32>} : memref<1280x32xf32, #tpu.memory_space<vmem>>, vector<1x16xf32>,
        %get3A_1434 = vector.shape_cast %get3A_1433 : vector<1x16xf32> to vector<16xf32>
        %add3A_1435 = arith.addf %get3A_1426, %get3A_1434 : vector<16xf32>
        %add3A_1436 = arith.constant 36 : i32
        %add3A_1437 = arith.addi %mul3A_700, %add3A_1436 : i32
        %add3A_1438 = arith.constant 2 : i32
        %add3A_1439 = arith.addi %add3A_1437, %add3A_1438 : i32
        %get3A_1440 = arith.index_cast %add3A_1439 : i32 to index
        %get3A_1441 = arith.constant 0 : index
        %get3A_1442 = tpu.vector_load %arg8[%get3A_1440, %get3A_1441] {strides = array<i32>} : memref<1280x32xf32, #tpu.memory_space<vmem>>, vector<1x16xf32>,
        %get3A_1443 = vector.shape_cast %get3A_1442 : vector<1x16xf32> to vector<16xf32>
        %add3A_1444 = arith.addf %add3A_1435, %get3A_1443 : vector<16xf32>
        %add3A_1445 = arith.constant 36 : i32
        %add3A_1446 = arith.addi %mul3A_700, %add3A_1445 : i32
        %add3A_1447 = arith.constant 3 : i32
        %add3A_1448 = arith.addi %add3A_1446, %add3A_1447 : i32
        %get3A_1449 = arith.index_cast %add3A_1448 : i32 to index
        %get3A_1450 = arith.constant 0 : index
        %get3A_1451 = tpu.vector_load %arg8[%get3A_1449, %get3A_1450] {strides = array<i32>} : memref<1280x32xf32, #tpu.memory_space<vmem>>, vector<1x16xf32>,
        %get3A_1452 = vector.shape_cast %get3A_1451 : vector<1x16xf32> to vector<16xf32>
        %add3A_1453 = arith.addf %add3A_1444, %get3A_1452 : vector<16xf32>
        %swap3A_1454 = arith.index_cast %scan3A_698 : i32 to index
        %swap3A_1455 = arith.constant 288 : index
        %swap3A_1456 = tpu.vector_load %arg10[%swap3A_1454, %swap3A_1455] {strides = array<i32>} : memref<16x656xf32, #tpu.memory_space<vmem>>, vector<1x16xf32>,
        %swap3A_1457 = vector.shape_cast %swap3A_1456 : vector<1x16xf32> to vector<16xf32>
        %swap3A_1458 = vector.shape_cast %add3A_1453 : vector<16xf32> to vector<1x16xf32>
        tpu.vector_store %arg10[%swap3A_1454, %swap3A_1455], %swap3A_1458 {strides = array<i32>} : memref<16x656xf32, #tpu.memory_space<vmem>>, vector<1x16xf32>,
        %add3A_1459 = arith.constant 36 : i32
        %add3A_1460 = arith.addi %mul3A_700, %add3A_1459 : i32
        %add3A_1461 = arith.constant 0 : i32
        %add3A_1462 = arith.addi %add3A_1460, %add3A_1461 : i32
        %get3A_1463 = arith.index_cast %add3A_1462 : i32 to index
        %get3A_1464 = arith.constant 16 : index
        %get3A_1465 = tpu.vector_load %arg8[%get3A_1463, %get3A_1464] {strides = array<i32>} : memref<1280x32xf32, #tpu.memory_space<vmem>>, vector<1x16xf32>,
        %get3A_1466 = vector.shape_cast %get3A_1465 : vector<1x16xf32> to vector<16xf32>
        %add3A_1467 = arith.constant 36 : i32
        %add3A_1468 = arith.addi %mul3A_700, %add3A_1467 : i32
        %add3A_1469 = arith.constant 1 : i32
        %add3A_1470 = arith.addi %add3A_1468, %add3A_1469 : i32
        %get3A_1471 = arith.index_cast %add3A_1470 : i32 to index
        %get3A_1472 = arith.constant 16 : index
        %get3A_1473 = tpu.vector_load %arg8[%get3A_1471, %get3A_1472] {strides = array<i32>} : memref<1280x32xf32, #tpu.memory_space<vmem>>, vector<1x16xf32>,
        %get3A_1474 = vector.shape_cast %get3A_1473 : vector<1x16xf32> to vector<16xf32>
        %add3A_1475 = arith.addf %get3A_1466, %get3A_1474 : vector<16xf32>
        %add3A_1476 = arith.constant 36 : i32
        %add3A_1477 = arith.addi %mul3A_700, %add3A_1476 : i32
        %add3A_1478 = arith.constant 2 : i32
        %add3A_1479 = arith.addi %add3A_1477, %add3A_1478 : i32
        %get3A_1480 = arith.index_cast %add3A_1479 : i32 to index
        %get3A_1481 = arith.constant 16 : index
        %get3A_1482 = tpu.vector_load %arg8[%get3A_1480, %get3A_1481] {strides = array<i32>} : memref<1280x32xf32, #tpu.memory_space<vmem>>, vector<1x16xf32>,
        %get3A_1483 = vector.shape_cast %get3A_1482 : vector<1x16xf32> to vector<16xf32>
        %add3A_1484 = arith.addf %add3A_1475, %get3A_1483 : vector<16xf32>
        %add3A_1485 = arith.constant 36 : i32
        %add3A_1486 = arith.addi %mul3A_700, %add3A_1485 : i32
        %add3A_1487 = arith.constant 3 : i32
        %add3A_1488 = arith.addi %add3A_1486, %add3A_1487 : i32
        %get3A_1489 = arith.index_cast %add3A_1488 : i32 to index
        %get3A_1490 = arith.constant 16 : index
        %get3A_1491 = tpu.vector_load %arg8[%get3A_1489, %get3A_1490] {strides = array<i32>} : memref<1280x32xf32, #tpu.memory_space<vmem>>, vector<1x16xf32>,
        %get3A_1492 = vector.shape_cast %get3A_1491 : vector<1x16xf32> to vector<16xf32>
        %add3A_1493 = arith.addf %add3A_1484, %get3A_1492 : vector<16xf32>
        %swap3A_1494 = arith.index_cast %scan3A_698 : i32 to index
        %swap3A_1495 = arith.constant 304 : index
        %swap3A_1496 = tpu.vector_load %arg10[%swap3A_1494, %swap3A_1495] {strides = array<i32>} : memref<16x656xf32, #tpu.memory_space<vmem>>, vector<1x16xf32>,
        %swap3A_1497 = vector.shape_cast %swap3A_1496 : vector<1x16xf32> to vector<16xf32>
        %swap3A_1498 = vector.shape_cast %add3A_1493 : vector<16xf32> to vector<1x16xf32>
        tpu.vector_store %arg10[%swap3A_1494, %swap3A_1495], %swap3A_1498 {strides = array<i32>} : memref<16x656xf32, #tpu.memory_space<vmem>>, vector<1x16xf32>,
        %add3A_1499 = arith.constant 40 : i32
        %add3A_1500 = arith.addi %mul3A_700, %add3A_1499 : i32
        %add3A_1501 = arith.constant 0 : i32
        %add3A_1502 = arith.addi %add3A_1500, %add3A_1501 : i32
        %get3A_1503 = arith.index_cast %add3A_1502 : i32 to index
        %get3A_1504 = arith.constant 0 : index
        %get3A_1505 = tpu.vector_load %arg8[%get3A_1503, %get3A_1504] {strides = array<i32>} : memref<1280x32xf32, #tpu.memory_space<vmem>>, vector<1x16xf32>,
        %get3A_1506 = vector.shape_cast %get3A_1505 : vector<1x16xf32> to vector<16xf32>
        %add3A_1507 = arith.constant 40 : i32
        %add3A_1508 = arith.addi %mul3A_700, %add3A_1507 : i32
        %add3A_1509 = arith.constant 1 : i32
        %add3A_1510 = arith.addi %add3A_1508, %add3A_1509 : i32
        %get3A_1511 = arith.index_cast %add3A_1510 : i32 to index
        %get3A_1512 = arith.constant 0 : index
        %get3A_1513 = tpu.vector_load %arg8[%get3A_1511, %get3A_1512] {strides = array<i32>} : memref<1280x32xf32, #tpu.memory_space<vmem>>, vector<1x16xf32>,
        %get3A_1514 = vector.shape_cast %get3A_1513 : vector<1x16xf32> to vector<16xf32>
        %add3A_1515 = arith.addf %get3A_1506, %get3A_1514 : vector<16xf32>
        %add3A_1516 = arith.constant 40 : i32
        %add3A_1517 = arith.addi %mul3A_700, %add3A_1516 : i32
        %add3A_1518 = arith.constant 2 : i32
        %add3A_1519 = arith.addi %add3A_1517, %add3A_1518 : i32
        %get3A_1520 = arith.index_cast %add3A_1519 : i32 to index
        %get3A_1521 = arith.constant 0 : index
        %get3A_1522 = tpu.vector_load %arg8[%get3A_1520, %get3A_1521] {strides = array<i32>} : memref<1280x32xf32, #tpu.memory_space<vmem>>, vector<1x16xf32>,
        %get3A_1523 = vector.shape_cast %get3A_1522 : vector<1x16xf32> to vector<16xf32>
        %add3A_1524 = arith.addf %add3A_1515, %get3A_1523 : vector<16xf32>
        %add3A_1525 = arith.constant 40 : i32
        %add3A_1526 = arith.addi %mul3A_700, %add3A_1525 : i32
        %add3A_1527 = arith.constant 3 : i32
        %add3A_1528 = arith.addi %add3A_1526, %add3A_1527 : i32
        %get3A_1529 = arith.index_cast %add3A_1528 : i32 to index
        %get3A_1530 = arith.constant 0 : index
        %get3A_1531 = tpu.vector_load %arg8[%get3A_1529, %get3A_1530] {strides = array<i32>} : memref<1280x32xf32, #tpu.memory_space<vmem>>, vector<1x16xf32>,
        %get3A_1532 = vector.shape_cast %get3A_1531 : vector<1x16xf32> to vector<16xf32>
        %add3A_1533 = arith.addf %add3A_1524, %get3A_1532 : vector<16xf32>
        %swap3A_1534 = arith.index_cast %scan3A_698 : i32 to index
        %swap3A_1535 = arith.constant 320 : index
        %swap3A_1536 = tpu.vector_load %arg10[%swap3A_1534, %swap3A_1535] {strides = array<i32>} : memref<16x656xf32, #tpu.memory_space<vmem>>, vector<1x16xf32>,
        %swap3A_1537 = vector.shape_cast %swap3A_1536 : vector<1x16xf32> to vector<16xf32>
        %swap3A_1538 = vector.shape_cast %add3A_1533 : vector<16xf32> to vector<1x16xf32>
        tpu.vector_store %arg10[%swap3A_1534, %swap3A_1535], %swap3A_1538 {strides = array<i32>} : memref<16x656xf32, #tpu.memory_space<vmem>>, vector<1x16xf32>,
        %add3A_1539 = arith.constant 40 : i32
        %add3A_1540 = arith.addi %mul3A_700, %add3A_1539 : i32
        %add3A_1541 = arith.constant 0 : i32
        %add3A_1542 = arith.addi %add3A_1540, %add3A_1541 : i32
        %get3A_1543 = arith.index_cast %add3A_1542 : i32 to index
        %get3A_1544 = arith.constant 16 : index
        %get3A_1545 = tpu.vector_load %arg8[%get3A_1543, %get3A_1544] {strides = array<i32>} : memref<1280x32xf32, #tpu.memory_space<vmem>>, vector<1x16xf32>,
        %get3A_1546 = vector.shape_cast %get3A_1545 : vector<1x16xf32> to vector<16xf32>
        %add3A_1547 = arith.constant 40 : i32
        %add3A_1548 = arith.addi %mul3A_700, %add3A_1547 : i32
        %add3A_1549 = arith.constant 1 : i32
        %add3A_1550 = arith.addi %add3A_1548, %add3A_1549 : i32
        %get3A_1551 = arith.index_cast %add3A_1550 : i32 to index
        %get3A_1552 = arith.constant 16 : index
        %get3A_1553 = tpu.vector_load %arg8[%get3A_1551, %get3A_1552] {strides = array<i32>} : memref<1280x32xf32, #tpu.memory_space<vmem>>, vector<1x16xf32>,
        %get3A_1554 = vector.shape_cast %get3A_1553 : vector<1x16xf32> to vector<16xf32>
        %add3A_1555 = arith.addf %get3A_1546, %get3A_1554 : vector<16xf32>
        %add3A_1556 = arith.constant 40 : i32
        %add3A_1557 = arith.addi %mul3A_700, %add3A_1556 : i32
        %add3A_1558 = arith.constant 2 : i32
        %add3A_1559 = arith.addi %add3A_1557, %add3A_1558 : i32
        %get3A_1560 = arith.index_cast %add3A_1559 : i32 to index
        %get3A_1561 = arith.constant 16 : index
        %get3A_1562 = tpu.vector_load %arg8[%get3A_1560, %get3A_1561] {strides = array<i32>} : memref<1280x32xf32, #tpu.memory_space<vmem>>, vector<1x16xf32>,
        %get3A_1563 = vector.shape_cast %get3A_1562 : vector<1x16xf32> to vector<16xf32>
        %add3A_1564 = arith.addf %add3A_1555, %get3A_1563 : vector<16xf32>
        %add3A_1565 = arith.constant 40 : i32
        %add3A_1566 = arith.addi %mul3A_700, %add3A_1565 : i32
        %add3A_1567 = arith.constant 3 : i32
        %add3A_1568 = arith.addi %add3A_1566, %add3A_1567 : i32
        %get3A_1569 = arith.index_cast %add3A_1568 : i32 to index
        %get3A_1570 = arith.constant 16 : index
        %get3A_1571 = tpu.vector_load %arg8[%get3A_1569, %get3A_1570] {strides = array<i32>} : memref<1280x32xf32, #tpu.memory_space<vmem>>, vector<1x16xf32>,
        %get3A_1572 = vector.shape_cast %get3A_1571 : vector<1x16xf32> to vector<16xf32>
        %add3A_1573 = arith.addf %add3A_1564, %get3A_1572 : vector<16xf32>
        %swap3A_1574 = arith.index_cast %scan3A_698 : i32 to index
        %swap3A_1575 = arith.constant 336 : index
        %swap3A_1576 = tpu.vector_load %arg10[%swap3A_1574, %swap3A_1575] {strides = array<i32>} : memref<16x656xf32, #tpu.memory_space<vmem>>, vector<1x16xf32>,
        %swap3A_1577 = vector.shape_cast %swap3A_1576 : vector<1x16xf32> to vector<16xf32>
        %swap3A_1578 = vector.shape_cast %add3A_1573 : vector<16xf32> to vector<1x16xf32>
        tpu.vector_store %arg10[%swap3A_1574, %swap3A_1575], %swap3A_1578 {strides = array<i32>} : memref<16x656xf32, #tpu.memory_space<vmem>>, vector<1x16xf32>,
        %add3A_1579 = arith.constant 44 : i32
        %add3A_1580 = arith.addi %mul3A_700, %add3A_1579 : i32
        %add3A_1581 = arith.constant 0 : i32
        %add3A_1582 = arith.addi %add3A_1580, %add3A_1581 : i32
        %get3A_1583 = arith.index_cast %add3A_1582 : i32 to index
        %get3A_1584 = arith.constant 0 : index
        %get3A_1585 = tpu.vector_load %arg8[%get3A_1583, %get3A_1584] {strides = array<i32>} : memref<1280x32xf32, #tpu.memory_space<vmem>>, vector<1x16xf32>,
        %get3A_1586 = vector.shape_cast %get3A_1585 : vector<1x16xf32> to vector<16xf32>
        %add3A_1587 = arith.constant 44 : i32
        %add3A_1588 = arith.addi %mul3A_700, %add3A_1587 : i32
        %add3A_1589 = arith.constant 1 : i32
        %add3A_1590 = arith.addi %add3A_1588, %add3A_1589 : i32
        %get3A_1591 = arith.index_cast %add3A_1590 : i32 to index
        %get3A_1592 = arith.constant 0 : index
        %get3A_1593 = tpu.vector_load %arg8[%get3A_1591, %get3A_1592] {strides = array<i32>} : memref<1280x32xf32, #tpu.memory_space<vmem>>, vector<1x16xf32>,
        %get3A_1594 = vector.shape_cast %get3A_1593 : vector<1x16xf32> to vector<16xf32>
        %add3A_1595 = arith.addf %get3A_1586, %get3A_1594 : vector<16xf32>
        %add3A_1596 = arith.constant 44 : i32
        %add3A_1597 = arith.addi %mul3A_700, %add3A_1596 : i32
        %add3A_1598 = arith.constant 2 : i32
        %add3A_1599 = arith.addi %add3A_1597, %add3A_1598 : i32
        %get3A_1600 = arith.index_cast %add3A_1599 : i32 to index
        %get3A_1601 = arith.constant 0 : index
        %get3A_1602 = tpu.vector_load %arg8[%get3A_1600, %get3A_1601] {strides = array<i32>} : memref<1280x32xf32, #tpu.memory_space<vmem>>, vector<1x16xf32>,
        %get3A_1603 = vector.shape_cast %get3A_1602 : vector<1x16xf32> to vector<16xf32>
        %add3A_1604 = arith.addf %add3A_1595, %get3A_1603 : vector<16xf32>
        %add3A_1605 = arith.constant 44 : i32
        %add3A_1606 = arith.addi %mul3A_700, %add3A_1605 : i32
        %add3A_1607 = arith.constant 3 : i32
        %add3A_1608 = arith.addi %add3A_1606, %add3A_1607 : i32
        %get3A_1609 = arith.index_cast %add3A_1608 : i32 to index
        %get3A_1610 = arith.constant 0 : index
        %get3A_1611 = tpu.vector_load %arg8[%get3A_1609, %get3A_1610] {strides = array<i32>} : memref<1280x32xf32, #tpu.memory_space<vmem>>, vector<1x16xf32>,
        %get3A_1612 = vector.shape_cast %get3A_1611 : vector<1x16xf32> to vector<16xf32>
        %add3A_1613 = arith.addf %add3A_1604, %get3A_1612 : vector<16xf32>
        %swap3A_1614 = arith.index_cast %scan3A_698 : i32 to index
        %swap3A_1615 = arith.constant 352 : index
        %swap3A_1616 = tpu.vector_load %arg10[%swap3A_1614, %swap3A_1615] {strides = array<i32>} : memref<16x656xf32, #tpu.memory_space<vmem>>, vector<1x16xf32>,
        %swap3A_1617 = vector.shape_cast %swap3A_1616 : vector<1x16xf32> to vector<16xf32>
        %swap3A_1618 = vector.shape_cast %add3A_1613 : vector<16xf32> to vector<1x16xf32>
        tpu.vector_store %arg10[%swap3A_1614, %swap3A_1615], %swap3A_1618 {strides = array<i32>} : memref<16x656xf32, #tpu.memory_space<vmem>>, vector<1x16xf32>,
        %add3A_1619 = arith.constant 44 : i32
        %add3A_1620 = arith.addi %mul3A_700, %add3A_1619 : i32
        %add3A_1621 = arith.constant 0 : i32
        %add3A_1622 = arith.addi %add3A_1620, %add3A_1621 : i32
        %get3A_1623 = arith.index_cast %add3A_1622 : i32 to index
        %get3A_1624 = arith.constant 16 : index
        %get3A_1625 = tpu.vector_load %arg8[%get3A_1623, %get3A_1624] {strides = array<i32>} : memref<1280x32xf32, #tpu.memory_space<vmem>>, vector<1x16xf32>,
        %get3A_1626 = vector.shape_cast %get3A_1625 : vector<1x16xf32> to vector<16xf32>
        %add3A_1627 = arith.constant 44 : i32
        %add3A_1628 = arith.addi %mul3A_700, %add3A_1627 : i32
        %add3A_1629 = arith.constant 1 : i32
        %add3A_1630 = arith.addi %add3A_1628, %add3A_1629 : i32
        %get3A_1631 = arith.index_cast %add3A_1630 : i32 to index
        %get3A_1632 = arith.constant 16 : index
        %get3A_1633 = tpu.vector_load %arg8[%get3A_1631, %get3A_1632] {strides = array<i32>} : memref<1280x32xf32, #tpu.memory_space<vmem>>, vector<1x16xf32>,
        %get3A_1634 = vector.shape_cast %get3A_1633 : vector<1x16xf32> to vector<16xf32>
        %add3A_1635 = arith.addf %get3A_1626, %get3A_1634 : vector<16xf32>
        %add3A_1636 = arith.constant 44 : i32
        %add3A_1637 = arith.addi %mul3A_700, %add3A_1636 : i32
        %add3A_1638 = arith.constant 2 : i32
        %add3A_1639 = arith.addi %add3A_1637, %add3A_1638 : i32
        %get3A_1640 = arith.index_cast %add3A_1639 : i32 to index
        %get3A_1641 = arith.constant 16 : index
        %get3A_1642 = tpu.vector_load %arg8[%get3A_1640, %get3A_1641] {strides = array<i32>} : memref<1280x32xf32, #tpu.memory_space<vmem>>, vector<1x16xf32>,
        %get3A_1643 = vector.shape_cast %get3A_1642 : vector<1x16xf32> to vector<16xf32>
        %add3A_1644 = arith.addf %add3A_1635, %get3A_1643 : vector<16xf32>
        %add3A_1645 = arith.constant 44 : i32
        %add3A_1646 = arith.addi %mul3A_700, %add3A_1645 : i32
        %add3A_1647 = arith.constant 3 : i32
        %add3A_1648 = arith.addi %add3A_1646, %add3A_1647 : i32
        %get3A_1649 = arith.index_cast %add3A_1648 : i32 to index
        %get3A_1650 = arith.constant 16 : index
        %get3A_1651 = tpu.vector_load %arg8[%get3A_1649, %get3A_1650] {strides = array<i32>} : memref<1280x32xf32, #tpu.memory_space<vmem>>, vector<1x16xf32>,
        %get3A_1652 = vector.shape_cast %get3A_1651 : vector<1x16xf32> to vector<16xf32>
        %add3A_1653 = arith.addf %add3A_1644, %get3A_1652 : vector<16xf32>
        %swap3A_1654 = arith.index_cast %scan3A_698 : i32 to index
        %swap3A_1655 = arith.constant 368 : index
        %swap3A_1656 = tpu.vector_load %arg10[%swap3A_1654, %swap3A_1655] {strides = array<i32>} : memref<16x656xf32, #tpu.memory_space<vmem>>, vector<1x16xf32>,
        %swap3A_1657 = vector.shape_cast %swap3A_1656 : vector<1x16xf32> to vector<16xf32>
        %swap3A_1658 = vector.shape_cast %add3A_1653 : vector<16xf32> to vector<1x16xf32>
        tpu.vector_store %arg10[%swap3A_1654, %swap3A_1655], %swap3A_1658 {strides = array<i32>} : memref<16x656xf32, #tpu.memory_space<vmem>>, vector<1x16xf32>,
        %add3A_1659 = arith.constant 48 : i32
        %add3A_1660 = arith.addi %mul3A_700, %add3A_1659 : i32
        %add3A_1661 = arith.constant 0 : i32
        %add3A_1662 = arith.addi %add3A_1660, %add3A_1661 : i32
        %get3A_1663 = arith.index_cast %add3A_1662 : i32 to index
        %get3A_1664 = arith.constant 0 : index
        %get3A_1665 = tpu.vector_load %arg8[%get3A_1663, %get3A_1664] {strides = array<i32>} : memref<1280x32xf32, #tpu.memory_space<vmem>>, vector<1x16xf32>,
        %get3A_1666 = vector.shape_cast %get3A_1665 : vector<1x16xf32> to vector<16xf32>
        %add3A_1667 = arith.constant 48 : i32
        %add3A_1668 = arith.addi %mul3A_700, %add3A_1667 : i32
        %add3A_1669 = arith.constant 1 : i32
        %add3A_1670 = arith.addi %add3A_1668, %add3A_1669 : i32
        %get3A_1671 = arith.index_cast %add3A_1670 : i32 to index
        %get3A_1672 = arith.constant 0 : index
        %get3A_1673 = tpu.vector_load %arg8[%get3A_1671, %get3A_1672] {strides = array<i32>} : memref<1280x32xf32, #tpu.memory_space<vmem>>, vector<1x16xf32>,
        %get3A_1674 = vector.shape_cast %get3A_1673 : vector<1x16xf32> to vector<16xf32>
        %add3A_1675 = arith.addf %get3A_1666, %get3A_1674 : vector<16xf32>
        %add3A_1676 = arith.constant 48 : i32
        %add3A_1677 = arith.addi %mul3A_700, %add3A_1676 : i32
        %add3A_1678 = arith.constant 2 : i32
        %add3A_1679 = arith.addi %add3A_1677, %add3A_1678 : i32
        %get3A_1680 = arith.index_cast %add3A_1679 : i32 to index
        %get3A_1681 = arith.constant 0 : index
        %get3A_1682 = tpu.vector_load %arg8[%get3A_1680, %get3A_1681] {strides = array<i32>} : memref<1280x32xf32, #tpu.memory_space<vmem>>, vector<1x16xf32>,
        %get3A_1683 = vector.shape_cast %get3A_1682 : vector<1x16xf32> to vector<16xf32>
        %add3A_1684 = arith.addf %add3A_1675, %get3A_1683 : vector<16xf32>
        %add3A_1685 = arith.constant 48 : i32
        %add3A_1686 = arith.addi %mul3A_700, %add3A_1685 : i32
        %add3A_1687 = arith.constant 3 : i32
        %add3A_1688 = arith.addi %add3A_1686, %add3A_1687 : i32
        %get3A_1689 = arith.index_cast %add3A_1688 : i32 to index
        %get3A_1690 = arith.constant 0 : index
        %get3A_1691 = tpu.vector_load %arg8[%get3A_1689, %get3A_1690] {strides = array<i32>} : memref<1280x32xf32, #tpu.memory_space<vmem>>, vector<1x16xf32>,
        %get3A_1692 = vector.shape_cast %get3A_1691 : vector<1x16xf32> to vector<16xf32>
        %add3A_1693 = arith.addf %add3A_1684, %get3A_1692 : vector<16xf32>
        %swap3A_1694 = arith.index_cast %scan3A_698 : i32 to index
        %swap3A_1695 = arith.constant 384 : index
        %swap3A_1696 = tpu.vector_load %arg10[%swap3A_1694, %swap3A_1695] {strides = array<i32>} : memref<16x656xf32, #tpu.memory_space<vmem>>, vector<1x16xf32>,
        %swap3A_1697 = vector.shape_cast %swap3A_1696 : vector<1x16xf32> to vector<16xf32>
        %swap3A_1698 = vector.shape_cast %add3A_1693 : vector<16xf32> to vector<1x16xf32>
        tpu.vector_store %arg10[%swap3A_1694, %swap3A_1695], %swap3A_1698 {strides = array<i32>} : memref<16x656xf32, #tpu.memory_space<vmem>>, vector<1x16xf32>,
        %add3A_1699 = arith.constant 48 : i32
        %add3A_1700 = arith.addi %mul3A_700, %add3A_1699 : i32
        %add3A_1701 = arith.constant 0 : i32
        %add3A_1702 = arith.addi %add3A_1700, %add3A_1701 : i32
        %get3A_1703 = arith.index_cast %add3A_1702 : i32 to index
        %get3A_1704 = arith.constant 16 : index
        %get3A_1705 = tpu.vector_load %arg8[%get3A_1703, %get3A_1704] {strides = array<i32>} : memref<1280x32xf32, #tpu.memory_space<vmem>>, vector<1x16xf32>,
        %get3A_1706 = vector.shape_cast %get3A_1705 : vector<1x16xf32> to vector<16xf32>
        %add3A_1707 = arith.constant 48 : i32
        %add3A_1708 = arith.addi %mul3A_700, %add3A_1707 : i32
        %add3A_1709 = arith.constant 1 : i32
        %add3A_1710 = arith.addi %add3A_1708, %add3A_1709 : i32
        %get3A_1711 = arith.index_cast %add3A_1710 : i32 to index
        %get3A_1712 = arith.constant 16 : index
        %get3A_1713 = tpu.vector_load %arg8[%get3A_1711, %get3A_1712] {strides = array<i32>} : memref<1280x32xf32, #tpu.memory_space<vmem>>, vector<1x16xf32>,
        %get3A_1714 = vector.shape_cast %get3A_1713 : vector<1x16xf32> to vector<16xf32>
        %add3A_1715 = arith.addf %get3A_1706, %get3A_1714 : vector<16xf32>
        %add3A_1716 = arith.constant 48 : i32
        %add3A_1717 = arith.addi %mul3A_700, %add3A_1716 : i32
        %add3A_1718 = arith.constant 2 : i32
        %add3A_1719 = arith.addi %add3A_1717, %add3A_1718 : i32
        %get3A_1720 = arith.index_cast %add3A_1719 : i32 to index
        %get3A_1721 = arith.constant 16 : index
        %get3A_1722 = tpu.vector_load %arg8[%get3A_1720, %get3A_1721] {strides = array<i32>} : memref<1280x32xf32, #tpu.memory_space<vmem>>, vector<1x16xf32>,
        %get3A_1723 = vector.shape_cast %get3A_1722 : vector<1x16xf32> to vector<16xf32>
        %add3A_1724 = arith.addf %add3A_1715, %get3A_1723 : vector<16xf32>
        %add3A_1725 = arith.constant 48 : i32
        %add3A_1726 = arith.addi %mul3A_700, %add3A_1725 : i32
        %add3A_1727 = arith.constant 3 : i32
        %add3A_1728 = arith.addi %add3A_1726, %add3A_1727 : i32
        %get3A_1729 = arith.index_cast %add3A_1728 : i32 to index
        %get3A_1730 = arith.constant 16 : index
        %get3A_1731 = tpu.vector_load %arg8[%get3A_1729, %get3A_1730] {strides = array<i32>} : memref<1280x32xf32, #tpu.memory_space<vmem>>, vector<1x16xf32>,
        %get3A_1732 = vector.shape_cast %get3A_1731 : vector<1x16xf32> to vector<16xf32>
        %add3A_1733 = arith.addf %add3A_1724, %get3A_1732 : vector<16xf32>
        %swap3A_1734 = arith.index_cast %scan3A_698 : i32 to index
        %swap3A_1735 = arith.constant 400 : index
        %swap3A_1736 = tpu.vector_load %arg10[%swap3A_1734, %swap3A_1735] {strides = array<i32>} : memref<16x656xf32, #tpu.memory_space<vmem>>, vector<1x16xf32>,
        %swap3A_1737 = vector.shape_cast %swap3A_1736 : vector<1x16xf32> to vector<16xf32>
        %swap3A_1738 = vector.shape_cast %add3A_1733 : vector<16xf32> to vector<1x16xf32>
        tpu.vector_store %arg10[%swap3A_1734, %swap3A_1735], %swap3A_1738 {strides = array<i32>} : memref<16x656xf32, #tpu.memory_space<vmem>>, vector<1x16xf32>,
        %add3A_1739 = arith.constant 52 : i32
        %add3A_1740 = arith.addi %mul3A_700, %add3A_1739 : i32
        %add3A_1741 = arith.constant 0 : i32
        %add3A_1742 = arith.addi %add3A_1740, %add3A_1741 : i32
        %get3A_1743 = arith.index_cast %add3A_1742 : i32 to index
        %get3A_1744 = arith.constant 0 : index
        %get3A_1745 = tpu.vector_load %arg8[%get3A_1743, %get3A_1744] {strides = array<i32>} : memref<1280x32xf32, #tpu.memory_space<vmem>>, vector<1x16xf32>,
        %get3A_1746 = vector.shape_cast %get3A_1745 : vector<1x16xf32> to vector<16xf32>
        %add3A_1747 = arith.constant 52 : i32
        %add3A_1748 = arith.addi %mul3A_700, %add3A_1747 : i32
        %add3A_1749 = arith.constant 1 : i32
        %add3A_1750 = arith.addi %add3A_1748, %add3A_1749 : i32
        %get3A_1751 = arith.index_cast %add3A_1750 : i32 to index
        %get3A_1752 = arith.constant 0 : index
        %get3A_1753 = tpu.vector_load %arg8[%get3A_1751, %get3A_1752] {strides = array<i32>} : memref<1280x32xf32, #tpu.memory_space<vmem>>, vector<1x16xf32>,
        %get3A_1754 = vector.shape_cast %get3A_1753 : vector<1x16xf32> to vector<16xf32>
        %add3A_1755 = arith.addf %get3A_1746, %get3A_1754 : vector<16xf32>
        %add3A_1756 = arith.constant 52 : i32
        %add3A_1757 = arith.addi %mul3A_700, %add3A_1756 : i32
        %add3A_1758 = arith.constant 2 : i32
        %add3A_1759 = arith.addi %add3A_1757, %add3A_1758 : i32
        %get3A_1760 = arith.index_cast %add3A_1759 : i32 to index
        %get3A_1761 = arith.constant 0 : index
        %get3A_1762 = tpu.vector_load %arg8[%get3A_1760, %get3A_1761] {strides = array<i32>} : memref<1280x32xf32, #tpu.memory_space<vmem>>, vector<1x16xf32>,
        %get3A_1763 = vector.shape_cast %get3A_1762 : vector<1x16xf32> to vector<16xf32>
        %add3A_1764 = arith.addf %add3A_1755, %get3A_1763 : vector<16xf32>
        %add3A_1765 = arith.constant 52 : i32
        %add3A_1766 = arith.addi %mul3A_700, %add3A_1765 : i32
        %add3A_1767 = arith.constant 3 : i32
        %add3A_1768 = arith.addi %add3A_1766, %add3A_1767 : i32
        %get3A_1769 = arith.index_cast %add3A_1768 : i32 to index
        %get3A_1770 = arith.constant 0 : index
        %get3A_1771 = tpu.vector_load %arg8[%get3A_1769, %get3A_1770] {strides = array<i32>} : memref<1280x32xf32, #tpu.memory_space<vmem>>, vector<1x16xf32>,
        %get3A_1772 = vector.shape_cast %get3A_1771 : vector<1x16xf32> to vector<16xf32>
        %add3A_1773 = arith.addf %add3A_1764, %get3A_1772 : vector<16xf32>
        %swap3A_1774 = arith.index_cast %scan3A_698 : i32 to index
        %swap3A_1775 = arith.constant 416 : index
        %swap3A_1776 = tpu.vector_load %arg10[%swap3A_1774, %swap3A_1775] {strides = array<i32>} : memref<16x656xf32, #tpu.memory_space<vmem>>, vector<1x16xf32>,
        %swap3A_1777 = vector.shape_cast %swap3A_1776 : vector<1x16xf32> to vector<16xf32>
        %swap3A_1778 = vector.shape_cast %add3A_1773 : vector<16xf32> to vector<1x16xf32>
        tpu.vector_store %arg10[%swap3A_1774, %swap3A_1775], %swap3A_1778 {strides = array<i32>} : memref<16x656xf32, #tpu.memory_space<vmem>>, vector<1x16xf32>,
        %add3A_1779 = arith.constant 52 : i32
        %add3A_1780 = arith.addi %mul3A_700, %add3A_1779 : i32
        %add3A_1781 = arith.constant 0 : i32
        %add3A_1782 = arith.addi %add3A_1780, %add3A_1781 : i32
        %get3A_1783 = arith.index_cast %add3A_1782 : i32 to index
        %get3A_1784 = arith.constant 16 : index
        %get3A_1785 = tpu.vector_load %arg8[%get3A_1783, %get3A_1784] {strides = array<i32>} : memref<1280x32xf32, #tpu.memory_space<vmem>>, vector<1x16xf32>,
        %get3A_1786 = vector.shape_cast %get3A_1785 : vector<1x16xf32> to vector<16xf32>
        %add3A_1787 = arith.constant 52 : i32
        %add3A_1788 = arith.addi %mul3A_700, %add3A_1787 : i32
        %add3A_1789 = arith.constant 1 : i32
        %add3A_1790 = arith.addi %add3A_1788, %add3A_1789 : i32
        %get3A_1791 = arith.index_cast %add3A_1790 : i32 to index
        %get3A_1792 = arith.constant 16 : index
        %get3A_1793 = tpu.vector_load %arg8[%get3A_1791, %get3A_1792] {strides = array<i32>} : memref<1280x32xf32, #tpu.memory_space<vmem>>, vector<1x16xf32>,
        %get3A_1794 = vector.shape_cast %get3A_1793 : vector<1x16xf32> to vector<16xf32>
        %add3A_1795 = arith.addf %get3A_1786, %get3A_1794 : vector<16xf32>
        %add3A_1796 = arith.constant 52 : i32
        %add3A_1797 = arith.addi %mul3A_700, %add3A_1796 : i32
        %add3A_1798 = arith.constant 2 : i32
        %add3A_1799 = arith.addi %add3A_1797, %add3A_1798 : i32
        %get3A_1800 = arith.index_cast %add3A_1799 : i32 to index
        %get3A_1801 = arith.constant 16 : index
        %get3A_1802 = tpu.vector_load %arg8[%get3A_1800, %get3A_1801] {strides = array<i32>} : memref<1280x32xf32, #tpu.memory_space<vmem>>, vector<1x16xf32>,
        %get3A_1803 = vector.shape_cast %get3A_1802 : vector<1x16xf32> to vector<16xf32>
        %add3A_1804 = arith.addf %add3A_1795, %get3A_1803 : vector<16xf32>
        %add3A_1805 = arith.constant 52 : i32
        %add3A_1806 = arith.addi %mul3A_700, %add3A_1805 : i32
        %add3A_1807 = arith.constant 3 : i32
        %add3A_1808 = arith.addi %add3A_1806, %add3A_1807 : i32
        %get3A_1809 = arith.index_cast %add3A_1808 : i32 to index
        %get3A_1810 = arith.constant 16 : index
        %get3A_1811 = tpu.vector_load %arg8[%get3A_1809, %get3A_1810] {strides = array<i32>} : memref<1280x32xf32, #tpu.memory_space<vmem>>, vector<1x16xf32>,
        %get3A_1812 = vector.shape_cast %get3A_1811 : vector<1x16xf32> to vector<16xf32>
        %add3A_1813 = arith.addf %add3A_1804, %get3A_1812 : vector<16xf32>
        %swap3A_1814 = arith.index_cast %scan3A_698 : i32 to index
        %swap3A_1815 = arith.constant 432 : index
        %swap3A_1816 = tpu.vector_load %arg10[%swap3A_1814, %swap3A_1815] {strides = array<i32>} : memref<16x656xf32, #tpu.memory_space<vmem>>, vector<1x16xf32>,
        %swap3A_1817 = vector.shape_cast %swap3A_1816 : vector<1x16xf32> to vector<16xf32>
        %swap3A_1818 = vector.shape_cast %add3A_1813 : vector<16xf32> to vector<1x16xf32>
        tpu.vector_store %arg10[%swap3A_1814, %swap3A_1815], %swap3A_1818 {strides = array<i32>} : memref<16x656xf32, #tpu.memory_space<vmem>>, vector<1x16xf32>,
        %add3A_1819 = arith.constant 56 : i32
        %add3A_1820 = arith.addi %mul3A_700, %add3A_1819 : i32
        %add3A_1821 = arith.constant 0 : i32
        %add3A_1822 = arith.addi %add3A_1820, %add3A_1821 : i32
        %get3A_1823 = arith.index_cast %add3A_1822 : i32 to index
        %get3A_1824 = arith.constant 0 : index
        %get3A_1825 = tpu.vector_load %arg8[%get3A_1823, %get3A_1824] {strides = array<i32>} : memref<1280x32xf32, #tpu.memory_space<vmem>>, vector<1x16xf32>,
        %get3A_1826 = vector.shape_cast %get3A_1825 : vector<1x16xf32> to vector<16xf32>
        %add3A_1827 = arith.constant 56 : i32
        %add3A_1828 = arith.addi %mul3A_700, %add3A_1827 : i32
        %add3A_1829 = arith.constant 1 : i32
        %add3A_1830 = arith.addi %add3A_1828, %add3A_1829 : i32
        %get3A_1831 = arith.index_cast %add3A_1830 : i32 to index
        %get3A_1832 = arith.constant 0 : index
        %get3A_1833 = tpu.vector_load %arg8[%get3A_1831, %get3A_1832] {strides = array<i32>} : memref<1280x32xf32, #tpu.memory_space<vmem>>, vector<1x16xf32>,
        %get3A_1834 = vector.shape_cast %get3A_1833 : vector<1x16xf32> to vector<16xf32>
        %add3A_1835 = arith.addf %get3A_1826, %get3A_1834 : vector<16xf32>
        %add3A_1836 = arith.constant 56 : i32
        %add3A_1837 = arith.addi %mul3A_700, %add3A_1836 : i32
        %add3A_1838 = arith.constant 2 : i32
        %add3A_1839 = arith.addi %add3A_1837, %add3A_1838 : i32
        %get3A_1840 = arith.index_cast %add3A_1839 : i32 to index
        %get3A_1841 = arith.constant 0 : index
        %get3A_1842 = tpu.vector_load %arg8[%get3A_1840, %get3A_1841] {strides = array<i32>} : memref<1280x32xf32, #tpu.memory_space<vmem>>, vector<1x16xf32>,
        %get3A_1843 = vector.shape_cast %get3A_1842 : vector<1x16xf32> to vector<16xf32>
        %add3A_1844 = arith.addf %add3A_1835, %get3A_1843 : vector<16xf32>
        %add3A_1845 = arith.constant 56 : i32
        %add3A_1846 = arith.addi %mul3A_700, %add3A_1845 : i32
        %add3A_1847 = arith.constant 3 : i32
        %add3A_1848 = arith.addi %add3A_1846, %add3A_1847 : i32
        %get3A_1849 = arith.index_cast %add3A_1848 : i32 to index
        %get3A_1850 = arith.constant 0 : index
        %get3A_1851 = tpu.vector_load %arg8[%get3A_1849, %get3A_1850] {strides = array<i32>} : memref<1280x32xf32, #tpu.memory_space<vmem>>, vector<1x16xf32>,
        %get3A_1852 = vector.shape_cast %get3A_1851 : vector<1x16xf32> to vector<16xf32>
        %add3A_1853 = arith.addf %add3A_1844, %get3A_1852 : vector<16xf32>
        %swap3A_1854 = arith.index_cast %scan3A_698 : i32 to index
        %swap3A_1855 = arith.constant 448 : index
        %swap3A_1856 = tpu.vector_load %arg10[%swap3A_1854, %swap3A_1855] {strides = array<i32>} : memref<16x656xf32, #tpu.memory_space<vmem>>, vector<1x16xf32>,
        %swap3A_1857 = vector.shape_cast %swap3A_1856 : vector<1x16xf32> to vector<16xf32>
        %swap3A_1858 = vector.shape_cast %add3A_1853 : vector<16xf32> to vector<1x16xf32>
        tpu.vector_store %arg10[%swap3A_1854, %swap3A_1855], %swap3A_1858 {strides = array<i32>} : memref<16x656xf32, #tpu.memory_space<vmem>>, vector<1x16xf32>,
        %add3A_1859 = arith.constant 56 : i32
        %add3A_1860 = arith.addi %mul3A_700, %add3A_1859 : i32
        %add3A_1861 = arith.constant 0 : i32
        %add3A_1862 = arith.addi %add3A_1860, %add3A_1861 : i32
        %get3A_1863 = arith.index_cast %add3A_1862 : i32 to index
        %get3A_1864 = arith.constant 16 : index
        %get3A_1865 = tpu.vector_load %arg8[%get3A_1863, %get3A_1864] {strides = array<i32>} : memref<1280x32xf32, #tpu.memory_space<vmem>>, vector<1x16xf32>,
        %get3A_1866 = vector.shape_cast %get3A_1865 : vector<1x16xf32> to vector<16xf32>
        %add3A_1867 = arith.constant 56 : i32
        %add3A_1868 = arith.addi %mul3A_700, %add3A_1867 : i32
        %add3A_1869 = arith.constant 1 : i32
        %add3A_1870 = arith.addi %add3A_1868, %add3A_1869 : i32
        %get3A_1871 = arith.index_cast %add3A_1870 : i32 to index
        %get3A_1872 = arith.constant 16 : index
        %get3A_1873 = tpu.vector_load %arg8[%get3A_1871, %get3A_1872] {strides = array<i32>} : memref<1280x32xf32, #tpu.memory_space<vmem>>, vector<1x16xf32>,
        %get3A_1874 = vector.shape_cast %get3A_1873 : vector<1x16xf32> to vector<16xf32>
        %add3A_1875 = arith.addf %get3A_1866, %get3A_1874 : vector<16xf32>
        %add3A_1876 = arith.constant 56 : i32
        %add3A_1877 = arith.addi %mul3A_700, %add3A_1876 : i32
        %add3A_1878 = arith.constant 2 : i32
        %add3A_1879 = arith.addi %add3A_1877, %add3A_1878 : i32
        %get3A_1880 = arith.index_cast %add3A_1879 : i32 to index
        %get3A_1881 = arith.constant 16 : index
        %get3A_1882 = tpu.vector_load %arg8[%get3A_1880, %get3A_1881] {strides = array<i32>} : memref<1280x32xf32, #tpu.memory_space<vmem>>, vector<1x16xf32>,
        %get3A_1883 = vector.shape_cast %get3A_1882 : vector<1x16xf32> to vector<16xf32>
        %add3A_1884 = arith.addf %add3A_1875, %get3A_1883 : vector<16xf32>
        %add3A_1885 = arith.constant 56 : i32
        %add3A_1886 = arith.addi %mul3A_700, %add3A_1885 : i32
        %add3A_1887 = arith.constant 3 : i32
        %add3A_1888 = arith.addi %add3A_1886, %add3A_1887 : i32
        %get3A_1889 = arith.index_cast %add3A_1888 : i32 to index
        %get3A_1890 = arith.constant 16 : index
        %get3A_1891 = tpu.vector_load %arg8[%get3A_1889, %get3A_1890] {strides = array<i32>} : memref<1280x32xf32, #tpu.memory_space<vmem>>, vector<1x16xf32>,
        %get3A_1892 = vector.shape_cast %get3A_1891 : vector<1x16xf32> to vector<16xf32>
        %add3A_1893 = arith.addf %add3A_1884, %get3A_1892 : vector<16xf32>
        %swap3A_1894 = arith.index_cast %scan3A_698 : i32 to index
        %swap3A_1895 = arith.constant 464 : index
        %swap3A_1896 = tpu.vector_load %arg10[%swap3A_1894, %swap3A_1895] {strides = array<i32>} : memref<16x656xf32, #tpu.memory_space<vmem>>, vector<1x16xf32>,
        %swap3A_1897 = vector.shape_cast %swap3A_1896 : vector<1x16xf32> to vector<16xf32>
        %swap3A_1898 = vector.shape_cast %add3A_1893 : vector<16xf32> to vector<1x16xf32>
        tpu.vector_store %arg10[%swap3A_1894, %swap3A_1895], %swap3A_1898 {strides = array<i32>} : memref<16x656xf32, #tpu.memory_space<vmem>>, vector<1x16xf32>,
        %add3A_1899 = arith.constant 60 : i32
        %add3A_1900 = arith.addi %mul3A_700, %add3A_1899 : i32
        %add3A_1901 = arith.constant 0 : i32
        %add3A_1902 = arith.addi %add3A_1900, %add3A_1901 : i32
        %get3A_1903 = arith.index_cast %add3A_1902 : i32 to index
        %get3A_1904 = arith.constant 0 : index
        %get3A_1905 = tpu.vector_load %arg8[%get3A_1903, %get3A_1904] {strides = array<i32>} : memref<1280x32xf32, #tpu.memory_space<vmem>>, vector<1x16xf32>,
        %get3A_1906 = vector.shape_cast %get3A_1905 : vector<1x16xf32> to vector<16xf32>
        %add3A_1907 = arith.constant 60 : i32
        %add3A_1908 = arith.addi %mul3A_700, %add3A_1907 : i32
        %add3A_1909 = arith.constant 1 : i32
        %add3A_1910 = arith.addi %add3A_1908, %add3A_1909 : i32
        %get3A_1911 = arith.index_cast %add3A_1910 : i32 to index
        %get3A_1912 = arith.constant 0 : index
        %get3A_1913 = tpu.vector_load %arg8[%get3A_1911, %get3A_1912] {strides = array<i32>} : memref<1280x32xf32, #tpu.memory_space<vmem>>, vector<1x16xf32>,
        %get3A_1914 = vector.shape_cast %get3A_1913 : vector<1x16xf32> to vector<16xf32>
        %add3A_1915 = arith.addf %get3A_1906, %get3A_1914 : vector<16xf32>
        %add3A_1916 = arith.constant 60 : i32
        %add3A_1917 = arith.addi %mul3A_700, %add3A_1916 : i32
        %add3A_1918 = arith.constant 2 : i32
        %add3A_1919 = arith.addi %add3A_1917, %add3A_1918 : i32
        %get3A_1920 = arith.index_cast %add3A_1919 : i32 to index
        %get3A_1921 = arith.constant 0 : index
        %get3A_1922 = tpu.vector_load %arg8[%get3A_1920, %get3A_1921] {strides = array<i32>} : memref<1280x32xf32, #tpu.memory_space<vmem>>, vector<1x16xf32>,
        %get3A_1923 = vector.shape_cast %get3A_1922 : vector<1x16xf32> to vector<16xf32>
        %add3A_1924 = arith.addf %add3A_1915, %get3A_1923 : vector<16xf32>
        %add3A_1925 = arith.constant 60 : i32
        %add3A_1926 = arith.addi %mul3A_700, %add3A_1925 : i32
        %add3A_1927 = arith.constant 3 : i32
        %add3A_1928 = arith.addi %add3A_1926, %add3A_1927 : i32
        %get3A_1929 = arith.index_cast %add3A_1928 : i32 to index
        %get3A_1930 = arith.constant 0 : index
        %get3A_1931 = tpu.vector_load %arg8[%get3A_1929, %get3A_1930] {strides = array<i32>} : memref<1280x32xf32, #tpu.memory_space<vmem>>, vector<1x16xf32>,
        %get3A_1932 = vector.shape_cast %get3A_1931 : vector<1x16xf32> to vector<16xf32>
        %add3A_1933 = arith.addf %add3A_1924, %get3A_1932 : vector<16xf32>
        %swap3A_1934 = arith.index_cast %scan3A_698 : i32 to index
        %swap3A_1935 = arith.constant 480 : index
        %swap3A_1936 = tpu.vector_load %arg10[%swap3A_1934, %swap3A_1935] {strides = array<i32>} : memref<16x656xf32, #tpu.memory_space<vmem>>, vector<1x16xf32>,
        %swap3A_1937 = vector.shape_cast %swap3A_1936 : vector<1x16xf32> to vector<16xf32>
        %swap3A_1938 = vector.shape_cast %add3A_1933 : vector<16xf32> to vector<1x16xf32>
        tpu.vector_store %arg10[%swap3A_1934, %swap3A_1935], %swap3A_1938 {strides = array<i32>} : memref<16x656xf32, #tpu.memory_space<vmem>>, vector<1x16xf32>,
        %add3A_1939 = arith.constant 60 : i32
        %add3A_1940 = arith.addi %mul3A_700, %add3A_1939 : i32
        %add3A_1941 = arith.constant 0 : i32
        %add3A_1942 = arith.addi %add3A_1940, %add3A_1941 : i32
        %get3A_1943 = arith.index_cast %add3A_1942 : i32 to index
        %get3A_1944 = arith.constant 16 : index
        %get3A_1945 = tpu.vector_load %arg8[%get3A_1943, %get3A_1944] {strides = array<i32>} : memref<1280x32xf32, #tpu.memory_space<vmem>>, vector<1x16xf32>,
        %get3A_1946 = vector.shape_cast %get3A_1945 : vector<1x16xf32> to vector<16xf32>
        %add3A_1947 = arith.constant 60 : i32
        %add3A_1948 = arith.addi %mul3A_700, %add3A_1947 : i32
        %add3A_1949 = arith.constant 1 : i32
        %add3A_1950 = arith.addi %add3A_1948, %add3A_1949 : i32
        %get3A_1951 = arith.index_cast %add3A_1950 : i32 to index
        %get3A_1952 = arith.constant 16 : index
        %get3A_1953 = tpu.vector_load %arg8[%get3A_1951, %get3A_1952] {strides = array<i32>} : memref<1280x32xf32, #tpu.memory_space<vmem>>, vector<1x16xf32>,
        %get3A_1954 = vector.shape_cast %get3A_1953 : vector<1x16xf32> to vector<16xf32>
        %add3A_1955 = arith.addf %get3A_1946, %get3A_1954 : vector<16xf32>
        %add3A_1956 = arith.constant 60 : i32
        %add3A_1957 = arith.addi %mul3A_700, %add3A_1956 : i32
        %add3A_1958 = arith.constant 2 : i32
        %add3A_1959 = arith.addi %add3A_1957, %add3A_1958 : i32
        %get3A_1960 = arith.index_cast %add3A_1959 : i32 to index
        %get3A_1961 = arith.constant 16 : index
        %get3A_1962 = tpu.vector_load %arg8[%get3A_1960, %get3A_1961] {strides = array<i32>} : memref<1280x32xf32, #tpu.memory_space<vmem>>, vector<1x16xf32>,
        %get3A_1963 = vector.shape_cast %get3A_1962 : vector<1x16xf32> to vector<16xf32>
        %add3A_1964 = arith.addf %add3A_1955, %get3A_1963 : vector<16xf32>
        %add3A_1965 = arith.constant 60 : i32
        %add3A_1966 = arith.addi %mul3A_700, %add3A_1965 : i32
        %add3A_1967 = arith.constant 3 : i32
        %add3A_1968 = arith.addi %add3A_1966, %add3A_1967 : i32
        %get3A_1969 = arith.index_cast %add3A_1968 : i32 to index
        %get3A_1970 = arith.constant 16 : index
        %get3A_1971 = tpu.vector_load %arg8[%get3A_1969, %get3A_1970] {strides = array<i32>} : memref<1280x32xf32, #tpu.memory_space<vmem>>, vector<1x16xf32>,
        %get3A_1972 = vector.shape_cast %get3A_1971 : vector<1x16xf32> to vector<16xf32>
        %add3A_1973 = arith.addf %add3A_1964, %get3A_1972 : vector<16xf32>
        %swap3A_1974 = arith.index_cast %scan3A_698 : i32 to index
        %swap3A_1975 = arith.constant 496 : index
        %swap3A_1976 = tpu.vector_load %arg10[%swap3A_1974, %swap3A_1975] {strides = array<i32>} : memref<16x656xf32, #tpu.memory_space<vmem>>, vector<1x16xf32>,
        %swap3A_1977 = vector.shape_cast %swap3A_1976 : vector<1x16xf32> to vector<16xf32>
        %swap3A_1978 = vector.shape_cast %add3A_1973 : vector<16xf32> to vector<1x16xf32>
        tpu.vector_store %arg10[%swap3A_1974, %swap3A_1975], %swap3A_1978 {strides = array<i32>} : memref<16x656xf32, #tpu.memory_space<vmem>>, vector<1x16xf32>,
        %add3A_1979 = arith.constant 64 : i32
        %add3A_1980 = arith.addi %mul3A_700, %add3A_1979 : i32
        %add3A_1981 = arith.constant 0 : i32
        %add3A_1982 = arith.addi %add3A_1980, %add3A_1981 : i32
        %get3A_1983 = arith.index_cast %add3A_1982 : i32 to index
        %get3A_1984 = arith.constant 0 : index
        %get3A_1985 = tpu.vector_load %arg8[%get3A_1983, %get3A_1984] {strides = array<i32>} : memref<1280x32xf32, #tpu.memory_space<vmem>>, vector<1x16xf32>,
        %get3A_1986 = vector.shape_cast %get3A_1985 : vector<1x16xf32> to vector<16xf32>
        %add3A_1987 = arith.constant 64 : i32
        %add3A_1988 = arith.addi %mul3A_700, %add3A_1987 : i32
        %add3A_1989 = arith.constant 1 : i32
        %add3A_1990 = arith.addi %add3A_1988, %add3A_1989 : i32
        %get3A_1991 = arith.index_cast %add3A_1990 : i32 to index
        %get3A_1992 = arith.constant 0 : index
        %get3A_1993 = tpu.vector_load %arg8[%get3A_1991, %get3A_1992] {strides = array<i32>} : memref<1280x32xf32, #tpu.memory_space<vmem>>, vector<1x16xf32>,
        %get3A_1994 = vector.shape_cast %get3A_1993 : vector<1x16xf32> to vector<16xf32>
        %add3A_1995 = arith.addf %get3A_1986, %get3A_1994 : vector<16xf32>
        %add3A_1996 = arith.constant 64 : i32
        %add3A_1997 = arith.addi %mul3A_700, %add3A_1996 : i32
        %add3A_1998 = arith.constant 2 : i32
        %add3A_1999 = arith.addi %add3A_1997, %add3A_1998 : i32
        %get3A_2000 = arith.index_cast %add3A_1999 : i32 to index
        %get3A_2001 = arith.constant 0 : index
        %get3A_2002 = tpu.vector_load %arg8[%get3A_2000, %get3A_2001] {strides = array<i32>} : memref<1280x32xf32, #tpu.memory_space<vmem>>, vector<1x16xf32>,
        %get3A_2003 = vector.shape_cast %get3A_2002 : vector<1x16xf32> to vector<16xf32>
        %add3A_2004 = arith.addf %add3A_1995, %get3A_2003 : vector<16xf32>
        %add3A_2005 = arith.constant 64 : i32
        %add3A_2006 = arith.addi %mul3A_700, %add3A_2005 : i32
        %add3A_2007 = arith.constant 3 : i32
        %add3A_2008 = arith.addi %add3A_2006, %add3A_2007 : i32
        %get3A_2009 = arith.index_cast %add3A_2008 : i32 to index
        %get3A_2010 = arith.constant 0 : index
        %get3A_2011 = tpu.vector_load %arg8[%get3A_2009, %get3A_2010] {strides = array<i32>} : memref<1280x32xf32, #tpu.memory_space<vmem>>, vector<1x16xf32>,
        %get3A_2012 = vector.shape_cast %get3A_2011 : vector<1x16xf32> to vector<16xf32>
        %add3A_2013 = arith.addf %add3A_2004, %get3A_2012 : vector<16xf32>
        %swap3A_2014 = arith.index_cast %scan3A_698 : i32 to index
        %swap3A_2015 = arith.constant 512 : index
        %swap3A_2016 = tpu.vector_load %arg10[%swap3A_2014, %swap3A_2015] {strides = array<i32>} : memref<16x656xf32, #tpu.memory_space<vmem>>, vector<1x16xf32>,
        %swap3A_2017 = vector.shape_cast %swap3A_2016 : vector<1x16xf32> to vector<16xf32>
        %swap3A_2018 = vector.shape_cast %add3A_2013 : vector<16xf32> to vector<1x16xf32>
        tpu.vector_store %arg10[%swap3A_2014, %swap3A_2015], %swap3A_2018 {strides = array<i32>} : memref<16x656xf32, #tpu.memory_space<vmem>>, vector<1x16xf32>,
        %add3A_2019 = arith.constant 64 : i32
        %add3A_2020 = arith.addi %mul3A_700, %add3A_2019 : i32
        %add3A_2021 = arith.constant 0 : i32
        %add3A_2022 = arith.addi %add3A_2020, %add3A_2021 : i32
        %get3A_2023 = arith.index_cast %add3A_2022 : i32 to index
        %get3A_2024 = arith.constant 16 : index
        %get3A_2025 = tpu.vector_load %arg8[%get3A_2023, %get3A_2024] {strides = array<i32>} : memref<1280x32xf32, #tpu.memory_space<vmem>>, vector<1x16xf32>,
        %get3A_2026 = vector.shape_cast %get3A_2025 : vector<1x16xf32> to vector<16xf32>
        %add3A_2027 = arith.constant 64 : i32
        %add3A_2028 = arith.addi %mul3A_700, %add3A_2027 : i32
        %add3A_2029 = arith.constant 1 : i32
        %add3A_2030 = arith.addi %add3A_2028, %add3A_2029 : i32
        %get3A_2031 = arith.index_cast %add3A_2030 : i32 to index
        %get3A_2032 = arith.constant 16 : index
        %get3A_2033 = tpu.vector_load %arg8[%get3A_2031, %get3A_2032] {strides = array<i32>} : memref<1280x32xf32, #tpu.memory_space<vmem>>, vector<1x16xf32>,
        %get3A_2034 = vector.shape_cast %get3A_2033 : vector<1x16xf32> to vector<16xf32>
        %add3A_2035 = arith.addf %get3A_2026, %get3A_2034 : vector<16xf32>
        %add3A_2036 = arith.constant 64 : i32
        %add3A_2037 = arith.addi %mul3A_700, %add3A_2036 : i32
        %add3A_2038 = arith.constant 2 : i32
        %add3A_2039 = arith.addi %add3A_2037, %add3A_2038 : i32
        %get3A_2040 = arith.index_cast %add3A_2039 : i32 to index
        %get3A_2041 = arith.constant 16 : index
        %get3A_2042 = tpu.vector_load %arg8[%get3A_2040, %get3A_2041] {strides = array<i32>} : memref<1280x32xf32, #tpu.memory_space<vmem>>, vector<1x16xf32>,
        %get3A_2043 = vector.shape_cast %get3A_2042 : vector<1x16xf32> to vector<16xf32>
        %add3A_2044 = arith.addf %add3A_2035, %get3A_2043 : vector<16xf32>
        %add3A_2045 = arith.constant 64 : i32
        %add3A_2046 = arith.addi %mul3A_700, %add3A_2045 : i32
        %add3A_2047 = arith.constant 3 : i32
        %add3A_2048 = arith.addi %add3A_2046, %add3A_2047 : i32
        %get3A_2049 = arith.index_cast %add3A_2048 : i32 to index
        %get3A_2050 = arith.constant 16 : index
        %get3A_2051 = tpu.vector_load %arg8[%get3A_2049, %get3A_2050] {strides = array<i32>} : memref<1280x32xf32, #tpu.memory_space<vmem>>, vector<1x16xf32>,
        %get3A_2052 = vector.shape_cast %get3A_2051 : vector<1x16xf32> to vector<16xf32>
        %add3A_2053 = arith.addf %add3A_2044, %get3A_2052 : vector<16xf32>
        %swap3A_2054 = arith.index_cast %scan3A_698 : i32 to index
        %swap3A_2055 = arith.constant 528 : index
        %swap3A_2056 = tpu.vector_load %arg10[%swap3A_2054, %swap3A_2055] {strides = array<i32>} : memref<16x656xf32, #tpu.memory_space<vmem>>, vector<1x16xf32>,
        %swap3A_2057 = vector.shape_cast %swap3A_2056 : vector<1x16xf32> to vector<16xf32>
        %swap3A_2058 = vector.shape_cast %add3A_2053 : vector<16xf32> to vector<1x16xf32>
        tpu.vector_store %arg10[%swap3A_2054, %swap3A_2055], %swap3A_2058 {strides = array<i32>} : memref<16x656xf32, #tpu.memory_space<vmem>>, vector<1x16xf32>,
        %add3A_2059 = arith.constant 68 : i32
        %add3A_2060 = arith.addi %mul3A_700, %add3A_2059 : i32
        %add3A_2061 = arith.constant 0 : i32
        %add3A_2062 = arith.addi %add3A_2060, %add3A_2061 : i32
        %get3A_2063 = arith.index_cast %add3A_2062 : i32 to index
        %get3A_2064 = arith.constant 0 : index
        %get3A_2065 = tpu.vector_load %arg8[%get3A_2063, %get3A_2064] {strides = array<i32>} : memref<1280x32xf32, #tpu.memory_space<vmem>>, vector<1x16xf32>,
        %get3A_2066 = vector.shape_cast %get3A_2065 : vector<1x16xf32> to vector<16xf32>
        %add3A_2067 = arith.constant 68 : i32
        %add3A_2068 = arith.addi %mul3A_700, %add3A_2067 : i32
        %add3A_2069 = arith.constant 1 : i32
        %add3A_2070 = arith.addi %add3A_2068, %add3A_2069 : i32
        %get3A_2071 = arith.index_cast %add3A_2070 : i32 to index
        %get3A_2072 = arith.constant 0 : index
        %get3A_2073 = tpu.vector_load %arg8[%get3A_2071, %get3A_2072] {strides = array<i32>} : memref<1280x32xf32, #tpu.memory_space<vmem>>, vector<1x16xf32>,
        %get3A_2074 = vector.shape_cast %get3A_2073 : vector<1x16xf32> to vector<16xf32>
        %add3A_2075 = arith.addf %get3A_2066, %get3A_2074 : vector<16xf32>
        %add3A_2076 = arith.constant 68 : i32
        %add3A_2077 = arith.addi %mul3A_700, %add3A_2076 : i32
        %add3A_2078 = arith.constant 2 : i32
        %add3A_2079 = arith.addi %add3A_2077, %add3A_2078 : i32
        %get3A_2080 = arith.index_cast %add3A_2079 : i32 to index
        %get3A_2081 = arith.constant 0 : index
        %get3A_2082 = tpu.vector_load %arg8[%get3A_2080, %get3A_2081] {strides = array<i32>} : memref<1280x32xf32, #tpu.memory_space<vmem>>, vector<1x16xf32>,
        %get3A_2083 = vector.shape_cast %get3A_2082 : vector<1x16xf32> to vector<16xf32>
        %add3A_2084 = arith.addf %add3A_2075, %get3A_2083 : vector<16xf32>
        %add3A_2085 = arith.constant 68 : i32
        %add3A_2086 = arith.addi %mul3A_700, %add3A_2085 : i32
        %add3A_2087 = arith.constant 3 : i32
        %add3A_2088 = arith.addi %add3A_2086, %add3A_2087 : i32
        %get3A_2089 = arith.index_cast %add3A_2088 : i32 to index
        %get3A_2090 = arith.constant 0 : index
        %get3A_2091 = tpu.vector_load %arg8[%get3A_2089, %get3A_2090] {strides = array<i32>} : memref<1280x32xf32, #tpu.memory_space<vmem>>, vector<1x16xf32>,
        %get3A_2092 = vector.shape_cast %get3A_2091 : vector<1x16xf32> to vector<16xf32>
        %add3A_2093 = arith.addf %add3A_2084, %get3A_2092 : vector<16xf32>
        %swap3A_2094 = arith.index_cast %scan3A_698 : i32 to index
        %swap3A_2095 = arith.constant 544 : index
        %swap3A_2096 = tpu.vector_load %arg10[%swap3A_2094, %swap3A_2095] {strides = array<i32>} : memref<16x656xf32, #tpu.memory_space<vmem>>, vector<1x16xf32>,
        %swap3A_2097 = vector.shape_cast %swap3A_2096 : vector<1x16xf32> to vector<16xf32>
        %swap3A_2098 = vector.shape_cast %add3A_2093 : vector<16xf32> to vector<1x16xf32>
        tpu.vector_store %arg10[%swap3A_2094, %swap3A_2095], %swap3A_2098 {strides = array<i32>} : memref<16x656xf32, #tpu.memory_space<vmem>>, vector<1x16xf32>,
        %add3A_2099 = arith.constant 68 : i32
        %add3A_2100 = arith.addi %mul3A_700, %add3A_2099 : i32
        %add3A_2101 = arith.constant 0 : i32
        %add3A_2102 = arith.addi %add3A_2100, %add3A_2101 : i32
        %get3A_2103 = arith.index_cast %add3A_2102 : i32 to index
        %get3A_2104 = arith.constant 16 : index
        %get3A_2105 = tpu.vector_load %arg8[%get3A_2103, %get3A_2104] {strides = array<i32>} : memref<1280x32xf32, #tpu.memory_space<vmem>>, vector<1x16xf32>,
        %get3A_2106 = vector.shape_cast %get3A_2105 : vector<1x16xf32> to vector<16xf32>
        %add3A_2107 = arith.constant 68 : i32
        %add3A_2108 = arith.addi %mul3A_700, %add3A_2107 : i32
        %add3A_2109 = arith.constant 1 : i32
        %add3A_2110 = arith.addi %add3A_2108, %add3A_2109 : i32
        %get3A_2111 = arith.index_cast %add3A_2110 : i32 to index
        %get3A_2112 = arith.constant 16 : index
        %get3A_2113 = tpu.vector_load %arg8[%get3A_2111, %get3A_2112] {strides = array<i32>} : memref<1280x32xf32, #tpu.memory_space<vmem>>, vector<1x16xf32>,
        %get3A_2114 = vector.shape_cast %get3A_2113 : vector<1x16xf32> to vector<16xf32>
        %add3A_2115 = arith.addf %get3A_2106, %get3A_2114 : vector<16xf32>
        %add3A_2116 = arith.constant 68 : i32
        %add3A_2117 = arith.addi %mul3A_700, %add3A_2116 : i32
        %add3A_2118 = arith.constant 2 : i32
        %add3A_2119 = arith.addi %add3A_2117, %add3A_2118 : i32
        %get3A_2120 = arith.index_cast %add3A_2119 : i32 to index
        %get3A_2121 = arith.constant 16 : index
        %get3A_2122 = tpu.vector_load %arg8[%get3A_2120, %get3A_2121] {strides = array<i32>} : memref<1280x32xf32, #tpu.memory_space<vmem>>, vector<1x16xf32>,
        %get3A_2123 = vector.shape_cast %get3A_2122 : vector<1x16xf32> to vector<16xf32>
        %add3A_2124 = arith.addf %add3A_2115, %get3A_2123 : vector<16xf32>
        %add3A_2125 = arith.constant 68 : i32
        %add3A_2126 = arith.addi %mul3A_700, %add3A_2125 : i32
        %add3A_2127 = arith.constant 3 : i32
        %add3A_2128 = arith.addi %add3A_2126, %add3A_2127 : i32
        %get3A_2129 = arith.index_cast %add3A_2128 : i32 to index
        %get3A_2130 = arith.constant 16 : index
        %get3A_2131 = tpu.vector_load %arg8[%get3A_2129, %get3A_2130] {strides = array<i32>} : memref<1280x32xf32, #tpu.memory_space<vmem>>, vector<1x16xf32>,
        %get3A_2132 = vector.shape_cast %get3A_2131 : vector<1x16xf32> to vector<16xf32>
        %add3A_2133 = arith.addf %add3A_2124, %get3A_2132 : vector<16xf32>
        %swap3A_2134 = arith.index_cast %scan3A_698 : i32 to index
        %swap3A_2135 = arith.constant 560 : index
        %swap3A_2136 = tpu.vector_load %arg10[%swap3A_2134, %swap3A_2135] {strides = array<i32>} : memref<16x656xf32, #tpu.memory_space<vmem>>, vector<1x16xf32>,
        %swap3A_2137 = vector.shape_cast %swap3A_2136 : vector<1x16xf32> to vector<16xf32>
        %swap3A_2138 = vector.shape_cast %add3A_2133 : vector<16xf32> to vector<1x16xf32>
        tpu.vector_store %arg10[%swap3A_2134, %swap3A_2135], %swap3A_2138 {strides = array<i32>} : memref<16x656xf32, #tpu.memory_space<vmem>>, vector<1x16xf32>,
        %add3A_2139 = arith.constant 72 : i32
        %add3A_2140 = arith.addi %mul3A_700, %add3A_2139 : i32
        %add3A_2141 = arith.constant 0 : i32
        %add3A_2142 = arith.addi %add3A_2140, %add3A_2141 : i32
        %get3A_2143 = arith.index_cast %add3A_2142 : i32 to index
        %get3A_2144 = arith.constant 0 : index
        %get3A_2145 = tpu.vector_load %arg8[%get3A_2143, %get3A_2144] {strides = array<i32>} : memref<1280x32xf32, #tpu.memory_space<vmem>>, vector<1x16xf32>,
        %get3A_2146 = vector.shape_cast %get3A_2145 : vector<1x16xf32> to vector<16xf32>
        %add3A_2147 = arith.constant 72 : i32
        %add3A_2148 = arith.addi %mul3A_700, %add3A_2147 : i32
        %add3A_2149 = arith.constant 1 : i32
        %add3A_2150 = arith.addi %add3A_2148, %add3A_2149 : i32
        %get3A_2151 = arith.index_cast %add3A_2150 : i32 to index
        %get3A_2152 = arith.constant 0 : index
        %get3A_2153 = tpu.vector_load %arg8[%get3A_2151, %get3A_2152] {strides = array<i32>} : memref<1280x32xf32, #tpu.memory_space<vmem>>, vector<1x16xf32>,
        %get3A_2154 = vector.shape_cast %get3A_2153 : vector<1x16xf32> to vector<16xf32>
        %add3A_2155 = arith.addf %get3A_2146, %get3A_2154 : vector<16xf32>
        %add3A_2156 = arith.constant 72 : i32
        %add3A_2157 = arith.addi %mul3A_700, %add3A_2156 : i32
        %add3A_2158 = arith.constant 2 : i32
        %add3A_2159 = arith.addi %add3A_2157, %add3A_2158 : i32
        %get3A_2160 = arith.index_cast %add3A_2159 : i32 to index
        %get3A_2161 = arith.constant 0 : index
        %get3A_2162 = tpu.vector_load %arg8[%get3A_2160, %get3A_2161] {strides = array<i32>} : memref<1280x32xf32, #tpu.memory_space<vmem>>, vector<1x16xf32>,
        %get3A_2163 = vector.shape_cast %get3A_2162 : vector<1x16xf32> to vector<16xf32>
        %add3A_2164 = arith.addf %add3A_2155, %get3A_2163 : vector<16xf32>
        %add3A_2165 = arith.constant 72 : i32
        %add3A_2166 = arith.addi %mul3A_700, %add3A_2165 : i32
        %add3A_2167 = arith.constant 3 : i32
        %add3A_2168 = arith.addi %add3A_2166, %add3A_2167 : i32
        %get3A_2169 = arith.index_cast %add3A_2168 : i32 to index
        %get3A_2170 = arith.constant 0 : index
        %get3A_2171 = tpu.vector_load %arg8[%get3A_2169, %get3A_2170] {strides = array<i32>} : memref<1280x32xf32, #tpu.memory_space<vmem>>, vector<1x16xf32>,
        %get3A_2172 = vector.shape_cast %get3A_2171 : vector<1x16xf32> to vector<16xf32>
        %add3A_2173 = arith.addf %add3A_2164, %get3A_2172 : vector<16xf32>
        %swap3A_2174 = arith.index_cast %scan3A_698 : i32 to index
        %swap3A_2175 = arith.constant 576 : index
        %swap3A_2176 = tpu.vector_load %arg10[%swap3A_2174, %swap3A_2175] {strides = array<i32>} : memref<16x656xf32, #tpu.memory_space<vmem>>, vector<1x16xf32>,
        %swap3A_2177 = vector.shape_cast %swap3A_2176 : vector<1x16xf32> to vector<16xf32>
        %swap3A_2178 = vector.shape_cast %add3A_2173 : vector<16xf32> to vector<1x16xf32>
        tpu.vector_store %arg10[%swap3A_2174, %swap3A_2175], %swap3A_2178 {strides = array<i32>} : memref<16x656xf32, #tpu.memory_space<vmem>>, vector<1x16xf32>,
        %add3A_2179 = arith.constant 72 : i32
        %add3A_2180 = arith.addi %mul3A_700, %add3A_2179 : i32
        %add3A_2181 = arith.constant 0 : i32
        %add3A_2182 = arith.addi %add3A_2180, %add3A_2181 : i32
        %get3A_2183 = arith.index_cast %add3A_2182 : i32 to index
        %get3A_2184 = arith.constant 16 : index
        %get3A_2185 = tpu.vector_load %arg8[%get3A_2183, %get3A_2184] {strides = array<i32>} : memref<1280x32xf32, #tpu.memory_space<vmem>>, vector<1x16xf32>,
        %get3A_2186 = vector.shape_cast %get3A_2185 : vector<1x16xf32> to vector<16xf32>
        %add3A_2187 = arith.constant 72 : i32
        %add3A_2188 = arith.addi %mul3A_700, %add3A_2187 : i32
        %add3A_2189 = arith.constant 1 : i32
        %add3A_2190 = arith.addi %add3A_2188, %add3A_2189 : i32
        %get3A_2191 = arith.index_cast %add3A_2190 : i32 to index
        %get3A_2192 = arith.constant 16 : index
        %get3A_2193 = tpu.vector_load %arg8[%get3A_2191, %get3A_2192] {strides = array<i32>} : memref<1280x32xf32, #tpu.memory_space<vmem>>, vector<1x16xf32>,
        %get3A_2194 = vector.shape_cast %get3A_2193 : vector<1x16xf32> to vector<16xf32>
        %add3A_2195 = arith.addf %get3A_2186, %get3A_2194 : vector<16xf32>
        %add3A_2196 = arith.constant 72 : i32
        %add3A_2197 = arith.addi %mul3A_700, %add3A_2196 : i32
        %add3A_2198 = arith.constant 2 : i32
        %add3A_2199 = arith.addi %add3A_2197, %add3A_2198 : i32
        %get3A_2200 = arith.index_cast %add3A_2199 : i32 to index
        %get3A_2201 = arith.constant 16 : index
        %get3A_2202 = tpu.vector_load %arg8[%get3A_2200, %get3A_2201] {strides = array<i32>} : memref<1280x32xf32, #tpu.memory_space<vmem>>, vector<1x16xf32>,
        %get3A_2203 = vector.shape_cast %get3A_2202 : vector<1x16xf32> to vector<16xf32>
        %add3A_2204 = arith.addf %add3A_2195, %get3A_2203 : vector<16xf32>
        %add3A_2205 = arith.constant 72 : i32
        %add3A_2206 = arith.addi %mul3A_700, %add3A_2205 : i32
        %add3A_2207 = arith.constant 3 : i32
        %add3A_2208 = arith.addi %add3A_2206, %add3A_2207 : i32
        %get3A_2209 = arith.index_cast %add3A_2208 : i32 to index
        %get3A_2210 = arith.constant 16 : index
        %get3A_2211 = tpu.vector_load %arg8[%get3A_2209, %get3A_2210] {strides = array<i32>} : memref<1280x32xf32, #tpu.memory_space<vmem>>, vector<1x16xf32>,
        %get3A_2212 = vector.shape_cast %get3A_2211 : vector<1x16xf32> to vector<16xf32>
        %add3A_2213 = arith.addf %add3A_2204, %get3A_2212 : vector<16xf32>
        %swap3A_2214 = arith.index_cast %scan3A_698 : i32 to index
        %swap3A_2215 = arith.constant 592 : index
        %swap3A_2216 = tpu.vector_load %arg10[%swap3A_2214, %swap3A_2215] {strides = array<i32>} : memref<16x656xf32, #tpu.memory_space<vmem>>, vector<1x16xf32>,
        %swap3A_2217 = vector.shape_cast %swap3A_2216 : vector<1x16xf32> to vector<16xf32>
        %swap3A_2218 = vector.shape_cast %add3A_2213 : vector<16xf32> to vector<1x16xf32>
        tpu.vector_store %arg10[%swap3A_2214, %swap3A_2215], %swap3A_2218 {strides = array<i32>} : memref<16x656xf32, #tpu.memory_space<vmem>>, vector<1x16xf32>,
        %add3A_2219 = arith.constant 76 : i32
        %add3A_2220 = arith.addi %mul3A_700, %add3A_2219 : i32
        %add3A_2221 = arith.constant 0 : i32
        %add3A_2222 = arith.addi %add3A_2220, %add3A_2221 : i32
        %get3A_2223 = arith.index_cast %add3A_2222 : i32 to index
        %get3A_2224 = arith.constant 0 : index
        %get3A_2225 = tpu.vector_load %arg8[%get3A_2223, %get3A_2224] {strides = array<i32>} : memref<1280x32xf32, #tpu.memory_space<vmem>>, vector<1x16xf32>,
        %get3A_2226 = vector.shape_cast %get3A_2225 : vector<1x16xf32> to vector<16xf32>
        %add3A_2227 = arith.constant 76 : i32
        %add3A_2228 = arith.addi %mul3A_700, %add3A_2227 : i32
        %add3A_2229 = arith.constant 1 : i32
        %add3A_2230 = arith.addi %add3A_2228, %add3A_2229 : i32
        %get3A_2231 = arith.index_cast %add3A_2230 : i32 to index
        %get3A_2232 = arith.constant 0 : index
        %get3A_2233 = tpu.vector_load %arg8[%get3A_2231, %get3A_2232] {strides = array<i32>} : memref<1280x32xf32, #tpu.memory_space<vmem>>, vector<1x16xf32>,
        %get3A_2234 = vector.shape_cast %get3A_2233 : vector<1x16xf32> to vector<16xf32>
        %add3A_2235 = arith.addf %get3A_2226, %get3A_2234 : vector<16xf32>
        %add3A_2236 = arith.constant 76 : i32
        %add3A_2237 = arith.addi %mul3A_700, %add3A_2236 : i32
        %add3A_2238 = arith.constant 2 : i32
        %add3A_2239 = arith.addi %add3A_2237, %add3A_2238 : i32
        %get3A_2240 = arith.index_cast %add3A_2239 : i32 to index
        %get3A_2241 = arith.constant 0 : index
        %get3A_2242 = tpu.vector_load %arg8[%get3A_2240, %get3A_2241] {strides = array<i32>} : memref<1280x32xf32, #tpu.memory_space<vmem>>, vector<1x16xf32>,
        %get3A_2243 = vector.shape_cast %get3A_2242 : vector<1x16xf32> to vector<16xf32>
        %add3A_2244 = arith.addf %add3A_2235, %get3A_2243 : vector<16xf32>
        %add3A_2245 = arith.constant 76 : i32
        %add3A_2246 = arith.addi %mul3A_700, %add3A_2245 : i32
        %add3A_2247 = arith.constant 3 : i32
        %add3A_2248 = arith.addi %add3A_2246, %add3A_2247 : i32
        %get3A_2249 = arith.index_cast %add3A_2248 : i32 to index
        %get3A_2250 = arith.constant 0 : index
        %get3A_2251 = tpu.vector_load %arg8[%get3A_2249, %get3A_2250] {strides = array<i32>} : memref<1280x32xf32, #tpu.memory_space<vmem>>, vector<1x16xf32>,
        %get3A_2252 = vector.shape_cast %get3A_2251 : vector<1x16xf32> to vector<16xf32>
        %add3A_2253 = arith.addf %add3A_2244, %get3A_2252 : vector<16xf32>
        %swap3A_2254 = arith.index_cast %scan3A_698 : i32 to index
        %swap3A_2255 = arith.constant 608 : index
        %swap3A_2256 = tpu.vector_load %arg10[%swap3A_2254, %swap3A_2255] {strides = array<i32>} : memref<16x656xf32, #tpu.memory_space<vmem>>, vector<1x16xf32>,
        %swap3A_2257 = vector.shape_cast %swap3A_2256 : vector<1x16xf32> to vector<16xf32>
        %swap3A_2258 = vector.shape_cast %add3A_2253 : vector<16xf32> to vector<1x16xf32>
        tpu.vector_store %arg10[%swap3A_2254, %swap3A_2255], %swap3A_2258 {strides = array<i32>} : memref<16x656xf32, #tpu.memory_space<vmem>>, vector<1x16xf32>,
        %add3A_2259 = arith.constant 76 : i32
        %add3A_2260 = arith.addi %mul3A_700, %add3A_2259 : i32
        %add3A_2261 = arith.constant 0 : i32
        %add3A_2262 = arith.addi %add3A_2260, %add3A_2261 : i32
        %get3A_2263 = arith.index_cast %add3A_2262 : i32 to index
        %get3A_2264 = arith.constant 16 : index
        %get3A_2265 = tpu.vector_load %arg8[%get3A_2263, %get3A_2264] {strides = array<i32>} : memref<1280x32xf32, #tpu.memory_space<vmem>>, vector<1x16xf32>,
        %get3A_2266 = vector.shape_cast %get3A_2265 : vector<1x16xf32> to vector<16xf32>
        %add3A_2267 = arith.constant 76 : i32
        %add3A_2268 = arith.addi %mul3A_700, %add3A_2267 : i32
        %add3A_2269 = arith.constant 1 : i32
        %add3A_2270 = arith.addi %add3A_2268, %add3A_2269 : i32
        %get3A_2271 = arith.index_cast %add3A_2270 : i32 to index
        %get3A_2272 = arith.constant 16 : index
        %get3A_2273 = tpu.vector_load %arg8[%get3A_2271, %get3A_2272] {strides = array<i32>} : memref<1280x32xf32, #tpu.memory_space<vmem>>, vector<1x16xf32>,
        %get3A_2274 = vector.shape_cast %get3A_2273 : vector<1x16xf32> to vector<16xf32>
        %add3A_2275 = arith.addf %get3A_2266, %get3A_2274 : vector<16xf32>
        %add3A_2276 = arith.constant 76 : i32
        %add3A_2277 = arith.addi %mul3A_700, %add3A_2276 : i32
        %add3A_2278 = arith.constant 2 : i32
        %add3A_2279 = arith.addi %add3A_2277, %add3A_2278 : i32
        %get3A_2280 = arith.index_cast %add3A_2279 : i32 to index
        %get3A_2281 = arith.constant 16 : index
        %get3A_2282 = tpu.vector_load %arg8[%get3A_2280, %get3A_2281] {strides = array<i32>} : memref<1280x32xf32, #tpu.memory_space<vmem>>, vector<1x16xf32>,
        %get3A_2283 = vector.shape_cast %get3A_2282 : vector<1x16xf32> to vector<16xf32>
        %add3A_2284 = arith.addf %add3A_2275, %get3A_2283 : vector<16xf32>
        %add3A_2285 = arith.constant 76 : i32
        %add3A_2286 = arith.addi %mul3A_700, %add3A_2285 : i32
        %add3A_2287 = arith.constant 3 : i32
        %add3A_2288 = arith.addi %add3A_2286, %add3A_2287 : i32
        %get3A_2289 = arith.index_cast %add3A_2288 : i32 to index
        %get3A_2290 = arith.constant 16 : index
        %get3A_2291 = tpu.vector_load %arg8[%get3A_2289, %get3A_2290] {strides = array<i32>} : memref<1280x32xf32, #tpu.memory_space<vmem>>, vector<1x16xf32>,
        %get3A_2292 = vector.shape_cast %get3A_2291 : vector<1x16xf32> to vector<16xf32>
        %add3A_2293 = arith.addf %add3A_2284, %get3A_2292 : vector<16xf32>
        %swap3A_2294 = arith.index_cast %scan3A_698 : i32 to index
        %swap3A_2295 = arith.constant 624 : index
        %swap3A_2296 = tpu.vector_load %arg10[%swap3A_2294, %swap3A_2295] {strides = array<i32>} : memref<16x656xf32, #tpu.memory_space<vmem>>, vector<1x16xf32>,
        %swap3A_2297 = vector.shape_cast %swap3A_2296 : vector<1x16xf32> to vector<16xf32>
        %swap3A_2298 = vector.shape_cast %add3A_2293 : vector<16xf32> to vector<1x16xf32>
        tpu.vector_store %arg10[%swap3A_2294, %swap3A_2295], %swap3A_2298 {strides = array<i32>} : memref<16x656xf32, #tpu.memory_space<vmem>>, vector<1x16xf32>,
      }
      %scan3A_446 = arith.constant 16 : i32
      %dma_wait3A_447 = arith.constant 0 : i32
      %dma_wait3A_448 = arith.constant 640 : i32
      %dma_wait3A_449 = tpu.memref_slice %arg10[%dma_wait3A_447, %dma_wait3A_448] : memref<16x656xf32, #tpu.memory_space<vmem>> -> memref<16x16xf32, #tpu.memory_space<vmem>>
      %dma_wait3A_450 = arith.constant 0 : i32
      %dma_wait3A_451 = tpu.memref_slice %arg3[%mul3A_429, %dma_wait3A_450] : memref<51200x16xf32, #tpu.memory_space<hbm>> -> memref<16x16xf32, #tpu.memory_space<hbm>>
      %dma_wait3A_452 = arith.constant 0 : i32
      %dma_wait3A_453 = arith.constant 640 : i32
      %dma_wait3A_454 = tpu.memref_slice %arg10[%dma_wait3A_452, %dma_wait3A_453] : memref<16x656xf32, #tpu.memory_space<vmem>> -> memref<16x16xf32, #tpu.memory_space<vmem>>
      %dma_wait3A_455 = arith.constant 0 : i32
      %dma_wait3A_456 = tpu.memref_slice %arg3[%mul3A_429, %dma_wait3A_455] : memref<51200x16xf32, #tpu.memory_space<hbm>> -> memref<16x16xf32, #tpu.memory_space<hbm>>
      tpu.wait_dma2 semaphore(%arg14 : memref<!tpu.dma_semaphore, #tpu.memory_space<semaphore_mem>>) src(%dma_wait3A_456 : memref<16x16xf32, #tpu.memory_space<hbm>>) dst(%dma_wait3A_454 : memref<16x16xf32, #tpu.memory_space<vmem>>)
      %dma_start3A_457 = arith.constant 0 : i32
      %dma_start3A_458 = tpu.memref_slice %arg5[%mul3A_429, %dma_start3A_457] : memref<51200x656xf32, #tpu.memory_space<hbm>> -> memref<16x656xf32, #tpu.memory_space<hbm>>
      %dma_start3A_459 = arith.constant 0 : i32
      %dma_start3A_460 = tpu.memref_slice %arg5[%mul3A_429, %dma_start3A_459] : memref<51200x656xf32, #tpu.memory_space<hbm>> -> memref<16x656xf32, #tpu.memory_space<hbm>>
      tpu.enqueue_dma source(%arg10 : memref<16x656xf32, #tpu.memory_space<vmem>>) target(%dma_start3A_460 : memref<16x656xf32, #tpu.memory_space<hbm>>) target_semaphore(%arg16 : memref<!tpu.dma_semaphore, #tpu.memory_space<semaphore_mem>>)
      "tpu.region"() ({
        %run_scoped3A = tpu.sem_alloc : memref<!tpu.dma_semaphore, #tpu.memory_space<semaphore_mem>>
        %dma_start3A_698 = arith.constant 0 : i32
        %dma_start3A_699 = arith.constant 0 : i32
        %dma_start3A_700 = tpu.memref_slice %arg2[%min3A_226, %dma_start3A_698, %dma_start3A_699] : memref<3200x10x128xi32, #tpu.memory_space<hbm>> -> memref<1x10x128xi32, #tpu.memory_space<hbm>>
        %dma_start3A_701 = tpu.memref_squeeze %dma_start3A_700 : memref<1x10x128xi32, #tpu.memory_space<hbm>> -> memref<10x128xi32, #tpu.memory_space<hbm>>
        %dma_start3A_702 = arith.constant 0 : i32
        %dma_start3A_703 = arith.constant 0 : i32
        %dma_start3A_704 = tpu.memref_slice %arg2[%min3A_226, %dma_start3A_702, %dma_start3A_703] : memref<3200x10x128xi32, #tpu.memory_space<hbm>> -> memref<1x10x128xi32, #tpu.memory_space<hbm>>
        %dma_start3A_705 = tpu.memref_squeeze %dma_start3A_704 : memref<1x10x128xi32, #tpu.memory_space<hbm>> -> memref<10x128xi32, #tpu.memory_space<hbm>>
        tpu.enqueue_dma source(%dma_start3A_705 : memref<10x128xi32, #tpu.memory_space<hbm>>) target(%arg6 : memref<10x128xi32, #tpu.memory_space<vmem>>) target_semaphore(%run_scoped3A : memref<!tpu.dma_semaphore, #tpu.memory_space<semaphore_mem>>)
        %dma_wait3A_706 = arith.constant 0 : i32
        %dma_wait3A_707 = arith.constant 0 : i32
        %dma_wait3A_708 = tpu.memref_slice %arg2[%min3A_226, %dma_wait3A_706, %dma_wait3A_707] : memref<3200x10x128xi32, #tpu.memory_space<hbm>> -> memref<1x10x128xi32, #tpu.memory_space<hbm>>
        %dma_wait3A_709 = tpu.memref_squeeze %dma_wait3A_708 : memref<1x10x128xi32, #tpu.memory_space<hbm>> -> memref<10x128xi32, #tpu.memory_space<hbm>>
        %dma_wait3A_710 = arith.constant 0 : i32
        %dma_wait3A_711 = arith.constant 0 : i32
        %dma_wait3A_712 = tpu.memref_slice %arg2[%min3A_226, %dma_wait3A_710, %dma_wait3A_711] : memref<3200x10x128xi32, #tpu.memory_space<hbm>> -> memref<1x10x128xi32, #tpu.memory_space<hbm>>
        %dma_wait3A_713 = tpu.memref_squeeze %dma_wait3A_712 : memref<1x10x128xi32, #tpu.memory_space<hbm>> -> memref<10x128xi32, #tpu.memory_space<hbm>>
        tpu.wait_dma2 semaphore(%run_scoped3A : memref<!tpu.dma_semaphore, #tpu.memory_space<semaphore_mem>>) src(%dma_wait3A_713 : memref<10x128xi32, #tpu.memory_space<hbm>>) dst(%arg6 : memref<10x128xi32, #tpu.memory_space<vmem>>)
        tpu.yield
      }) : () -> ()
      %dma_start3A_461 = arith.constant 0 : i32
      %dma_start3A_462 = arith.constant 0 : i32
      %dma_start3A_463 = arith.constant 0 : i32
      %dma_start3A_464 = tpu.memref_slice %arg8[%dma_start3A_462, %dma_start3A_463] : memref<1280x32xf32, #tpu.memory_space<vmem>> -> memref<128x32xf32, #tpu.memory_space<vmem>>
      %dma_start3A_465 = arith.constant 0 : i32
      %dma_start3A_466 = tpu.memref_slice %arg6[%dma_start3A_461, %dma_start3A_465] : memref<10x128xi32, #tpu.memory_space<vmem>> -> memref<1x128xi32, #tpu.memory_space<vmem>>
      %dma_start3A_467 = tpu.memref_squeeze %dma_start3A_466 : memref<1x128xi32, #tpu.memory_space<vmem>> -> memref<128xi32, #tpu.memory_space<vmem>>
      %dma_start3A_468 = arith.constant 0 : i32
      %dma_start3A_469 = arith.constant 0 : i32
      %dma_start3A_470 = tpu.memref_slice %arg4[%dma_start3A_468, %dma_start3A_469] : memref<100000x32xf32, #tpu.memory_space<hbm>> -> memref<100000x32xf32, #tpu.memory_space<hbm>>
      tpu.enqueue_indirect_dma source(%dma_start3A_470 : memref<100000x32xf32, #tpu.memory_space<hbm>>) target(%dma_start3A_464 : memref<128x32xf32, #tpu.memory_space<vmem>>) offsets(%dma_start3A_467 : memref<128xi32, #tpu.memory_space<vmem>>) semaphore(%arg12 : memref<!tpu.dma_semaphore, #tpu.memory_space<semaphore_mem>>)
      %dma_start3A_471 = arith.constant 1 : i32
      %dma_start3A_472 = arith.constant 128 : i32
      %dma_start3A_473 = arith.constant 0 : i32
      %dma_start3A_474 = tpu.memref_slice %arg8[%dma_start3A_472, %dma_start3A_473] : memref<1280x32xf32, #tpu.memory_space<vmem>> -> memref<128x32xf32, #tpu.memory_space<vmem>>
      %dma_start3A_475 = arith.constant 0 : i32
      %dma_start3A_476 = tpu.memref_slice %arg6[%dma_start3A_471, %dma_start3A_475] : memref<10x128xi32, #tpu.memory_space<vmem>> -> memref<1x128xi32, #tpu.memory_space<vmem>>
      %dma_start3A_477 = tpu.memref_squeeze %dma_start3A_476 : memref<1x128xi32, #tpu.memory_space<vmem>> -> memref<128xi32, #tpu.memory_space<vmem>>
      %dma_start3A_478 = arith.constant 0 : i32
      %dma_start3A_479 = arith.constant 0 : i32
      %dma_start3A_480 = tpu.memref_slice %arg4[%dma_start3A_478, %dma_start3A_479] : memref<100000x32xf32, #tpu.memory_space<hbm>> -> memref<100000x32xf32, #tpu.memory_space<hbm>>
      tpu.enqueue_indirect_dma source(%dma_start3A_480 : memref<100000x32xf32, #tpu.memory_space<hbm>>) target(%dma_start3A_474 : memref<128x32xf32, #tpu.memory_space<vmem>>) offsets(%dma_start3A_477 : memref<128xi32, #tpu.memory_space<vmem>>) semaphore(%arg12 : memref<!tpu.dma_semaphore, #tpu.memory_space<semaphore_mem>>)
      %dma_start3A_481 = arith.constant 2 : i32
      %dma_start3A_482 = arith.constant 256 : i32
      %dma_start3A_483 = arith.constant 0 : i32
      %dma_start3A_484 = tpu.memref_slice %arg8[%dma_start3A_482, %dma_start3A_483] : memref<1280x32xf32, #tpu.memory_space<vmem>> -> memref<128x32xf32, #tpu.memory_space<vmem>>
      %dma_start3A_485 = arith.constant 0 : i32
      %dma_start3A_486 = tpu.memref_slice %arg6[%dma_start3A_481, %dma_start3A_485] : memref<10x128xi32, #tpu.memory_space<vmem>> -> memref<1x128xi32, #tpu.memory_space<vmem>>
      %dma_start3A_487 = tpu.memref_squeeze %dma_start3A_486 : memref<1x128xi32, #tpu.memory_space<vmem>> -> memref<128xi32, #tpu.memory_space<vmem>>
      %dma_start3A_488 = arith.constant 0 : i32
      %dma_start3A_489 = arith.constant 0 : i32
      %dma_start3A_490 = tpu.memref_slice %arg4[%dma_start3A_488, %dma_start3A_489] : memref<100000x32xf32, #tpu.memory_space<hbm>> -> memref<100000x32xf32, #tpu.memory_space<hbm>>
      tpu.enqueue_indirect_dma source(%dma_start3A_490 : memref<100000x32xf32, #tpu.memory_space<hbm>>) target(%dma_start3A_484 : memref<128x32xf32, #tpu.memory_space<vmem>>) offsets(%dma_start3A_487 : memref<128xi32, #tpu.memory_space<vmem>>) semaphore(%arg12 : memref<!tpu.dma_semaphore, #tpu.memory_space<semaphore_mem>>)
      %dma_start3A_491 = arith.constant 3 : i32
      %dma_start3A_492 = arith.constant 384 : i32
      %dma_start3A_493 = arith.constant 0 : i32
      %dma_start3A_494 = tpu.memref_slice %arg8[%dma_start3A_492, %dma_start3A_493] : memref<1280x32xf32, #tpu.memory_space<vmem>> -> memref<128x32xf32, #tpu.memory_space<vmem>>
      %dma_start3A_495 = arith.constant 0 : i32
      %dma_start3A_496 = tpu.memref_slice %arg6[%dma_start3A_491, %dma_start3A_495] : memref<10x128xi32, #tpu.memory_space<vmem>> -> memref<1x128xi32, #tpu.memory_space<vmem>>
      %dma_start3A_497 = tpu.memref_squeeze %dma_start3A_496 : memref<1x128xi32, #tpu.memory_space<vmem>> -> memref<128xi32, #tpu.memory_space<vmem>>
      %dma_start3A_498 = arith.constant 0 : i32
      %dma_start3A_499 = arith.constant 0 : i32
      %dma_start3A_500 = tpu.memref_slice %arg4[%dma_start3A_498, %dma_start3A_499] : memref<100000x32xf32, #tpu.memory_space<hbm>> -> memref<100000x32xf32, #tpu.memory_space<hbm>>
      tpu.enqueue_indirect_dma source(%dma_start3A_500 : memref<100000x32xf32, #tpu.memory_space<hbm>>) target(%dma_start3A_494 : memref<128x32xf32, #tpu.memory_space<vmem>>) offsets(%dma_start3A_497 : memref<128xi32, #tpu.memory_space<vmem>>) semaphore(%arg12 : memref<!tpu.dma_semaphore, #tpu.memory_space<semaphore_mem>>)
      %dma_start3A_501 = arith.constant 4 : i32
      %dma_start3A_502 = arith.constant 512 : i32
      %dma_start3A_503 = arith.constant 0 : i32
      %dma_start3A_504 = tpu.memref_slice %arg8[%dma_start3A_502, %dma_start3A_503] : memref<1280x32xf32, #tpu.memory_space<vmem>> -> memref<128x32xf32, #tpu.memory_space<vmem>>
      %dma_start3A_505 = arith.constant 0 : i32
      %dma_start3A_506 = tpu.memref_slice %arg6[%dma_start3A_501, %dma_start3A_505] : memref<10x128xi32, #tpu.memory_space<vmem>> -> memref<1x128xi32, #tpu.memory_space<vmem>>
      %dma_start3A_507 = tpu.memref_squeeze %dma_start3A_506 : memref<1x128xi32, #tpu.memory_space<vmem>> -> memref<128xi32, #tpu.memory_space<vmem>>
      %dma_start3A_508 = arith.constant 0 : i32
      %dma_start3A_509 = arith.constant 0 : i32
      %dma_start3A_510 = tpu.memref_slice %arg4[%dma_start3A_508, %dma_start3A_509] : memref<100000x32xf32, #tpu.memory_space<hbm>> -> memref<100000x32xf32, #tpu.memory_space<hbm>>
      tpu.enqueue_indirect_dma source(%dma_start3A_510 : memref<100000x32xf32, #tpu.memory_space<hbm>>) target(%dma_start3A_504 : memref<128x32xf32, #tpu.memory_space<vmem>>) offsets(%dma_start3A_507 : memref<128xi32, #tpu.memory_space<vmem>>) semaphore(%arg12 : memref<!tpu.dma_semaphore, #tpu.memory_space<semaphore_mem>>)
      %dma_start3A_511 = arith.constant 5 : i32
      %dma_start3A_512 = arith.constant 640 : i32
      %dma_start3A_513 = arith.constant 0 : i32
      %dma_start3A_514 = tpu.memref_slice %arg8[%dma_start3A_512, %dma_start3A_513] : memref<1280x32xf32, #tpu.memory_space<vmem>> -> memref<128x32xf32, #tpu.memory_space<vmem>>
      %dma_start3A_515 = arith.constant 0 : i32
      %dma_start3A_516 = tpu.memref_slice %arg6[%dma_start3A_511, %dma_start3A_515] : memref<10x128xi32, #tpu.memory_space<vmem>> -> memref<1x128xi32, #tpu.memory_space<vmem>>
      %dma_start3A_517 = tpu.memref_squeeze %dma_start3A_516 : memref<1x128xi32, #tpu.memory_space<vmem>> -> memref<128xi32, #tpu.memory_space<vmem>>
      %dma_start3A_518 = arith.constant 0 : i32
      %dma_start3A_519 = arith.constant 0 : i32
      %dma_start3A_520 = tpu.memref_slice %arg4[%dma_start3A_518, %dma_start3A_519] : memref<100000x32xf32, #tpu.memory_space<hbm>> -> memref<100000x32xf32, #tpu.memory_space<hbm>>
      tpu.enqueue_indirect_dma source(%dma_start3A_520 : memref<100000x32xf32, #tpu.memory_space<hbm>>) target(%dma_start3A_514 : memref<128x32xf32, #tpu.memory_space<vmem>>) offsets(%dma_start3A_517 : memref<128xi32, #tpu.memory_space<vmem>>) semaphore(%arg12 : memref<!tpu.dma_semaphore, #tpu.memory_space<semaphore_mem>>)
      %dma_start3A_521 = arith.constant 6 : i32
      %dma_start3A_522 = arith.constant 768 : i32
      %dma_start3A_523 = arith.constant 0 : i32
      %dma_start3A_524 = tpu.memref_slice %arg8[%dma_start3A_522, %dma_start3A_523] : memref<1280x32xf32, #tpu.memory_space<vmem>> -> memref<128x32xf32, #tpu.memory_space<vmem>>
      %dma_start3A_525 = arith.constant 0 : i32
      %dma_start3A_526 = tpu.memref_slice %arg6[%dma_start3A_521, %dma_start3A_525] : memref<10x128xi32, #tpu.memory_space<vmem>> -> memref<1x128xi32, #tpu.memory_space<vmem>>
      %dma_start3A_527 = tpu.memref_squeeze %dma_start3A_526 : memref<1x128xi32, #tpu.memory_space<vmem>> -> memref<128xi32, #tpu.memory_space<vmem>>
      %dma_start3A_528 = arith.constant 0 : i32
      %dma_start3A_529 = arith.constant 0 : i32
      %dma_start3A_530 = tpu.memref_slice %arg4[%dma_start3A_528, %dma_start3A_529] : memref<100000x32xf32, #tpu.memory_space<hbm>> -> memref<100000x32xf32, #tpu.memory_space<hbm>>
      tpu.enqueue_indirect_dma source(%dma_start3A_530 : memref<100000x32xf32, #tpu.memory_space<hbm>>) target(%dma_start3A_524 : memref<128x32xf32, #tpu.memory_space<vmem>>) offsets(%dma_start3A_527 : memref<128xi32, #tpu.memory_space<vmem>>) semaphore(%arg12 : memref<!tpu.dma_semaphore, #tpu.memory_space<semaphore_mem>>)
      %dma_start3A_531 = arith.constant 7 : i32
      %dma_start3A_532 = arith.constant 896 : i32
      %dma_start3A_533 = arith.constant 0 : i32
      %dma_start3A_534 = tpu.memref_slice %arg8[%dma_start3A_532, %dma_start3A_533] : memref<1280x32xf32, #tpu.memory_space<vmem>> -> memref<128x32xf32, #tpu.memory_space<vmem>>
      %dma_start3A_535 = arith.constant 0 : i32
      %dma_start3A_536 = tpu.memref_slice %arg6[%dma_start3A_531, %dma_start3A_535] : memref<10x128xi32, #tpu.memory_space<vmem>> -> memref<1x128xi32, #tpu.memory_space<vmem>>
      %dma_start3A_537 = tpu.memref_squeeze %dma_start3A_536 : memref<1x128xi32, #tpu.memory_space<vmem>> -> memref<128xi32, #tpu.memory_space<vmem>>
      %dma_start3A_538 = arith.constant 0 : i32
      %dma_start3A_539 = arith.constant 0 : i32
      %dma_start3A_540 = tpu.memref_slice %arg4[%dma_start3A_538, %dma_start3A_539] : memref<100000x32xf32, #tpu.memory_space<hbm>> -> memref<100000x32xf32, #tpu.memory_space<hbm>>
      tpu.enqueue_indirect_dma source(%dma_start3A_540 : memref<100000x32xf32, #tpu.memory_space<hbm>>) target(%dma_start3A_534 : memref<128x32xf32, #tpu.memory_space<vmem>>) offsets(%dma_start3A_537 : memref<128xi32, #tpu.memory_space<vmem>>) semaphore(%arg12 : memref<!tpu.dma_semaphore, #tpu.memory_space<semaphore_mem>>)
      %dma_start3A_541 = arith.constant 8 : i32
      %dma_start3A_542 = arith.constant 1024 : i32
      %dma_start3A_543 = arith.constant 0 : i32
      %dma_start3A_544 = tpu.memref_slice %arg8[%dma_start3A_542, %dma_start3A_543] : memref<1280x32xf32, #tpu.memory_space<vmem>> -> memref<128x32xf32, #tpu.memory_space<vmem>>
      %dma_start3A_545 = arith.constant 0 : i32
      %dma_start3A_546 = tpu.memref_slice %arg6[%dma_start3A_541, %dma_start3A_545] : memref<10x128xi32, #tpu.memory_space<vmem>> -> memref<1x128xi32, #tpu.memory_space<vmem>>
      %dma_start3A_547 = tpu.memref_squeeze %dma_start3A_546 : memref<1x128xi32, #tpu.memory_space<vmem>> -> memref<128xi32, #tpu.memory_space<vmem>>
      %dma_start3A_548 = arith.constant 0 : i32
      %dma_start3A_549 = arith.constant 0 : i32
      %dma_start3A_550 = tpu.memref_slice %arg4[%dma_start3A_548, %dma_start3A_549] : memref<100000x32xf32, #tpu.memory_space<hbm>> -> memref<100000x32xf32, #tpu.memory_space<hbm>>
      tpu.enqueue_indirect_dma source(%dma_start3A_550 : memref<100000x32xf32, #tpu.memory_space<hbm>>) target(%dma_start3A_544 : memref<128x32xf32, #tpu.memory_space<vmem>>) offsets(%dma_start3A_547 : memref<128xi32, #tpu.memory_space<vmem>>) semaphore(%arg12 : memref<!tpu.dma_semaphore, #tpu.memory_space<semaphore_mem>>)
      %dma_start3A_551 = arith.constant 9 : i32
      %dma_start3A_552 = arith.constant 1152 : i32
      %dma_start3A_553 = arith.constant 0 : i32
      %dma_start3A_554 = tpu.memref_slice %arg8[%dma_start3A_552, %dma_start3A_553] : memref<1280x32xf32, #tpu.memory_space<vmem>> -> memref<128x32xf32, #tpu.memory_space<vmem>>
      %dma_start3A_555 = arith.constant 0 : i32
      %dma_start3A_556 = tpu.memref_slice %arg6[%dma_start3A_551, %dma_start3A_555] : memref<10x128xi32, #tpu.memory_space<vmem>> -> memref<1x128xi32, #tpu.memory_space<vmem>>
      %dma_start3A_557 = tpu.memref_squeeze %dma_start3A_556 : memref<1x128xi32, #tpu.memory_space<vmem>> -> memref<128xi32, #tpu.memory_space<vmem>>
      %dma_start3A_558 = arith.constant 0 : i32
      %dma_start3A_559 = arith.constant 0 : i32
      %dma_start3A_560 = tpu.memref_slice %arg4[%dma_start3A_558, %dma_start3A_559] : memref<100000x32xf32, #tpu.memory_space<hbm>> -> memref<100000x32xf32, #tpu.memory_space<hbm>>
      tpu.enqueue_indirect_dma source(%dma_start3A_560 : memref<100000x32xf32, #tpu.memory_space<hbm>>) target(%dma_start3A_554 : memref<128x32xf32, #tpu.memory_space<vmem>>) offsets(%dma_start3A_557 : memref<128xi32, #tpu.memory_space<vmem>>) semaphore(%arg12 : memref<!tpu.dma_semaphore, #tpu.memory_space<semaphore_mem>>)
      %dma_wait3A_561 = arith.constant 0 : i32
      %dma_wait3A_562 = arith.constant 0 : i32
      %dma_wait3A_563 = arith.constant 0 : i32
      %dma_wait3A_564 = tpu.memref_slice %arg9[%dma_wait3A_562, %dma_wait3A_563] : memref<1280x32xf32, #tpu.memory_space<vmem>> -> memref<128x32xf32, #tpu.memory_space<vmem>>
      %dma_wait3A_565 = arith.constant 0 : i32
      %dma_wait3A_566 = tpu.memref_slice %arg7[%dma_wait3A_561, %dma_wait3A_565] : memref<10x128xi32, #tpu.memory_space<vmem>> -> memref<1x128xi32, #tpu.memory_space<vmem>>
      %dma_wait3A_567 = tpu.memref_squeeze %dma_wait3A_566 : memref<1x128xi32, #tpu.memory_space<vmem>> -> memref<128xi32, #tpu.memory_space<vmem>>
      %dma_wait3A_568 = arith.constant 0 : i32
      %dma_wait3A_569 = arith.constant 0 : i32
      %dma_wait3A_570 = tpu.memref_slice %arg4[%dma_wait3A_568, %dma_wait3A_569] : memref<100000x32xf32, #tpu.memory_space<hbm>> -> memref<100000x32xf32, #tpu.memory_space<hbm>>
      tpu.wait_indirect_dma semaphore(%arg13 : memref<!tpu.dma_semaphore, #tpu.memory_space<semaphore_mem>>) src(%dma_wait3A_570 : memref<100000x32xf32, #tpu.memory_space<hbm>>) dst(%dma_wait3A_564 : memref<128x32xf32, #tpu.memory_space<vmem>>)
      %dma_wait3A_571 = arith.constant 1 : i32
      %dma_wait3A_572 = arith.constant 128 : i32
      %dma_wait3A_573 = arith.constant 0 : i32
      %dma_wait3A_574 = tpu.memref_slice %arg9[%dma_wait3A_572, %dma_wait3A_573] : memref<1280x32xf32, #tpu.memory_space<vmem>> -> memref<128x32xf32, #tpu.memory_space<vmem>>
      %dma_wait3A_575 = arith.constant 0 : i32
      %dma_wait3A_576 = tpu.memref_slice %arg7[%dma_wait3A_571, %dma_wait3A_575] : memref<10x128xi32, #tpu.memory_space<vmem>> -> memref<1x128xi32, #tpu.memory_space<vmem>>
      %dma_wait3A_577 = tpu.memref_squeeze %dma_wait3A_576 : memref<1x128xi32, #tpu.memory_space<vmem>> -> memref<128xi32, #tpu.memory_space<vmem>>
      %dma_wait3A_578 = arith.constant 0 : i32
      %dma_wait3A_579 = arith.constant 0 : i32
      %dma_wait3A_580 = tpu.memref_slice %arg4[%dma_wait3A_578, %dma_wait3A_579] : memref<100000x32xf32, #tpu.memory_space<hbm>> -> memref<100000x32xf32, #tpu.memory_space<hbm>>
      tpu.wait_indirect_dma semaphore(%arg13 : memref<!tpu.dma_semaphore, #tpu.memory_space<semaphore_mem>>) src(%dma_wait3A_580 : memref<100000x32xf32, #tpu.memory_space<hbm>>) dst(%dma_wait3A_574 : memref<128x32xf32, #tpu.memory_space<vmem>>)
      %dma_wait3A_581 = arith.constant 2 : i32
      %dma_wait3A_582 = arith.constant 256 : i32
      %dma_wait3A_583 = arith.constant 0 : i32
      %dma_wait3A_584 = tpu.memref_slice %arg9[%dma_wait3A_582, %dma_wait3A_583] : memref<1280x32xf32, #tpu.memory_space<vmem>> -> memref<128x32xf32, #tpu.memory_space<vmem>>
      %dma_wait3A_585 = arith.constant 0 : i32
      %dma_wait3A_586 = tpu.memref_slice %arg7[%dma_wait3A_581, %dma_wait3A_585] : memref<10x128xi32, #tpu.memory_space<vmem>> -> memref<1x128xi32, #tpu.memory_space<vmem>>
      %dma_wait3A_587 = tpu.memref_squeeze %dma_wait3A_586 : memref<1x128xi32, #tpu.memory_space<vmem>> -> memref<128xi32, #tpu.memory_space<vmem>>
      %dma_wait3A_588 = arith.constant 0 : i32
      %dma_wait3A_589 = arith.constant 0 : i32
      %dma_wait3A_590 = tpu.memref_slice %arg4[%dma_wait3A_588, %dma_wait3A_589] : memref<100000x32xf32, #tpu.memory_space<hbm>> -> memref<100000x32xf32, #tpu.memory_space<hbm>>
      tpu.wait_indirect_dma semaphore(%arg13 : memref<!tpu.dma_semaphore, #tpu.memory_space<semaphore_mem>>) src(%dma_wait3A_590 : memref<100000x32xf32, #tpu.memory_space<hbm>>) dst(%dma_wait3A_584 : memref<128x32xf32, #tpu.memory_space<vmem>>)
      %dma_wait3A_591 = arith.constant 3 : i32
      %dma_wait3A_592 = arith.constant 384 : i32
      %dma_wait3A_593 = arith.constant 0 : i32
      %dma_wait3A_594 = tpu.memref_slice %arg9[%dma_wait3A_592, %dma_wait3A_593] : memref<1280x32xf32, #tpu.memory_space<vmem>> -> memref<128x32xf32, #tpu.memory_space<vmem>>
      %dma_wait3A_595 = arith.constant 0 : i32
      %dma_wait3A_596 = tpu.memref_slice %arg7[%dma_wait3A_591, %dma_wait3A_595] : memref<10x128xi32, #tpu.memory_space<vmem>> -> memref<1x128xi32, #tpu.memory_space<vmem>>
      %dma_wait3A_597 = tpu.memref_squeeze %dma_wait3A_596 : memref<1x128xi32, #tpu.memory_space<vmem>> -> memref<128xi32, #tpu.memory_space<vmem>>
      %dma_wait3A_598 = arith.constant 0 : i32
      %dma_wait3A_599 = arith.constant 0 : i32
      %dma_wait3A_600 = tpu.memref_slice %arg4[%dma_wait3A_598, %dma_wait3A_599] : memref<100000x32xf32, #tpu.memory_space<hbm>> -> memref<100000x32xf32, #tpu.memory_space<hbm>>
      tpu.wait_indirect_dma semaphore(%arg13 : memref<!tpu.dma_semaphore, #tpu.memory_space<semaphore_mem>>) src(%dma_wait3A_600 : memref<100000x32xf32, #tpu.memory_space<hbm>>) dst(%dma_wait3A_594 : memref<128x32xf32, #tpu.memory_space<vmem>>)
      %dma_wait3A_601 = arith.constant 4 : i32
      %dma_wait3A_602 = arith.constant 512 : i32
      %dma_wait3A_603 = arith.constant 0 : i32
      %dma_wait3A_604 = tpu.memref_slice %arg9[%dma_wait3A_602, %dma_wait3A_603] : memref<1280x32xf32, #tpu.memory_space<vmem>> -> memref<128x32xf32, #tpu.memory_space<vmem>>
      %dma_wait3A_605 = arith.constant 0 : i32
      %dma_wait3A_606 = tpu.memref_slice %arg7[%dma_wait3A_601, %dma_wait3A_605] : memref<10x128xi32, #tpu.memory_space<vmem>> -> memref<1x128xi32, #tpu.memory_space<vmem>>
      %dma_wait3A_607 = tpu.memref_squeeze %dma_wait3A_606 : memref<1x128xi32, #tpu.memory_space<vmem>> -> memref<128xi32, #tpu.memory_space<vmem>>
      %dma_wait3A_608 = arith.constant 0 : i32
      %dma_wait3A_609 = arith.constant 0 : i32
      %dma_wait3A_610 = tpu.memref_slice %arg4[%dma_wait3A_608, %dma_wait3A_609] : memref<100000x32xf32, #tpu.memory_space<hbm>> -> memref<100000x32xf32, #tpu.memory_space<hbm>>
      tpu.wait_indirect_dma semaphore(%arg13 : memref<!tpu.dma_semaphore, #tpu.memory_space<semaphore_mem>>) src(%dma_wait3A_610 : memref<100000x32xf32, #tpu.memory_space<hbm>>) dst(%dma_wait3A_604 : memref<128x32xf32, #tpu.memory_space<vmem>>)
      %dma_wait3A_611 = arith.constant 5 : i32
      %dma_wait3A_612 = arith.constant 640 : i32
      %dma_wait3A_613 = arith.constant 0 : i32
      %dma_wait3A_614 = tpu.memref_slice %arg9[%dma_wait3A_612, %dma_wait3A_613] : memref<1280x32xf32, #tpu.memory_space<vmem>> -> memref<128x32xf32, #tpu.memory_space<vmem>>
      %dma_wait3A_615 = arith.constant 0 : i32
      %dma_wait3A_616 = tpu.memref_slice %arg7[%dma_wait3A_611, %dma_wait3A_615] : memref<10x128xi32, #tpu.memory_space<vmem>> -> memref<1x128xi32, #tpu.memory_space<vmem>>
      %dma_wait3A_617 = tpu.memref_squeeze %dma_wait3A_616 : memref<1x128xi32, #tpu.memory_space<vmem>> -> memref<128xi32, #tpu.memory_space<vmem>>
      %dma_wait3A_618 = arith.constant 0 : i32
      %dma_wait3A_619 = arith.constant 0 : i32
      %dma_wait3A_620 = tpu.memref_slice %arg4[%dma_wait3A_618, %dma_wait3A_619] : memref<100000x32xf32, #tpu.memory_space<hbm>> -> memref<100000x32xf32, #tpu.memory_space<hbm>>
      tpu.wait_indirect_dma semaphore(%arg13 : memref<!tpu.dma_semaphore, #tpu.memory_space<semaphore_mem>>) src(%dma_wait3A_620 : memref<100000x32xf32, #tpu.memory_space<hbm>>) dst(%dma_wait3A_614 : memref<128x32xf32, #tpu.memory_space<vmem>>)
      %dma_wait3A_621 = arith.constant 6 : i32
      %dma_wait3A_622 = arith.constant 768 : i32
      %dma_wait3A_623 = arith.constant 0 : i32
      %dma_wait3A_624 = tpu.memref_slice %arg9[%dma_wait3A_622, %dma_wait3A_623] : memref<1280x32xf32, #tpu.memory_space<vmem>> -> memref<128x32xf32, #tpu.memory_space<vmem>>
      %dma_wait3A_625 = arith.constant 0 : i32
      %dma_wait3A_626 = tpu.memref_slice %arg7[%dma_wait3A_621, %dma_wait3A_625] : memref<10x128xi32, #tpu.memory_space<vmem>> -> memref<1x128xi32, #tpu.memory_space<vmem>>
      %dma_wait3A_627 = tpu.memref_squeeze %dma_wait3A_626 : memref<1x128xi32, #tpu.memory_space<vmem>> -> memref<128xi32, #tpu.memory_space<vmem>>
      %dma_wait3A_628 = arith.constant 0 : i32
      %dma_wait3A_629 = arith.constant 0 : i32
      %dma_wait3A_630 = tpu.memref_slice %arg4[%dma_wait3A_628, %dma_wait3A_629] : memref<100000x32xf32, #tpu.memory_space<hbm>> -> memref<100000x32xf32, #tpu.memory_space<hbm>>
      tpu.wait_indirect_dma semaphore(%arg13 : memref<!tpu.dma_semaphore, #tpu.memory_space<semaphore_mem>>) src(%dma_wait3A_630 : memref<100000x32xf32, #tpu.memory_space<hbm>>) dst(%dma_wait3A_624 : memref<128x32xf32, #tpu.memory_space<vmem>>)
      %dma_wait3A_631 = arith.constant 7 : i32
      %dma_wait3A_632 = arith.constant 896 : i32
      %dma_wait3A_633 = arith.constant 0 : i32
      %dma_wait3A_634 = tpu.memref_slice %arg9[%dma_wait3A_632, %dma_wait3A_633] : memref<1280x32xf32, #tpu.memory_space<vmem>> -> memref<128x32xf32, #tpu.memory_space<vmem>>
      %dma_wait3A_635 = arith.constant 0 : i32
      %dma_wait3A_636 = tpu.memref_slice %arg7[%dma_wait3A_631, %dma_wait3A_635] : memref<10x128xi32, #tpu.memory_space<vmem>> -> memref<1x128xi32, #tpu.memory_space<vmem>>
      %dma_wait3A_637 = tpu.memref_squeeze %dma_wait3A_636 : memref<1x128xi32, #tpu.memory_space<vmem>> -> memref<128xi32, #tpu.memory_space<vmem>>
      %dma_wait3A_638 = arith.constant 0 : i32
      %dma_wait3A_639 = arith.constant 0 : i32
      %dma_wait3A_640 = tpu.memref_slice %arg4[%dma_wait3A_638, %dma_wait3A_639] : memref<100000x32xf32, #tpu.memory_space<hbm>> -> memref<100000x32xf32, #tpu.memory_space<hbm>>
      tpu.wait_indirect_dma semaphore(%arg13 : memref<!tpu.dma_semaphore, #tpu.memory_space<semaphore_mem>>) src(%dma_wait3A_640 : memref<100000x32xf32, #tpu.memory_space<hbm>>) dst(%dma_wait3A_634 : memref<128x32xf32, #tpu.memory_space<vmem>>)
      %dma_wait3A_641 = arith.constant 8 : i32
      %dma_wait3A_642 = arith.constant 1024 : i32
      %dma_wait3A_643 = arith.constant 0 : i32
      %dma_wait3A_644 = tpu.memref_slice %arg9[%dma_wait3A_642, %dma_wait3A_643] : memref<1280x32xf32, #tpu.memory_space<vmem>> -> memref<128x32xf32, #tpu.memory_space<vmem>>
      %dma_wait3A_645 = arith.constant 0 : i32
      %dma_wait3A_646 = tpu.memref_slice %arg7[%dma_wait3A_641, %dma_wait3A_645] : memref<10x128xi32, #tpu.memory_space<vmem>> -> memref<1x128xi32, #tpu.memory_space<vmem>>
      %dma_wait3A_647 = tpu.memref_squeeze %dma_wait3A_646 : memref<1x128xi32, #tpu.memory_space<vmem>> -> memref<128xi32, #tpu.memory_space<vmem>>
      %dma_wait3A_648 = arith.constant 0 : i32
      %dma_wait3A_649 = arith.constant 0 : i32
      %dma_wait3A_650 = tpu.memref_slice %arg4[%dma_wait3A_648, %dma_wait3A_649] : memref<100000x32xf32, #tpu.memory_space<hbm>> -> memref<100000x32xf32, #tpu.memory_space<hbm>>
      tpu.wait_indirect_dma semaphore(%arg13 : memref<!tpu.dma_semaphore, #tpu.memory_space<semaphore_mem>>) src(%dma_wait3A_650 : memref<100000x32xf32, #tpu.memory_space<hbm>>) dst(%dma_wait3A_644 : memref<128x32xf32, #tpu.memory_space<vmem>>)
      %dma_wait3A_651 = arith.constant 9 : i32
      %dma_wait3A_652 = arith.constant 1152 : i32
      %dma_wait3A_653 = arith.constant 0 : i32
      %dma_wait3A_654 = tpu.memref_slice %arg9[%dma_wait3A_652, %dma_wait3A_653] : memref<1280x32xf32, #tpu.memory_space<vmem>> -> memref<128x32xf32, #tpu.memory_space<vmem>>
      %dma_wait3A_655 = arith.constant 0 : i32
      %dma_wait3A_656 = tpu.memref_slice %arg7[%dma_wait3A_651, %dma_wait3A_655] : memref<10x128xi32, #tpu.memory_space<vmem>> -> memref<1x128xi32, #tpu.memory_space<vmem>>
      %dma_wait3A_657 = tpu.memref_squeeze %dma_wait3A_656 : memref<1x128xi32, #tpu.memory_space<vmem>> -> memref<128xi32, #tpu.memory_space<vmem>>
      %dma_wait3A_658 = arith.constant 0 : i32
      %dma_wait3A_659 = arith.constant 0 : i32
      %dma_wait3A_660 = tpu.memref_slice %arg4[%dma_wait3A_658, %dma_wait3A_659] : memref<100000x32xf32, #tpu.memory_space<hbm>> -> memref<100000x32xf32, #tpu.memory_space<hbm>>
      tpu.wait_indirect_dma semaphore(%arg13 : memref<!tpu.dma_semaphore, #tpu.memory_space<semaphore_mem>>) src(%dma_wait3A_660 : memref<100000x32xf32, #tpu.memory_space<hbm>>) dst(%dma_wait3A_654 : memref<128x32xf32, #tpu.memory_space<vmem>>)
      %gt3A_661 = arith.constant 0 : i32
      %gt3A_662 = arith.cmpi sgt, %scan3A_218, %gt3A_661 : i32
      %mul3A_663 = arith.constant 16 : i32
      %mul3A_664 = arith.muli %add3A_223, %mul3A_663 : i32
      %convert_element_type3A_665 = arith.extui %gt3A_662 : i1 to i32
      %cond3A_666 = arith.constant 0 : i32
      %cond3A_667 = arith.cmpi ne, %convert_element_type3A_665, %cond3A_666 : i32
      scf.if %cond3A_667 {
        %dma_wait3A_698 = arith.constant 0 : i32
        %dma_wait3A_699 = tpu.memref_slice %arg5[%mul3A_664, %dma_wait3A_698] : memref<51200x656xf32, #tpu.memory_space<hbm>> -> memref<16x656xf32, #tpu.memory_space<hbm>>
        %dma_wait3A_700 = arith.constant 0 : i32
        %dma_wait3A_701 = tpu.memref_slice %arg5[%mul3A_664, %dma_wait3A_700] : memref<51200x656xf32, #tpu.memory_space<hbm>> -> memref<16x656xf32, #tpu.memory_space<hbm>>
        tpu.wait_dma2 semaphore(%arg17 : memref<!tpu.dma_semaphore, #tpu.memory_space<semaphore_mem>>) src(%arg11 : memref<16x656xf32, #tpu.memory_space<vmem>>) dst(%dma_wait3A_701 : memref<16x656xf32, #tpu.memory_space<hbm>>)
      } else {
      }
      %dma_start3A_668 = arith.constant 0 : i32
      %dma_start3A_669 = arith.constant 640 : i32
      %dma_start3A_670 = tpu.memref_slice %arg11[%dma_start3A_668, %dma_start3A_669] : memref<16x656xf32, #tpu.memory_space<vmem>> -> memref<16x16xf32, #tpu.memory_space<vmem>>
      %dma_start3A_671 = arith.constant 0 : i32
      %dma_start3A_672 = tpu.memref_slice %arg3[%mul3A_664, %dma_start3A_671] : memref<51200x16xf32, #tpu.memory_space<hbm>> -> memref<16x16xf32, #tpu.memory_space<hbm>>
      %dma_start3A_673 = arith.constant 0 : i32
      %dma_start3A_674 = arith.constant 640 : i32
      %dma_start3A_675 = tpu.memref_slice %arg11[%dma_start3A_673, %dma_start3A_674] : memref<16x656xf32, #tpu.memory_space<vmem>> -> memref<16x16xf32, #tpu.memory_space<vmem>>
      %dma_start3A_676 = arith.constant 0 : i32
      %dma_start3A_677 = tpu.memref_slice %arg3[%mul3A_664, %dma_start3A_676] : memref<51200x16xf32, #tpu.memory_space<hbm>> -> memref<16x16xf32, #tpu.memory_space<hbm>>
      tpu.enqueue_dma source(%dma_start3A_677 : memref<16x16xf32, #tpu.memory_space<hbm>>) target(%dma_start3A_675 : memref<16x16xf32, #tpu.memory_space<vmem>>) target_semaphore(%arg15 : memref<!tpu.dma_semaphore, #tpu.memory_space<semaphore_mem>>)
      %scan3A_678 = arith.constant 0 : i32
      %scan3A_679 = arith.constant 0 : i32
      %scan3A_680 = arith.constant 16 : i32
      %scan3A_681 = arith.addi %scan3A_679, %scan3A_680 : i32
      %scan3A_682 = arith.constant 1 : i32
      scf.for %scan3A_698 = %scan3A_679 to %scan3A_681 step %scan3A_682  : i32 {
        %mul3A_699 = arith.constant 80 : i32
        %mul3A_700 = arith.muli %scan3A_698, %mul3A_699 : i32
        %add3A_701 = arith.constant 0 : i32
        %add3A_702 = arith.addi %mul3A_700, %add3A_701 : i32
        %add3A_703 = arith.constant 0 : i32
        %add3A_704 = arith.addi %add3A_702, %add3A_703 : i32
        %get3A = arith.index_cast %add3A_704 : i32 to index
        %get3A_705 = arith.constant 0 : index
        %get3A_706 = tpu.vector_load %arg9[%get3A, %get3A_705] {strides = array<i32>} : memref<1280x32xf32, #tpu.memory_space<vmem>>, vector<1x16xf32>,
        %get3A_707 = vector.shape_cast %get3A_706 : vector<1x16xf32> to vector<16xf32>
        %add3A_708 = arith.constant 0 : i32
        %add3A_709 = arith.addi %mul3A_700, %add3A_708 : i32
        %add3A_710 = arith.constant 1 : i32
        %add3A_711 = arith.addi %add3A_709, %add3A_710 : i32
        %get3A_712 = arith.index_cast %add3A_711 : i32 to index
        %get3A_713 = arith.constant 0 : index
        %get3A_714 = tpu.vector_load %arg9[%get3A_712, %get3A_713] {strides = array<i32>} : memref<1280x32xf32, #tpu.memory_space<vmem>>, vector<1x16xf32>,
        %get3A_715 = vector.shape_cast %get3A_714 : vector<1x16xf32> to vector<16xf32>
        %add3A_716 = arith.addf %get3A_707, %get3A_715 : vector<16xf32>
        %add3A_717 = arith.constant 0 : i32
        %add3A_718 = arith.addi %mul3A_700, %add3A_717 : i32
        %add3A_719 = arith.constant 2 : i32
        %add3A_720 = arith.addi %add3A_718, %add3A_719 : i32
        %get3A_721 = arith.index_cast %add3A_720 : i32 to index
        %get3A_722 = arith.constant 0 : index
        %get3A_723 = tpu.vector_load %arg9[%get3A_721, %get3A_722] {strides = array<i32>} : memref<1280x32xf32, #tpu.memory_space<vmem>>, vector<1x16xf32>,
        %get3A_724 = vector.shape_cast %get3A_723 : vector<1x16xf32> to vector<16xf32>
        %add3A_725 = arith.addf %add3A_716, %get3A_724 : vector<16xf32>
        %add3A_726 = arith.constant 0 : i32
        %add3A_727 = arith.addi %mul3A_700, %add3A_726 : i32
        %add3A_728 = arith.constant 3 : i32
        %add3A_729 = arith.addi %add3A_727, %add3A_728 : i32
        %get3A_730 = arith.index_cast %add3A_729 : i32 to index
        %get3A_731 = arith.constant 0 : index
        %get3A_732 = tpu.vector_load %arg9[%get3A_730, %get3A_731] {strides = array<i32>} : memref<1280x32xf32, #tpu.memory_space<vmem>>, vector<1x16xf32>,
        %get3A_733 = vector.shape_cast %get3A_732 : vector<1x16xf32> to vector<16xf32>
        %add3A_734 = arith.addf %add3A_725, %get3A_733 : vector<16xf32>
        %swap3A = arith.index_cast %scan3A_698 : i32 to index
        %swap3A_735 = arith.constant 0 : index
        %swap3A_736 = tpu.vector_load %arg11[%swap3A, %swap3A_735] {strides = array<i32>} : memref<16x656xf32, #tpu.memory_space<vmem>>, vector<1x16xf32>,
        %swap3A_737 = vector.shape_cast %swap3A_736 : vector<1x16xf32> to vector<16xf32>
        %swap3A_738 = vector.shape_cast %add3A_734 : vector<16xf32> to vector<1x16xf32>
        tpu.vector_store %arg11[%swap3A, %swap3A_735], %swap3A_738 {strides = array<i32>} : memref<16x656xf32, #tpu.memory_space<vmem>>, vector<1x16xf32>,
        %add3A_739 = arith.constant 0 : i32
        %add3A_740 = arith.addi %mul3A_700, %add3A_739 : i32
        %add3A_741 = arith.constant 0 : i32
        %add3A_742 = arith.addi %add3A_740, %add3A_741 : i32
        %get3A_743 = arith.index_cast %add3A_742 : i32 to index
        %get3A_744 = arith.constant 16 : index
        %get3A_745 = tpu.vector_load %arg9[%get3A_743, %get3A_744] {strides = array<i32>} : memref<1280x32xf32, #tpu.memory_space<vmem>>, vector<1x16xf32>,
        %get3A_746 = vector.shape_cast %get3A_745 : vector<1x16xf32> to vector<16xf32>
        %add3A_747 = arith.constant 0 : i32
        %add3A_748 = arith.addi %mul3A_700, %add3A_747 : i32
        %add3A_749 = arith.constant 1 : i32
        %add3A_750 = arith.addi %add3A_748, %add3A_749 : i32
        %get3A_751 = arith.index_cast %add3A_750 : i32 to index
        %get3A_752 = arith.constant 16 : index
        %get3A_753 = tpu.vector_load %arg9[%get3A_751, %get3A_752] {strides = array<i32>} : memref<1280x32xf32, #tpu.memory_space<vmem>>, vector<1x16xf32>,
        %get3A_754 = vector.shape_cast %get3A_753 : vector<1x16xf32> to vector<16xf32>
        %add3A_755 = arith.addf %get3A_746, %get3A_754 : vector<16xf32>
        %add3A_756 = arith.constant 0 : i32
        %add3A_757 = arith.addi %mul3A_700, %add3A_756 : i32
        %add3A_758 = arith.constant 2 : i32
        %add3A_759 = arith.addi %add3A_757, %add3A_758 : i32
        %get3A_760 = arith.index_cast %add3A_759 : i32 to index
        %get3A_761 = arith.constant 16 : index
        %get3A_762 = tpu.vector_load %arg9[%get3A_760, %get3A_761] {strides = array<i32>} : memref<1280x32xf32, #tpu.memory_space<vmem>>, vector<1x16xf32>,
        %get3A_763 = vector.shape_cast %get3A_762 : vector<1x16xf32> to vector<16xf32>
        %add3A_764 = arith.addf %add3A_755, %get3A_763 : vector<16xf32>
        %add3A_765 = arith.constant 0 : i32
        %add3A_766 = arith.addi %mul3A_700, %add3A_765 : i32
        %add3A_767 = arith.constant 3 : i32
        %add3A_768 = arith.addi %add3A_766, %add3A_767 : i32
        %get3A_769 = arith.index_cast %add3A_768 : i32 to index
        %get3A_770 = arith.constant 16 : index
        %get3A_771 = tpu.vector_load %arg9[%get3A_769, %get3A_770] {strides = array<i32>} : memref<1280x32xf32, #tpu.memory_space<vmem>>, vector<1x16xf32>,
        %get3A_772 = vector.shape_cast %get3A_771 : vector<1x16xf32> to vector<16xf32>
        %add3A_773 = arith.addf %add3A_764, %get3A_772 : vector<16xf32>
        %swap3A_774 = arith.index_cast %scan3A_698 : i32 to index
        %swap3A_775 = arith.constant 16 : index
        %swap3A_776 = tpu.vector_load %arg11[%swap3A_774, %swap3A_775] {strides = array<i32>} : memref<16x656xf32, #tpu.memory_space<vmem>>, vector<1x16xf32>,
        %swap3A_777 = vector.shape_cast %swap3A_776 : vector<1x16xf32> to vector<16xf32>
        %swap3A_778 = vector.shape_cast %add3A_773 : vector<16xf32> to vector<1x16xf32>
        tpu.vector_store %arg11[%swap3A_774, %swap3A_775], %swap3A_778 {strides = array<i32>} : memref<16x656xf32, #tpu.memory_space<vmem>>, vector<1x16xf32>,
        %add3A_779 = arith.constant 4 : i32
        %add3A_780 = arith.addi %mul3A_700, %add3A_779 : i32
        %add3A_781 = arith.constant 0 : i32
        %add3A_782 = arith.addi %add3A_780, %add3A_781 : i32
        %get3A_783 = arith.index_cast %add3A_782 : i32 to index
        %get3A_784 = arith.constant 0 : index
        %get3A_785 = tpu.vector_load %arg9[%get3A_783, %get3A_784] {strides = array<i32>} : memref<1280x32xf32, #tpu.memory_space<vmem>>, vector<1x16xf32>,
        %get3A_786 = vector.shape_cast %get3A_785 : vector<1x16xf32> to vector<16xf32>
        %add3A_787 = arith.constant 4 : i32
        %add3A_788 = arith.addi %mul3A_700, %add3A_787 : i32
        %add3A_789 = arith.constant 1 : i32
        %add3A_790 = arith.addi %add3A_788, %add3A_789 : i32
        %get3A_791 = arith.index_cast %add3A_790 : i32 to index
        %get3A_792 = arith.constant 0 : index
        %get3A_793 = tpu.vector_load %arg9[%get3A_791, %get3A_792] {strides = array<i32>} : memref<1280x32xf32, #tpu.memory_space<vmem>>, vector<1x16xf32>,
        %get3A_794 = vector.shape_cast %get3A_793 : vector<1x16xf32> to vector<16xf32>
        %add3A_795 = arith.addf %get3A_786, %get3A_794 : vector<16xf32>
        %add3A_796 = arith.constant 4 : i32
        %add3A_797 = arith.addi %mul3A_700, %add3A_796 : i32
        %add3A_798 = arith.constant 2 : i32
        %add3A_799 = arith.addi %add3A_797, %add3A_798 : i32
        %get3A_800 = arith.index_cast %add3A_799 : i32 to index
        %get3A_801 = arith.constant 0 : index
        %get3A_802 = tpu.vector_load %arg9[%get3A_800, %get3A_801] {strides = array<i32>} : memref<1280x32xf32, #tpu.memory_space<vmem>>, vector<1x16xf32>,
        %get3A_803 = vector.shape_cast %get3A_802 : vector<1x16xf32> to vector<16xf32>
        %add3A_804 = arith.addf %add3A_795, %get3A_803 : vector<16xf32>
        %add3A_805 = arith.constant 4 : i32
        %add3A_806 = arith.addi %mul3A_700, %add3A_805 : i32
        %add3A_807 = arith.constant 3 : i32
        %add3A_808 = arith.addi %add3A_806, %add3A_807 : i32
        %get3A_809 = arith.index_cast %add3A_808 : i32 to index
        %get3A_810 = arith.constant 0 : index
        %get3A_811 = tpu.vector_load %arg9[%get3A_809, %get3A_810] {strides = array<i32>} : memref<1280x32xf32, #tpu.memory_space<vmem>>, vector<1x16xf32>,
        %get3A_812 = vector.shape_cast %get3A_811 : vector<1x16xf32> to vector<16xf32>
        %add3A_813 = arith.addf %add3A_804, %get3A_812 : vector<16xf32>
        %swap3A_814 = arith.index_cast %scan3A_698 : i32 to index
        %swap3A_815 = arith.constant 32 : index
        %swap3A_816 = tpu.vector_load %arg11[%swap3A_814, %swap3A_815] {strides = array<i32>} : memref<16x656xf32, #tpu.memory_space<vmem>>, vector<1x16xf32>,
        %swap3A_817 = vector.shape_cast %swap3A_816 : vector<1x16xf32> to vector<16xf32>
        %swap3A_818 = vector.shape_cast %add3A_813 : vector<16xf32> to vector<1x16xf32>
        tpu.vector_store %arg11[%swap3A_814, %swap3A_815], %swap3A_818 {strides = array<i32>} : memref<16x656xf32, #tpu.memory_space<vmem>>, vector<1x16xf32>,
        %add3A_819 = arith.constant 4 : i32
        %add3A_820 = arith.addi %mul3A_700, %add3A_819 : i32
        %add3A_821 = arith.constant 0 : i32
        %add3A_822 = arith.addi %add3A_820, %add3A_821 : i32
        %get3A_823 = arith.index_cast %add3A_822 : i32 to index
        %get3A_824 = arith.constant 16 : index
        %get3A_825 = tpu.vector_load %arg9[%get3A_823, %get3A_824] {strides = array<i32>} : memref<1280x32xf32, #tpu.memory_space<vmem>>, vector<1x16xf32>,
        %get3A_826 = vector.shape_cast %get3A_825 : vector<1x16xf32> to vector<16xf32>
        %add3A_827 = arith.constant 4 : i32
        %add3A_828 = arith.addi %mul3A_700, %add3A_827 : i32
        %add3A_829 = arith.constant 1 : i32
        %add3A_830 = arith.addi %add3A_828, %add3A_829 : i32
        %get3A_831 = arith.index_cast %add3A_830 : i32 to index
        %get3A_832 = arith.constant 16 : index
        %get3A_833 = tpu.vector_load %arg9[%get3A_831, %get3A_832] {strides = array<i32>} : memref<1280x32xf32, #tpu.memory_space<vmem>>, vector<1x16xf32>,
        %get3A_834 = vector.shape_cast %get3A_833 : vector<1x16xf32> to vector<16xf32>
        %add3A_835 = arith.addf %get3A_826, %get3A_834 : vector<16xf32>
        %add3A_836 = arith.constant 4 : i32
        %add3A_837 = arith.addi %mul3A_700, %add3A_836 : i32
        %add3A_838 = arith.constant 2 : i32
        %add3A_839 = arith.addi %add3A_837, %add3A_838 : i32
        %get3A_840 = arith.index_cast %add3A_839 : i32 to index
        %get3A_841 = arith.constant 16 : index
        %get3A_842 = tpu.vector_load %arg9[%get3A_840, %get3A_841] {strides = array<i32>} : memref<1280x32xf32, #tpu.memory_space<vmem>>, vector<1x16xf32>,
        %get3A_843 = vector.shape_cast %get3A_842 : vector<1x16xf32> to vector<16xf32>
        %add3A_844 = arith.addf %add3A_835, %get3A_843 : vector<16xf32>
        %add3A_845 = arith.constant 4 : i32
        %add3A_846 = arith.addi %mul3A_700, %add3A_845 : i32
        %add3A_847 = arith.constant 3 : i32
        %add3A_848 = arith.addi %add3A_846, %add3A_847 : i32
        %get3A_849 = arith.index_cast %add3A_848 : i32 to index
        %get3A_850 = arith.constant 16 : index
        %get3A_851 = tpu.vector_load %arg9[%get3A_849, %get3A_850] {strides = array<i32>} : memref<1280x32xf32, #tpu.memory_space<vmem>>, vector<1x16xf32>,
        %get3A_852 = vector.shape_cast %get3A_851 : vector<1x16xf32> to vector<16xf32>
        %add3A_853 = arith.addf %add3A_844, %get3A_852 : vector<16xf32>
        %swap3A_854 = arith.index_cast %scan3A_698 : i32 to index
        %swap3A_855 = arith.constant 48 : index
        %swap3A_856 = tpu.vector_load %arg11[%swap3A_854, %swap3A_855] {strides = array<i32>} : memref<16x656xf32, #tpu.memory_space<vmem>>, vector<1x16xf32>,
        %swap3A_857 = vector.shape_cast %swap3A_856 : vector<1x16xf32> to vector<16xf32>
        %swap3A_858 = vector.shape_cast %add3A_853 : vector<16xf32> to vector<1x16xf32>
        tpu.vector_store %arg11[%swap3A_854, %swap3A_855], %swap3A_858 {strides = array<i32>} : memref<16x656xf32, #tpu.memory_space<vmem>>, vector<1x16xf32>,
        %add3A_859 = arith.constant 8 : i32
        %add3A_860 = arith.addi %mul3A_700, %add3A_859 : i32
        %add3A_861 = arith.constant 0 : i32
        %add3A_862 = arith.addi %add3A_860, %add3A_861 : i32
        %get3A_863 = arith.index_cast %add3A_862 : i32 to index
        %get3A_864 = arith.constant 0 : index
        %get3A_865 = tpu.vector_load %arg9[%get3A_863, %get3A_864] {strides = array<i32>} : memref<1280x32xf32, #tpu.memory_space<vmem>>, vector<1x16xf32>,
        %get3A_866 = vector.shape_cast %get3A_865 : vector<1x16xf32> to vector<16xf32>
        %add3A_867 = arith.constant 8 : i32
        %add3A_868 = arith.addi %mul3A_700, %add3A_867 : i32
        %add3A_869 = arith.constant 1 : i32
        %add3A_870 = arith.addi %add3A_868, %add3A_869 : i32
        %get3A_871 = arith.index_cast %add3A_870 : i32 to index
        %get3A_872 = arith.constant 0 : index
        %get3A_873 = tpu.vector_load %arg9[%get3A_871, %get3A_872] {strides = array<i32>} : memref<1280x32xf32, #tpu.memory_space<vmem>>, vector<1x16xf32>,
        %get3A_874 = vector.shape_cast %get3A_873 : vector<1x16xf32> to vector<16xf32>
        %add3A_875 = arith.addf %get3A_866, %get3A_874 : vector<16xf32>
        %add3A_876 = arith.constant 8 : i32
        %add3A_877 = arith.addi %mul3A_700, %add3A_876 : i32
        %add3A_878 = arith.constant 2 : i32
        %add3A_879 = arith.addi %add3A_877, %add3A_878 : i32
        %get3A_880 = arith.index_cast %add3A_879 : i32 to index
        %get3A_881 = arith.constant 0 : index
        %get3A_882 = tpu.vector_load %arg9[%get3A_880, %get3A_881] {strides = array<i32>} : memref<1280x32xf32, #tpu.memory_space<vmem>>, vector<1x16xf32>,
        %get3A_883 = vector.shape_cast %get3A_882 : vector<1x16xf32> to vector<16xf32>
        %add3A_884 = arith.addf %add3A_875, %get3A_883 : vector<16xf32>
        %add3A_885 = arith.constant 8 : i32
        %add3A_886 = arith.addi %mul3A_700, %add3A_885 : i32
        %add3A_887 = arith.constant 3 : i32
        %add3A_888 = arith.addi %add3A_886, %add3A_887 : i32
        %get3A_889 = arith.index_cast %add3A_888 : i32 to index
        %get3A_890 = arith.constant 0 : index
        %get3A_891 = tpu.vector_load %arg9[%get3A_889, %get3A_890] {strides = array<i32>} : memref<1280x32xf32, #tpu.memory_space<vmem>>, vector<1x16xf32>,
        %get3A_892 = vector.shape_cast %get3A_891 : vector<1x16xf32> to vector<16xf32>
        %add3A_893 = arith.addf %add3A_884, %get3A_892 : vector<16xf32>
        %swap3A_894 = arith.index_cast %scan3A_698 : i32 to index
        %swap3A_895 = arith.constant 64 : index
        %swap3A_896 = tpu.vector_load %arg11[%swap3A_894, %swap3A_895] {strides = array<i32>} : memref<16x656xf32, #tpu.memory_space<vmem>>, vector<1x16xf32>,
        %swap3A_897 = vector.shape_cast %swap3A_896 : vector<1x16xf32> to vector<16xf32>
        %swap3A_898 = vector.shape_cast %add3A_893 : vector<16xf32> to vector<1x16xf32>
        tpu.vector_store %arg11[%swap3A_894, %swap3A_895], %swap3A_898 {strides = array<i32>} : memref<16x656xf32, #tpu.memory_space<vmem>>, vector<1x16xf32>,
        %add3A_899 = arith.constant 8 : i32
        %add3A_900 = arith.addi %mul3A_700, %add3A_899 : i32
        %add3A_901 = arith.constant 0 : i32
        %add3A_902 = arith.addi %add3A_900, %add3A_901 : i32
        %get3A_903 = arith.index_cast %add3A_902 : i32 to index
        %get3A_904 = arith.constant 16 : index
        %get3A_905 = tpu.vector_load %arg9[%get3A_903, %get3A_904] {strides = array<i32>} : memref<1280x32xf32, #tpu.memory_space<vmem>>, vector<1x16xf32>,
        %get3A_906 = vector.shape_cast %get3A_905 : vector<1x16xf32> to vector<16xf32>
        %add3A_907 = arith.constant 8 : i32
        %add3A_908 = arith.addi %mul3A_700, %add3A_907 : i32
        %add3A_909 = arith.constant 1 : i32
        %add3A_910 = arith.addi %add3A_908, %add3A_909 : i32
        %get3A_911 = arith.index_cast %add3A_910 : i32 to index
        %get3A_912 = arith.constant 16 : index
        %get3A_913 = tpu.vector_load %arg9[%get3A_911, %get3A_912] {strides = array<i32>} : memref<1280x32xf32, #tpu.memory_space<vmem>>, vector<1x16xf32>,
        %get3A_914 = vector.shape_cast %get3A_913 : vector<1x16xf32> to vector<16xf32>
        %add3A_915 = arith.addf %get3A_906, %get3A_914 : vector<16xf32>
        %add3A_916 = arith.constant 8 : i32
        %add3A_917 = arith.addi %mul3A_700, %add3A_916 : i32
        %add3A_918 = arith.constant 2 : i32
        %add3A_919 = arith.addi %add3A_917, %add3A_918 : i32
        %get3A_920 = arith.index_cast %add3A_919 : i32 to index
        %get3A_921 = arith.constant 16 : index
        %get3A_922 = tpu.vector_load %arg9[%get3A_920, %get3A_921] {strides = array<i32>} : memref<1280x32xf32, #tpu.memory_space<vmem>>, vector<1x16xf32>,
        %get3A_923 = vector.shape_cast %get3A_922 : vector<1x16xf32> to vector<16xf32>
        %add3A_924 = arith.addf %add3A_915, %get3A_923 : vector<16xf32>
        %add3A_925 = arith.constant 8 : i32
        %add3A_926 = arith.addi %mul3A_700, %add3A_925 : i32
        %add3A_927 = arith.constant 3 : i32
        %add3A_928 = arith.addi %add3A_926, %add3A_927 : i32
        %get3A_929 = arith.index_cast %add3A_928 : i32 to index
        %get3A_930 = arith.constant 16 : index
        %get3A_931 = tpu.vector_load %arg9[%get3A_929, %get3A_930] {strides = array<i32>} : memref<1280x32xf32, #tpu.memory_space<vmem>>, vector<1x16xf32>,
        %get3A_932 = vector.shape_cast %get3A_931 : vector<1x16xf32> to vector<16xf32>
        %add3A_933 = arith.addf %add3A_924, %get3A_932 : vector<16xf32>
        %swap3A_934 = arith.index_cast %scan3A_698 : i32 to index
        %swap3A_935 = arith.constant 80 : index
        %swap3A_936 = tpu.vector_load %arg11[%swap3A_934, %swap3A_935] {strides = array<i32>} : memref<16x656xf32, #tpu.memory_space<vmem>>, vector<1x16xf32>,
        %swap3A_937 = vector.shape_cast %swap3A_936 : vector<1x16xf32> to vector<16xf32>
        %swap3A_938 = vector.shape_cast %add3A_933 : vector<16xf32> to vector<1x16xf32>
        tpu.vector_store %arg11[%swap3A_934, %swap3A_935], %swap3A_938 {strides = array<i32>} : memref<16x656xf32, #tpu.memory_space<vmem>>, vector<1x16xf32>,
        %add3A_939 = arith.constant 12 : i32
        %add3A_940 = arith.addi %mul3A_700, %add3A_939 : i32
        %add3A_941 = arith.constant 0 : i32
        %add3A_942 = arith.addi %add3A_940, %add3A_941 : i32
        %get3A_943 = arith.index_cast %add3A_942 : i32 to index
        %get3A_944 = arith.constant 0 : index
        %get3A_945 = tpu.vector_load %arg9[%get3A_943, %get3A_944] {strides = array<i32>} : memref<1280x32xf32, #tpu.memory_space<vmem>>, vector<1x16xf32>,
        %get3A_946 = vector.shape_cast %get3A_945 : vector<1x16xf32> to vector<16xf32>
        %add3A_947 = arith.constant 12 : i32
        %add3A_948 = arith.addi %mul3A_700, %add3A_947 : i32
        %add3A_949 = arith.constant 1 : i32
        %add3A_950 = arith.addi %add3A_948, %add3A_949 : i32
        %get3A_951 = arith.index_cast %add3A_950 : i32 to index
        %get3A_952 = arith.constant 0 : index
        %get3A_953 = tpu.vector_load %arg9[%get3A_951, %get3A_952] {strides = array<i32>} : memref<1280x32xf32, #tpu.memory_space<vmem>>, vector<1x16xf32>,
        %get3A_954 = vector.shape_cast %get3A_953 : vector<1x16xf32> to vector<16xf32>
        %add3A_955 = arith.addf %get3A_946, %get3A_954 : vector<16xf32>
        %add3A_956 = arith.constant 12 : i32
        %add3A_957 = arith.addi %mul3A_700, %add3A_956 : i32
        %add3A_958 = arith.constant 2 : i32
        %add3A_959 = arith.addi %add3A_957, %add3A_958 : i32
        %get3A_960 = arith.index_cast %add3A_959 : i32 to index
        %get3A_961 = arith.constant 0 : index
        %get3A_962 = tpu.vector_load %arg9[%get3A_960, %get3A_961] {strides = array<i32>} : memref<1280x32xf32, #tpu.memory_space<vmem>>, vector<1x16xf32>,
        %get3A_963 = vector.shape_cast %get3A_962 : vector<1x16xf32> to vector<16xf32>
        %add3A_964 = arith.addf %add3A_955, %get3A_963 : vector<16xf32>
        %add3A_965 = arith.constant 12 : i32
        %add3A_966 = arith.addi %mul3A_700, %add3A_965 : i32
        %add3A_967 = arith.constant 3 : i32
        %add3A_968 = arith.addi %add3A_966, %add3A_967 : i32
        %get3A_969 = arith.index_cast %add3A_968 : i32 to index
        %get3A_970 = arith.constant 0 : index
        %get3A_971 = tpu.vector_load %arg9[%get3A_969, %get3A_970] {strides = array<i32>} : memref<1280x32xf32, #tpu.memory_space<vmem>>, vector<1x16xf32>,
        %get3A_972 = vector.shape_cast %get3A_971 : vector<1x16xf32> to vector<16xf32>
        %add3A_973 = arith.addf %add3A_964, %get3A_972 : vector<16xf32>
        %swap3A_974 = arith.index_cast %scan3A_698 : i32 to index
        %swap3A_975 = arith.constant 96 : index
        %swap3A_976 = tpu.vector_load %arg11[%swap3A_974, %swap3A_975] {strides = array<i32>} : memref<16x656xf32, #tpu.memory_space<vmem>>, vector<1x16xf32>,
        %swap3A_977 = vector.shape_cast %swap3A_976 : vector<1x16xf32> to vector<16xf32>
        %swap3A_978 = vector.shape_cast %add3A_973 : vector<16xf32> to vector<1x16xf32>
        tpu.vector_store %arg11[%swap3A_974, %swap3A_975], %swap3A_978 {strides = array<i32>} : memref<16x656xf32, #tpu.memory_space<vmem>>, vector<1x16xf32>,
        %add3A_979 = arith.constant 12 : i32
        %add3A_980 = arith.addi %mul3A_700, %add3A_979 : i32
        %add3A_981 = arith.constant 0 : i32
        %add3A_982 = arith.addi %add3A_980, %add3A_981 : i32
        %get3A_983 = arith.index_cast %add3A_982 : i32 to index
        %get3A_984 = arith.constant 16 : index
        %get3A_985 = tpu.vector_load %arg9[%get3A_983, %get3A_984] {strides = array<i32>} : memref<1280x32xf32, #tpu.memory_space<vmem>>, vector<1x16xf32>,
        %get3A_986 = vector.shape_cast %get3A_985 : vector<1x16xf32> to vector<16xf32>
        %add3A_987 = arith.constant 12 : i32
        %add3A_988 = arith.addi %mul3A_700, %add3A_987 : i32
        %add3A_989 = arith.constant 1 : i32
        %add3A_990 = arith.addi %add3A_988, %add3A_989 : i32
        %get3A_991 = arith.index_cast %add3A_990 : i32 to index
        %get3A_992 = arith.constant 16 : index
        %get3A_993 = tpu.vector_load %arg9[%get3A_991, %get3A_992] {strides = array<i32>} : memref<1280x32xf32, #tpu.memory_space<vmem>>, vector<1x16xf32>,
        %get3A_994 = vector.shape_cast %get3A_993 : vector<1x16xf32> to vector<16xf32>
        %add3A_995 = arith.addf %get3A_986, %get3A_994 : vector<16xf32>
        %add3A_996 = arith.constant 12 : i32
        %add3A_997 = arith.addi %mul3A_700, %add3A_996 : i32
        %add3A_998 = arith.constant 2 : i32
        %add3A_999 = arith.addi %add3A_997, %add3A_998 : i32
        %get3A_1000 = arith.index_cast %add3A_999 : i32 to index
        %get3A_1001 = arith.constant 16 : index
        %get3A_1002 = tpu.vector_load %arg9[%get3A_1000, %get3A_1001] {strides = array<i32>} : memref<1280x32xf32, #tpu.memory_space<vmem>>, vector<1x16xf32>,
        %get3A_1003 = vector.shape_cast %get3A_1002 : vector<1x16xf32> to vector<16xf32>
        %add3A_1004 = arith.addf %add3A_995, %get3A_1003 : vector<16xf32>
        %add3A_1005 = arith.constant 12 : i32
        %add3A_1006 = arith.addi %mul3A_700, %add3A_1005 : i32
        %add3A_1007 = arith.constant 3 : i32
        %add3A_1008 = arith.addi %add3A_1006, %add3A_1007 : i32
        %get3A_1009 = arith.index_cast %add3A_1008 : i32 to index
        %get3A_1010 = arith.constant 16 : index
        %get3A_1011 = tpu.vector_load %arg9[%get3A_1009, %get3A_1010] {strides = array<i32>} : memref<1280x32xf32, #tpu.memory_space<vmem>>, vector<1x16xf32>,
        %get3A_1012 = vector.shape_cast %get3A_1011 : vector<1x16xf32> to vector<16xf32>
        %add3A_1013 = arith.addf %add3A_1004, %get3A_1012 : vector<16xf32>
        %swap3A_1014 = arith.index_cast %scan3A_698 : i32 to index
        %swap3A_1015 = arith.constant 112 : index
        %swap3A_1016 = tpu.vector_load %arg11[%swap3A_1014, %swap3A_1015] {strides = array<i32>} : memref<16x656xf32, #tpu.memory_space<vmem>>, vector<1x16xf32>,
        %swap3A_1017 = vector.shape_cast %swap3A_1016 : vector<1x16xf32> to vector<16xf32>
        %swap3A_1018 = vector.shape_cast %add3A_1013 : vector<16xf32> to vector<1x16xf32>
        tpu.vector_store %arg11[%swap3A_1014, %swap3A_1015], %swap3A_1018 {strides = array<i32>} : memref<16x656xf32, #tpu.memory_space<vmem>>, vector<1x16xf32>,
        %add3A_1019 = arith.constant 16 : i32
        %add3A_1020 = arith.addi %mul3A_700, %add3A_1019 : i32
        %add3A_1021 = arith.constant 0 : i32
        %add3A_1022 = arith.addi %add3A_1020, %add3A_1021 : i32
        %get3A_1023 = arith.index_cast %add3A_1022 : i32 to index
        %get3A_1024 = arith.constant 0 : index
        %get3A_1025 = tpu.vector_load %arg9[%get3A_1023, %get3A_1024] {strides = array<i32>} : memref<1280x32xf32, #tpu.memory_space<vmem>>, vector<1x16xf32>,
        %get3A_1026 = vector.shape_cast %get3A_1025 : vector<1x16xf32> to vector<16xf32>
        %add3A_1027 = arith.constant 16 : i32
        %add3A_1028 = arith.addi %mul3A_700, %add3A_1027 : i32
        %add3A_1029 = arith.constant 1 : i32
        %add3A_1030 = arith.addi %add3A_1028, %add3A_1029 : i32
        %get3A_1031 = arith.index_cast %add3A_1030 : i32 to index
        %get3A_1032 = arith.constant 0 : index
        %get3A_1033 = tpu.vector_load %arg9[%get3A_1031, %get3A_1032] {strides = array<i32>} : memref<1280x32xf32, #tpu.memory_space<vmem>>, vector<1x16xf32>,
        %get3A_1034 = vector.shape_cast %get3A_1033 : vector<1x16xf32> to vector<16xf32>
        %add3A_1035 = arith.addf %get3A_1026, %get3A_1034 : vector<16xf32>
        %add3A_1036 = arith.constant 16 : i32
        %add3A_1037 = arith.addi %mul3A_700, %add3A_1036 : i32
        %add3A_1038 = arith.constant 2 : i32
        %add3A_1039 = arith.addi %add3A_1037, %add3A_1038 : i32
        %get3A_1040 = arith.index_cast %add3A_1039 : i32 to index
        %get3A_1041 = arith.constant 0 : index
        %get3A_1042 = tpu.vector_load %arg9[%get3A_1040, %get3A_1041] {strides = array<i32>} : memref<1280x32xf32, #tpu.memory_space<vmem>>, vector<1x16xf32>,
        %get3A_1043 = vector.shape_cast %get3A_1042 : vector<1x16xf32> to vector<16xf32>
        %add3A_1044 = arith.addf %add3A_1035, %get3A_1043 : vector<16xf32>
        %add3A_1045 = arith.constant 16 : i32
        %add3A_1046 = arith.addi %mul3A_700, %add3A_1045 : i32
        %add3A_1047 = arith.constant 3 : i32
        %add3A_1048 = arith.addi %add3A_1046, %add3A_1047 : i32
        %get3A_1049 = arith.index_cast %add3A_1048 : i32 to index
        %get3A_1050 = arith.constant 0 : index
        %get3A_1051 = tpu.vector_load %arg9[%get3A_1049, %get3A_1050] {strides = array<i32>} : memref<1280x32xf32, #tpu.memory_space<vmem>>, vector<1x16xf32>,
        %get3A_1052 = vector.shape_cast %get3A_1051 : vector<1x16xf32> to vector<16xf32>
        %add3A_1053 = arith.addf %add3A_1044, %get3A_1052 : vector<16xf32>
        %swap3A_1054 = arith.index_cast %scan3A_698 : i32 to index
        %swap3A_1055 = arith.constant 128 : index
        %swap3A_1056 = tpu.vector_load %arg11[%swap3A_1054, %swap3A_1055] {strides = array<i32>} : memref<16x656xf32, #tpu.memory_space<vmem>>, vector<1x16xf32>,
        %swap3A_1057 = vector.shape_cast %swap3A_1056 : vector<1x16xf32> to vector<16xf32>
        %swap3A_1058 = vector.shape_cast %add3A_1053 : vector<16xf32> to vector<1x16xf32>
        tpu.vector_store %arg11[%swap3A_1054, %swap3A_1055], %swap3A_1058 {strides = array<i32>} : memref<16x656xf32, #tpu.memory_space<vmem>>, vector<1x16xf32>,
        %add3A_1059 = arith.constant 16 : i32
        %add3A_1060 = arith.addi %mul3A_700, %add3A_1059 : i32
        %add3A_1061 = arith.constant 0 : i32
        %add3A_1062 = arith.addi %add3A_1060, %add3A_1061 : i32
        %get3A_1063 = arith.index_cast %add3A_1062 : i32 to index
        %get3A_1064 = arith.constant 16 : index
        %get3A_1065 = tpu.vector_load %arg9[%get3A_1063, %get3A_1064] {strides = array<i32>} : memref<1280x32xf32, #tpu.memory_space<vmem>>, vector<1x16xf32>,
        %get3A_1066 = vector.shape_cast %get3A_1065 : vector<1x16xf32> to vector<16xf32>
        %add3A_1067 = arith.constant 16 : i32
        %add3A_1068 = arith.addi %mul3A_700, %add3A_1067 : i32
        %add3A_1069 = arith.constant 1 : i32
        %add3A_1070 = arith.addi %add3A_1068, %add3A_1069 : i32
        %get3A_1071 = arith.index_cast %add3A_1070 : i32 to index
        %get3A_1072 = arith.constant 16 : index
        %get3A_1073 = tpu.vector_load %arg9[%get3A_1071, %get3A_1072] {strides = array<i32>} : memref<1280x32xf32, #tpu.memory_space<vmem>>, vector<1x16xf32>,
        %get3A_1074 = vector.shape_cast %get3A_1073 : vector<1x16xf32> to vector<16xf32>
        %add3A_1075 = arith.addf %get3A_1066, %get3A_1074 : vector<16xf32>
        %add3A_1076 = arith.constant 16 : i32
        %add3A_1077 = arith.addi %mul3A_700, %add3A_1076 : i32
        %add3A_1078 = arith.constant 2 : i32
        %add3A_1079 = arith.addi %add3A_1077, %add3A_1078 : i32
        %get3A_1080 = arith.index_cast %add3A_1079 : i32 to index
        %get3A_1081 = arith.constant 16 : index
        %get3A_1082 = tpu.vector_load %arg9[%get3A_1080, %get3A_1081] {strides = array<i32>} : memref<1280x32xf32, #tpu.memory_space<vmem>>, vector<1x16xf32>,
        %get3A_1083 = vector.shape_cast %get3A_1082 : vector<1x16xf32> to vector<16xf32>
        %add3A_1084 = arith.addf %add3A_1075, %get3A_1083 : vector<16xf32>
        %add3A_1085 = arith.constant 16 : i32
        %add3A_1086 = arith.addi %mul3A_700, %add3A_1085 : i32
        %add3A_1087 = arith.constant 3 : i32
        %add3A_1088 = arith.addi %add3A_1086, %add3A_1087 : i32
        %get3A_1089 = arith.index_cast %add3A_1088 : i32 to index
        %get3A_1090 = arith.constant 16 : index
        %get3A_1091 = tpu.vector_load %arg9[%get3A_1089, %get3A_1090] {strides = array<i32>} : memref<1280x32xf32, #tpu.memory_space<vmem>>, vector<1x16xf32>,
        %get3A_1092 = vector.shape_cast %get3A_1091 : vector<1x16xf32> to vector<16xf32>
        %add3A_1093 = arith.addf %add3A_1084, %get3A_1092 : vector<16xf32>
        %swap3A_1094 = arith.index_cast %scan3A_698 : i32 to index
        %swap3A_1095 = arith.constant 144 : index
        %swap3A_1096 = tpu.vector_load %arg11[%swap3A_1094, %swap3A_1095] {strides = array<i32>} : memref<16x656xf32, #tpu.memory_space<vmem>>, vector<1x16xf32>,
        %swap3A_1097 = vector.shape_cast %swap3A_1096 : vector<1x16xf32> to vector<16xf32>
        %swap3A_1098 = vector.shape_cast %add3A_1093 : vector<16xf32> to vector<1x16xf32>
        tpu.vector_store %arg11[%swap3A_1094, %swap3A_1095], %swap3A_1098 {strides = array<i32>} : memref<16x656xf32, #tpu.memory_space<vmem>>, vector<1x16xf32>,
        %add3A_1099 = arith.constant 20 : i32
        %add3A_1100 = arith.addi %mul3A_700, %add3A_1099 : i32
        %add3A_1101 = arith.constant 0 : i32
        %add3A_1102 = arith.addi %add3A_1100, %add3A_1101 : i32
        %get3A_1103 = arith.index_cast %add3A_1102 : i32 to index
        %get3A_1104 = arith.constant 0 : index
        %get3A_1105 = tpu.vector_load %arg9[%get3A_1103, %get3A_1104] {strides = array<i32>} : memref<1280x32xf32, #tpu.memory_space<vmem>>, vector<1x16xf32>,
        %get3A_1106 = vector.shape_cast %get3A_1105 : vector<1x16xf32> to vector<16xf32>
        %add3A_1107 = arith.constant 20 : i32
        %add3A_1108 = arith.addi %mul3A_700, %add3A_1107 : i32
        %add3A_1109 = arith.constant 1 : i32
        %add3A_1110 = arith.addi %add3A_1108, %add3A_1109 : i32
        %get3A_1111 = arith.index_cast %add3A_1110 : i32 to index
        %get3A_1112 = arith.constant 0 : index
        %get3A_1113 = tpu.vector_load %arg9[%get3A_1111, %get3A_1112] {strides = array<i32>} : memref<1280x32xf32, #tpu.memory_space<vmem>>, vector<1x16xf32>,
        %get3A_1114 = vector.shape_cast %get3A_1113 : vector<1x16xf32> to vector<16xf32>
        %add3A_1115 = arith.addf %get3A_1106, %get3A_1114 : vector<16xf32>
        %add3A_1116 = arith.constant 20 : i32
        %add3A_1117 = arith.addi %mul3A_700, %add3A_1116 : i32
        %add3A_1118 = arith.constant 2 : i32
        %add3A_1119 = arith.addi %add3A_1117, %add3A_1118 : i32
        %get3A_1120 = arith.index_cast %add3A_1119 : i32 to index
        %get3A_1121 = arith.constant 0 : index
        %get3A_1122 = tpu.vector_load %arg9[%get3A_1120, %get3A_1121] {strides = array<i32>} : memref<1280x32xf32, #tpu.memory_space<vmem>>, vector<1x16xf32>,
        %get3A_1123 = vector.shape_cast %get3A_1122 : vector<1x16xf32> to vector<16xf32>
        %add3A_1124 = arith.addf %add3A_1115, %get3A_1123 : vector<16xf32>
        %add3A_1125 = arith.constant 20 : i32
        %add3A_1126 = arith.addi %mul3A_700, %add3A_1125 : i32
        %add3A_1127 = arith.constant 3 : i32
        %add3A_1128 = arith.addi %add3A_1126, %add3A_1127 : i32
        %get3A_1129 = arith.index_cast %add3A_1128 : i32 to index
        %get3A_1130 = arith.constant 0 : index
        %get3A_1131 = tpu.vector_load %arg9[%get3A_1129, %get3A_1130] {strides = array<i32>} : memref<1280x32xf32, #tpu.memory_space<vmem>>, vector<1x16xf32>,
        %get3A_1132 = vector.shape_cast %get3A_1131 : vector<1x16xf32> to vector<16xf32>
        %add3A_1133 = arith.addf %add3A_1124, %get3A_1132 : vector<16xf32>
        %swap3A_1134 = arith.index_cast %scan3A_698 : i32 to index
        %swap3A_1135 = arith.constant 160 : index
        %swap3A_1136 = tpu.vector_load %arg11[%swap3A_1134, %swap3A_1135] {strides = array<i32>} : memref<16x656xf32, #tpu.memory_space<vmem>>, vector<1x16xf32>,
        %swap3A_1137 = vector.shape_cast %swap3A_1136 : vector<1x16xf32> to vector<16xf32>
        %swap3A_1138 = vector.shape_cast %add3A_1133 : vector<16xf32> to vector<1x16xf32>
        tpu.vector_store %arg11[%swap3A_1134, %swap3A_1135], %swap3A_1138 {strides = array<i32>} : memref<16x656xf32, #tpu.memory_space<vmem>>, vector<1x16xf32>,
        %add3A_1139 = arith.constant 20 : i32
        %add3A_1140 = arith.addi %mul3A_700, %add3A_1139 : i32
        %add3A_1141 = arith.constant 0 : i32
        %add3A_1142 = arith.addi %add3A_1140, %add3A_1141 : i32
        %get3A_1143 = arith.index_cast %add3A_1142 : i32 to index
        %get3A_1144 = arith.constant 16 : index
        %get3A_1145 = tpu.vector_load %arg9[%get3A_1143, %get3A_1144] {strides = array<i32>} : memref<1280x32xf32, #tpu.memory_space<vmem>>, vector<1x16xf32>,
        %get3A_1146 = vector.shape_cast %get3A_1145 : vector<1x16xf32> to vector<16xf32>
        %add3A_1147 = arith.constant 20 : i32
        %add3A_1148 = arith.addi %mul3A_700, %add3A_1147 : i32
        %add3A_1149 = arith.constant 1 : i32
        %add3A_1150 = arith.addi %add3A_1148, %add3A_1149 : i32
        %get3A_1151 = arith.index_cast %add3A_1150 : i32 to index
        %get3A_1152 = arith.constant 16 : index
        %get3A_1153 = tpu.vector_load %arg9[%get3A_1151, %get3A_1152] {strides = array<i32>} : memref<1280x32xf32, #tpu.memory_space<vmem>>, vector<1x16xf32>,
        %get3A_1154 = vector.shape_cast %get3A_1153 : vector<1x16xf32> to vector<16xf32>
        %add3A_1155 = arith.addf %get3A_1146, %get3A_1154 : vector<16xf32>
        %add3A_1156 = arith.constant 20 : i32
        %add3A_1157 = arith.addi %mul3A_700, %add3A_1156 : i32
        %add3A_1158 = arith.constant 2 : i32
        %add3A_1159 = arith.addi %add3A_1157, %add3A_1158 : i32
        %get3A_1160 = arith.index_cast %add3A_1159 : i32 to index
        %get3A_1161 = arith.constant 16 : index
        %get3A_1162 = tpu.vector_load %arg9[%get3A_1160, %get3A_1161] {strides = array<i32>} : memref<1280x32xf32, #tpu.memory_space<vmem>>, vector<1x16xf32>,
        %get3A_1163 = vector.shape_cast %get3A_1162 : vector<1x16xf32> to vector<16xf32>
        %add3A_1164 = arith.addf %add3A_1155, %get3A_1163 : vector<16xf32>
        %add3A_1165 = arith.constant 20 : i32
        %add3A_1166 = arith.addi %mul3A_700, %add3A_1165 : i32
        %add3A_1167 = arith.constant 3 : i32
        %add3A_1168 = arith.addi %add3A_1166, %add3A_1167 : i32
        %get3A_1169 = arith.index_cast %add3A_1168 : i32 to index
        %get3A_1170 = arith.constant 16 : index
        %get3A_1171 = tpu.vector_load %arg9[%get3A_1169, %get3A_1170] {strides = array<i32>} : memref<1280x32xf32, #tpu.memory_space<vmem>>, vector<1x16xf32>,
        %get3A_1172 = vector.shape_cast %get3A_1171 : vector<1x16xf32> to vector<16xf32>
        %add3A_1173 = arith.addf %add3A_1164, %get3A_1172 : vector<16xf32>
        %swap3A_1174 = arith.index_cast %scan3A_698 : i32 to index
        %swap3A_1175 = arith.constant 176 : index
        %swap3A_1176 = tpu.vector_load %arg11[%swap3A_1174, %swap3A_1175] {strides = array<i32>} : memref<16x656xf32, #tpu.memory_space<vmem>>, vector<1x16xf32>,
        %swap3A_1177 = vector.shape_cast %swap3A_1176 : vector<1x16xf32> to vector<16xf32>
        %swap3A_1178 = vector.shape_cast %add3A_1173 : vector<16xf32> to vector<1x16xf32>
        tpu.vector_store %arg11[%swap3A_1174, %swap3A_1175], %swap3A_1178 {strides = array<i32>} : memref<16x656xf32, #tpu.memory_space<vmem>>, vector<1x16xf32>,
        %add3A_1179 = arith.constant 24 : i32
        %add3A_1180 = arith.addi %mul3A_700, %add3A_1179 : i32
        %add3A_1181 = arith.constant 0 : i32
        %add3A_1182 = arith.addi %add3A_1180, %add3A_1181 : i32
        %get3A_1183 = arith.index_cast %add3A_1182 : i32 to index
        %get3A_1184 = arith.constant 0 : index
        %get3A_1185 = tpu.vector_load %arg9[%get3A_1183, %get3A_1184] {strides = array<i32>} : memref<1280x32xf32, #tpu.memory_space<vmem>>, vector<1x16xf32>,
        %get3A_1186 = vector.shape_cast %get3A_1185 : vector<1x16xf32> to vector<16xf32>
        %add3A_1187 = arith.constant 24 : i32
        %add3A_1188 = arith.addi %mul3A_700, %add3A_1187 : i32
        %add3A_1189 = arith.constant 1 : i32
        %add3A_1190 = arith.addi %add3A_1188, %add3A_1189 : i32
        %get3A_1191 = arith.index_cast %add3A_1190 : i32 to index
        %get3A_1192 = arith.constant 0 : index
        %get3A_1193 = tpu.vector_load %arg9[%get3A_1191, %get3A_1192] {strides = array<i32>} : memref<1280x32xf32, #tpu.memory_space<vmem>>, vector<1x16xf32>,
        %get3A_1194 = vector.shape_cast %get3A_1193 : vector<1x16xf32> to vector<16xf32>
        %add3A_1195 = arith.addf %get3A_1186, %get3A_1194 : vector<16xf32>
        %add3A_1196 = arith.constant 24 : i32
        %add3A_1197 = arith.addi %mul3A_700, %add3A_1196 : i32
        %add3A_1198 = arith.constant 2 : i32
        %add3A_1199 = arith.addi %add3A_1197, %add3A_1198 : i32
        %get3A_1200 = arith.index_cast %add3A_1199 : i32 to index
        %get3A_1201 = arith.constant 0 : index
        %get3A_1202 = tpu.vector_load %arg9[%get3A_1200, %get3A_1201] {strides = array<i32>} : memref<1280x32xf32, #tpu.memory_space<vmem>>, vector<1x16xf32>,
        %get3A_1203 = vector.shape_cast %get3A_1202 : vector<1x16xf32> to vector<16xf32>
        %add3A_1204 = arith.addf %add3A_1195, %get3A_1203 : vector<16xf32>
        %add3A_1205 = arith.constant 24 : i32
        %add3A_1206 = arith.addi %mul3A_700, %add3A_1205 : i32
        %add3A_1207 = arith.constant 3 : i32
        %add3A_1208 = arith.addi %add3A_1206, %add3A_1207 : i32
        %get3A_1209 = arith.index_cast %add3A_1208 : i32 to index
        %get3A_1210 = arith.constant 0 : index
        %get3A_1211 = tpu.vector_load %arg9[%get3A_1209, %get3A_1210] {strides = array<i32>} : memref<1280x32xf32, #tpu.memory_space<vmem>>, vector<1x16xf32>,
        %get3A_1212 = vector.shape_cast %get3A_1211 : vector<1x16xf32> to vector<16xf32>
        %add3A_1213 = arith.addf %add3A_1204, %get3A_1212 : vector<16xf32>
        %swap3A_1214 = arith.index_cast %scan3A_698 : i32 to index
        %swap3A_1215 = arith.constant 192 : index
        %swap3A_1216 = tpu.vector_load %arg11[%swap3A_1214, %swap3A_1215] {strides = array<i32>} : memref<16x656xf32, #tpu.memory_space<vmem>>, vector<1x16xf32>,
        %swap3A_1217 = vector.shape_cast %swap3A_1216 : vector<1x16xf32> to vector<16xf32>
        %swap3A_1218 = vector.shape_cast %add3A_1213 : vector<16xf32> to vector<1x16xf32>
        tpu.vector_store %arg11[%swap3A_1214, %swap3A_1215], %swap3A_1218 {strides = array<i32>} : memref<16x656xf32, #tpu.memory_space<vmem>>, vector<1x16xf32>,
        %add3A_1219 = arith.constant 24 : i32
        %add3A_1220 = arith.addi %mul3A_700, %add3A_1219 : i32
        %add3A_1221 = arith.constant 0 : i32
        %add3A_1222 = arith.addi %add3A_1220, %add3A_1221 : i32
        %get3A_1223 = arith.index_cast %add3A_1222 : i32 to index
        %get3A_1224 = arith.constant 16 : index
        %get3A_1225 = tpu.vector_load %arg9[%get3A_1223, %get3A_1224] {strides = array<i32>} : memref<1280x32xf32, #tpu.memory_space<vmem>>, vector<1x16xf32>,
        %get3A_1226 = vector.shape_cast %get3A_1225 : vector<1x16xf32> to vector<16xf32>
        %add3A_1227 = arith.constant 24 : i32
        %add3A_1228 = arith.addi %mul3A_700, %add3A_1227 : i32
        %add3A_1229 = arith.constant 1 : i32
        %add3A_1230 = arith.addi %add3A_1228, %add3A_1229 : i32
        %get3A_1231 = arith.index_cast %add3A_1230 : i32 to index
        %get3A_1232 = arith.constant 16 : index
        %get3A_1233 = tpu.vector_load %arg9[%get3A_1231, %get3A_1232] {strides = array<i32>} : memref<1280x32xf32, #tpu.memory_space<vmem>>, vector<1x16xf32>,
        %get3A_1234 = vector.shape_cast %get3A_1233 : vector<1x16xf32> to vector<16xf32>
        %add3A_1235 = arith.addf %get3A_1226, %get3A_1234 : vector<16xf32>
        %add3A_1236 = arith.constant 24 : i32
        %add3A_1237 = arith.addi %mul3A_700, %add3A_1236 : i32
        %add3A_1238 = arith.constant 2 : i32
        %add3A_1239 = arith.addi %add3A_1237, %add3A_1238 : i32
        %get3A_1240 = arith.index_cast %add3A_1239 : i32 to index
        %get3A_1241 = arith.constant 16 : index
        %get3A_1242 = tpu.vector_load %arg9[%get3A_1240, %get3A_1241] {strides = array<i32>} : memref<1280x32xf32, #tpu.memory_space<vmem>>, vector<1x16xf32>,
        %get3A_1243 = vector.shape_cast %get3A_1242 : vector<1x16xf32> to vector<16xf32>
        %add3A_1244 = arith.addf %add3A_1235, %get3A_1243 : vector<16xf32>
        %add3A_1245 = arith.constant 24 : i32
        %add3A_1246 = arith.addi %mul3A_700, %add3A_1245 : i32
        %add3A_1247 = arith.constant 3 : i32
        %add3A_1248 = arith.addi %add3A_1246, %add3A_1247 : i32
        %get3A_1249 = arith.index_cast %add3A_1248 : i32 to index
        %get3A_1250 = arith.constant 16 : index
        %get3A_1251 = tpu.vector_load %arg9[%get3A_1249, %get3A_1250] {strides = array<i32>} : memref<1280x32xf32, #tpu.memory_space<vmem>>, vector<1x16xf32>,
        %get3A_1252 = vector.shape_cast %get3A_1251 : vector<1x16xf32> to vector<16xf32>
        %add3A_1253 = arith.addf %add3A_1244, %get3A_1252 : vector<16xf32>
        %swap3A_1254 = arith.index_cast %scan3A_698 : i32 to index
        %swap3A_1255 = arith.constant 208 : index
        %swap3A_1256 = tpu.vector_load %arg11[%swap3A_1254, %swap3A_1255] {strides = array<i32>} : memref<16x656xf32, #tpu.memory_space<vmem>>, vector<1x16xf32>,
        %swap3A_1257 = vector.shape_cast %swap3A_1256 : vector<1x16xf32> to vector<16xf32>
        %swap3A_1258 = vector.shape_cast %add3A_1253 : vector<16xf32> to vector<1x16xf32>
        tpu.vector_store %arg11[%swap3A_1254, %swap3A_1255], %swap3A_1258 {strides = array<i32>} : memref<16x656xf32, #tpu.memory_space<vmem>>, vector<1x16xf32>,
        %add3A_1259 = arith.constant 28 : i32
        %add3A_1260 = arith.addi %mul3A_700, %add3A_1259 : i32
        %add3A_1261 = arith.constant 0 : i32
        %add3A_1262 = arith.addi %add3A_1260, %add3A_1261 : i32
        %get3A_1263 = arith.index_cast %add3A_1262 : i32 to index
        %get3A_1264 = arith.constant 0 : index
        %get3A_1265 = tpu.vector_load %arg9[%get3A_1263, %get3A_1264] {strides = array<i32>} : memref<1280x32xf32, #tpu.memory_space<vmem>>, vector<1x16xf32>,
        %get3A_1266 = vector.shape_cast %get3A_1265 : vector<1x16xf32> to vector<16xf32>
        %add3A_1267 = arith.constant 28 : i32
        %add3A_1268 = arith.addi %mul3A_700, %add3A_1267 : i32
        %add3A_1269 = arith.constant 1 : i32
        %add3A_1270 = arith.addi %add3A_1268, %add3A_1269 : i32
        %get3A_1271 = arith.index_cast %add3A_1270 : i32 to index
        %get3A_1272 = arith.constant 0 : index
        %get3A_1273 = tpu.vector_load %arg9[%get3A_1271, %get3A_1272] {strides = array<i32>} : memref<1280x32xf32, #tpu.memory_space<vmem>>, vector<1x16xf32>,
        %get3A_1274 = vector.shape_cast %get3A_1273 : vector<1x16xf32> to vector<16xf32>
        %add3A_1275 = arith.addf %get3A_1266, %get3A_1274 : vector<16xf32>
        %add3A_1276 = arith.constant 28 : i32
        %add3A_1277 = arith.addi %mul3A_700, %add3A_1276 : i32
        %add3A_1278 = arith.constant 2 : i32
        %add3A_1279 = arith.addi %add3A_1277, %add3A_1278 : i32
        %get3A_1280 = arith.index_cast %add3A_1279 : i32 to index
        %get3A_1281 = arith.constant 0 : index
        %get3A_1282 = tpu.vector_load %arg9[%get3A_1280, %get3A_1281] {strides = array<i32>} : memref<1280x32xf32, #tpu.memory_space<vmem>>, vector<1x16xf32>,
        %get3A_1283 = vector.shape_cast %get3A_1282 : vector<1x16xf32> to vector<16xf32>
        %add3A_1284 = arith.addf %add3A_1275, %get3A_1283 : vector<16xf32>
        %add3A_1285 = arith.constant 28 : i32
        %add3A_1286 = arith.addi %mul3A_700, %add3A_1285 : i32
        %add3A_1287 = arith.constant 3 : i32
        %add3A_1288 = arith.addi %add3A_1286, %add3A_1287 : i32
        %get3A_1289 = arith.index_cast %add3A_1288 : i32 to index
        %get3A_1290 = arith.constant 0 : index
        %get3A_1291 = tpu.vector_load %arg9[%get3A_1289, %get3A_1290] {strides = array<i32>} : memref<1280x32xf32, #tpu.memory_space<vmem>>, vector<1x16xf32>,
        %get3A_1292 = vector.shape_cast %get3A_1291 : vector<1x16xf32> to vector<16xf32>
        %add3A_1293 = arith.addf %add3A_1284, %get3A_1292 : vector<16xf32>
        %swap3A_1294 = arith.index_cast %scan3A_698 : i32 to index
        %swap3A_1295 = arith.constant 224 : index
        %swap3A_1296 = tpu.vector_load %arg11[%swap3A_1294, %swap3A_1295] {strides = array<i32>} : memref<16x656xf32, #tpu.memory_space<vmem>>, vector<1x16xf32>,
        %swap3A_1297 = vector.shape_cast %swap3A_1296 : vector<1x16xf32> to vector<16xf32>
        %swap3A_1298 = vector.shape_cast %add3A_1293 : vector<16xf32> to vector<1x16xf32>
        tpu.vector_store %arg11[%swap3A_1294, %swap3A_1295], %swap3A_1298 {strides = array<i32>} : memref<16x656xf32, #tpu.memory_space<vmem>>, vector<1x16xf32>,
        %add3A_1299 = arith.constant 28 : i32
        %add3A_1300 = arith.addi %mul3A_700, %add3A_1299 : i32
        %add3A_1301 = arith.constant 0 : i32
        %add3A_1302 = arith.addi %add3A_1300, %add3A_1301 : i32
        %get3A_1303 = arith.index_cast %add3A_1302 : i32 to index
        %get3A_1304 = arith.constant 16 : index
        %get3A_1305 = tpu.vector_load %arg9[%get3A_1303, %get3A_1304] {strides = array<i32>} : memref<1280x32xf32, #tpu.memory_space<vmem>>, vector<1x16xf32>,
        %get3A_1306 = vector.shape_cast %get3A_1305 : vector<1x16xf32> to vector<16xf32>
        %add3A_1307 = arith.constant 28 : i32
        %add3A_1308 = arith.addi %mul3A_700, %add3A_1307 : i32
        %add3A_1309 = arith.constant 1 : i32
        %add3A_1310 = arith.addi %add3A_1308, %add3A_1309 : i32
        %get3A_1311 = arith.index_cast %add3A_1310 : i32 to index
        %get3A_1312 = arith.constant 16 : index
        %get3A_1313 = tpu.vector_load %arg9[%get3A_1311, %get3A_1312] {strides = array<i32>} : memref<1280x32xf32, #tpu.memory_space<vmem>>, vector<1x16xf32>,
        %get3A_1314 = vector.shape_cast %get3A_1313 : vector<1x16xf32> to vector<16xf32>
        %add3A_1315 = arith.addf %get3A_1306, %get3A_1314 : vector<16xf32>
        %add3A_1316 = arith.constant 28 : i32
        %add3A_1317 = arith.addi %mul3A_700, %add3A_1316 : i32
        %add3A_1318 = arith.constant 2 : i32
        %add3A_1319 = arith.addi %add3A_1317, %add3A_1318 : i32
        %get3A_1320 = arith.index_cast %add3A_1319 : i32 to index
        %get3A_1321 = arith.constant 16 : index
        %get3A_1322 = tpu.vector_load %arg9[%get3A_1320, %get3A_1321] {strides = array<i32>} : memref<1280x32xf32, #tpu.memory_space<vmem>>, vector<1x16xf32>,
        %get3A_1323 = vector.shape_cast %get3A_1322 : vector<1x16xf32> to vector<16xf32>
        %add3A_1324 = arith.addf %add3A_1315, %get3A_1323 : vector<16xf32>
        %add3A_1325 = arith.constant 28 : i32
        %add3A_1326 = arith.addi %mul3A_700, %add3A_1325 : i32
        %add3A_1327 = arith.constant 3 : i32
        %add3A_1328 = arith.addi %add3A_1326, %add3A_1327 : i32
        %get3A_1329 = arith.index_cast %add3A_1328 : i32 to index
        %get3A_1330 = arith.constant 16 : index
        %get3A_1331 = tpu.vector_load %arg9[%get3A_1329, %get3A_1330] {strides = array<i32>} : memref<1280x32xf32, #tpu.memory_space<vmem>>, vector<1x16xf32>,
        %get3A_1332 = vector.shape_cast %get3A_1331 : vector<1x16xf32> to vector<16xf32>
        %add3A_1333 = arith.addf %add3A_1324, %get3A_1332 : vector<16xf32>
        %swap3A_1334 = arith.index_cast %scan3A_698 : i32 to index
        %swap3A_1335 = arith.constant 240 : index
        %swap3A_1336 = tpu.vector_load %arg11[%swap3A_1334, %swap3A_1335] {strides = array<i32>} : memref<16x656xf32, #tpu.memory_space<vmem>>, vector<1x16xf32>,
        %swap3A_1337 = vector.shape_cast %swap3A_1336 : vector<1x16xf32> to vector<16xf32>
        %swap3A_1338 = vector.shape_cast %add3A_1333 : vector<16xf32> to vector<1x16xf32>
        tpu.vector_store %arg11[%swap3A_1334, %swap3A_1335], %swap3A_1338 {strides = array<i32>} : memref<16x656xf32, #tpu.memory_space<vmem>>, vector<1x16xf32>,
        %add3A_1339 = arith.constant 32 : i32
        %add3A_1340 = arith.addi %mul3A_700, %add3A_1339 : i32
        %add3A_1341 = arith.constant 0 : i32
        %add3A_1342 = arith.addi %add3A_1340, %add3A_1341 : i32
        %get3A_1343 = arith.index_cast %add3A_1342 : i32 to index
        %get3A_1344 = arith.constant 0 : index
        %get3A_1345 = tpu.vector_load %arg9[%get3A_1343, %get3A_1344] {strides = array<i32>} : memref<1280x32xf32, #tpu.memory_space<vmem>>, vector<1x16xf32>,
        %get3A_1346 = vector.shape_cast %get3A_1345 : vector<1x16xf32> to vector<16xf32>
        %add3A_1347 = arith.constant 32 : i32
        %add3A_1348 = arith.addi %mul3A_700, %add3A_1347 : i32
        %add3A_1349 = arith.constant 1 : i32
        %add3A_1350 = arith.addi %add3A_1348, %add3A_1349 : i32
        %get3A_1351 = arith.index_cast %add3A_1350 : i32 to index
        %get3A_1352 = arith.constant 0 : index
        %get3A_1353 = tpu.vector_load %arg9[%get3A_1351, %get3A_1352] {strides = array<i32>} : memref<1280x32xf32, #tpu.memory_space<vmem>>, vector<1x16xf32>,
        %get3A_1354 = vector.shape_cast %get3A_1353 : vector<1x16xf32> to vector<16xf32>
        %add3A_1355 = arith.addf %get3A_1346, %get3A_1354 : vector<16xf32>
        %add3A_1356 = arith.constant 32 : i32
        %add3A_1357 = arith.addi %mul3A_700, %add3A_1356 : i32
        %add3A_1358 = arith.constant 2 : i32
        %add3A_1359 = arith.addi %add3A_1357, %add3A_1358 : i32
        %get3A_1360 = arith.index_cast %add3A_1359 : i32 to index
        %get3A_1361 = arith.constant 0 : index
        %get3A_1362 = tpu.vector_load %arg9[%get3A_1360, %get3A_1361] {strides = array<i32>} : memref<1280x32xf32, #tpu.memory_space<vmem>>, vector<1x16xf32>,
        %get3A_1363 = vector.shape_cast %get3A_1362 : vector<1x16xf32> to vector<16xf32>
        %add3A_1364 = arith.addf %add3A_1355, %get3A_1363 : vector<16xf32>
        %add3A_1365 = arith.constant 32 : i32
        %add3A_1366 = arith.addi %mul3A_700, %add3A_1365 : i32
        %add3A_1367 = arith.constant 3 : i32
        %add3A_1368 = arith.addi %add3A_1366, %add3A_1367 : i32
        %get3A_1369 = arith.index_cast %add3A_1368 : i32 to index
        %get3A_1370 = arith.constant 0 : index
        %get3A_1371 = tpu.vector_load %arg9[%get3A_1369, %get3A_1370] {strides = array<i32>} : memref<1280x32xf32, #tpu.memory_space<vmem>>, vector<1x16xf32>,
        %get3A_1372 = vector.shape_cast %get3A_1371 : vector<1x16xf32> to vector<16xf32>
        %add3A_1373 = arith.addf %add3A_1364, %get3A_1372 : vector<16xf32>
        %swap3A_1374 = arith.index_cast %scan3A_698 : i32 to index
        %swap3A_1375 = arith.constant 256 : index
        %swap3A_1376 = tpu.vector_load %arg11[%swap3A_1374, %swap3A_1375] {strides = array<i32>} : memref<16x656xf32, #tpu.memory_space<vmem>>, vector<1x16xf32>,
        %swap3A_1377 = vector.shape_cast %swap3A_1376 : vector<1x16xf32> to vector<16xf32>
        %swap3A_1378 = vector.shape_cast %add3A_1373 : vector<16xf32> to vector<1x16xf32>
        tpu.vector_store %arg11[%swap3A_1374, %swap3A_1375], %swap3A_1378 {strides = array<i32>} : memref<16x656xf32, #tpu.memory_space<vmem>>, vector<1x16xf32>,
        %add3A_1379 = arith.constant 32 : i32
        %add3A_1380 = arith.addi %mul3A_700, %add3A_1379 : i32
        %add3A_1381 = arith.constant 0 : i32
        %add3A_1382 = arith.addi %add3A_1380, %add3A_1381 : i32
        %get3A_1383 = arith.index_cast %add3A_1382 : i32 to index
        %get3A_1384 = arith.constant 16 : index
        %get3A_1385 = tpu.vector_load %arg9[%get3A_1383, %get3A_1384] {strides = array<i32>} : memref<1280x32xf32, #tpu.memory_space<vmem>>, vector<1x16xf32>,
        %get3A_1386 = vector.shape_cast %get3A_1385 : vector<1x16xf32> to vector<16xf32>
        %add3A_1387 = arith.constant 32 : i32
        %add3A_1388 = arith.addi %mul3A_700, %add3A_1387 : i32
        %add3A_1389 = arith.constant 1 : i32
        %add3A_1390 = arith.addi %add3A_1388, %add3A_1389 : i32
        %get3A_1391 = arith.index_cast %add3A_1390 : i32 to index
        %get3A_1392 = arith.constant 16 : index
        %get3A_1393 = tpu.vector_load %arg9[%get3A_1391, %get3A_1392] {strides = array<i32>} : memref<1280x32xf32, #tpu.memory_space<vmem>>, vector<1x16xf32>,
        %get3A_1394 = vector.shape_cast %get3A_1393 : vector<1x16xf32> to vector<16xf32>
        %add3A_1395 = arith.addf %get3A_1386, %get3A_1394 : vector<16xf32>
        %add3A_1396 = arith.constant 32 : i32
        %add3A_1397 = arith.addi %mul3A_700, %add3A_1396 : i32
        %add3A_1398 = arith.constant 2 : i32
        %add3A_1399 = arith.addi %add3A_1397, %add3A_1398 : i32
        %get3A_1400 = arith.index_cast %add3A_1399 : i32 to index
        %get3A_1401 = arith.constant 16 : index
        %get3A_1402 = tpu.vector_load %arg9[%get3A_1400, %get3A_1401] {strides = array<i32>} : memref<1280x32xf32, #tpu.memory_space<vmem>>, vector<1x16xf32>,
        %get3A_1403 = vector.shape_cast %get3A_1402 : vector<1x16xf32> to vector<16xf32>
        %add3A_1404 = arith.addf %add3A_1395, %get3A_1403 : vector<16xf32>
        %add3A_1405 = arith.constant 32 : i32
        %add3A_1406 = arith.addi %mul3A_700, %add3A_1405 : i32
        %add3A_1407 = arith.constant 3 : i32
        %add3A_1408 = arith.addi %add3A_1406, %add3A_1407 : i32
        %get3A_1409 = arith.index_cast %add3A_1408 : i32 to index
        %get3A_1410 = arith.constant 16 : index
        %get3A_1411 = tpu.vector_load %arg9[%get3A_1409, %get3A_1410] {strides = array<i32>} : memref<1280x32xf32, #tpu.memory_space<vmem>>, vector<1x16xf32>,
        %get3A_1412 = vector.shape_cast %get3A_1411 : vector<1x16xf32> to vector<16xf32>
        %add3A_1413 = arith.addf %add3A_1404, %get3A_1412 : vector<16xf32>
        %swap3A_1414 = arith.index_cast %scan3A_698 : i32 to index
        %swap3A_1415 = arith.constant 272 : index
        %swap3A_1416 = tpu.vector_load %arg11[%swap3A_1414, %swap3A_1415] {strides = array<i32>} : memref<16x656xf32, #tpu.memory_space<vmem>>, vector<1x16xf32>,
        %swap3A_1417 = vector.shape_cast %swap3A_1416 : vector<1x16xf32> to vector<16xf32>
        %swap3A_1418 = vector.shape_cast %add3A_1413 : vector<16xf32> to vector<1x16xf32>
        tpu.vector_store %arg11[%swap3A_1414, %swap3A_1415], %swap3A_1418 {strides = array<i32>} : memref<16x656xf32, #tpu.memory_space<vmem>>, vector<1x16xf32>,
        %add3A_1419 = arith.constant 36 : i32
        %add3A_1420 = arith.addi %mul3A_700, %add3A_1419 : i32
        %add3A_1421 = arith.constant 0 : i32
        %add3A_1422 = arith.addi %add3A_1420, %add3A_1421 : i32
        %get3A_1423 = arith.index_cast %add3A_1422 : i32 to index
        %get3A_1424 = arith.constant 0 : index
        %get3A_1425 = tpu.vector_load %arg9[%get3A_1423, %get3A_1424] {strides = array<i32>} : memref<1280x32xf32, #tpu.memory_space<vmem>>, vector<1x16xf32>,
        %get3A_1426 = vector.shape_cast %get3A_1425 : vector<1x16xf32> to vector<16xf32>
        %add3A_1427 = arith.constant 36 : i32
        %add3A_1428 = arith.addi %mul3A_700, %add3A_1427 : i32
        %add3A_1429 = arith.constant 1 : i32
        %add3A_1430 = arith.addi %add3A_1428, %add3A_1429 : i32
        %get3A_1431 = arith.index_cast %add3A_1430 : i32 to index
        %get3A_1432 = arith.constant 0 : index
        %get3A_1433 = tpu.vector_load %arg9[%get3A_1431, %get3A_1432] {strides = array<i32>} : memref<1280x32xf32, #tpu.memory_space<vmem>>, vector<1x16xf32>,
        %get3A_1434 = vector.shape_cast %get3A_1433 : vector<1x16xf32> to vector<16xf32>
        %add3A_1435 = arith.addf %get3A_1426, %get3A_1434 : vector<16xf32>
        %add3A_1436 = arith.constant 36 : i32
        %add3A_1437 = arith.addi %mul3A_700, %add3A_1436 : i32
        %add3A_1438 = arith.constant 2 : i32
        %add3A_1439 = arith.addi %add3A_1437, %add3A_1438 : i32
        %get3A_1440 = arith.index_cast %add3A_1439 : i32 to index
        %get3A_1441 = arith.constant 0 : index
        %get3A_1442 = tpu.vector_load %arg9[%get3A_1440, %get3A_1441] {strides = array<i32>} : memref<1280x32xf32, #tpu.memory_space<vmem>>, vector<1x16xf32>,
        %get3A_1443 = vector.shape_cast %get3A_1442 : vector<1x16xf32> to vector<16xf32>
        %add3A_1444 = arith.addf %add3A_1435, %get3A_1443 : vector<16xf32>
        %add3A_1445 = arith.constant 36 : i32
        %add3A_1446 = arith.addi %mul3A_700, %add3A_1445 : i32
        %add3A_1447 = arith.constant 3 : i32
        %add3A_1448 = arith.addi %add3A_1446, %add3A_1447 : i32
        %get3A_1449 = arith.index_cast %add3A_1448 : i32 to index
        %get3A_1450 = arith.constant 0 : index
        %get3A_1451 = tpu.vector_load %arg9[%get3A_1449, %get3A_1450] {strides = array<i32>} : memref<1280x32xf32, #tpu.memory_space<vmem>>, vector<1x16xf32>,
        %get3A_1452 = vector.shape_cast %get3A_1451 : vector<1x16xf32> to vector<16xf32>
        %add3A_1453 = arith.addf %add3A_1444, %get3A_1452 : vector<16xf32>
        %swap3A_1454 = arith.index_cast %scan3A_698 : i32 to index
        %swap3A_1455 = arith.constant 288 : index
        %swap3A_1456 = tpu.vector_load %arg11[%swap3A_1454, %swap3A_1455] {strides = array<i32>} : memref<16x656xf32, #tpu.memory_space<vmem>>, vector<1x16xf32>,
        %swap3A_1457 = vector.shape_cast %swap3A_1456 : vector<1x16xf32> to vector<16xf32>
        %swap3A_1458 = vector.shape_cast %add3A_1453 : vector<16xf32> to vector<1x16xf32>
        tpu.vector_store %arg11[%swap3A_1454, %swap3A_1455], %swap3A_1458 {strides = array<i32>} : memref<16x656xf32, #tpu.memory_space<vmem>>, vector<1x16xf32>,
        %add3A_1459 = arith.constant 36 : i32
        %add3A_1460 = arith.addi %mul3A_700, %add3A_1459 : i32
        %add3A_1461 = arith.constant 0 : i32
        %add3A_1462 = arith.addi %add3A_1460, %add3A_1461 : i32
        %get3A_1463 = arith.index_cast %add3A_1462 : i32 to index
        %get3A_1464 = arith.constant 16 : index
        %get3A_1465 = tpu.vector_load %arg9[%get3A_1463, %get3A_1464] {strides = array<i32>} : memref<1280x32xf32, #tpu.memory_space<vmem>>, vector<1x16xf32>,
        %get3A_1466 = vector.shape_cast %get3A_1465 : vector<1x16xf32> to vector<16xf32>
        %add3A_1467 = arith.constant 36 : i32
        %add3A_1468 = arith.addi %mul3A_700, %add3A_1467 : i32
        %add3A_1469 = arith.constant 1 : i32
        %add3A_1470 = arith.addi %add3A_1468, %add3A_1469 : i32
        %get3A_1471 = arith.index_cast %add3A_1470 : i32 to index
        %get3A_1472 = arith.constant 16 : index
        %get3A_1473 = tpu.vector_load %arg9[%get3A_1471, %get3A_1472] {strides = array<i32>} : memref<1280x32xf32, #tpu.memory_space<vmem>>, vector<1x16xf32>,
        %get3A_1474 = vector.shape_cast %get3A_1473 : vector<1x16xf32> to vector<16xf32>
        %add3A_1475 = arith.addf %get3A_1466, %get3A_1474 : vector<16xf32>
        %add3A_1476 = arith.constant 36 : i32
        %add3A_1477 = arith.addi %mul3A_700, %add3A_1476 : i32
        %add3A_1478 = arith.constant 2 : i32
        %add3A_1479 = arith.addi %add3A_1477, %add3A_1478 : i32
        %get3A_1480 = arith.index_cast %add3A_1479 : i32 to index
        %get3A_1481 = arith.constant 16 : index
        %get3A_1482 = tpu.vector_load %arg9[%get3A_1480, %get3A_1481] {strides = array<i32>} : memref<1280x32xf32, #tpu.memory_space<vmem>>, vector<1x16xf32>,
        %get3A_1483 = vector.shape_cast %get3A_1482 : vector<1x16xf32> to vector<16xf32>
        %add3A_1484 = arith.addf %add3A_1475, %get3A_1483 : vector<16xf32>
        %add3A_1485 = arith.constant 36 : i32
        %add3A_1486 = arith.addi %mul3A_700, %add3A_1485 : i32
        %add3A_1487 = arith.constant 3 : i32
        %add3A_1488 = arith.addi %add3A_1486, %add3A_1487 : i32
        %get3A_1489 = arith.index_cast %add3A_1488 : i32 to index
        %get3A_1490 = arith.constant 16 : index
        %get3A_1491 = tpu.vector_load %arg9[%get3A_1489, %get3A_1490] {strides = array<i32>} : memref<1280x32xf32, #tpu.memory_space<vmem>>, vector<1x16xf32>,
        %get3A_1492 = vector.shape_cast %get3A_1491 : vector<1x16xf32> to vector<16xf32>
        %add3A_1493 = arith.addf %add3A_1484, %get3A_1492 : vector<16xf32>
        %swap3A_1494 = arith.index_cast %scan3A_698 : i32 to index
        %swap3A_1495 = arith.constant 304 : index
        %swap3A_1496 = tpu.vector_load %arg11[%swap3A_1494, %swap3A_1495] {strides = array<i32>} : memref<16x656xf32, #tpu.memory_space<vmem>>, vector<1x16xf32>,
        %swap3A_1497 = vector.shape_cast %swap3A_1496 : vector<1x16xf32> to vector<16xf32>
        %swap3A_1498 = vector.shape_cast %add3A_1493 : vector<16xf32> to vector<1x16xf32>
        tpu.vector_store %arg11[%swap3A_1494, %swap3A_1495], %swap3A_1498 {strides = array<i32>} : memref<16x656xf32, #tpu.memory_space<vmem>>, vector<1x16xf32>,
        %add3A_1499 = arith.constant 40 : i32
        %add3A_1500 = arith.addi %mul3A_700, %add3A_1499 : i32
        %add3A_1501 = arith.constant 0 : i32
        %add3A_1502 = arith.addi %add3A_1500, %add3A_1501 : i32
        %get3A_1503 = arith.index_cast %add3A_1502 : i32 to index
        %get3A_1504 = arith.constant 0 : index
        %get3A_1505 = tpu.vector_load %arg9[%get3A_1503, %get3A_1504] {strides = array<i32>} : memref<1280x32xf32, #tpu.memory_space<vmem>>, vector<1x16xf32>,
        %get3A_1506 = vector.shape_cast %get3A_1505 : vector<1x16xf32> to vector<16xf32>
        %add3A_1507 = arith.constant 40 : i32
        %add3A_1508 = arith.addi %mul3A_700, %add3A_1507 : i32
        %add3A_1509 = arith.constant 1 : i32
        %add3A_1510 = arith.addi %add3A_1508, %add3A_1509 : i32
        %get3A_1511 = arith.index_cast %add3A_1510 : i32 to index
        %get3A_1512 = arith.constant 0 : index
        %get3A_1513 = tpu.vector_load %arg9[%get3A_1511, %get3A_1512] {strides = array<i32>} : memref<1280x32xf32, #tpu.memory_space<vmem>>, vector<1x16xf32>,
        %get3A_1514 = vector.shape_cast %get3A_1513 : vector<1x16xf32> to vector<16xf32>
        %add3A_1515 = arith.addf %get3A_1506, %get3A_1514 : vector<16xf32>
        %add3A_1516 = arith.constant 40 : i32
        %add3A_1517 = arith.addi %mul3A_700, %add3A_1516 : i32
        %add3A_1518 = arith.constant 2 : i32
        %add3A_1519 = arith.addi %add3A_1517, %add3A_1518 : i32
        %get3A_1520 = arith.index_cast %add3A_1519 : i32 to index
        %get3A_1521 = arith.constant 0 : index
        %get3A_1522 = tpu.vector_load %arg9[%get3A_1520, %get3A_1521] {strides = array<i32>} : memref<1280x32xf32, #tpu.memory_space<vmem>>, vector<1x16xf32>,
        %get3A_1523 = vector.shape_cast %get3A_1522 : vector<1x16xf32> to vector<16xf32>
        %add3A_1524 = arith.addf %add3A_1515, %get3A_1523 : vector<16xf32>
        %add3A_1525 = arith.constant 40 : i32
        %add3A_1526 = arith.addi %mul3A_700, %add3A_1525 : i32
        %add3A_1527 = arith.constant 3 : i32
        %add3A_1528 = arith.addi %add3A_1526, %add3A_1527 : i32
        %get3A_1529 = arith.index_cast %add3A_1528 : i32 to index
        %get3A_1530 = arith.constant 0 : index
        %get3A_1531 = tpu.vector_load %arg9[%get3A_1529, %get3A_1530] {strides = array<i32>} : memref<1280x32xf32, #tpu.memory_space<vmem>>, vector<1x16xf32>,
        %get3A_1532 = vector.shape_cast %get3A_1531 : vector<1x16xf32> to vector<16xf32>
        %add3A_1533 = arith.addf %add3A_1524, %get3A_1532 : vector<16xf32>
        %swap3A_1534 = arith.index_cast %scan3A_698 : i32 to index
        %swap3A_1535 = arith.constant 320 : index
        %swap3A_1536 = tpu.vector_load %arg11[%swap3A_1534, %swap3A_1535] {strides = array<i32>} : memref<16x656xf32, #tpu.memory_space<vmem>>, vector<1x16xf32>,
        %swap3A_1537 = vector.shape_cast %swap3A_1536 : vector<1x16xf32> to vector<16xf32>
        %swap3A_1538 = vector.shape_cast %add3A_1533 : vector<16xf32> to vector<1x16xf32>
        tpu.vector_store %arg11[%swap3A_1534, %swap3A_1535], %swap3A_1538 {strides = array<i32>} : memref<16x656xf32, #tpu.memory_space<vmem>>, vector<1x16xf32>,
        %add3A_1539 = arith.constant 40 : i32
        %add3A_1540 = arith.addi %mul3A_700, %add3A_1539 : i32
        %add3A_1541 = arith.constant 0 : i32
        %add3A_1542 = arith.addi %add3A_1540, %add3A_1541 : i32
        %get3A_1543 = arith.index_cast %add3A_1542 : i32 to index
        %get3A_1544 = arith.constant 16 : index
        %get3A_1545 = tpu.vector_load %arg9[%get3A_1543, %get3A_1544] {strides = array<i32>} : memref<1280x32xf32, #tpu.memory_space<vmem>>, vector<1x16xf32>,
        %get3A_1546 = vector.shape_cast %get3A_1545 : vector<1x16xf32> to vector<16xf32>
        %add3A_1547 = arith.constant 40 : i32
        %add3A_1548 = arith.addi %mul3A_700, %add3A_1547 : i32
        %add3A_1549 = arith.constant 1 : i32
        %add3A_1550 = arith.addi %add3A_1548, %add3A_1549 : i32
        %get3A_1551 = arith.index_cast %add3A_1550 : i32 to index
        %get3A_1552 = arith.constant 16 : index
        %get3A_1553 = tpu.vector_load %arg9[%get3A_1551, %get3A_1552] {strides = array<i32>} : memref<1280x32xf32, #tpu.memory_space<vmem>>, vector<1x16xf32>,
        %get3A_1554 = vector.shape_cast %get3A_1553 : vector<1x16xf32> to vector<16xf32>
        %add3A_1555 = arith.addf %get3A_1546, %get3A_1554 : vector<16xf32>
        %add3A_1556 = arith.constant 40 : i32
        %add3A_1557 = arith.addi %mul3A_700, %add3A_1556 : i32
        %add3A_1558 = arith.constant 2 : i32
        %add3A_1559 = arith.addi %add3A_1557, %add3A_1558 : i32
        %get3A_1560 = arith.index_cast %add3A_1559 : i32 to index
        %get3A_1561 = arith.constant 16 : index
        %get3A_1562 = tpu.vector_load %arg9[%get3A_1560, %get3A_1561] {strides = array<i32>} : memref<1280x32xf32, #tpu.memory_space<vmem>>, vector<1x16xf32>,
        %get3A_1563 = vector.shape_cast %get3A_1562 : vector<1x16xf32> to vector<16xf32>
        %add3A_1564 = arith.addf %add3A_1555, %get3A_1563 : vector<16xf32>
        %add3A_1565 = arith.constant 40 : i32
        %add3A_1566 = arith.addi %mul3A_700, %add3A_1565 : i32
        %add3A_1567 = arith.constant 3 : i32
        %add3A_1568 = arith.addi %add3A_1566, %add3A_1567 : i32
        %get3A_1569 = arith.index_cast %add3A_1568 : i32 to index
        %get3A_1570 = arith.constant 16 : index
        %get3A_1571 = tpu.vector_load %arg9[%get3A_1569, %get3A_1570] {strides = array<i32>} : memref<1280x32xf32, #tpu.memory_space<vmem>>, vector<1x16xf32>,
        %get3A_1572 = vector.shape_cast %get3A_1571 : vector<1x16xf32> to vector<16xf32>
        %add3A_1573 = arith.addf %add3A_1564, %get3A_1572 : vector<16xf32>
        %swap3A_1574 = arith.index_cast %scan3A_698 : i32 to index
        %swap3A_1575 = arith.constant 336 : index
        %swap3A_1576 = tpu.vector_load %arg11[%swap3A_1574, %swap3A_1575] {strides = array<i32>} : memref<16x656xf32, #tpu.memory_space<vmem>>, vector<1x16xf32>,
        %swap3A_1577 = vector.shape_cast %swap3A_1576 : vector<1x16xf32> to vector<16xf32>
        %swap3A_1578 = vector.shape_cast %add3A_1573 : vector<16xf32> to vector<1x16xf32>
        tpu.vector_store %arg11[%swap3A_1574, %swap3A_1575], %swap3A_1578 {strides = array<i32>} : memref<16x656xf32, #tpu.memory_space<vmem>>, vector<1x16xf32>,
        %add3A_1579 = arith.constant 44 : i32
        %add3A_1580 = arith.addi %mul3A_700, %add3A_1579 : i32
        %add3A_1581 = arith.constant 0 : i32
        %add3A_1582 = arith.addi %add3A_1580, %add3A_1581 : i32
        %get3A_1583 = arith.index_cast %add3A_1582 : i32 to index
        %get3A_1584 = arith.constant 0 : index
        %get3A_1585 = tpu.vector_load %arg9[%get3A_1583, %get3A_1584] {strides = array<i32>} : memref<1280x32xf32, #tpu.memory_space<vmem>>, vector<1x16xf32>,
        %get3A_1586 = vector.shape_cast %get3A_1585 : vector<1x16xf32> to vector<16xf32>
        %add3A_1587 = arith.constant 44 : i32
        %add3A_1588 = arith.addi %mul3A_700, %add3A_1587 : i32
        %add3A_1589 = arith.constant 1 : i32
        %add3A_1590 = arith.addi %add3A_1588, %add3A_1589 : i32
        %get3A_1591 = arith.index_cast %add3A_1590 : i32 to index
        %get3A_1592 = arith.constant 0 : index
        %get3A_1593 = tpu.vector_load %arg9[%get3A_1591, %get3A_1592] {strides = array<i32>} : memref<1280x32xf32, #tpu.memory_space<vmem>>, vector<1x16xf32>,
        %get3A_1594 = vector.shape_cast %get3A_1593 : vector<1x16xf32> to vector<16xf32>
        %add3A_1595 = arith.addf %get3A_1586, %get3A_1594 : vector<16xf32>
        %add3A_1596 = arith.constant 44 : i32
        %add3A_1597 = arith.addi %mul3A_700, %add3A_1596 : i32
        %add3A_1598 = arith.constant 2 : i32
        %add3A_1599 = arith.addi %add3A_1597, %add3A_1598 : i32
        %get3A_1600 = arith.index_cast %add3A_1599 : i32 to index
        %get3A_1601 = arith.constant 0 : index
        %get3A_1602 = tpu.vector_load %arg9[%get3A_1600, %get3A_1601] {strides = array<i32>} : memref<1280x32xf32, #tpu.memory_space<vmem>>, vector<1x16xf32>,
        %get3A_1603 = vector.shape_cast %get3A_1602 : vector<1x16xf32> to vector<16xf32>
        %add3A_1604 = arith.addf %add3A_1595, %get3A_1603 : vector<16xf32>
        %add3A_1605 = arith.constant 44 : i32
        %add3A_1606 = arith.addi %mul3A_700, %add3A_1605 : i32
        %add3A_1607 = arith.constant 3 : i32
        %add3A_1608 = arith.addi %add3A_1606, %add3A_1607 : i32
        %get3A_1609 = arith.index_cast %add3A_1608 : i32 to index
        %get3A_1610 = arith.constant 0 : index
        %get3A_1611 = tpu.vector_load %arg9[%get3A_1609, %get3A_1610] {strides = array<i32>} : memref<1280x32xf32, #tpu.memory_space<vmem>>, vector<1x16xf32>,
        %get3A_1612 = vector.shape_cast %get3A_1611 : vector<1x16xf32> to vector<16xf32>
        %add3A_1613 = arith.addf %add3A_1604, %get3A_1612 : vector<16xf32>
        %swap3A_1614 = arith.index_cast %scan3A_698 : i32 to index
        %swap3A_1615 = arith.constant 352 : index
        %swap3A_1616 = tpu.vector_load %arg11[%swap3A_1614, %swap3A_1615] {strides = array<i32>} : memref<16x656xf32, #tpu.memory_space<vmem>>, vector<1x16xf32>,
        %swap3A_1617 = vector.shape_cast %swap3A_1616 : vector<1x16xf32> to vector<16xf32>
        %swap3A_1618 = vector.shape_cast %add3A_1613 : vector<16xf32> to vector<1x16xf32>
        tpu.vector_store %arg11[%swap3A_1614, %swap3A_1615], %swap3A_1618 {strides = array<i32>} : memref<16x656xf32, #tpu.memory_space<vmem>>, vector<1x16xf32>,
        %add3A_1619 = arith.constant 44 : i32
        %add3A_1620 = arith.addi %mul3A_700, %add3A_1619 : i32
        %add3A_1621 = arith.constant 0 : i32
        %add3A_1622 = arith.addi %add3A_1620, %add3A_1621 : i32
        %get3A_1623 = arith.index_cast %add3A_1622 : i32 to index
        %get3A_1624 = arith.constant 16 : index
        %get3A_1625 = tpu.vector_load %arg9[%get3A_1623, %get3A_1624] {strides = array<i32>} : memref<1280x32xf32, #tpu.memory_space<vmem>>, vector<1x16xf32>,
        %get3A_1626 = vector.shape_cast %get3A_1625 : vector<1x16xf32> to vector<16xf32>
        %add3A_1627 = arith.constant 44 : i32
        %add3A_1628 = arith.addi %mul3A_700, %add3A_1627 : i32
        %add3A_1629 = arith.constant 1 : i32
        %add3A_1630 = arith.addi %add3A_1628, %add3A_1629 : i32
        %get3A_1631 = arith.index_cast %add3A_1630 : i32 to index
        %get3A_1632 = arith.constant 16 : index
        %get3A_1633 = tpu.vector_load %arg9[%get3A_1631, %get3A_1632] {strides = array<i32>} : memref<1280x32xf32, #tpu.memory_space<vmem>>, vector<1x16xf32>,
        %get3A_1634 = vector.shape_cast %get3A_1633 : vector<1x16xf32> to vector<16xf32>
        %add3A_1635 = arith.addf %get3A_1626, %get3A_1634 : vector<16xf32>
        %add3A_1636 = arith.constant 44 : i32
        %add3A_1637 = arith.addi %mul3A_700, %add3A_1636 : i32
        %add3A_1638 = arith.constant 2 : i32
        %add3A_1639 = arith.addi %add3A_1637, %add3A_1638 : i32
        %get3A_1640 = arith.index_cast %add3A_1639 : i32 to index
        %get3A_1641 = arith.constant 16 : index
        %get3A_1642 = tpu.vector_load %arg9[%get3A_1640, %get3A_1641] {strides = array<i32>} : memref<1280x32xf32, #tpu.memory_space<vmem>>, vector<1x16xf32>,
        %get3A_1643 = vector.shape_cast %get3A_1642 : vector<1x16xf32> to vector<16xf32>
        %add3A_1644 = arith.addf %add3A_1635, %get3A_1643 : vector<16xf32>
        %add3A_1645 = arith.constant 44 : i32
        %add3A_1646 = arith.addi %mul3A_700, %add3A_1645 : i32
        %add3A_1647 = arith.constant 3 : i32
        %add3A_1648 = arith.addi %add3A_1646, %add3A_1647 : i32
        %get3A_1649 = arith.index_cast %add3A_1648 : i32 to index
        %get3A_1650 = arith.constant 16 : index
        %get3A_1651 = tpu.vector_load %arg9[%get3A_1649, %get3A_1650] {strides = array<i32>} : memref<1280x32xf32, #tpu.memory_space<vmem>>, vector<1x16xf32>,
        %get3A_1652 = vector.shape_cast %get3A_1651 : vector<1x16xf32> to vector<16xf32>
        %add3A_1653 = arith.addf %add3A_1644, %get3A_1652 : vector<16xf32>
        %swap3A_1654 = arith.index_cast %scan3A_698 : i32 to index
        %swap3A_1655 = arith.constant 368 : index
        %swap3A_1656 = tpu.vector_load %arg11[%swap3A_1654, %swap3A_1655] {strides = array<i32>} : memref<16x656xf32, #tpu.memory_space<vmem>>, vector<1x16xf32>,
        %swap3A_1657 = vector.shape_cast %swap3A_1656 : vector<1x16xf32> to vector<16xf32>
        %swap3A_1658 = vector.shape_cast %add3A_1653 : vector<16xf32> to vector<1x16xf32>
        tpu.vector_store %arg11[%swap3A_1654, %swap3A_1655], %swap3A_1658 {strides = array<i32>} : memref<16x656xf32, #tpu.memory_space<vmem>>, vector<1x16xf32>,
        %add3A_1659 = arith.constant 48 : i32
        %add3A_1660 = arith.addi %mul3A_700, %add3A_1659 : i32
        %add3A_1661 = arith.constant 0 : i32
        %add3A_1662 = arith.addi %add3A_1660, %add3A_1661 : i32
        %get3A_1663 = arith.index_cast %add3A_1662 : i32 to index
        %get3A_1664 = arith.constant 0 : index
        %get3A_1665 = tpu.vector_load %arg9[%get3A_1663, %get3A_1664] {strides = array<i32>} : memref<1280x32xf32, #tpu.memory_space<vmem>>, vector<1x16xf32>,
        %get3A_1666 = vector.shape_cast %get3A_1665 : vector<1x16xf32> to vector<16xf32>
        %add3A_1667 = arith.constant 48 : i32
        %add3A_1668 = arith.addi %mul3A_700, %add3A_1667 : i32
        %add3A_1669 = arith.constant 1 : i32
        %add3A_1670 = arith.addi %add3A_1668, %add3A_1669 : i32
        %get3A_1671 = arith.index_cast %add3A_1670 : i32 to index
        %get3A_1672 = arith.constant 0 : index
        %get3A_1673 = tpu.vector_load %arg9[%get3A_1671, %get3A_1672] {strides = array<i32>} : memref<1280x32xf32, #tpu.memory_space<vmem>>, vector<1x16xf32>,
        %get3A_1674 = vector.shape_cast %get3A_1673 : vector<1x16xf32> to vector<16xf32>
        %add3A_1675 = arith.addf %get3A_1666, %get3A_1674 : vector<16xf32>
        %add3A_1676 = arith.constant 48 : i32
        %add3A_1677 = arith.addi %mul3A_700, %add3A_1676 : i32
        %add3A_1678 = arith.constant 2 : i32
        %add3A_1679 = arith.addi %add3A_1677, %add3A_1678 : i32
        %get3A_1680 = arith.index_cast %add3A_1679 : i32 to index
        %get3A_1681 = arith.constant 0 : index
        %get3A_1682 = tpu.vector_load %arg9[%get3A_1680, %get3A_1681] {strides = array<i32>} : memref<1280x32xf32, #tpu.memory_space<vmem>>, vector<1x16xf32>,
        %get3A_1683 = vector.shape_cast %get3A_1682 : vector<1x16xf32> to vector<16xf32>
        %add3A_1684 = arith.addf %add3A_1675, %get3A_1683 : vector<16xf32>
        %add3A_1685 = arith.constant 48 : i32
        %add3A_1686 = arith.addi %mul3A_700, %add3A_1685 : i32
        %add3A_1687 = arith.constant 3 : i32
        %add3A_1688 = arith.addi %add3A_1686, %add3A_1687 : i32
        %get3A_1689 = arith.index_cast %add3A_1688 : i32 to index
        %get3A_1690 = arith.constant 0 : index
        %get3A_1691 = tpu.vector_load %arg9[%get3A_1689, %get3A_1690] {strides = array<i32>} : memref<1280x32xf32, #tpu.memory_space<vmem>>, vector<1x16xf32>,
        %get3A_1692 = vector.shape_cast %get3A_1691 : vector<1x16xf32> to vector<16xf32>
        %add3A_1693 = arith.addf %add3A_1684, %get3A_1692 : vector<16xf32>
        %swap3A_1694 = arith.index_cast %scan3A_698 : i32 to index
        %swap3A_1695 = arith.constant 384 : index
        %swap3A_1696 = tpu.vector_load %arg11[%swap3A_1694, %swap3A_1695] {strides = array<i32>} : memref<16x656xf32, #tpu.memory_space<vmem>>, vector<1x16xf32>,
        %swap3A_1697 = vector.shape_cast %swap3A_1696 : vector<1x16xf32> to vector<16xf32>
        %swap3A_1698 = vector.shape_cast %add3A_1693 : vector<16xf32> to vector<1x16xf32>
        tpu.vector_store %arg11[%swap3A_1694, %swap3A_1695], %swap3A_1698 {strides = array<i32>} : memref<16x656xf32, #tpu.memory_space<vmem>>, vector<1x16xf32>,
        %add3A_1699 = arith.constant 48 : i32
        %add3A_1700 = arith.addi %mul3A_700, %add3A_1699 : i32
        %add3A_1701 = arith.constant 0 : i32
        %add3A_1702 = arith.addi %add3A_1700, %add3A_1701 : i32
        %get3A_1703 = arith.index_cast %add3A_1702 : i32 to index
        %get3A_1704 = arith.constant 16 : index
        %get3A_1705 = tpu.vector_load %arg9[%get3A_1703, %get3A_1704] {strides = array<i32>} : memref<1280x32xf32, #tpu.memory_space<vmem>>, vector<1x16xf32>,
        %get3A_1706 = vector.shape_cast %get3A_1705 : vector<1x16xf32> to vector<16xf32>
        %add3A_1707 = arith.constant 48 : i32
        %add3A_1708 = arith.addi %mul3A_700, %add3A_1707 : i32
        %add3A_1709 = arith.constant 1 : i32
        %add3A_1710 = arith.addi %add3A_1708, %add3A_1709 : i32
        %get3A_1711 = arith.index_cast %add3A_1710 : i32 to index
        %get3A_1712 = arith.constant 16 : index
        %get3A_1713 = tpu.vector_load %arg9[%get3A_1711, %get3A_1712] {strides = array<i32>} : memref<1280x32xf32, #tpu.memory_space<vmem>>, vector<1x16xf32>,
        %get3A_1714 = vector.shape_cast %get3A_1713 : vector<1x16xf32> to vector<16xf32>
        %add3A_1715 = arith.addf %get3A_1706, %get3A_1714 : vector<16xf32>
        %add3A_1716 = arith.constant 48 : i32
        %add3A_1717 = arith.addi %mul3A_700, %add3A_1716 : i32
        %add3A_1718 = arith.constant 2 : i32
        %add3A_1719 = arith.addi %add3A_1717, %add3A_1718 : i32
        %get3A_1720 = arith.index_cast %add3A_1719 : i32 to index
        %get3A_1721 = arith.constant 16 : index
        %get3A_1722 = tpu.vector_load %arg9[%get3A_1720, %get3A_1721] {strides = array<i32>} : memref<1280x32xf32, #tpu.memory_space<vmem>>, vector<1x16xf32>,
        %get3A_1723 = vector.shape_cast %get3A_1722 : vector<1x16xf32> to vector<16xf32>
        %add3A_1724 = arith.addf %add3A_1715, %get3A_1723 : vector<16xf32>
        %add3A_1725 = arith.constant 48 : i32
        %add3A_1726 = arith.addi %mul3A_700, %add3A_1725 : i32
        %add3A_1727 = arith.constant 3 : i32
        %add3A_1728 = arith.addi %add3A_1726, %add3A_1727 : i32
        %get3A_1729 = arith.index_cast %add3A_1728 : i32 to index
        %get3A_1730 = arith.constant 16 : index
        %get3A_1731 = tpu.vector_load %arg9[%get3A_1729, %get3A_1730] {strides = array<i32>} : memref<1280x32xf32, #tpu.memory_space<vmem>>, vector<1x16xf32>,
        %get3A_1732 = vector.shape_cast %get3A_1731 : vector<1x16xf32> to vector<16xf32>
        %add3A_1733 = arith.addf %add3A_1724, %get3A_1732 : vector<16xf32>
        %swap3A_1734 = arith.index_cast %scan3A_698 : i32 to index
        %swap3A_1735 = arith.constant 400 : index
        %swap3A_1736 = tpu.vector_load %arg11[%swap3A_1734, %swap3A_1735] {strides = array<i32>} : memref<16x656xf32, #tpu.memory_space<vmem>>, vector<1x16xf32>,
        %swap3A_1737 = vector.shape_cast %swap3A_1736 : vector<1x16xf32> to vector<16xf32>
        %swap3A_1738 = vector.shape_cast %add3A_1733 : vector<16xf32> to vector<1x16xf32>
        tpu.vector_store %arg11[%swap3A_1734, %swap3A_1735], %swap3A_1738 {strides = array<i32>} : memref<16x656xf32, #tpu.memory_space<vmem>>, vector<1x16xf32>,
        %add3A_1739 = arith.constant 52 : i32
        %add3A_1740 = arith.addi %mul3A_700, %add3A_1739 : i32
        %add3A_1741 = arith.constant 0 : i32
        %add3A_1742 = arith.addi %add3A_1740, %add3A_1741 : i32
        %get3A_1743 = arith.index_cast %add3A_1742 : i32 to index
        %get3A_1744 = arith.constant 0 : index
        %get3A_1745 = tpu.vector_load %arg9[%get3A_1743, %get3A_1744] {strides = array<i32>} : memref<1280x32xf32, #tpu.memory_space<vmem>>, vector<1x16xf32>,
        %get3A_1746 = vector.shape_cast %get3A_1745 : vector<1x16xf32> to vector<16xf32>
        %add3A_1747 = arith.constant 52 : i32
        %add3A_1748 = arith.addi %mul3A_700, %add3A_1747 : i32
        %add3A_1749 = arith.constant 1 : i32
        %add3A_1750 = arith.addi %add3A_1748, %add3A_1749 : i32
        %get3A_1751 = arith.index_cast %add3A_1750 : i32 to index
        %get3A_1752 = arith.constant 0 : index
        %get3A_1753 = tpu.vector_load %arg9[%get3A_1751, %get3A_1752] {strides = array<i32>} : memref<1280x32xf32, #tpu.memory_space<vmem>>, vector<1x16xf32>,
        %get3A_1754 = vector.shape_cast %get3A_1753 : vector<1x16xf32> to vector<16xf32>
        %add3A_1755 = arith.addf %get3A_1746, %get3A_1754 : vector<16xf32>
        %add3A_1756 = arith.constant 52 : i32
        %add3A_1757 = arith.addi %mul3A_700, %add3A_1756 : i32
        %add3A_1758 = arith.constant 2 : i32
        %add3A_1759 = arith.addi %add3A_1757, %add3A_1758 : i32
        %get3A_1760 = arith.index_cast %add3A_1759 : i32 to index
        %get3A_1761 = arith.constant 0 : index
        %get3A_1762 = tpu.vector_load %arg9[%get3A_1760, %get3A_1761] {strides = array<i32>} : memref<1280x32xf32, #tpu.memory_space<vmem>>, vector<1x16xf32>,
        %get3A_1763 = vector.shape_cast %get3A_1762 : vector<1x16xf32> to vector<16xf32>
        %add3A_1764 = arith.addf %add3A_1755, %get3A_1763 : vector<16xf32>
        %add3A_1765 = arith.constant 52 : i32
        %add3A_1766 = arith.addi %mul3A_700, %add3A_1765 : i32
        %add3A_1767 = arith.constant 3 : i32
        %add3A_1768 = arith.addi %add3A_1766, %add3A_1767 : i32
        %get3A_1769 = arith.index_cast %add3A_1768 : i32 to index
        %get3A_1770 = arith.constant 0 : index
        %get3A_1771 = tpu.vector_load %arg9[%get3A_1769, %get3A_1770] {strides = array<i32>} : memref<1280x32xf32, #tpu.memory_space<vmem>>, vector<1x16xf32>,
        %get3A_1772 = vector.shape_cast %get3A_1771 : vector<1x16xf32> to vector<16xf32>
        %add3A_1773 = arith.addf %add3A_1764, %get3A_1772 : vector<16xf32>
        %swap3A_1774 = arith.index_cast %scan3A_698 : i32 to index
        %swap3A_1775 = arith.constant 416 : index
        %swap3A_1776 = tpu.vector_load %arg11[%swap3A_1774, %swap3A_1775] {strides = array<i32>} : memref<16x656xf32, #tpu.memory_space<vmem>>, vector<1x16xf32>,
        %swap3A_1777 = vector.shape_cast %swap3A_1776 : vector<1x16xf32> to vector<16xf32>
        %swap3A_1778 = vector.shape_cast %add3A_1773 : vector<16xf32> to vector<1x16xf32>
        tpu.vector_store %arg11[%swap3A_1774, %swap3A_1775], %swap3A_1778 {strides = array<i32>} : memref<16x656xf32, #tpu.memory_space<vmem>>, vector<1x16xf32>,
        %add3A_1779 = arith.constant 52 : i32
        %add3A_1780 = arith.addi %mul3A_700, %add3A_1779 : i32
        %add3A_1781 = arith.constant 0 : i32
        %add3A_1782 = arith.addi %add3A_1780, %add3A_1781 : i32
        %get3A_1783 = arith.index_cast %add3A_1782 : i32 to index
        %get3A_1784 = arith.constant 16 : index
        %get3A_1785 = tpu.vector_load %arg9[%get3A_1783, %get3A_1784] {strides = array<i32>} : memref<1280x32xf32, #tpu.memory_space<vmem>>, vector<1x16xf32>,
        %get3A_1786 = vector.shape_cast %get3A_1785 : vector<1x16xf32> to vector<16xf32>
        %add3A_1787 = arith.constant 52 : i32
        %add3A_1788 = arith.addi %mul3A_700, %add3A_1787 : i32
        %add3A_1789 = arith.constant 1 : i32
        %add3A_1790 = arith.addi %add3A_1788, %add3A_1789 : i32
        %get3A_1791 = arith.index_cast %add3A_1790 : i32 to index
        %get3A_1792 = arith.constant 16 : index
        %get3A_1793 = tpu.vector_load %arg9[%get3A_1791, %get3A_1792] {strides = array<i32>} : memref<1280x32xf32, #tpu.memory_space<vmem>>, vector<1x16xf32>,
        %get3A_1794 = vector.shape_cast %get3A_1793 : vector<1x16xf32> to vector<16xf32>
        %add3A_1795 = arith.addf %get3A_1786, %get3A_1794 : vector<16xf32>
        %add3A_1796 = arith.constant 52 : i32
        %add3A_1797 = arith.addi %mul3A_700, %add3A_1796 : i32
        %add3A_1798 = arith.constant 2 : i32
        %add3A_1799 = arith.addi %add3A_1797, %add3A_1798 : i32
        %get3A_1800 = arith.index_cast %add3A_1799 : i32 to index
        %get3A_1801 = arith.constant 16 : index
        %get3A_1802 = tpu.vector_load %arg9[%get3A_1800, %get3A_1801] {strides = array<i32>} : memref<1280x32xf32, #tpu.memory_space<vmem>>, vector<1x16xf32>,
        %get3A_1803 = vector.shape_cast %get3A_1802 : vector<1x16xf32> to vector<16xf32>
        %add3A_1804 = arith.addf %add3A_1795, %get3A_1803 : vector<16xf32>
        %add3A_1805 = arith.constant 52 : i32
        %add3A_1806 = arith.addi %mul3A_700, %add3A_1805 : i32
        %add3A_1807 = arith.constant 3 : i32
        %add3A_1808 = arith.addi %add3A_1806, %add3A_1807 : i32
        %get3A_1809 = arith.index_cast %add3A_1808 : i32 to index
        %get3A_1810 = arith.constant 16 : index
        %get3A_1811 = tpu.vector_load %arg9[%get3A_1809, %get3A_1810] {strides = array<i32>} : memref<1280x32xf32, #tpu.memory_space<vmem>>, vector<1x16xf32>,
        %get3A_1812 = vector.shape_cast %get3A_1811 : vector<1x16xf32> to vector<16xf32>
        %add3A_1813 = arith.addf %add3A_1804, %get3A_1812 : vector<16xf32>
        %swap3A_1814 = arith.index_cast %scan3A_698 : i32 to index
        %swap3A_1815 = arith.constant 432 : index
        %swap3A_1816 = tpu.vector_load %arg11[%swap3A_1814, %swap3A_1815] {strides = array<i32>} : memref<16x656xf32, #tpu.memory_space<vmem>>, vector<1x16xf32>,
        %swap3A_1817 = vector.shape_cast %swap3A_1816 : vector<1x16xf32> to vector<16xf32>
        %swap3A_1818 = vector.shape_cast %add3A_1813 : vector<16xf32> to vector<1x16xf32>
        tpu.vector_store %arg11[%swap3A_1814, %swap3A_1815], %swap3A_1818 {strides = array<i32>} : memref<16x656xf32, #tpu.memory_space<vmem>>, vector<1x16xf32>,
        %add3A_1819 = arith.constant 56 : i32
        %add3A_1820 = arith.addi %mul3A_700, %add3A_1819 : i32
        %add3A_1821 = arith.constant 0 : i32
        %add3A_1822 = arith.addi %add3A_1820, %add3A_1821 : i32
        %get3A_1823 = arith.index_cast %add3A_1822 : i32 to index
        %get3A_1824 = arith.constant 0 : index
        %get3A_1825 = tpu.vector_load %arg9[%get3A_1823, %get3A_1824] {strides = array<i32>} : memref<1280x32xf32, #tpu.memory_space<vmem>>, vector<1x16xf32>,
        %get3A_1826 = vector.shape_cast %get3A_1825 : vector<1x16xf32> to vector<16xf32>
        %add3A_1827 = arith.constant 56 : i32
        %add3A_1828 = arith.addi %mul3A_700, %add3A_1827 : i32
        %add3A_1829 = arith.constant 1 : i32
        %add3A_1830 = arith.addi %add3A_1828, %add3A_1829 : i32
        %get3A_1831 = arith.index_cast %add3A_1830 : i32 to index
        %get3A_1832 = arith.constant 0 : index
        %get3A_1833 = tpu.vector_load %arg9[%get3A_1831, %get3A_1832] {strides = array<i32>} : memref<1280x32xf32, #tpu.memory_space<vmem>>, vector<1x16xf32>,
        %get3A_1834 = vector.shape_cast %get3A_1833 : vector<1x16xf32> to vector<16xf32>
        %add3A_1835 = arith.addf %get3A_1826, %get3A_1834 : vector<16xf32>
        %add3A_1836 = arith.constant 56 : i32
        %add3A_1837 = arith.addi %mul3A_700, %add3A_1836 : i32
        %add3A_1838 = arith.constant 2 : i32
        %add3A_1839 = arith.addi %add3A_1837, %add3A_1838 : i32
        %get3A_1840 = arith.index_cast %add3A_1839 : i32 to index
        %get3A_1841 = arith.constant 0 : index
        %get3A_1842 = tpu.vector_load %arg9[%get3A_1840, %get3A_1841] {strides = array<i32>} : memref<1280x32xf32, #tpu.memory_space<vmem>>, vector<1x16xf32>,
        %get3A_1843 = vector.shape_cast %get3A_1842 : vector<1x16xf32> to vector<16xf32>
        %add3A_1844 = arith.addf %add3A_1835, %get3A_1843 : vector<16xf32>
        %add3A_1845 = arith.constant 56 : i32
        %add3A_1846 = arith.addi %mul3A_700, %add3A_1845 : i32
        %add3A_1847 = arith.constant 3 : i32
        %add3A_1848 = arith.addi %add3A_1846, %add3A_1847 : i32
        %get3A_1849 = arith.index_cast %add3A_1848 : i32 to index
        %get3A_1850 = arith.constant 0 : index
        %get3A_1851 = tpu.vector_load %arg9[%get3A_1849, %get3A_1850] {strides = array<i32>} : memref<1280x32xf32, #tpu.memory_space<vmem>>, vector<1x16xf32>,
        %get3A_1852 = vector.shape_cast %get3A_1851 : vector<1x16xf32> to vector<16xf32>
        %add3A_1853 = arith.addf %add3A_1844, %get3A_1852 : vector<16xf32>
        %swap3A_1854 = arith.index_cast %scan3A_698 : i32 to index
        %swap3A_1855 = arith.constant 448 : index
        %swap3A_1856 = tpu.vector_load %arg11[%swap3A_1854, %swap3A_1855] {strides = array<i32>} : memref<16x656xf32, #tpu.memory_space<vmem>>, vector<1x16xf32>,
        %swap3A_1857 = vector.shape_cast %swap3A_1856 : vector<1x16xf32> to vector<16xf32>
        %swap3A_1858 = vector.shape_cast %add3A_1853 : vector<16xf32> to vector<1x16xf32>
        tpu.vector_store %arg11[%swap3A_1854, %swap3A_1855], %swap3A_1858 {strides = array<i32>} : memref<16x656xf32, #tpu.memory_space<vmem>>, vector<1x16xf32>,
        %add3A_1859 = arith.constant 56 : i32
        %add3A_1860 = arith.addi %mul3A_700, %add3A_1859 : i32
        %add3A_1861 = arith.constant 0 : i32
        %add3A_1862 = arith.addi %add3A_1860, %add3A_1861 : i32
        %get3A_1863 = arith.index_cast %add3A_1862 : i32 to index
        %get3A_1864 = arith.constant 16 : index
        %get3A_1865 = tpu.vector_load %arg9[%get3A_1863, %get3A_1864] {strides = array<i32>} : memref<1280x32xf32, #tpu.memory_space<vmem>>, vector<1x16xf32>,
        %get3A_1866 = vector.shape_cast %get3A_1865 : vector<1x16xf32> to vector<16xf32>
        %add3A_1867 = arith.constant 56 : i32
        %add3A_1868 = arith.addi %mul3A_700, %add3A_1867 : i32
        %add3A_1869 = arith.constant 1 : i32
        %add3A_1870 = arith.addi %add3A_1868, %add3A_1869 : i32
        %get3A_1871 = arith.index_cast %add3A_1870 : i32 to index
        %get3A_1872 = arith.constant 16 : index
        %get3A_1873 = tpu.vector_load %arg9[%get3A_1871, %get3A_1872] {strides = array<i32>} : memref<1280x32xf32, #tpu.memory_space<vmem>>, vector<1x16xf32>,
        %get3A_1874 = vector.shape_cast %get3A_1873 : vector<1x16xf32> to vector<16xf32>
        %add3A_1875 = arith.addf %get3A_1866, %get3A_1874 : vector<16xf32>
        %add3A_1876 = arith.constant 56 : i32
        %add3A_1877 = arith.addi %mul3A_700, %add3A_1876 : i32
        %add3A_1878 = arith.constant 2 : i32
        %add3A_1879 = arith.addi %add3A_1877, %add3A_1878 : i32
        %get3A_1880 = arith.index_cast %add3A_1879 : i32 to index
        %get3A_1881 = arith.constant 16 : index
        %get3A_1882 = tpu.vector_load %arg9[%get3A_1880, %get3A_1881] {strides = array<i32>} : memref<1280x32xf32, #tpu.memory_space<vmem>>, vector<1x16xf32>,
        %get3A_1883 = vector.shape_cast %get3A_1882 : vector<1x16xf32> to vector<16xf32>
        %add3A_1884 = arith.addf %add3A_1875, %get3A_1883 : vector<16xf32>
        %add3A_1885 = arith.constant 56 : i32
        %add3A_1886 = arith.addi %mul3A_700, %add3A_1885 : i32
        %add3A_1887 = arith.constant 3 : i32
        %add3A_1888 = arith.addi %add3A_1886, %add3A_1887 : i32
        %get3A_1889 = arith.index_cast %add3A_1888 : i32 to index
        %get3A_1890 = arith.constant 16 : index
        %get3A_1891 = tpu.vector_load %arg9[%get3A_1889, %get3A_1890] {strides = array<i32>} : memref<1280x32xf32, #tpu.memory_space<vmem>>, vector<1x16xf32>,
        %get3A_1892 = vector.shape_cast %get3A_1891 : vector<1x16xf32> to vector<16xf32>
        %add3A_1893 = arith.addf %add3A_1884, %get3A_1892 : vector<16xf32>
        %swap3A_1894 = arith.index_cast %scan3A_698 : i32 to index
        %swap3A_1895 = arith.constant 464 : index
        %swap3A_1896 = tpu.vector_load %arg11[%swap3A_1894, %swap3A_1895] {strides = array<i32>} : memref<16x656xf32, #tpu.memory_space<vmem>>, vector<1x16xf32>,
        %swap3A_1897 = vector.shape_cast %swap3A_1896 : vector<1x16xf32> to vector<16xf32>
        %swap3A_1898 = vector.shape_cast %add3A_1893 : vector<16xf32> to vector<1x16xf32>
        tpu.vector_store %arg11[%swap3A_1894, %swap3A_1895], %swap3A_1898 {strides = array<i32>} : memref<16x656xf32, #tpu.memory_space<vmem>>, vector<1x16xf32>,
        %add3A_1899 = arith.constant 60 : i32
        %add3A_1900 = arith.addi %mul3A_700, %add3A_1899 : i32
        %add3A_1901 = arith.constant 0 : i32
        %add3A_1902 = arith.addi %add3A_1900, %add3A_1901 : i32
        %get3A_1903 = arith.index_cast %add3A_1902 : i32 to index
        %get3A_1904 = arith.constant 0 : index
        %get3A_1905 = tpu.vector_load %arg9[%get3A_1903, %get3A_1904] {strides = array<i32>} : memref<1280x32xf32, #tpu.memory_space<vmem>>, vector<1x16xf32>,
        %get3A_1906 = vector.shape_cast %get3A_1905 : vector<1x16xf32> to vector<16xf32>
        %add3A_1907 = arith.constant 60 : i32
        %add3A_1908 = arith.addi %mul3A_700, %add3A_1907 : i32
        %add3A_1909 = arith.constant 1 : i32
        %add3A_1910 = arith.addi %add3A_1908, %add3A_1909 : i32
        %get3A_1911 = arith.index_cast %add3A_1910 : i32 to index
        %get3A_1912 = arith.constant 0 : index
        %get3A_1913 = tpu.vector_load %arg9[%get3A_1911, %get3A_1912] {strides = array<i32>} : memref<1280x32xf32, #tpu.memory_space<vmem>>, vector<1x16xf32>,
        %get3A_1914 = vector.shape_cast %get3A_1913 : vector<1x16xf32> to vector<16xf32>
        %add3A_1915 = arith.addf %get3A_1906, %get3A_1914 : vector<16xf32>
        %add3A_1916 = arith.constant 60 : i32
        %add3A_1917 = arith.addi %mul3A_700, %add3A_1916 : i32
        %add3A_1918 = arith.constant 2 : i32
        %add3A_1919 = arith.addi %add3A_1917, %add3A_1918 : i32
        %get3A_1920 = arith.index_cast %add3A_1919 : i32 to index
        %get3A_1921 = arith.constant 0 : index
        %get3A_1922 = tpu.vector_load %arg9[%get3A_1920, %get3A_1921] {strides = array<i32>} : memref<1280x32xf32, #tpu.memory_space<vmem>>, vector<1x16xf32>,
        %get3A_1923 = vector.shape_cast %get3A_1922 : vector<1x16xf32> to vector<16xf32>
        %add3A_1924 = arith.addf %add3A_1915, %get3A_1923 : vector<16xf32>
        %add3A_1925 = arith.constant 60 : i32
        %add3A_1926 = arith.addi %mul3A_700, %add3A_1925 : i32
        %add3A_1927 = arith.constant 3 : i32
        %add3A_1928 = arith.addi %add3A_1926, %add3A_1927 : i32
        %get3A_1929 = arith.index_cast %add3A_1928 : i32 to index
        %get3A_1930 = arith.constant 0 : index
        %get3A_1931 = tpu.vector_load %arg9[%get3A_1929, %get3A_1930] {strides = array<i32>} : memref<1280x32xf32, #tpu.memory_space<vmem>>, vector<1x16xf32>,
        %get3A_1932 = vector.shape_cast %get3A_1931 : vector<1x16xf32> to vector<16xf32>
        %add3A_1933 = arith.addf %add3A_1924, %get3A_1932 : vector<16xf32>
        %swap3A_1934 = arith.index_cast %scan3A_698 : i32 to index
        %swap3A_1935 = arith.constant 480 : index
        %swap3A_1936 = tpu.vector_load %arg11[%swap3A_1934, %swap3A_1935] {strides = array<i32>} : memref<16x656xf32, #tpu.memory_space<vmem>>, vector<1x16xf32>,
        %swap3A_1937 = vector.shape_cast %swap3A_1936 : vector<1x16xf32> to vector<16xf32>
        %swap3A_1938 = vector.shape_cast %add3A_1933 : vector<16xf32> to vector<1x16xf32>
        tpu.vector_store %arg11[%swap3A_1934, %swap3A_1935], %swap3A_1938 {strides = array<i32>} : memref<16x656xf32, #tpu.memory_space<vmem>>, vector<1x16xf32>,
        %add3A_1939 = arith.constant 60 : i32
        %add3A_1940 = arith.addi %mul3A_700, %add3A_1939 : i32
        %add3A_1941 = arith.constant 0 : i32
        %add3A_1942 = arith.addi %add3A_1940, %add3A_1941 : i32
        %get3A_1943 = arith.index_cast %add3A_1942 : i32 to index
        %get3A_1944 = arith.constant 16 : index
        %get3A_1945 = tpu.vector_load %arg9[%get3A_1943, %get3A_1944] {strides = array<i32>} : memref<1280x32xf32, #tpu.memory_space<vmem>>, vector<1x16xf32>,
        %get3A_1946 = vector.shape_cast %get3A_1945 : vector<1x16xf32> to vector<16xf32>
        %add3A_1947 = arith.constant 60 : i32
        %add3A_1948 = arith.addi %mul3A_700, %add3A_1947 : i32
        %add3A_1949 = arith.constant 1 : i32
        %add3A_1950 = arith.addi %add3A_1948, %add3A_1949 : i32
        %get3A_1951 = arith.index_cast %add3A_1950 : i32 to index
        %get3A_1952 = arith.constant 16 : index
        %get3A_1953 = tpu.vector_load %arg9[%get3A_1951, %get3A_1952] {strides = array<i32>} : memref<1280x32xf32, #tpu.memory_space<vmem>>, vector<1x16xf32>,
        %get3A_1954 = vector.shape_cast %get3A_1953 : vector<1x16xf32> to vector<16xf32>
        %add3A_1955 = arith.addf %get3A_1946, %get3A_1954 : vector<16xf32>
        %add3A_1956 = arith.constant 60 : i32
        %add3A_1957 = arith.addi %mul3A_700, %add3A_1956 : i32
        %add3A_1958 = arith.constant 2 : i32
        %add3A_1959 = arith.addi %add3A_1957, %add3A_1958 : i32
        %get3A_1960 = arith.index_cast %add3A_1959 : i32 to index
        %get3A_1961 = arith.constant 16 : index
        %get3A_1962 = tpu.vector_load %arg9[%get3A_1960, %get3A_1961] {strides = array<i32>} : memref<1280x32xf32, #tpu.memory_space<vmem>>, vector<1x16xf32>,
        %get3A_1963 = vector.shape_cast %get3A_1962 : vector<1x16xf32> to vector<16xf32>
        %add3A_1964 = arith.addf %add3A_1955, %get3A_1963 : vector<16xf32>
        %add3A_1965 = arith.constant 60 : i32
        %add3A_1966 = arith.addi %mul3A_700, %add3A_1965 : i32
        %add3A_1967 = arith.constant 3 : i32
        %add3A_1968 = arith.addi %add3A_1966, %add3A_1967 : i32
        %get3A_1969 = arith.index_cast %add3A_1968 : i32 to index
        %get3A_1970 = arith.constant 16 : index
        %get3A_1971 = tpu.vector_load %arg9[%get3A_1969, %get3A_1970] {strides = array<i32>} : memref<1280x32xf32, #tpu.memory_space<vmem>>, vector<1x16xf32>,
        %get3A_1972 = vector.shape_cast %get3A_1971 : vector<1x16xf32> to vector<16xf32>
        %add3A_1973 = arith.addf %add3A_1964, %get3A_1972 : vector<16xf32>
        %swap3A_1974 = arith.index_cast %scan3A_698 : i32 to index
        %swap3A_1975 = arith.constant 496 : index
        %swap3A_1976 = tpu.vector_load %arg11[%swap3A_1974, %swap3A_1975] {strides = array<i32>} : memref<16x656xf32, #tpu.memory_space<vmem>>, vector<1x16xf32>,
        %swap3A_1977 = vector.shape_cast %swap3A_1976 : vector<1x16xf32> to vector<16xf32>
        %swap3A_1978 = vector.shape_cast %add3A_1973 : vector<16xf32> to vector<1x16xf32>
        tpu.vector_store %arg11[%swap3A_1974, %swap3A_1975], %swap3A_1978 {strides = array<i32>} : memref<16x656xf32, #tpu.memory_space<vmem>>, vector<1x16xf32>,
        %add3A_1979 = arith.constant 64 : i32
        %add3A_1980 = arith.addi %mul3A_700, %add3A_1979 : i32
        %add3A_1981 = arith.constant 0 : i32
        %add3A_1982 = arith.addi %add3A_1980, %add3A_1981 : i32
        %get3A_1983 = arith.index_cast %add3A_1982 : i32 to index
        %get3A_1984 = arith.constant 0 : index
        %get3A_1985 = tpu.vector_load %arg9[%get3A_1983, %get3A_1984] {strides = array<i32>} : memref<1280x32xf32, #tpu.memory_space<vmem>>, vector<1x16xf32>,
        %get3A_1986 = vector.shape_cast %get3A_1985 : vector<1x16xf32> to vector<16xf32>
        %add3A_1987 = arith.constant 64 : i32
        %add3A_1988 = arith.addi %mul3A_700, %add3A_1987 : i32
        %add3A_1989 = arith.constant 1 : i32
        %add3A_1990 = arith.addi %add3A_1988, %add3A_1989 : i32
        %get3A_1991 = arith.index_cast %add3A_1990 : i32 to index
        %get3A_1992 = arith.constant 0 : index
        %get3A_1993 = tpu.vector_load %arg9[%get3A_1991, %get3A_1992] {strides = array<i32>} : memref<1280x32xf32, #tpu.memory_space<vmem>>, vector<1x16xf32>,
        %get3A_1994 = vector.shape_cast %get3A_1993 : vector<1x16xf32> to vector<16xf32>
        %add3A_1995 = arith.addf %get3A_1986, %get3A_1994 : vector<16xf32>
        %add3A_1996 = arith.constant 64 : i32
        %add3A_1997 = arith.addi %mul3A_700, %add3A_1996 : i32
        %add3A_1998 = arith.constant 2 : i32
        %add3A_1999 = arith.addi %add3A_1997, %add3A_1998 : i32
        %get3A_2000 = arith.index_cast %add3A_1999 : i32 to index
        %get3A_2001 = arith.constant 0 : index
        %get3A_2002 = tpu.vector_load %arg9[%get3A_2000, %get3A_2001] {strides = array<i32>} : memref<1280x32xf32, #tpu.memory_space<vmem>>, vector<1x16xf32>,
        %get3A_2003 = vector.shape_cast %get3A_2002 : vector<1x16xf32> to vector<16xf32>
        %add3A_2004 = arith.addf %add3A_1995, %get3A_2003 : vector<16xf32>
        %add3A_2005 = arith.constant 64 : i32
        %add3A_2006 = arith.addi %mul3A_700, %add3A_2005 : i32
        %add3A_2007 = arith.constant 3 : i32
        %add3A_2008 = arith.addi %add3A_2006, %add3A_2007 : i32
        %get3A_2009 = arith.index_cast %add3A_2008 : i32 to index
        %get3A_2010 = arith.constant 0 : index
        %get3A_2011 = tpu.vector_load %arg9[%get3A_2009, %get3A_2010] {strides = array<i32>} : memref<1280x32xf32, #tpu.memory_space<vmem>>, vector<1x16xf32>,
        %get3A_2012 = vector.shape_cast %get3A_2011 : vector<1x16xf32> to vector<16xf32>
        %add3A_2013 = arith.addf %add3A_2004, %get3A_2012 : vector<16xf32>
        %swap3A_2014 = arith.index_cast %scan3A_698 : i32 to index
        %swap3A_2015 = arith.constant 512 : index
        %swap3A_2016 = tpu.vector_load %arg11[%swap3A_2014, %swap3A_2015] {strides = array<i32>} : memref<16x656xf32, #tpu.memory_space<vmem>>, vector<1x16xf32>,
        %swap3A_2017 = vector.shape_cast %swap3A_2016 : vector<1x16xf32> to vector<16xf32>
        %swap3A_2018 = vector.shape_cast %add3A_2013 : vector<16xf32> to vector<1x16xf32>
        tpu.vector_store %arg11[%swap3A_2014, %swap3A_2015], %swap3A_2018 {strides = array<i32>} : memref<16x656xf32, #tpu.memory_space<vmem>>, vector<1x16xf32>,
        %add3A_2019 = arith.constant 64 : i32
        %add3A_2020 = arith.addi %mul3A_700, %add3A_2019 : i32
        %add3A_2021 = arith.constant 0 : i32
        %add3A_2022 = arith.addi %add3A_2020, %add3A_2021 : i32
        %get3A_2023 = arith.index_cast %add3A_2022 : i32 to index
        %get3A_2024 = arith.constant 16 : index
        %get3A_2025 = tpu.vector_load %arg9[%get3A_2023, %get3A_2024] {strides = array<i32>} : memref<1280x32xf32, #tpu.memory_space<vmem>>, vector<1x16xf32>,
        %get3A_2026 = vector.shape_cast %get3A_2025 : vector<1x16xf32> to vector<16xf32>
        %add3A_2027 = arith.constant 64 : i32
        %add3A_2028 = arith.addi %mul3A_700, %add3A_2027 : i32
        %add3A_2029 = arith.constant 1 : i32
        %add3A_2030 = arith.addi %add3A_2028, %add3A_2029 : i32
        %get3A_2031 = arith.index_cast %add3A_2030 : i32 to index
        %get3A_2032 = arith.constant 16 : index
        %get3A_2033 = tpu.vector_load %arg9[%get3A_2031, %get3A_2032] {strides = array<i32>} : memref<1280x32xf32, #tpu.memory_space<vmem>>, vector<1x16xf32>,
        %get3A_2034 = vector.shape_cast %get3A_2033 : vector<1x16xf32> to vector<16xf32>
        %add3A_2035 = arith.addf %get3A_2026, %get3A_2034 : vector<16xf32>
        %add3A_2036 = arith.constant 64 : i32
        %add3A_2037 = arith.addi %mul3A_700, %add3A_2036 : i32
        %add3A_2038 = arith.constant 2 : i32
        %add3A_2039 = arith.addi %add3A_2037, %add3A_2038 : i32
        %get3A_2040 = arith.index_cast %add3A_2039 : i32 to index
        %get3A_2041 = arith.constant 16 : index
        %get3A_2042 = tpu.vector_load %arg9[%get3A_2040, %get3A_2041] {strides = array<i32>} : memref<1280x32xf32, #tpu.memory_space<vmem>>, vector<1x16xf32>,
        %get3A_2043 = vector.shape_cast %get3A_2042 : vector<1x16xf32> to vector<16xf32>
        %add3A_2044 = arith.addf %add3A_2035, %get3A_2043 : vector<16xf32>
        %add3A_2045 = arith.constant 64 : i32
        %add3A_2046 = arith.addi %mul3A_700, %add3A_2045 : i32
        %add3A_2047 = arith.constant 3 : i32
        %add3A_2048 = arith.addi %add3A_2046, %add3A_2047 : i32
        %get3A_2049 = arith.index_cast %add3A_2048 : i32 to index
        %get3A_2050 = arith.constant 16 : index
        %get3A_2051 = tpu.vector_load %arg9[%get3A_2049, %get3A_2050] {strides = array<i32>} : memref<1280x32xf32, #tpu.memory_space<vmem>>, vector<1x16xf32>,
        %get3A_2052 = vector.shape_cast %get3A_2051 : vector<1x16xf32> to vector<16xf32>
        %add3A_2053 = arith.addf %add3A_2044, %get3A_2052 : vector<16xf32>
        %swap3A_2054 = arith.index_cast %scan3A_698 : i32 to index
        %swap3A_2055 = arith.constant 528 : index
        %swap3A_2056 = tpu.vector_load %arg11[%swap3A_2054, %swap3A_2055] {strides = array<i32>} : memref<16x656xf32, #tpu.memory_space<vmem>>, vector<1x16xf32>,
        %swap3A_2057 = vector.shape_cast %swap3A_2056 : vector<1x16xf32> to vector<16xf32>
        %swap3A_2058 = vector.shape_cast %add3A_2053 : vector<16xf32> to vector<1x16xf32>
        tpu.vector_store %arg11[%swap3A_2054, %swap3A_2055], %swap3A_2058 {strides = array<i32>} : memref<16x656xf32, #tpu.memory_space<vmem>>, vector<1x16xf32>,
        %add3A_2059 = arith.constant 68 : i32
        %add3A_2060 = arith.addi %mul3A_700, %add3A_2059 : i32
        %add3A_2061 = arith.constant 0 : i32
        %add3A_2062 = arith.addi %add3A_2060, %add3A_2061 : i32
        %get3A_2063 = arith.index_cast %add3A_2062 : i32 to index
        %get3A_2064 = arith.constant 0 : index
        %get3A_2065 = tpu.vector_load %arg9[%get3A_2063, %get3A_2064] {strides = array<i32>} : memref<1280x32xf32, #tpu.memory_space<vmem>>, vector<1x16xf32>,
        %get3A_2066 = vector.shape_cast %get3A_2065 : vector<1x16xf32> to vector<16xf32>
        %add3A_2067 = arith.constant 68 : i32
        %add3A_2068 = arith.addi %mul3A_700, %add3A_2067 : i32
        %add3A_2069 = arith.constant 1 : i32
        %add3A_2070 = arith.addi %add3A_2068, %add3A_2069 : i32
        %get3A_2071 = arith.index_cast %add3A_2070 : i32 to index
        %get3A_2072 = arith.constant 0 : index
        %get3A_2073 = tpu.vector_load %arg9[%get3A_2071, %get3A_2072] {strides = array<i32>} : memref<1280x32xf32, #tpu.memory_space<vmem>>, vector<1x16xf32>,
        %get3A_2074 = vector.shape_cast %get3A_2073 : vector<1x16xf32> to vector<16xf32>
        %add3A_2075 = arith.addf %get3A_2066, %get3A_2074 : vector<16xf32>
        %add3A_2076 = arith.constant 68 : i32
        %add3A_2077 = arith.addi %mul3A_700, %add3A_2076 : i32
        %add3A_2078 = arith.constant 2 : i32
        %add3A_2079 = arith.addi %add3A_2077, %add3A_2078 : i32
        %get3A_2080 = arith.index_cast %add3A_2079 : i32 to index
        %get3A_2081 = arith.constant 0 : index
        %get3A_2082 = tpu.vector_load %arg9[%get3A_2080, %get3A_2081] {strides = array<i32>} : memref<1280x32xf32, #tpu.memory_space<vmem>>, vector<1x16xf32>,
        %get3A_2083 = vector.shape_cast %get3A_2082 : vector<1x16xf32> to vector<16xf32>
        %add3A_2084 = arith.addf %add3A_2075, %get3A_2083 : vector<16xf32>
        %add3A_2085 = arith.constant 68 : i32
        %add3A_2086 = arith.addi %mul3A_700, %add3A_2085 : i32
        %add3A_2087 = arith.constant 3 : i32
        %add3A_2088 = arith.addi %add3A_2086, %add3A_2087 : i32
        %get3A_2089 = arith.index_cast %add3A_2088 : i32 to index
        %get3A_2090 = arith.constant 0 : index
        %get3A_2091 = tpu.vector_load %arg9[%get3A_2089, %get3A_2090] {strides = array<i32>} : memref<1280x32xf32, #tpu.memory_space<vmem>>, vector<1x16xf32>,
        %get3A_2092 = vector.shape_cast %get3A_2091 : vector<1x16xf32> to vector<16xf32>
        %add3A_2093 = arith.addf %add3A_2084, %get3A_2092 : vector<16xf32>
        %swap3A_2094 = arith.index_cast %scan3A_698 : i32 to index
        %swap3A_2095 = arith.constant 544 : index
        %swap3A_2096 = tpu.vector_load %arg11[%swap3A_2094, %swap3A_2095] {strides = array<i32>} : memref<16x656xf32, #tpu.memory_space<vmem>>, vector<1x16xf32>,
        %swap3A_2097 = vector.shape_cast %swap3A_2096 : vector<1x16xf32> to vector<16xf32>
        %swap3A_2098 = vector.shape_cast %add3A_2093 : vector<16xf32> to vector<1x16xf32>
        tpu.vector_store %arg11[%swap3A_2094, %swap3A_2095], %swap3A_2098 {strides = array<i32>} : memref<16x656xf32, #tpu.memory_space<vmem>>, vector<1x16xf32>,
        %add3A_2099 = arith.constant 68 : i32
        %add3A_2100 = arith.addi %mul3A_700, %add3A_2099 : i32
        %add3A_2101 = arith.constant 0 : i32
        %add3A_2102 = arith.addi %add3A_2100, %add3A_2101 : i32
        %get3A_2103 = arith.index_cast %add3A_2102 : i32 to index
        %get3A_2104 = arith.constant 16 : index
        %get3A_2105 = tpu.vector_load %arg9[%get3A_2103, %get3A_2104] {strides = array<i32>} : memref<1280x32xf32, #tpu.memory_space<vmem>>, vector<1x16xf32>,
        %get3A_2106 = vector.shape_cast %get3A_2105 : vector<1x16xf32> to vector<16xf32>
        %add3A_2107 = arith.constant 68 : i32
        %add3A_2108 = arith.addi %mul3A_700, %add3A_2107 : i32
        %add3A_2109 = arith.constant 1 : i32
        %add3A_2110 = arith.addi %add3A_2108, %add3A_2109 : i32
        %get3A_2111 = arith.index_cast %add3A_2110 : i32 to index
        %get3A_2112 = arith.constant 16 : index
        %get3A_2113 = tpu.vector_load %arg9[%get3A_2111, %get3A_2112] {strides = array<i32>} : memref<1280x32xf32, #tpu.memory_space<vmem>>, vector<1x16xf32>,
        %get3A_2114 = vector.shape_cast %get3A_2113 : vector<1x16xf32> to vector<16xf32>
        %add3A_2115 = arith.addf %get3A_2106, %get3A_2114 : vector<16xf32>
        %add3A_2116 = arith.constant 68 : i32
        %add3A_2117 = arith.addi %mul3A_700, %add3A_2116 : i32
        %add3A_2118 = arith.constant 2 : i32
        %add3A_2119 = arith.addi %add3A_2117, %add3A_2118 : i32
        %get3A_2120 = arith.index_cast %add3A_2119 : i32 to index
        %get3A_2121 = arith.constant 16 : index
        %get3A_2122 = tpu.vector_load %arg9[%get3A_2120, %get3A_2121] {strides = array<i32>} : memref<1280x32xf32, #tpu.memory_space<vmem>>, vector<1x16xf32>,
        %get3A_2123 = vector.shape_cast %get3A_2122 : vector<1x16xf32> to vector<16xf32>
        %add3A_2124 = arith.addf %add3A_2115, %get3A_2123 : vector<16xf32>
        %add3A_2125 = arith.constant 68 : i32
        %add3A_2126 = arith.addi %mul3A_700, %add3A_2125 : i32
        %add3A_2127 = arith.constant 3 : i32
        %add3A_2128 = arith.addi %add3A_2126, %add3A_2127 : i32
        %get3A_2129 = arith.index_cast %add3A_2128 : i32 to index
        %get3A_2130 = arith.constant 16 : index
        %get3A_2131 = tpu.vector_load %arg9[%get3A_2129, %get3A_2130] {strides = array<i32>} : memref<1280x32xf32, #tpu.memory_space<vmem>>, vector<1x16xf32>,
        %get3A_2132 = vector.shape_cast %get3A_2131 : vector<1x16xf32> to vector<16xf32>
        %add3A_2133 = arith.addf %add3A_2124, %get3A_2132 : vector<16xf32>
        %swap3A_2134 = arith.index_cast %scan3A_698 : i32 to index
        %swap3A_2135 = arith.constant 560 : index
        %swap3A_2136 = tpu.vector_load %arg11[%swap3A_2134, %swap3A_2135] {strides = array<i32>} : memref<16x656xf32, #tpu.memory_space<vmem>>, vector<1x16xf32>,
        %swap3A_2137 = vector.shape_cast %swap3A_2136 : vector<1x16xf32> to vector<16xf32>
        %swap3A_2138 = vector.shape_cast %add3A_2133 : vector<16xf32> to vector<1x16xf32>
        tpu.vector_store %arg11[%swap3A_2134, %swap3A_2135], %swap3A_2138 {strides = array<i32>} : memref<16x656xf32, #tpu.memory_space<vmem>>, vector<1x16xf32>,
        %add3A_2139 = arith.constant 72 : i32
        %add3A_2140 = arith.addi %mul3A_700, %add3A_2139 : i32
        %add3A_2141 = arith.constant 0 : i32
        %add3A_2142 = arith.addi %add3A_2140, %add3A_2141 : i32
        %get3A_2143 = arith.index_cast %add3A_2142 : i32 to index
        %get3A_2144 = arith.constant 0 : index
        %get3A_2145 = tpu.vector_load %arg9[%get3A_2143, %get3A_2144] {strides = array<i32>} : memref<1280x32xf32, #tpu.memory_space<vmem>>, vector<1x16xf32>,
        %get3A_2146 = vector.shape_cast %get3A_2145 : vector<1x16xf32> to vector<16xf32>
        %add3A_2147 = arith.constant 72 : i32
        %add3A_2148 = arith.addi %mul3A_700, %add3A_2147 : i32
        %add3A_2149 = arith.constant 1 : i32
        %add3A_2150 = arith.addi %add3A_2148, %add3A_2149 : i32
        %get3A_2151 = arith.index_cast %add3A_2150 : i32 to index
        %get3A_2152 = arith.constant 0 : index
        %get3A_2153 = tpu.vector_load %arg9[%get3A_2151, %get3A_2152] {strides = array<i32>} : memref<1280x32xf32, #tpu.memory_space<vmem>>, vector<1x16xf32>,
        %get3A_2154 = vector.shape_cast %get3A_2153 : vector<1x16xf32> to vector<16xf32>
        %add3A_2155 = arith.addf %get3A_2146, %get3A_2154 : vector<16xf32>
        %add3A_2156 = arith.constant 72 : i32
        %add3A_2157 = arith.addi %mul3A_700, %add3A_2156 : i32
        %add3A_2158 = arith.constant 2 : i32
        %add3A_2159 = arith.addi %add3A_2157, %add3A_2158 : i32
        %get3A_2160 = arith.index_cast %add3A_2159 : i32 to index
        %get3A_2161 = arith.constant 0 : index
        %get3A_2162 = tpu.vector_load %arg9[%get3A_2160, %get3A_2161] {strides = array<i32>} : memref<1280x32xf32, #tpu.memory_space<vmem>>, vector<1x16xf32>,
        %get3A_2163 = vector.shape_cast %get3A_2162 : vector<1x16xf32> to vector<16xf32>
        %add3A_2164 = arith.addf %add3A_2155, %get3A_2163 : vector<16xf32>
        %add3A_2165 = arith.constant 72 : i32
        %add3A_2166 = arith.addi %mul3A_700, %add3A_2165 : i32
        %add3A_2167 = arith.constant 3 : i32
        %add3A_2168 = arith.addi %add3A_2166, %add3A_2167 : i32
        %get3A_2169 = arith.index_cast %add3A_2168 : i32 to index
        %get3A_2170 = arith.constant 0 : index
        %get3A_2171 = tpu.vector_load %arg9[%get3A_2169, %get3A_2170] {strides = array<i32>} : memref<1280x32xf32, #tpu.memory_space<vmem>>, vector<1x16xf32>,
        %get3A_2172 = vector.shape_cast %get3A_2171 : vector<1x16xf32> to vector<16xf32>
        %add3A_2173 = arith.addf %add3A_2164, %get3A_2172 : vector<16xf32>
        %swap3A_2174 = arith.index_cast %scan3A_698 : i32 to index
        %swap3A_2175 = arith.constant 576 : index
        %swap3A_2176 = tpu.vector_load %arg11[%swap3A_2174, %swap3A_2175] {strides = array<i32>} : memref<16x656xf32, #tpu.memory_space<vmem>>, vector<1x16xf32>,
        %swap3A_2177 = vector.shape_cast %swap3A_2176 : vector<1x16xf32> to vector<16xf32>
        %swap3A_2178 = vector.shape_cast %add3A_2173 : vector<16xf32> to vector<1x16xf32>
        tpu.vector_store %arg11[%swap3A_2174, %swap3A_2175], %swap3A_2178 {strides = array<i32>} : memref<16x656xf32, #tpu.memory_space<vmem>>, vector<1x16xf32>,
        %add3A_2179 = arith.constant 72 : i32
        %add3A_2180 = arith.addi %mul3A_700, %add3A_2179 : i32
        %add3A_2181 = arith.constant 0 : i32
        %add3A_2182 = arith.addi %add3A_2180, %add3A_2181 : i32
        %get3A_2183 = arith.index_cast %add3A_2182 : i32 to index
        %get3A_2184 = arith.constant 16 : index
        %get3A_2185 = tpu.vector_load %arg9[%get3A_2183, %get3A_2184] {strides = array<i32>} : memref<1280x32xf32, #tpu.memory_space<vmem>>, vector<1x16xf32>,
        %get3A_2186 = vector.shape_cast %get3A_2185 : vector<1x16xf32> to vector<16xf32>
        %add3A_2187 = arith.constant 72 : i32
        %add3A_2188 = arith.addi %mul3A_700, %add3A_2187 : i32
        %add3A_2189 = arith.constant 1 : i32
        %add3A_2190 = arith.addi %add3A_2188, %add3A_2189 : i32
        %get3A_2191 = arith.index_cast %add3A_2190 : i32 to index
        %get3A_2192 = arith.constant 16 : index
        %get3A_2193 = tpu.vector_load %arg9[%get3A_2191, %get3A_2192] {strides = array<i32>} : memref<1280x32xf32, #tpu.memory_space<vmem>>, vector<1x16xf32>,
        %get3A_2194 = vector.shape_cast %get3A_2193 : vector<1x16xf32> to vector<16xf32>
        %add3A_2195 = arith.addf %get3A_2186, %get3A_2194 : vector<16xf32>
        %add3A_2196 = arith.constant 72 : i32
        %add3A_2197 = arith.addi %mul3A_700, %add3A_2196 : i32
        %add3A_2198 = arith.constant 2 : i32
        %add3A_2199 = arith.addi %add3A_2197, %add3A_2198 : i32
        %get3A_2200 = arith.index_cast %add3A_2199 : i32 to index
        %get3A_2201 = arith.constant 16 : index
        %get3A_2202 = tpu.vector_load %arg9[%get3A_2200, %get3A_2201] {strides = array<i32>} : memref<1280x32xf32, #tpu.memory_space<vmem>>, vector<1x16xf32>,
        %get3A_2203 = vector.shape_cast %get3A_2202 : vector<1x16xf32> to vector<16xf32>
        %add3A_2204 = arith.addf %add3A_2195, %get3A_2203 : vector<16xf32>
        %add3A_2205 = arith.constant 72 : i32
        %add3A_2206 = arith.addi %mul3A_700, %add3A_2205 : i32
        %add3A_2207 = arith.constant 3 : i32
        %add3A_2208 = arith.addi %add3A_2206, %add3A_2207 : i32
        %get3A_2209 = arith.index_cast %add3A_2208 : i32 to index
        %get3A_2210 = arith.constant 16 : index
        %get3A_2211 = tpu.vector_load %arg9[%get3A_2209, %get3A_2210] {strides = array<i32>} : memref<1280x32xf32, #tpu.memory_space<vmem>>, vector<1x16xf32>,
        %get3A_2212 = vector.shape_cast %get3A_2211 : vector<1x16xf32> to vector<16xf32>
        %add3A_2213 = arith.addf %add3A_2204, %get3A_2212 : vector<16xf32>
        %swap3A_2214 = arith.index_cast %scan3A_698 : i32 to index
        %swap3A_2215 = arith.constant 592 : index
        %swap3A_2216 = tpu.vector_load %arg11[%swap3A_2214, %swap3A_2215] {strides = array<i32>} : memref<16x656xf32, #tpu.memory_space<vmem>>, vector<1x16xf32>,
        %swap3A_2217 = vector.shape_cast %swap3A_2216 : vector<1x16xf32> to vector<16xf32>
        %swap3A_2218 = vector.shape_cast %add3A_2213 : vector<16xf32> to vector<1x16xf32>
        tpu.vector_store %arg11[%swap3A_2214, %swap3A_2215], %swap3A_2218 {strides = array<i32>} : memref<16x656xf32, #tpu.memory_space<vmem>>, vector<1x16xf32>,
        %add3A_2219 = arith.constant 76 : i32
        %add3A_2220 = arith.addi %mul3A_700, %add3A_2219 : i32
        %add3A_2221 = arith.constant 0 : i32
        %add3A_2222 = arith.addi %add3A_2220, %add3A_2221 : i32
        %get3A_2223 = arith.index_cast %add3A_2222 : i32 to index
        %get3A_2224 = arith.constant 0 : index
        %get3A_2225 = tpu.vector_load %arg9[%get3A_2223, %get3A_2224] {strides = array<i32>} : memref<1280x32xf32, #tpu.memory_space<vmem>>, vector<1x16xf32>,
        %get3A_2226 = vector.shape_cast %get3A_2225 : vector<1x16xf32> to vector<16xf32>
        %add3A_2227 = arith.constant 76 : i32
        %add3A_2228 = arith.addi %mul3A_700, %add3A_2227 : i32
        %add3A_2229 = arith.constant 1 : i32
        %add3A_2230 = arith.addi %add3A_2228, %add3A_2229 : i32
        %get3A_2231 = arith.index_cast %add3A_2230 : i32 to index
        %get3A_2232 = arith.constant 0 : index
        %get3A_2233 = tpu.vector_load %arg9[%get3A_2231, %get3A_2232] {strides = array<i32>} : memref<1280x32xf32, #tpu.memory_space<vmem>>, vector<1x16xf32>,
        %get3A_2234 = vector.shape_cast %get3A_2233 : vector<1x16xf32> to vector<16xf32>
        %add3A_2235 = arith.addf %get3A_2226, %get3A_2234 : vector<16xf32>
        %add3A_2236 = arith.constant 76 : i32
        %add3A_2237 = arith.addi %mul3A_700, %add3A_2236 : i32
        %add3A_2238 = arith.constant 2 : i32
        %add3A_2239 = arith.addi %add3A_2237, %add3A_2238 : i32
        %get3A_2240 = arith.index_cast %add3A_2239 : i32 to index
        %get3A_2241 = arith.constant 0 : index
        %get3A_2242 = tpu.vector_load %arg9[%get3A_2240, %get3A_2241] {strides = array<i32>} : memref<1280x32xf32, #tpu.memory_space<vmem>>, vector<1x16xf32>,
        %get3A_2243 = vector.shape_cast %get3A_2242 : vector<1x16xf32> to vector<16xf32>
        %add3A_2244 = arith.addf %add3A_2235, %get3A_2243 : vector<16xf32>
        %add3A_2245 = arith.constant 76 : i32
        %add3A_2246 = arith.addi %mul3A_700, %add3A_2245 : i32
        %add3A_2247 = arith.constant 3 : i32
        %add3A_2248 = arith.addi %add3A_2246, %add3A_2247 : i32
        %get3A_2249 = arith.index_cast %add3A_2248 : i32 to index
        %get3A_2250 = arith.constant 0 : index
        %get3A_2251 = tpu.vector_load %arg9[%get3A_2249, %get3A_2250] {strides = array<i32>} : memref<1280x32xf32, #tpu.memory_space<vmem>>, vector<1x16xf32>,
        %get3A_2252 = vector.shape_cast %get3A_2251 : vector<1x16xf32> to vector<16xf32>
        %add3A_2253 = arith.addf %add3A_2244, %get3A_2252 : vector<16xf32>
        %swap3A_2254 = arith.index_cast %scan3A_698 : i32 to index
        %swap3A_2255 = arith.constant 608 : index
        %swap3A_2256 = tpu.vector_load %arg11[%swap3A_2254, %swap3A_2255] {strides = array<i32>} : memref<16x656xf32, #tpu.memory_space<vmem>>, vector<1x16xf32>,
        %swap3A_2257 = vector.shape_cast %swap3A_2256 : vector<1x16xf32> to vector<16xf32>
        %swap3A_2258 = vector.shape_cast %add3A_2253 : vector<16xf32> to vector<1x16xf32>
        tpu.vector_store %arg11[%swap3A_2254, %swap3A_2255], %swap3A_2258 {strides = array<i32>} : memref<16x656xf32, #tpu.memory_space<vmem>>, vector<1x16xf32>,
        %add3A_2259 = arith.constant 76 : i32
        %add3A_2260 = arith.addi %mul3A_700, %add3A_2259 : i32
        %add3A_2261 = arith.constant 0 : i32
        %add3A_2262 = arith.addi %add3A_2260, %add3A_2261 : i32
        %get3A_2263 = arith.index_cast %add3A_2262 : i32 to index
        %get3A_2264 = arith.constant 16 : index
        %get3A_2265 = tpu.vector_load %arg9[%get3A_2263, %get3A_2264] {strides = array<i32>} : memref<1280x32xf32, #tpu.memory_space<vmem>>, vector<1x16xf32>,
        %get3A_2266 = vector.shape_cast %get3A_2265 : vector<1x16xf32> to vector<16xf32>
        %add3A_2267 = arith.constant 76 : i32
        %add3A_2268 = arith.addi %mul3A_700, %add3A_2267 : i32
        %add3A_2269 = arith.constant 1 : i32
        %add3A_2270 = arith.addi %add3A_2268, %add3A_2269 : i32
        %get3A_2271 = arith.index_cast %add3A_2270 : i32 to index
        %get3A_2272 = arith.constant 16 : index
        %get3A_2273 = tpu.vector_load %arg9[%get3A_2271, %get3A_2272] {strides = array<i32>} : memref<1280x32xf32, #tpu.memory_space<vmem>>, vector<1x16xf32>,
        %get3A_2274 = vector.shape_cast %get3A_2273 : vector<1x16xf32> to vector<16xf32>
        %add3A_2275 = arith.addf %get3A_2266, %get3A_2274 : vector<16xf32>
        %add3A_2276 = arith.constant 76 : i32
        %add3A_2277 = arith.addi %mul3A_700, %add3A_2276 : i32
        %add3A_2278 = arith.constant 2 : i32
        %add3A_2279 = arith.addi %add3A_2277, %add3A_2278 : i32
        %get3A_2280 = arith.index_cast %add3A_2279 : i32 to index
        %get3A_2281 = arith.constant 16 : index
        %get3A_2282 = tpu.vector_load %arg9[%get3A_2280, %get3A_2281] {strides = array<i32>} : memref<1280x32xf32, #tpu.memory_space<vmem>>, vector<1x16xf32>,
        %get3A_2283 = vector.shape_cast %get3A_2282 : vector<1x16xf32> to vector<16xf32>
        %add3A_2284 = arith.addf %add3A_2275, %get3A_2283 : vector<16xf32>
        %add3A_2285 = arith.constant 76 : i32
        %add3A_2286 = arith.addi %mul3A_700, %add3A_2285 : i32
        %add3A_2287 = arith.constant 3 : i32
        %add3A_2288 = arith.addi %add3A_2286, %add3A_2287 : i32
        %get3A_2289 = arith.index_cast %add3A_2288 : i32 to index
        %get3A_2290 = arith.constant 16 : index
        %get3A_2291 = tpu.vector_load %arg9[%get3A_2289, %get3A_2290] {strides = array<i32>} : memref<1280x32xf32, #tpu.memory_space<vmem>>, vector<1x16xf32>,
        %get3A_2292 = vector.shape_cast %get3A_2291 : vector<1x16xf32> to vector<16xf32>
        %add3A_2293 = arith.addf %add3A_2284, %get3A_2292 : vector<16xf32>
        %swap3A_2294 = arith.index_cast %scan3A_698 : i32 to index
        %swap3A_2295 = arith.constant 624 : index
        %swap3A_2296 = tpu.vector_load %arg11[%swap3A_2294, %swap3A_2295] {strides = array<i32>} : memref<16x656xf32, #tpu.memory_space<vmem>>, vector<1x16xf32>,
        %swap3A_2297 = vector.shape_cast %swap3A_2296 : vector<1x16xf32> to vector<16xf32>
        %swap3A_2298 = vector.shape_cast %add3A_2293 : vector<16xf32> to vector<1x16xf32>
        tpu.vector_store %arg11[%swap3A_2294, %swap3A_2295], %swap3A_2298 {strides = array<i32>} : memref<16x656xf32, #tpu.memory_space<vmem>>, vector<1x16xf32>,
      }
      %scan3A_683 = arith.constant 16 : i32
      %dma_wait3A_684 = arith.constant 0 : i32
      %dma_wait3A_685 = arith.constant 640 : i32
      %dma_wait3A_686 = tpu.memref_slice %arg11[%dma_wait3A_684, %dma_wait3A_685] : memref<16x656xf32, #tpu.memory_space<vmem>> -> memref<16x16xf32, #tpu.memory_space<vmem>>
      %dma_wait3A_687 = arith.constant 0 : i32
      %dma_wait3A_688 = tpu.memref_slice %arg3[%mul3A_664, %dma_wait3A_687] : memref<51200x16xf32, #tpu.memory_space<hbm>> -> memref<16x16xf32, #tpu.memory_space<hbm>>
      %dma_wait3A_689 = arith.constant 0 : i32
      %dma_wait3A_690 = arith.constant 640 : i32
      %dma_wait3A_691 = tpu.memref_slice %arg11[%dma_wait3A_689, %dma_wait3A_690] : memref<16x656xf32, #tpu.memory_space<vmem>> -> memref<16x16xf32, #tpu.memory_space<vmem>>
      %dma_wait3A_692 = arith.constant 0 : i32
      %dma_wait3A_693 = tpu.memref_slice %arg3[%mul3A_664, %dma_wait3A_692] : memref<51200x16xf32, #tpu.memory_space<hbm>> -> memref<16x16xf32, #tpu.memory_space<hbm>>
      tpu.wait_dma2 semaphore(%arg15 : memref<!tpu.dma_semaphore, #tpu.memory_space<semaphore_mem>>) src(%dma_wait3A_693 : memref<16x16xf32, #tpu.memory_space<hbm>>) dst(%dma_wait3A_691 : memref<16x16xf32, #tpu.memory_space<vmem>>)
      %dma_start3A_694 = arith.constant 0 : i32
      %dma_start3A_695 = tpu.memref_slice %arg5[%mul3A_664, %dma_start3A_694] : memref<51200x656xf32, #tpu.memory_space<hbm>> -> memref<16x656xf32, #tpu.memory_space<hbm>>
      %dma_start3A_696 = arith.constant 0 : i32
      %dma_start3A_697 = tpu.memref_slice %arg5[%mul3A_664, %dma_start3A_696] : memref<51200x656xf32, #tpu.memory_space<hbm>> -> memref<16x656xf32, #tpu.memory_space<hbm>>
      tpu.enqueue_dma source(%arg11 : memref<16x656xf32, #tpu.memory_space<vmem>>) target(%dma_start3A_697 : memref<16x656xf32, #tpu.memory_space<hbm>>) target_semaphore(%arg17 : memref<!tpu.dma_semaphore, #tpu.memory_space<semaphore_mem>>)
    }
    %scan3A_106 = arith.constant 50 : i32
    %dma_wait3A = arith.constant 0 : i32
    %dma_wait3A_107 = arith.constant 0 : i32
    %dma_wait3A_108 = arith.constant 0 : i32
    %dma_wait3A_109 = tpu.memref_slice %arg8[%dma_wait3A_107, %dma_wait3A_108] : memref<1280x32xf32, #tpu.memory_space<vmem>> -> memref<128x32xf32, #tpu.memory_space<vmem>>
    %dma_wait3A_110 = arith.constant 0 : i32
    %dma_wait3A_111 = tpu.memref_slice %arg6[%dma_wait3A, %dma_wait3A_110] : memref<10x128xi32, #tpu.memory_space<vmem>> -> memref<1x128xi32, #tpu.memory_space<vmem>>
    %dma_wait3A_112 = tpu.memref_squeeze %dma_wait3A_111 : memref<1x128xi32, #tpu.memory_space<vmem>> -> memref<128xi32, #tpu.memory_space<vmem>>
    %dma_wait3A_113 = arith.constant 0 : i32
    %dma_wait3A_114 = arith.constant 0 : i32
    %dma_wait3A_115 = tpu.memref_slice %arg4[%dma_wait3A_113, %dma_wait3A_114] : memref<100000x32xf32, #tpu.memory_space<hbm>> -> memref<100000x32xf32, #tpu.memory_space<hbm>>
    tpu.wait_indirect_dma semaphore(%arg12 : memref<!tpu.dma_semaphore, #tpu.memory_space<semaphore_mem>>) src(%dma_wait3A_115 : memref<100000x32xf32, #tpu.memory_space<hbm>>) dst(%dma_wait3A_109 : memref<128x32xf32, #tpu.memory_space<vmem>>)
    %dma_wait3A_116 = arith.constant 1 : i32
    %dma_wait3A_117 = arith.constant 128 : i32
    %dma_wait3A_118 = arith.constant 0 : i32
    %dma_wait3A_119 = tpu.memref_slice %arg8[%dma_wait3A_117, %dma_wait3A_118] : memref<1280x32xf32, #tpu.memory_space<vmem>> -> memref<128x32xf32, #tpu.memory_space<vmem>>
    %dma_wait3A_120 = arith.constant 0 : i32
    %dma_wait3A_121 = tpu.memref_slice %arg6[%dma_wait3A_116, %dma_wait3A_120] : memref<10x128xi32, #tpu.memory_space<vmem>> -> memref<1x128xi32, #tpu.memory_space<vmem>>
    %dma_wait3A_122 = tpu.memref_squeeze %dma_wait3A_121 : memref<1x128xi32, #tpu.memory_space<vmem>> -> memref<128xi32, #tpu.memory_space<vmem>>
    %dma_wait3A_123 = arith.constant 0 : i32
    %dma_wait3A_124 = arith.constant 0 : i32
    %dma_wait3A_125 = tpu.memref_slice %arg4[%dma_wait3A_123, %dma_wait3A_124] : memref<100000x32xf32, #tpu.memory_space<hbm>> -> memref<100000x32xf32, #tpu.memory_space<hbm>>
    tpu.wait_indirect_dma semaphore(%arg12 : memref<!tpu.dma_semaphore, #tpu.memory_space<semaphore_mem>>) src(%dma_wait3A_125 : memref<100000x32xf32, #tpu.memory_space<hbm>>) dst(%dma_wait3A_119 : memref<128x32xf32, #tpu.memory_space<vmem>>)
    %dma_wait3A_126 = arith.constant 2 : i32
    %dma_wait3A_127 = arith.constant 256 : i32
    %dma_wait3A_128 = arith.constant 0 : i32
    %dma_wait3A_129 = tpu.memref_slice %arg8[%dma_wait3A_127, %dma_wait3A_128] : memref<1280x32xf32, #tpu.memory_space<vmem>> -> memref<128x32xf32, #tpu.memory_space<vmem>>
    %dma_wait3A_130 = arith.constant 0 : i32
    %dma_wait3A_131 = tpu.memref_slice %arg6[%dma_wait3A_126, %dma_wait3A_130] : memref<10x128xi32, #tpu.memory_space<vmem>> -> memref<1x128xi32, #tpu.memory_space<vmem>>
    %dma_wait3A_132 = tpu.memref_squeeze %dma_wait3A_131 : memref<1x128xi32, #tpu.memory_space<vmem>> -> memref<128xi32, #tpu.memory_space<vmem>>
    %dma_wait3A_133 = arith.constant 0 : i32
    %dma_wait3A_134 = arith.constant 0 : i32
    %dma_wait3A_135 = tpu.memref_slice %arg4[%dma_wait3A_133, %dma_wait3A_134] : memref<100000x32xf32, #tpu.memory_space<hbm>> -> memref<100000x32xf32, #tpu.memory_space<hbm>>
    tpu.wait_indirect_dma semaphore(%arg12 : memref<!tpu.dma_semaphore, #tpu.memory_space<semaphore_mem>>) src(%dma_wait3A_135 : memref<100000x32xf32, #tpu.memory_space<hbm>>) dst(%dma_wait3A_129 : memref<128x32xf32, #tpu.memory_space<vmem>>)
    %dma_wait3A_136 = arith.constant 3 : i32
    %dma_wait3A_137 = arith.constant 384 : i32
    %dma_wait3A_138 = arith.constant 0 : i32
    %dma_wait3A_139 = tpu.memref_slice %arg8[%dma_wait3A_137, %dma_wait3A_138] : memref<1280x32xf32, #tpu.memory_space<vmem>> -> memref<128x32xf32, #tpu.memory_space<vmem>>
    %dma_wait3A_140 = arith.constant 0 : i32
    %dma_wait3A_141 = tpu.memref_slice %arg6[%dma_wait3A_136, %dma_wait3A_140] : memref<10x128xi32, #tpu.memory_space<vmem>> -> memref<1x128xi32, #tpu.memory_space<vmem>>
    %dma_wait3A_142 = tpu.memref_squeeze %dma_wait3A_141 : memref<1x128xi32, #tpu.memory_space<vmem>> -> memref<128xi32, #tpu.memory_space<vmem>>
    %dma_wait3A_143 = arith.constant 0 : i32
    %dma_wait3A_144 = arith.constant 0 : i32
    %dma_wait3A_145 = tpu.memref_slice %arg4[%dma_wait3A_143, %dma_wait3A_144] : memref<100000x32xf32, #tpu.memory_space<hbm>> -> memref<100000x32xf32, #tpu.memory_space<hbm>>
    tpu.wait_indirect_dma semaphore(%arg12 : memref<!tpu.dma_semaphore, #tpu.memory_space<semaphore_mem>>) src(%dma_wait3A_145 : memref<100000x32xf32, #tpu.memory_space<hbm>>) dst(%dma_wait3A_139 : memref<128x32xf32, #tpu.memory_space<vmem>>)
    %dma_wait3A_146 = arith.constant 4 : i32
    %dma_wait3A_147 = arith.constant 512 : i32
    %dma_wait3A_148 = arith.constant 0 : i32
    %dma_wait3A_149 = tpu.memref_slice %arg8[%dma_wait3A_147, %dma_wait3A_148] : memref<1280x32xf32, #tpu.memory_space<vmem>> -> memref<128x32xf32, #tpu.memory_space<vmem>>
    %dma_wait3A_150 = arith.constant 0 : i32
    %dma_wait3A_151 = tpu.memref_slice %arg6[%dma_wait3A_146, %dma_wait3A_150] : memref<10x128xi32, #tpu.memory_space<vmem>> -> memref<1x128xi32, #tpu.memory_space<vmem>>
    %dma_wait3A_152 = tpu.memref_squeeze %dma_wait3A_151 : memref<1x128xi32, #tpu.memory_space<vmem>> -> memref<128xi32, #tpu.memory_space<vmem>>
    %dma_wait3A_153 = arith.constant 0 : i32
    %dma_wait3A_154 = arith.constant 0 : i32
    %dma_wait3A_155 = tpu.memref_slice %arg4[%dma_wait3A_153, %dma_wait3A_154] : memref<100000x32xf32, #tpu.memory_space<hbm>> -> memref<100000x32xf32, #tpu.memory_space<hbm>>
    tpu.wait_indirect_dma semaphore(%arg12 : memref<!tpu.dma_semaphore, #tpu.memory_space<semaphore_mem>>) src(%dma_wait3A_155 : memref<100000x32xf32, #tpu.memory_space<hbm>>) dst(%dma_wait3A_149 : memref<128x32xf32, #tpu.memory_space<vmem>>)
    %dma_wait3A_156 = arith.constant 5 : i32
    %dma_wait3A_157 = arith.constant 640 : i32
    %dma_wait3A_158 = arith.constant 0 : i32
    %dma_wait3A_159 = tpu.memref_slice %arg8[%dma_wait3A_157, %dma_wait3A_158] : memref<1280x32xf32, #tpu.memory_space<vmem>> -> memref<128x32xf32, #tpu.memory_space<vmem>>
    %dma_wait3A_160 = arith.constant 0 : i32
    %dma_wait3A_161 = tpu.memref_slice %arg6[%dma_wait3A_156, %dma_wait3A_160] : memref<10x128xi32, #tpu.memory_space<vmem>> -> memref<1x128xi32, #tpu.memory_space<vmem>>
    %dma_wait3A_162 = tpu.memref_squeeze %dma_wait3A_161 : memref<1x128xi32, #tpu.memory_space<vmem>> -> memref<128xi32, #tpu.memory_space<vmem>>
    %dma_wait3A_163 = arith.constant 0 : i32
    %dma_wait3A_164 = arith.constant 0 : i32
    %dma_wait3A_165 = tpu.memref_slice %arg4[%dma_wait3A_163, %dma_wait3A_164] : memref<100000x32xf32, #tpu.memory_space<hbm>> -> memref<100000x32xf32, #tpu.memory_space<hbm>>
    tpu.wait_indirect_dma semaphore(%arg12 : memref<!tpu.dma_semaphore, #tpu.memory_space<semaphore_mem>>) src(%dma_wait3A_165 : memref<100000x32xf32, #tpu.memory_space<hbm>>) dst(%dma_wait3A_159 : memref<128x32xf32, #tpu.memory_space<vmem>>)
    %dma_wait3A_166 = arith.constant 6 : i32
    %dma_wait3A_167 = arith.constant 768 : i32
    %dma_wait3A_168 = arith.constant 0 : i32
    %dma_wait3A_169 = tpu.memref_slice %arg8[%dma_wait3A_167, %dma_wait3A_168] : memref<1280x32xf32, #tpu.memory_space<vmem>> -> memref<128x32xf32, #tpu.memory_space<vmem>>
    %dma_wait3A_170 = arith.constant 0 : i32
    %dma_wait3A_171 = tpu.memref_slice %arg6[%dma_wait3A_166, %dma_wait3A_170] : memref<10x128xi32, #tpu.memory_space<vmem>> -> memref<1x128xi32, #tpu.memory_space<vmem>>
    %dma_wait3A_172 = tpu.memref_squeeze %dma_wait3A_171 : memref<1x128xi32, #tpu.memory_space<vmem>> -> memref<128xi32, #tpu.memory_space<vmem>>
    %dma_wait3A_173 = arith.constant 0 : i32
    %dma_wait3A_174 = arith.constant 0 : i32
    %dma_wait3A_175 = tpu.memref_slice %arg4[%dma_wait3A_173, %dma_wait3A_174] : memref<100000x32xf32, #tpu.memory_space<hbm>> -> memref<100000x32xf32, #tpu.memory_space<hbm>>
    tpu.wait_indirect_dma semaphore(%arg12 : memref<!tpu.dma_semaphore, #tpu.memory_space<semaphore_mem>>) src(%dma_wait3A_175 : memref<100000x32xf32, #tpu.memory_space<hbm>>) dst(%dma_wait3A_169 : memref<128x32xf32, #tpu.memory_space<vmem>>)
    %dma_wait3A_176 = arith.constant 7 : i32
    %dma_wait3A_177 = arith.constant 896 : i32
    %dma_wait3A_178 = arith.constant 0 : i32
    %dma_wait3A_179 = tpu.memref_slice %arg8[%dma_wait3A_177, %dma_wait3A_178] : memref<1280x32xf32, #tpu.memory_space<vmem>> -> memref<128x32xf32, #tpu.memory_space<vmem>>
    %dma_wait3A_180 = arith.constant 0 : i32
    %dma_wait3A_181 = tpu.memref_slice %arg6[%dma_wait3A_176, %dma_wait3A_180] : memref<10x128xi32, #tpu.memory_space<vmem>> -> memref<1x128xi32, #tpu.memory_space<vmem>>
    %dma_wait3A_182 = tpu.memref_squeeze %dma_wait3A_181 : memref<1x128xi32, #tpu.memory_space<vmem>> -> memref<128xi32, #tpu.memory_space<vmem>>
    %dma_wait3A_183 = arith.constant 0 : i32
    %dma_wait3A_184 = arith.constant 0 : i32
    %dma_wait3A_185 = tpu.memref_slice %arg4[%dma_wait3A_183, %dma_wait3A_184] : memref<100000x32xf32, #tpu.memory_space<hbm>> -> memref<100000x32xf32, #tpu.memory_space<hbm>>
    tpu.wait_indirect_dma semaphore(%arg12 : memref<!tpu.dma_semaphore, #tpu.memory_space<semaphore_mem>>) src(%dma_wait3A_185 : memref<100000x32xf32, #tpu.memory_space<hbm>>) dst(%dma_wait3A_179 : memref<128x32xf32, #tpu.memory_space<vmem>>)
    %dma_wait3A_186 = arith.constant 8 : i32
    %dma_wait3A_187 = arith.constant 1024 : i32
    %dma_wait3A_188 = arith.constant 0 : i32
    %dma_wait3A_189 = tpu.memref_slice %arg8[%dma_wait3A_187, %dma_wait3A_188] : memref<1280x32xf32, #tpu.memory_space<vmem>> -> memref<128x32xf32, #tpu.memory_space<vmem>>
    %dma_wait3A_190 = arith.constant 0 : i32
    %dma_wait3A_191 = tpu.memref_slice %arg6[%dma_wait3A_186, %dma_wait3A_190] : memref<10x128xi32, #tpu.memory_space<vmem>> -> memref<1x128xi32, #tpu.memory_space<vmem>>
    %dma_wait3A_192 = tpu.memref_squeeze %dma_wait3A_191 : memref<1x128xi32, #tpu.memory_space<vmem>> -> memref<128xi32, #tpu.memory_space<vmem>>
    %dma_wait3A_193 = arith.constant 0 : i32
    %dma_wait3A_194 = arith.constant 0 : i32
    %dma_wait3A_195 = tpu.memref_slice %arg4[%dma_wait3A_193, %dma_wait3A_194] : memref<100000x32xf32, #tpu.memory_space<hbm>> -> memref<100000x32xf32, #tpu.memory_space<hbm>>
    tpu.wait_indirect_dma semaphore(%arg12 : memref<!tpu.dma_semaphore, #tpu.memory_space<semaphore_mem>>) src(%dma_wait3A_195 : memref<100000x32xf32, #tpu.memory_space<hbm>>) dst(%dma_wait3A_189 : memref<128x32xf32, #tpu.memory_space<vmem>>)
    %dma_wait3A_196 = arith.constant 9 : i32
    %dma_wait3A_197 = arith.constant 1152 : i32
    %dma_wait3A_198 = arith.constant 0 : i32
    %dma_wait3A_199 = tpu.memref_slice %arg8[%dma_wait3A_197, %dma_wait3A_198] : memref<1280x32xf32, #tpu.memory_space<vmem>> -> memref<128x32xf32, #tpu.memory_space<vmem>>
    %dma_wait3A_200 = arith.constant 0 : i32
    %dma_wait3A_201 = tpu.memref_slice %arg6[%dma_wait3A_196, %dma_wait3A_200] : memref<10x128xi32, #tpu.memory_space<vmem>> -> memref<1x128xi32, #tpu.memory_space<vmem>>
    %dma_wait3A_202 = tpu.memref_squeeze %dma_wait3A_201 : memref<1x128xi32, #tpu.memory_space<vmem>> -> memref<128xi32, #tpu.memory_space<vmem>>
    %dma_wait3A_203 = arith.constant 0 : i32
    %dma_wait3A_204 = arith.constant 0 : i32
    %dma_wait3A_205 = tpu.memref_slice %arg4[%dma_wait3A_203, %dma_wait3A_204] : memref<100000x32xf32, #tpu.memory_space<hbm>> -> memref<100000x32xf32, #tpu.memory_space<hbm>>
    tpu.wait_indirect_dma semaphore(%arg12 : memref<!tpu.dma_semaphore, #tpu.memory_space<semaphore_mem>>) src(%dma_wait3A_205 : memref<100000x32xf32, #tpu.memory_space<hbm>>) dst(%dma_wait3A_199 : memref<128x32xf32, #tpu.memory_space<vmem>>)
    %dma_wait3A_206 = arith.constant 0 : i32
    %dma_wait3A_207 = arith.constant 0 : i32
    %dma_wait3A_208 = tpu.memref_slice %arg5[%dma_wait3A_206, %dma_wait3A_207] : memref<51200x656xf32, #tpu.memory_space<hbm>> -> memref<16x656xf32, #tpu.memory_space<hbm>>
    %dma_wait3A_209 = arith.constant 0 : i32
    %dma_wait3A_210 = arith.constant 0 : i32
    %dma_wait3A_211 = tpu.memref_slice %arg5[%dma_wait3A_209, %dma_wait3A_210] : memref<51200x656xf32, #tpu.memory_space<hbm>> -> memref<16x656xf32, #tpu.memory_space<hbm>>
    tpu.wait_dma2 semaphore(%arg16 : memref<!tpu.dma_semaphore, #tpu.memory_space<semaphore_mem>>) src(%arg10 : memref<16x656xf32, #tpu.memory_space<vmem>>) dst(%dma_wait3A_211 : memref<16x656xf32, #tpu.memory_space<hbm>>)
    %dma_wait3A_212 = arith.constant 0 : i32
    %dma_wait3A_213 = arith.constant 0 : i32
    %dma_wait3A_214 = tpu.memref_slice %arg5[%dma_wait3A_212, %dma_wait3A_213] : memref<51200x656xf32, #tpu.memory_space<hbm>> -> memref<16x656xf32, #tpu.memory_space<hbm>>
    %dma_wait3A_215 = arith.constant 0 : i32
    %dma_wait3A_216 = arith.constant 0 : i32
    %dma_wait3A_217 = tpu.memref_slice %arg5[%dma_wait3A_215, %dma_wait3A_216] : memref<51200x656xf32, #tpu.memory_space<hbm>> -> memref<16x656xf32, #tpu.memory_space<hbm>>
    tpu.wait_dma2 semaphore(%arg17 : memref<!tpu.dma_semaphore, #tpu.memory_space<semaphore_mem>>) src(%arg11 : memref<16x656xf32, #tpu.memory_space<vmem>>) dst(%dma_wait3A_217 : memref<16x656xf32, #tpu.memory_space<hbm>>)
    return
  }
}

</mosaic_0001>

<sc_bundles>
// kernel: kernel.3.cloned.1.call-start
scs
__scs_entry_jumppad:
0x0: {  	(pc) =	sbr.rel $0x88, $3  }
0x1: {  	(tag) =	ssettag $0x0;
	lr =	simm.s32 $0x1  }
0x2: {  	[smem:$0x3F9F] =	sst lr;
	_ =	strace $0xD0000000  }
0x3: {  	_ = 	snop  }
0x4: {  	_ = 	snop  }
0x5: {  	_ = 	snop  }
0x6: {  	_ = 	snop  }
0x7: {  	_ = 	snop  }
__scs_overlays_trampoline_lowered:
0x8: {  	[smem:$0x3FAE] =	sst s0  }
0x9: {  	[smem:$0x3FAF] =	sst s1  }
0xa: {  	[smem:$0x3FB0] =	sst s2  }
0xb: {  	[smem:$0x3FB1] =	sst s3  }
0xc: {  	[smem:$0x3FB2] =	sst s4  }
0xd: {  	[smem:$0x3FB3] =	sst s5  }
0xe: {  	[smem:$0x3FB4] =	sst s6  }
0xf: {  	[smem:$0x3FB5] =	sst s7  }
0x10: {  	[smem:$0x3FB6] =	sst s8  }
0x11: {  	[smem:$0x3FB7] =	sst s9;
	s0 =	simm.s32 @!p0 $0x0  }
0x12: {  	s1 =	sld [smem:$0x3F9D];
	s0 =	simm.s32 @p0 $0x1  }
0x13: {  	[smem:$0x3FB8] =	sst s0;
	s0 =	simm.s32 @!p1 $0x0  }
0x14: {  	s2 =	sld [smem:$0x3F9C];
	s0 =	simm.s32 @p1 $0x1  }
0x15: {  	[smem:$0x3FB9] =	sst s0;
	s0 =	simm.s32 @!p2 $0x0  }
0x16: {  	s3 =	sld [smem:$0x3FDB];
	s0 =	simm.s32 @p2 $0x1  }
0x17: {  	s4 =	simm.s32 $0x1BF5;
	[smem:$0x3FBB] =	sst s0  }
0x18: {  	s0 =	sld [smem:$0x3F9E];
	_ =	swait.ge [sflag:s4], $0x0  }
0x19: {  	s7 =	sld [smem:$0x3F9F]  }
0x1a: {  	s8 =	sadd.s32 $0xFFFFE003, lr  }
0x1b: {  	s9 =	sadd.s32 $0xFFFFFEF7, lr;
	s5 =	simm.s32 $0xFFFFFFFF;
	p2 =	slt.u32 s8, $0xFFFFF086  }
0x1c: {  	p1 =	slt.u32 s9, $0xF7A;
	s5 =	simm.s32 @!p2 $0x0  }
0x1d: {  	s5 =	simm.s32 @p1 $0x1;
	p0 =	seq.s32 s7, s2  }
0x1e: {  	s7 =	smul.u32 @!p0 $0xF7A, s2;
	p2 =	seq.s32 @!p0 s5, $0x0  }
0x1f: {  	s9 =	smul.u32 $0xF7A, s1;
	s8 =	simm.s32 @!p0 $0x1BF5;
	p2 =	por !p2, p0  }
0x20: {  	[sflag:s8] =	ssyncset.s32 @!p0 $0xFFFFF086;
	s6 =	sadd.s32 @!p0 s3, s7;
	s7 =	simm.s32 @!p0 $0x108  }
0x21: {  	s3 =	sadd.s32 s3, s9;
	s6 =	sadd.s32 @!p0 $0x88, s6;
	s7 =	simm.s32 @p2 $0x1082  }
0x22: {  	[simem:s7], [sflag:s8] =	dma.local @!p0 [hbm:s6], $0xF7A  }
0x23: {  	s9 =	sor.u32 $0xD0000000, s2;
	s6 =	simm.s32 $0x108;
	_ =	swait.ge @!p0 [sflag:s8], $0x0  }
0x24: {  	s3 =	sadd.s32 $0x88, s3;
	s6 =	simm.s32 @!p1 $0x1082;
	[sflag:s4] =	ssyncset.s32 $0xFFFFF086  }
0x25: {  	[simem:s6], [sflag:s4] =	dma.local [hbm:s3], $0xF7A  }
0x26: {  	[smem:$0x3F9F] =	sst s1;
	(tag) =	ssettag s2;
	_ =	strace s9  }
0x27: {  	s1 =	sld [smem:$0x3FAF]  }
0x28: {  	s2 =	sld [smem:$0x3FB0]  }
0x29: {  	s4 =	sld [smem:$0x3FB2]  }
0x2a: {  	p0 =	seq.s32 s5, $0x0;
	s5 =	sld [smem:$0x3FB3]  }
0x2b: {  	s6 =	sld [smem:$0x3FB4]  }
0x2c: {  	s7 =	sld [smem:$0x3FB5]  }
0x2d: {  	s3 =	simm.s32 $0x108;
	s8 =	sld [smem:$0x3FB6]  }
0x2e: {  	s3 =	simm.s32 @!p0 $0x1082;
	s9 =	sld [smem:$0x3FB7]  }
0x2f: {  	lr =	sadd.s32 s0, s3;
	s0 =	sld [smem:$0x3FAE]  }
0x30: {  	s3 =	sld [smem:$0x3FB1]  }
0x31: {  	[smem:$0x3FBA] =	sst s10  }
0x32: {  	s10 =	sld [smem:$0x3FB8];
	_ =	sdelay $0x3  }
0x33: {  	p0 =	seq.s32 s10, $0x1;
	s10 =	sld [smem:$0x3FBA];
	_ =	sdelay $0x3  }
0x34: {  	[smem:$0x3FBA] =	sst s10  }
0x35: {  	s10 =	sld [smem:$0x3FB9];
	_ =	sdelay $0x3  }
0x36: {  	p1 =	seq.s32 s10, $0x1;
	s10 =	sld [smem:$0x3FBA];
	_ =	sdelay $0x3  }
0x37: {  	[smem:$0x3FBA] =	sst s10  }
0x38: {  	s10 =	sld [smem:$0x3FBB]  }
0x39: {  	_ = 	snop;
	(pc) =	sbr.ind lr, $3  }
0x3a: {  	_ = 	snop  }
0x3b: {  	_ = 	snop  }
0x3c: {  	p2 =	seq.s32 s10, $0x1;
	s10 =	sld [smem:$0x3FBA]  }
0x3d: {  	_ =	shalt  }
0x3e: {  	_ =	shalt  }
0x3f: {  	_ =	shalt  }
0x40: {  	_ =	shalt  }
0x41: {  	_ =	shalt  }
0x42: {  	_ =	shalt  }
0x43: {  	_ =	shalt  }
0x44: {  	_ =	shalt  }
0x45: {  	_ =	shalt  }
0x46: {  	_ =	shalt  }
0x47: {  	_ =	shalt  }
0x48: {  	_ =	shalt  }
0x49: {  	_ =	shalt  }
0x4a: {  	_ =	shalt  }
0x4b: {  	_ =	shalt  }
0x4c: {  	_ =	shalt  }
0x4d: {  	_ =	shalt  }
0x4e: {  	_ =	shalt  }
0x4f: {  	_ =	shalt  }
0x50: {  	_ =	shalt  }
0x51: {  	_ =	shalt  }
0x52: {  	_ =	shalt  }
0x53: {  	_ =	shalt  }
0x54: {  	_ =	shalt  }
0x55: {  	_ =	shalt  }
0x56: {  	_ =	shalt  }
0x57: {  	_ =	shalt  }
0x58: {  	_ =	shalt  }
0x59: {  	_ =	shalt  }
0x5a: {  	_ =	shalt  }
0x5b: {  	_ =	shalt  }
0x5c: {  	_ =	shalt  }
0x5d: {  	_ =	shalt  }
0x5e: {  	_ =	shalt  }
0x5f: {  	_ =	shalt  }
0x60: {  	_ =	shalt  }
0x61: {  	_ =	shalt  }
0x62: {  	_ =	shalt  }
0x63: {  	_ =	shalt  }
0x64: {  	_ =	shalt  }
0x65: {  	_ =	shalt  }
0x66: {  	_ =	shalt  }
0x67: {  	_ =	shalt  }
0x68: {  	_ =	shalt  }
0x69: {  	_ =	shalt  }
0x6a: {  	_ =	shalt  }
0x6b: {  	_ =	shalt  }
0x6c: {  	_ =	shalt  }
0x6d: {  	_ =	shalt  }
0x6e: {  	_ =	shalt  }
0x6f: {  	_ =	shalt  }
0x70: {  	_ =	shalt  }
0x71: {  	_ =	shalt  }
0x72: {  	_ =	shalt  }
0x73: {  	_ =	shalt  }
0x74: {  	_ =	shalt  }
0x75: {  	_ =	shalt  }
0x76: {  	_ =	shalt  }
0x77: {  	_ =	shalt  }
0x78: {  	_ =	shalt  }
0x79: {  	_ =	shalt  }
0x7a: {  	_ =	shalt  }
0x7b: {  	_ =	shalt  }
0x7c: {  	_ =	shalt  }
0x7d: {  	_ =	shalt  }
0x7e: {  	_ =	shalt  }
0x7f: {  	_ =	shalt  }
0x80: {  	_ =	shalt  }
0x81: {  	_ =	shalt  }
0x82: {  	_ =	shalt  }
0x83: {  	_ =	shalt  }
0x84: {  	_ =	shalt  }
0x85: {  	_ =	shalt  }
0x86: {  	_ =	shalt  }
0x87: {  	_ =	shalt  }
.Lfunc_end0:
.L_simem_size_0:
called_computation.1_lowered:
.L_overlay_start_0:
0x88: {  	s2 =	sld [smem:$0x3FD9]  }
0x89: {  	s3 =	sld [smem:$0x3FFE];
	_ =	sdelay $0x1  }
0x8a: {  	s1 =	srdreg.scid  }
0x8b: {  	s0 =	sand.u32 $0x1, s1  }
0x8c: {  	s17 =	sshll.u32 s0, $0xA;
	s2 =	sadd.s32 s3, s2  }
0x8d: {  	s2 =	sadd.s32 s2, s17  }
0x8e: {  	[smem:$0x3FC6] =	sst s2  }
0x8f: {  	_ = 	snop  }
0x90: {  	s2 =	sld [smem:$0x3FD0];
	(tm) =	ssettm $0x1  }
0x91: {  	s18 =	sld [smem:$0x3FFB];
	_ =	sdelay $0x3  }
0x92: {  	_ =	strace s18  }
0x93: {  	s3 =	sld [smem:$0x3FFC];
	_ =	sdelay $0x3  }
0x94: {  	_ =	strace s3  }
0x95: {  	s3 =	sld [smem:$0x3FFD];
	_ =	sdelay $0x3  }
0x96: {  	_ =	strace s3  }
0x97: {  	_ =	strace $0x8FFFFFFF  }
0x98: {  	s19 =	sld [smem:$0x3FDB];
	_ =	sdelay $0x1  }
0x99: {  	s4 =	simm.s32 $_scs_section_size  }
0x9a: {  	s5 =	simm.s32 $_size__tile_overlayer_lowered;
	s6 =	simm.s32 $_tile_overlayer_lowered  }
0x9b: {  	s22 =	simm.s32 $0x1BFF;
	s21 =	sshll.u32 s6, $0x1;
	s3 =	sadd.s32 s4, s19  }
0x9c: {  	s7 =	simm.s32 $0x0;
	s20 =	sshll.u32 s5, $0x1;
	s5 =	sadd.s32 s21, s3  }
0x9d: {  	[timem:s7], [sflag:s22] =	dma.local [hbm:s5], s20  }
0x9e: {  	_ =	swait.ge [sflag:s22], s20  }
0x9f: {  	s4 =	ssub.s32 $0x0, s20;
	[sflag:s22] =	ssyncset.done $0x0  }
0xa0: {  	[sflag:s22] =	ssyncadd.s32 s4;
	_ =	sdelay $0x1  }
0xa1: {  	s23 =	simm.s32 $0x1B8B  }
0xa2: {  	_ =	swait.ge [sflag:s23], $0x1  }
0xa3: {  	[sflag:s23] =	ssyncset.done $0x0  }
0xa4: {  	s25 =	simm.s32 $0x1B8E;
	s24 =	sld [smem:$0x3FFE];
	[sflag:s23] =	ssyncadd.s32 $0xFFFFFFFF  }
0xa5: {  	s26 =	simm.s32 $execute0_lowered;
	[smem:$0x3FD2] =	sst s25  }
0xa6: {  	s5 =	sshll.u32 s26, $0x1;
	_ =	strace $0x80000046;
	[dreg:$0x1] =	wrdreg $0xFFFFFFFF  }
0xa7: {  	s28 =	simm.s32 $_size_execute0_lowered;
	s3 =	sadd.s32 s3, s5;
	[dreg:$0x0] =	wrdreg $0x0  }
0xa8: {  	s5 =	sshll.u32 s28, $0x1;
	[dreg:$0x2] =	wrdreg s3  }
0xa9: {  	[dreg:$0x3] =	wrdreg s5  }
0xaa: {  	[dreg:$0x4] =	wrdreg $0xC0  }
0xab: {  	_ =	task [dreg:s7], $0x5FFFF  }
0xac: {  	[dreg:$0x1] =	wrdreg $0xFFFFFFFF  }
0xad: {  	[dreg:$0x0] =	wrdreg $0x60  }
0xae: {  	[dreg:$0x2] =	wrdreg s24  }
0xaf: {  	[dreg:$0x3] =	wrdreg s2  }
0xb0: {  	[dreg:$0x4] =	wrdreg $0x9  }
0xb1: {  	_ =	task.clear_ibuf [dreg:s7], $0x5FFFF;
	_ =	strace $0x90000046  }
0xb2: {  	s29 =	simm.s32 $0x9;
	_ =	strace $0x80000048  }
0xb3: {  	_ =	swait.ge [sflag:s29], $0x1  }
0xb4: {  	[sflag:s29] =	ssyncadd.s32 $0xFFFFFFFF  }
0xb5: {  	_ =	strace $0x90000048  }
0xb6: {  	_ =	sfence  }
0xb7: {  	s30 =	sld [smem:$0x0];
	_ =	sdelay $0x2  }
0xb8: {  	s31 =	sshll.u32 s1, $0xD;
	s1 =	sshrl.u32 s1, $0x2  }
0xb9: {  	s3 =	sand.u32 $0x4000, s31;
	s1 =	sadd.s32 s1, s30  }
0xba: {  	s0 =	sor.u32 s3, s0;
	s1 =	sshll.u32 s1, $0x11  }
0xbb: {  	s0 =	sor.u32 s1, s0  }
0xbc: {  	s0 =	sadd.s32 $0x8F2B, s0  }
0xbd: {  	[sflag:s0] =	ssyncadd.remote.s32 $0x1  }
0xbe: {  	_ =	sfence.sel $0xFFFF  }
0xbf: {  	[dreg:$0x0] =	wrdreg $0xFFFFFFFF;
	(pc) =	sbr.abs _section_cstart, $3  }
0xc0: {  	[dreg:$0x1] =	wrdreg $0xFFFFFFFF  }
0xc1: {  	_ =	task.clear_ibuf [dreg:s7], $0x2FFFF;
	_ =	strace $0x9FFFFFFF  }
0xc2: {  	(tm) =	ssettm $0x7FFFFFFF  }
0xc3: {  	_ =	shalt  }
tec
execute0_lowered:
.L_overlay_start_1:
0x0: {  	(tag) =	ssettag $0x1  }
0x1: {  	s0 =	rddreg [dreg:$0x0]  }
0x2: {  	s2 =	rddreg [dreg:$0x1]  }
0x3: {  	s3 =	simm.s32 $0x0;
	s1 =	srdreg.scid;
	s4 =	stileid.u32  }
0x4: {  	s10 =	simm.s32 $0x7;
	s11 =	simm.s32 $0x80;
	s31 =	simm.s32 $0x500  }
0x5: {  	s15 =	simm.s32 $0x3;
	s28 =	simm.s32 $0x184E0;
	s29 =	simm.s32 $0x18A00  }
0x6: {  	s18 =	simm.s32 $0x18C90;
	s30 =	simm.s32 $0x18F20;
	s13 =	simm.s32 $0x191B0  }
0x7: {  	s19 =	simm.s32 $0x19440;
	s20 =	simm.s32 $0x196D0;
	s14 =	simm.s32 $0x19960  }
0x8: {  	s21 =	simm.s32 $0x19BF0;
	s22 =	simm.s32 $0x17300;
	s17 =	simm.s32 $0x0  }
0x9: {  	[smem:$0x7FF] =	sst s3;
	s1 =	sand.u32 $0x1, s1;
	s4 =	sshll.u32 s4, $0x1  }
0xa: {  	s5 =	sadd.s32 $0x7DC00, s0;
	s7 =	ssub.s32 $0x2, s1;
	s1 =	sor.u32 s1, s4  }
0xb: {  	s6 =	sadd.s32 $0x96C00, s0;
	s8 =	sshrl.u32 s7, $0x1;
	s9 =	smul.u32 $0x3E80, s1  }
0xc: {  	_ =	strace $0x80000047;
	s4 =	sadd.s32 $0xC00, s0;
	s25 =	ssub.s32 s7, s8  }
0xd: {  	s7 =	smul.u32 $0x64, s1;
	s1 =	simm.s32 $0x1;
	s26 =	sadd.s32 s4, s9  }
0xe: {  	s8 =	simm.s32 $0x4;
	s0 =	smax.u32 s25, $0x1;
	[dreg:$0x3] =	wrdreg s26  }
0xf: {  	s9 =	simm.s32 $0x2;
	[dreg:$0x4] =	wrdreg s0;
	s0 =	simm.s32 $0x18770  }
.LBB2_1:
0x10: {  	[dreg:$0x5] =	wrdreg s17  }
0x11: {  	s12 =	rddreg [dreg:$0x3]  }
0x12: {  	[tilespmem:s3], [sflag:$0x7] =	stream.linear.gather [hbm4b:s12+s3], $0x500, $0x38;
	[tilespmem:$0x19C00] =	vst v63  }
0x13: {  	_ =	swait.ge [sflag:s10], $0x500  }
0x14: {  	[sflag:s10] =	ssyncset.done $0x0  }
0x15: {  	s17 =	simm.s32 $0xA00;
	[sflag:s10] =	ssyncadd.s32 $0xFFFFFB00  }
0x16: {  	[tilespmem:s17], [sflag:$0x1] =	stream.indirect.gather [hbm4b:s6+s11], $0x20, s3, s11, $0xb8;
	[tilespmem:$0x19C00] =	vst v63  }
0x17: {  	s23 =	simm.s32 $0x1A00  }
0x18: {  	[tilespmem:s23], [sflag:$0x1] =	stream.indirect.gather [hbm4b:s6+s11], $0x20, s11, s11, $0xb8;
	[tilespmem:$0x19C00] =	vst v63  }
0x19: {  	s24 =	simm.s32 $0x100;
	s16 =	simm.s32 $0x2A00  }
0x1a: {  	[tilespmem:s16], [sflag:$0x1] =	stream.indirect.gather [hbm4b:s6+s11], $0x20, s24, s11, $0xb8;
	[tilespmem:$0x19C00] =	vst v63  }
0x1b: {  	s25 =	simm.s32 $0x180;
	s26 =	simm.s32 $0x3A00  }
0x1c: {  	[tilespmem:s26], [sflag:$0x1] =	stream.indirect.gather [hbm4b:s6+s11], $0x20, s25, s11, $0xb8;
	[tilespmem:$0x19C00] =	vst v63  }
0x1d: {  	s17 =	simm.s32 $0x4A00;
	s16 =	simm.s32 $0x200  }
0x1e: {  	[tilespmem:s17], [sflag:$0x1] =	stream.indirect.gather [hbm4b:s6+s11], $0x20, s16, s11, $0xb8;
	[tilespmem:$0x19C00] =	vst v63  }
0x1f: {  	s23 =	simm.s32 $0x280;
	s24 =	simm.s32 $0x5A00  }
0x20: {  	[tilespmem:s24], [sflag:$0x1] =	stream.indirect.gather [hbm4b:s6+s11], $0x20, s23, s11, $0xb8;
	[tilespmem:$0x19C00] =	vst v63  }
0x21: {  	s25 =	simm.s32 $0x300;
	s26 =	simm.s32 $0x6A00  }
0x22: {  	[tilespmem:s26], [sflag:$0x1] =	stream.indirect.gather [hbm4b:s6+s11], $0x20, s25, s11, $0xb8;
	[tilespmem:$0x19C00] =	vst v63  }
0x23: {  	s16 =	simm.s32 $0x380;
	s17 =	simm.s32 $0x7A00  }
0x24: {  	[tilespmem:s17], [sflag:$0x1] =	stream.indirect.gather [hbm4b:s6+s11], $0x20, s16, s11, $0xb8;
	[tilespmem:$0x19C00] =	vst v63  }
0x25: {  	s23 =	simm.s32 $0x400;
	s24 =	simm.s32 $0x8A00  }
0x26: {  	[tilespmem:s24], [sflag:$0x1] =	stream.indirect.gather [hbm4b:s6+s11], $0x20, s23, s11, $0xb8;
	[tilespmem:$0x19C00] =	vst v63  }
0x27: {  	s25 =	simm.s32 $0x480;
	s26 =	simm.s32 $0x9A00;
	s23 =	simm.s32 $0x0  }
0x28: {  	[tilespmem:s26], [sflag:$0x1] =	stream.indirect.gather [hbm4b:s6+s11], $0x20, s25, s11, $0xb8;
	[tilespmem:$0x19C00] =	vst v63  }
.LBB2_2:
0x29: {  	s12 =	sshll.u32 s23, $0x1  }
0x2a: {  	s16 =	sadd.s32 s7, s12  }
0x2b: {  	s24 =	sor.u32 $0x1, s16  }
0x2c: {  	s17 =	smul.u32 $0xA0, s24;
	_ =	sdelay $0x1  }
0x2d: {  	s12 =	sadd.s32 s4, s17  }
0x2e: {  	[tilespmem:s31], [sflag:$0x7] =	stream.linear.gather [hbm4b:s12+s3], $0x500, $0x38;
	[tilespmem:$0x19C00] =	vst v63  }
0x2f: {  	_ =	swait.ge [sflag:s10], $0x500  }
0x30: {  	[sflag:s10] =	ssyncset.done $0x0  }
0x31: {  	s25 =	simm.s32 $0xAA00;
	[sflag:s10] =	ssyncadd.s32 $0xFFFFFB00  }
0x32: {  	[tilespmem:s25], [sflag:$0x2] =	stream.indirect.gather [hbm4b:s6+s11], $0x20, s31, s11, $0xb8;
	[tilespmem:$0x19C00] =	vst v63  }
0x33: {  	s26 =	simm.s32 $0x580;
	s17 =	simm.s32 $0xBA00  }
0x34: {  	[tilespmem:s17], [sflag:$0x2] =	stream.indirect.gather [hbm4b:s6+s11], $0x20, s26, s11, $0xb8;
	[tilespmem:$0x19C00] =	vst v63  }
0x35: {  	s25 =	simm.s32 $0x600;
	s26 =	simm.s32 $0xCA00  }
0x36: {  	[tilespmem:s26], [sflag:$0x2] =	stream.indirect.gather [hbm4b:s6+s11], $0x20, s25, s11, $0xb8;
	[tilespmem:$0x19C00] =	vst v63  }
0x37: {  	s25 =	simm.s32 $0x680;
	s26 =	simm.s32 $0xDA00  }
0x38: {  	[tilespmem:s26], [sflag:$0x2] =	stream.indirect.gather [hbm4b:s6+s11], $0x20, s25, s11, $0xb8;
	[tilespmem:$0x19C00] =	vst v63  }
0x39: {  	s25 =	simm.s32 $0x700;
	s26 =	simm.s32 $0xEA00  }
0x3a: {  	[tilespmem:s26], [sflag:$0x2] =	stream.indirect.gather [hbm4b:s6+s11], $0x20, s25, s11, $0xb8;
	[tilespmem:$0x19C00] =	vst v63  }
0x3b: {  	s25 =	simm.s32 $0x780;
	s26 =	simm.s32 $0xFA00  }
0x3c: {  	[tilespmem:s26], [sflag:$0x2] =	stream.indirect.gather [hbm4b:s6+s11], $0x20, s25, s11, $0xb8;
	[tilespmem:$0x19C00] =	vst v63  }
0x3d: {  	s25 =	simm.s32 $0x800;
	s26 =	simm.s32 $0x10A00  }
0x3e: {  	[tilespmem:s26], [sflag:$0x2] =	stream.indirect.gather [hbm4b:s6+s11], $0x20, s25, s11, $0xb8;
	[tilespmem:$0x19C00] =	vst v63  }
0x3f: {  	s25 =	simm.s32 $0x880;
	s26 =	simm.s32 $0x11A00  }
0x40: {  	[tilespmem:s26], [sflag:$0x2] =	stream.indirect.gather [hbm4b:s6+s11], $0x20, s25, s11, $0xb8;
	[tilespmem:$0x19C00] =	vst v63  }
0x41: {  	s25 =	simm.s32 $0x900;
	s26 =	simm.s32 $0x12A00  }
0x42: {  	[tilespmem:s26], [sflag:$0x2] =	stream.indirect.gather [hbm4b:s6+s11], $0x20, s25, s11, $0xb8;
	[tilespmem:$0x19C00] =	vst v63  }
0x43: {  	s25 =	simm.s32 $0x980;
	s26 =	simm.s32 $0x13A00  }
0x44: {  	[tilespmem:s26], [sflag:$0x2] =	stream.indirect.gather [hbm4b:s6+s11], $0x20, s25, s11, $0xb8;
	[tilespmem:$0x19C00] =	vst v63  }
0x45: {  	_ =	swait.ge [sflag:s1], $0x1000  }
0x46: {  	[sflag:s1] =	ssyncset.done $0x0  }
0x47: {  	[sflag:s1] =	ssyncadd.s32 $0xFFFFF000  }
0x48: {  	_ =	swait.ge [sflag:s1], $0x1000  }
0x49: {  	[sflag:s1] =	ssyncset.done $0x0  }
0x4a: {  	[sflag:s1] =	ssyncadd.s32 $0xFFFFF000  }
0x4b: {  	_ =	swait.ge [sflag:s1], $0x1000  }
0x4c: {  	[sflag:s1] =	ssyncset.done $0x0  }
0x4d: {  	[sflag:s1] =	ssyncadd.s32 $0xFFFFF000  }
0x4e: {  	_ =	swait.ge [sflag:s1], $0x1000  }
0x4f: {  	[sflag:s1] =	ssyncset.done $0x0  }
0x50: {  	[sflag:s1] =	ssyncadd.s32 $0xFFFFF000  }
0x51: {  	_ =	swait.ge [sflag:s1], $0x1000  }
0x52: {  	[sflag:s1] =	ssyncset.done $0x0  }
0x53: {  	[sflag:s1] =	ssyncadd.s32 $0xFFFFF000  }
0x54: {  	_ =	swait.ge [sflag:s1], $0x1000  }
0x55: {  	[sflag:s1] =	ssyncset.done $0x0  }
0x56: {  	[sflag:s1] =	ssyncadd.s32 $0xFFFFF000  }
0x57: {  	_ =	swait.ge [sflag:s1], $0x1000  }
0x58: {  	[sflag:s1] =	ssyncset.done $0x0  }
0x59: {  	[sflag:s1] =	ssyncadd.s32 $0xFFFFF000  }
0x5a: {  	_ =	swait.ge [sflag:s1], $0x1000  }
0x5b: {  	[sflag:s1] =	ssyncset.done $0x0  }
0x5c: {  	[sflag:s1] =	ssyncadd.s32 $0xFFFFF000  }
0x5d: {  	_ =	swait.ge [sflag:s1], $0x1000  }
0x5e: {  	[sflag:s1] =	ssyncset.done $0x0  }
0x5f: {  	[sflag:s1] =	ssyncadd.s32 $0xFFFFF000  }
0x60: {  	_ =	swait.ge [sflag:s1], $0x1000  }
0x61: {  	p0 =	seq.s32 s23, $0x0;
	[sflag:s1] =	ssyncset.done $0x0  }
0x62: {  	s12 =	simm.s32 @!p0 $0x5;
	[sflag:s1] =	ssyncadd.s32 $0xFFFFF000  }
0x63: {  	_ =	swait.ge @!p0 [sflag:s12], $0x2900  }
0x64: {  	s25 =	sshll.u32 s16, $0x5;
	s26 =	simm.s32 $0x14C80;
	[sflag:s12] =	ssyncset.done @!p0 $0x0  }
0x65: {  	[sflag:s12] =	ssyncadd.s32 @!p0 $0xFFFFD700;
	s12 =	sadd.s32 s5, s25;
	s25 =	simm.s32 $0x0  }
0x66: {  	[tilespmem:s26], [sflag:$0x3] =	stream.linear.gather [hbm4b:s12+s25], $0x10, $0x38;
	[tilespmem:$0x19C00] =	vst v63  }
0x67: {  	s17 =	sadd.s32 $0x2, s12;
	s26 =	simm.s32 $0x14F10  }
0x68: {  	[tilespmem:s26], [sflag:$0x3] =	stream.linear.gather [hbm4b:s17+s25], $0x10, $0x38;
	[tilespmem:$0x19C00] =	vst v63  }
0x69: {  	s17 =	sadd.s32 $0x4, s12;
	s26 =	simm.s32 $0x151A0  }
0x6a: {  	[tilespmem:s26], [sflag:$0x3] =	stream.linear.gather [hbm4b:s17+s25], $0x10, $0x38;
	[tilespmem:$0x19C00] =	vst v63  }
0x6b: {  	s17 =	sadd.s32 $0x6, s12;
	s26 =	simm.s32 $0x15430  }
0x6c: {  	[tilespmem:s26], [sflag:$0x3] =	stream.linear.gather [hbm4b:s17+s25], $0x10, $0x38;
	[tilespmem:$0x19C00] =	vst v63  }
0x6d: {  	s17 =	sadd.s32 $0x8, s12;
	s26 =	simm.s32 $0x156C0  }
0x6e: {  	[tilespmem:s26], [sflag:$0x3] =	stream.linear.gather [hbm4b:s17+s25], $0x10, $0x38;
	[tilespmem:$0x19C00] =	vst v63  }
0x6f: {  	s17 =	sadd.s32 $0xA, s12;
	s26 =	simm.s32 $0x15950  }
0x70: {  	[tilespmem:s26], [sflag:$0x3] =	stream.linear.gather [hbm4b:s17+s25], $0x10, $0x38;
	[tilespmem:$0x19C00] =	vst v63  }
0x71: {  	s17 =	sadd.s32 $0xC, s12;
	s26 =	simm.s32 $0x15BE0  }
0x72: {  	[tilespmem:s26], [sflag:$0x3] =	stream.linear.gather [hbm4b:s17+s25], $0x10, $0x38;
	[tilespmem:$0x19C00] =	vst v63  }
0x73: {  	s17 =	sadd.s32 $0xE, s12;
	s26 =	simm.s32 $0x15E70  }
0x74: {  	[tilespmem:s26], [sflag:$0x3] =	stream.linear.gather [hbm4b:s17+s25], $0x10, $0x38;
	[tilespmem:$0x19C00] =	vst v63  }
0x75: {  	s17 =	sadd.s32 $0x10, s12;
	s26 =	simm.s32 $0x16100  }
0x76: {  	[tilespmem:s26], [sflag:$0x3] =	stream.linear.gather [hbm4b:s17+s25], $0x10, $0x38;
	[tilespmem:$0x19C00] =	vst v63  }
0x77: {  	s17 =	sadd.s32 $0x12, s12;
	s26 =	simm.s32 $0x16390  }
0x78: {  	[tilespmem:s26], [sflag:$0x3] =	stream.linear.gather [hbm4b:s17+s25], $0x10, $0x38;
	[tilespmem:$0x19C00] =	vst v63  }
0x79: {  	s17 =	sadd.s32 $0x14, s12;
	s26 =	simm.s32 $0x16620  }
0x7a: {  	[tilespmem:s26], [sflag:$0x3] =	stream.linear.gather [hbm4b:s17+s25], $0x10, $0x38;
	[tilespmem:$0x19C00] =	vst v63  }
0x7b: {  	s17 =	sadd.s32 $0x16, s12;
	s26 =	simm.s32 $0x168B0  }
0x7c: {  	[tilespmem:s26], [sflag:$0x3] =	stream.linear.gather [hbm4b:s17+s25], $0x10, $0x38;
	[tilespmem:$0x19C00] =	vst v63  }
0x7d: {  	s17 =	sadd.s32 $0x18, s12;
	s26 =	simm.s32 $0x16B40  }
0x7e: {  	[tilespmem:s26], [sflag:$0x3] =	stream.linear.gather [hbm4b:s17+s25], $0x10, $0x38;
	[tilespmem:$0x19C00] =	vst v63  }
0x7f: {  	s17 =	sadd.s32 $0x1A, s12;
	s26 =	simm.s32 $0x16DD0  }
0x80: {  	[tilespmem:s26], [sflag:$0x3] =	stream.linear.gather [hbm4b:s17+s25], $0x10, $0x38;
	[tilespmem:$0x19C00] =	vst v63  }
0x81: {  	s17 =	sadd.s32 $0x1C, s12;
	s26 =	simm.s32 $0x17060  }
0x82: {  	[tilespmem:s26], [sflag:$0x3] =	stream.linear.gather [hbm4b:s17+s25], $0x10, $0x38;
	[tilespmem:$0x19C00] =	vst v63  }
0x83: {  	s12 =	sadd.s32 $0x1E, s12;
	s26 =	simm.s32 $0x172F0  }
0x84: {  	[tilespmem:s26], [sflag:$0x3] =	stream.linear.gather [hbm4b:s12+s25], $0x10, $0x38;
	[tilespmem:$0x19C00] =	vst v63  }
0x85: {  	s12 =	smin.u32 s16, $0xC7D  }
.LBB2_3:
0x86: {  	s17 =	smul.u32 $0x2800, s25;
	_ =	sdelay $0x1  }
0x87: {  	s26 =	sshra.s32 s17, $0x2  }
0x88: {  	v0 =	vld [tilespmem:s26+$0xA00]  }
0x89: {  	v1 =	vld [tilespmem:s26+$0xA20];
	_ =	sdelay $0x1  }
0x8a: {  	v2 =	vld [tilespmem:s26+$0xA40];
	_ =	sdelay $0x1  }
0x8b: {  	v3 =	vld [tilespmem:s26+$0xA60]  }
0x8c: {  	v0 =	vadd.f32 v1, v0;
	_ =	sdelay $0x1  }
0x8d: {  	v0 =	vadd.f32 v2, v0  }
0x8e: {  	s17 =	smul.u32 $0xA40, s25  }
0x8f: {  	v0 =	vadd.f32 v3, v0  }
0x90: {  	s17 =	sshra.s32 s17, $0x2  }
0x91: {  	[tilespmem:s17+$0x14A00] =	vst v0  }
0x92: {  	v0 =	vld [tilespmem:s26+$0xA10]  }
0x93: {  	v63 =	vld [tilespmem:s26+$0xA30];
	_ =	sdelay $0x1  }
0x94: {  	v6 =	vld [tilespmem:s26+$0xA50];
	_ =	sdelay $0x1  }
0x95: {  	v7 =	vld [tilespmem:s26+$0xA70]  }
0x96: {  	v0 =	vadd.f32 v63, v0;
	_ =	sdelay $0x1  }
0x97: {  	v0 =	vadd.f32 v6, v0;
	_ =	sdelay $0x1  }
0x98: {  	v0 =	vadd.f32 v7, v0;
	_ =	sdelay $0x1  }
0x99: {  	[tilespmem:s17+$0x14A10] =	vst v0  }
0x9a: {  	v0 =	vld [tilespmem:s26+$0xA80]  }
0x9b: {  	v8 =	vld [tilespmem:s26+$0xAA0];
	_ =	sdelay $0x1  }
0x9c: {  	v9 =	vld [tilespmem:s26+$0xAC0];
	_ =	sdelay $0x1  }
0x9d: {  	v10 =	vld [tilespmem:s26+$0xAE0]  }
0x9e: {  	v0 =	vadd.f32 v8, v0;
	_ =	sdelay $0x1  }
0x9f: {  	v0 =	vadd.f32 v9, v0;
	_ =	sdelay $0x1  }
0xa0: {  	v0 =	vadd.f32 v10, v0;
	_ =	sdelay $0x1  }
0xa1: {  	[tilespmem:s17+$0x14A20] =	vst v0  }
0xa2: {  	v0 =	vld [tilespmem:s26+$0xA90]  }
0xa3: {  	v11 =	vld [tilespmem:s26+$0xAB0];
	_ =	sdelay $0x1  }
0xa4: {  	v12 =	vld [tilespmem:s26+$0xAD0];
	_ =	sdelay $0x1  }
0xa5: {  	v13 =	vld [tilespmem:s26+$0xAF0]  }
0xa6: {  	v0 =	vadd.f32 v11, v0;
	_ =	sdelay $0x1  }
0xa7: {  	v0 =	vadd.f32 v12, v0;
	_ =	sdelay $0x1  }
0xa8: {  	v0 =	vadd.f32 v13, v0;
	_ =	sdelay $0x1  }
0xa9: {  	[tilespmem:s17+$0x14A30] =	vst v0  }
0xaa: {  	v0 =	vld [tilespmem:s26+$0xB00]  }
0xab: {  	v14 =	vld [tilespmem:s26+$0xB20];
	_ =	sdelay $0x1  }
0xac: {  	v15 =	vld [tilespmem:s26+$0xB40];
	_ =	sdelay $0x1  }
0xad: {  	v16 =	vld [tilespmem:s26+$0xB60]  }
0xae: {  	v0 =	vadd.f32 v14, v0;
	_ =	sdelay $0x1  }
0xaf: {  	v0 =	vadd.f32 v15, v0;
	_ =	sdelay $0x1  }
0xb0: {  	v0 =	vadd.f32 v16, v0;
	_ =	sdelay $0x1  }
0xb1: {  	[tilespmem:s17+$0x14A40] =	vst v0  }
0xb2: {  	v0 =	vld [tilespmem:s26+$0xB10]  }
0xb3: {  	v17 =	vld [tilespmem:s26+$0xB30];
	_ =	sdelay $0x1  }
0xb4: {  	v18 =	vld [tilespmem:s26+$0xB50];
	_ =	sdelay $0x1  }
0xb5: {  	v19 =	vld [tilespmem:s26+$0xB70]  }
0xb6: {  	v0 =	vadd.f32 v17, v0;
	_ =	sdelay $0x1  }
0xb7: {  	v0 =	vadd.f32 v18, v0;
	_ =	sdelay $0x1  }
0xb8: {  	v0 =	vadd.f32 v19, v0;
	_ =	sdelay $0x1  }
0xb9: {  	[tilespmem:s17+$0x14A50] =	vst v0  }
0xba: {  	v0 =	vld [tilespmem:s26+$0xB80]  }
0xbb: {  	v20 =	vld [tilespmem:s26+$0xBA0];
	_ =	sdelay $0x1  }
0xbc: {  	v21 =	vld [tilespmem:s26+$0xBC0];
	_ =	sdelay $0x1  }
0xbd: {  	v22 =	vld [tilespmem:s26+$0xBE0]  }
0xbe: {  	v0 =	vadd.f32 v20, v0;
	_ =	sdelay $0x1  }
0xbf: {  	v0 =	vadd.f32 v21, v0;
	_ =	sdelay $0x1  }
0xc0: {  	v0 =	vadd.f32 v22, v0;
	_ =	sdelay $0x1  }
0xc1: {  	[tilespmem:s17+$0x14A60] =	vst v0  }
0xc2: {  	v0 =	vld [tilespmem:s26+$0xB90]  }
0xc3: {  	v23 =	vld [tilespmem:s26+$0xBB0];
	_ =	sdelay $0x1  }
0xc4: {  	v24 =	vld [tilespmem:s26+$0xBD0];
	_ =	sdelay $0x1  }
0xc5: {  	v25 =	vld [tilespmem:s26+$0xBF0]  }
0xc6: {  	v0 =	vadd.f32 v23, v0;
	_ =	sdelay $0x1  }
0xc7: {  	v0 =	vadd.f32 v24, v0;
	_ =	sdelay $0x1  }
0xc8: {  	v0 =	vadd.f32 v25, v0;
	_ =	sdelay $0x1  }
0xc9: {  	[tilespmem:s17+$0x14A70] =	vst v0  }
0xca: {  	v0 =	vld [tilespmem:s26+$0xC00]  }
0xcb: {  	v26 =	vld [tilespmem:s26+$0xC20];
	_ =	sdelay $0x1  }
0xcc: {  	v27 =	vld [tilespmem:s26+$0xC40];
	_ =	sdelay $0x1  }
0xcd: {  	v28 =	vld [tilespmem:s26+$0xC60]  }
0xce: {  	v0 =	vadd.f32 v26, v0;
	_ =	sdelay $0x1  }
0xcf: {  	v0 =	vadd.f32 v27, v0;
	_ =	sdelay $0x1  }
0xd0: {  	v0 =	vadd.f32 v28, v0;
	_ =	sdelay $0x1  }
0xd1: {  	[tilespmem:s17+$0x14A80] =	vst v0  }
0xd2: {  	v0 =	vld [tilespmem:s26+$0xC10]  }
0xd3: {  	v29 =	vld [tilespmem:s26+$0xC30];
	_ =	sdelay $0x1  }
0xd4: {  	v30 =	vld [tilespmem:s26+$0xC50];
	_ =	sdelay $0x1  }
0xd5: {  	v31 =	vld [tilespmem:s26+$0xC70]  }
0xd6: {  	v0 =	vadd.f32 v29, v0;
	_ =	sdelay $0x1  }
0xd7: {  	v0 =	vadd.f32 v30, v0;
	_ =	sdelay $0x1  }
0xd8: {  	v0 =	vadd.f32 v31, v0;
	_ =	sdelay $0x1  }
0xd9: {  	[tilespmem:s17+$0x14A90] =	vst v0  }
0xda: {  	v0 =	vld [tilespmem:s26+$0xC80]  }
0xdb: {  	v32 =	vld [tilespmem:s26+$0xCA0];
	_ =	sdelay $0x1  }
0xdc: {  	v33 =	vld [tilespmem:s26+$0xCC0];
	_ =	sdelay $0x1  }
0xdd: {  	v34 =	vld [tilespmem:s26+$0xCE0]  }
0xde: {  	v0 =	vadd.f32 v32, v0;
	_ =	sdelay $0x1  }
0xdf: {  	v0 =	vadd.f32 v33, v0;
	_ =	sdelay $0x1  }
0xe0: {  	v0 =	vadd.f32 v34, v0;
	_ =	sdelay $0x1  }
0xe1: {  	[tilespmem:s17+$0x14AA0] =	vst v0  }
0xe2: {  	v0 =	vld [tilespmem:s26+$0xC90]  }
0xe3: {  	v35 =	vld [tilespmem:s26+$0xCB0];
	_ =	sdelay $0x1  }
0xe4: {  	v36 =	vld [tilespmem:s26+$0xCD0];
	_ =	sdelay $0x1  }
0xe5: {  	v37 =	vld [tilespmem:s26+$0xCF0]  }
0xe6: {  	v0 =	vadd.f32 v35, v0;
	_ =	sdelay $0x1  }
0xe7: {  	v0 =	vadd.f32 v36, v0;
	_ =	sdelay $0x1  }
0xe8: {  	v0 =	vadd.f32 v37, v0;
	_ =	sdelay $0x1  }
0xe9: {  	[tilespmem:s17+$0x14AB0] =	vst v0  }
0xea: {  	v0 =	vld [tilespmem:s26+$0xD00]  }
0xeb: {  	v38 =	vld [tilespmem:s26+$0xD20];
	_ =	sdelay $0x1  }
0xec: {  	v39 =	vld [tilespmem:s26+$0xD40];
	_ =	sdelay $0x1  }
0xed: {  	v40 =	vld [tilespmem:s26+$0xD60]  }
0xee: {  	v0 =	vadd.f32 v38, v0;
	_ =	sdelay $0x1  }
0xef: {  	v0 =	vadd.f32 v39, v0;
	_ =	sdelay $0x1  }
0xf0: {  	v0 =	vadd.f32 v40, v0;
	_ =	sdelay $0x1  }
0xf1: {  	[tilespmem:s17+$0x14AC0] =	vst v0  }
0xf2: {  	v0 =	vld [tilespmem:s26+$0xD10]  }
0xf3: {  	v41 =	vld [tilespmem:s26+$0xD30];
	_ =	sdelay $0x1  }
0xf4: {  	v42 =	vld [tilespmem:s26+$0xD50];
	_ =	sdelay $0x1  }
0xf5: {  	v43 =	vld [tilespmem:s26+$0xD70]  }
0xf6: {  	v0 =	vadd.f32 v41, v0;
	_ =	sdelay $0x1  }
0xf7: {  	v0 =	vadd.f32 v42, v0;
	_ =	sdelay $0x1  }
0xf8: {  	v0 =	vadd.f32 v43, v0;
	_ =	sdelay $0x1  }
0xf9: {  	[tilespmem:s17+$0x14AD0] =	vst v0  }
0xfa: {  	v0 =	vld [tilespmem:s26+$0xD80]  }
0xfb: {  	v44 =	vld [tilespmem:s26+$0xDA0];
	_ =	sdelay $0x1  }
0xfc: {  	v45 =	vld [tilespmem:s26+$0xDC0];
	_ =	sdelay $0x1  }
0xfd: {  	v46 =	vld [tilespmem:s26+$0xDE0]  }
0xfe: {  	v0 =	vadd.f32 v44, v0;
	_ =	sdelay $0x1  }
0xff: {  	v0 =	vadd.f32 v45, v0;
	_ =	sdelay $0x1  }
0x100: {  	v0 =	vadd.f32 v46, v0;
	_ =	sdelay $0x1  }
0x101: {  	[tilespmem:s17+$0x14AE0] =	vst v0  }
0x102: {  	v0 =	vld [tilespmem:s26+$0xD90]  }
0x103: {  	v47 =	vld [tilespmem:s26+$0xDB0];
	_ =	sdelay $0x1  }
0x104: {  	v48 =	vld [tilespmem:s26+$0xDD0];
	_ =	sdelay $0x1  }
0x105: {  	v49 =	vld [tilespmem:s26+$0xDF0]  }
0x106: {  	v0 =	vadd.f32 v47, v0;
	_ =	sdelay $0x1  }
0x107: {  	v0 =	vadd.f32 v48, v0;
	_ =	sdelay $0x1  }
0x108: {  	v0 =	vadd.f32 v49, v0;
	_ =	sdelay $0x1  }
0x109: {  	[tilespmem:s17+$0x14AF0] =	vst v0  }
0x10a: {  	v0 =	vld [tilespmem:s26+$0xE00]  }
0x10b: {  	v50 =	vld [tilespmem:s26+$0xE20];
	_ =	sdelay $0x1  }
0x10c: {  	v51 =	vld [tilespmem:s26+$0xE40];
	_ =	sdelay $0x1  }
0x10d: {  	v52 =	vld [tilespmem:s26+$0xE60]  }
0x10e: {  	v0 =	vadd.f32 v50, v0;
	_ =	sdelay $0x1  }
0x10f: {  	v0 =	vadd.f32 v51, v0;
	_ =	sdelay $0x1  }
0x110: {  	v0 =	vadd.f32 v52, v0;
	_ =	sdelay $0x1  }
0x111: {  	[tilespmem:s17+$0x14B00] =	vst v0  }
0x112: {  	v0 =	vld [tilespmem:s26+$0xE10]  }
0x113: {  	v53 =	vld [tilespmem:s26+$0xE30];
	_ =	sdelay $0x1  }
0x114: {  	v54 =	vld [tilespmem:s26+$0xE50];
	_ =	sdelay $0x1  }
0x115: {  	v55 =	vld [tilespmem:s26+$0xE70]  }
0x116: {  	v0 =	vadd.f32 v53, v0;
	_ =	sdelay $0x1  }
0x117: {  	v0 =	vadd.f32 v54, v0;
	_ =	sdelay $0x1  }
0x118: {  	v0 =	vadd.f32 v55, v0;
	_ =	sdelay $0x1  }
0x119: {  	[tilespmem:s17+$0x14B10] =	vst v0  }
0x11a: {  	v0 =	vld [tilespmem:s26+$0xE80]  }
0x11b: {  	v56 =	vld [tilespmem:s26+$0xEA0];
	_ =	sdelay $0x1  }
0x11c: {  	v57 =	vld [tilespmem:s26+$0xEC0];
	_ =	sdelay $0x1  }
0x11d: {  	v58 =	vld [tilespmem:s26+$0xEE0]  }
0x11e: {  	v0 =	vadd.f32 v56, v0;
	_ =	sdelay $0x1  }
0x11f: {  	v0 =	vadd.f32 v57, v0;
	_ =	sdelay $0x1  }
0x120: {  	v0 =	vadd.f32 v58, v0;
	_ =	sdelay $0x1  }
0x121: {  	[tilespmem:s17+$0x14B20] =	vst v0  }
0x122: {  	v0 =	vld [tilespmem:s26+$0xE90]  }
0x123: {  	v59 =	vld [tilespmem:s26+$0xEB0];
	_ =	sdelay $0x1  }
0x124: {  	v60 =	vld [tilespmem:s26+$0xED0];
	_ =	sdelay $0x1  }
0x125: {  	v61 =	vld [tilespmem:s26+$0xEF0]  }
0x126: {  	v0 =	vadd.f32 v59, v0;
	_ =	sdelay $0x1  }
0x127: {  	v0 =	vadd.f32 v60, v0;
	_ =	sdelay $0x1  }
0x128: {  	v0 =	vadd.f32 v61, v0;
	_ =	sdelay $0x1  }
0x129: {  	[tilespmem:s17+$0x14B30] =	vst v0  }
0x12a: {  	v0 =	vld [tilespmem:s26+$0xF00]  }
0x12b: {  	v62 =	vld [tilespmem:s26+$0xF20];
	_ =	sdelay $0x1  }
0x12c: {  	v63 =	vld [tilespmem:s26+$0xF40];
	_ =	sdelay $0x1  }
0x12d: {  	v6 =	vld [tilespmem:s26+$0xF60]  }
0x12e: {  	v0 =	vadd.f32 v62, v0;
	_ =	sdelay $0x1  }
0x12f: {  	v0 =	vadd.f32 v63, v0;
	_ =	sdelay $0x1  }
0x130: {  	v0 =	vadd.f32 v6, v0;
	_ =	sdelay $0x1  }
0x131: {  	[tilespmem:s17+$0x14B40] =	vst v0  }
0x132: {  	v0 =	vld [tilespmem:s26+$0xF10]  }
0x133: {  	v7 =	vld [tilespmem:s26+$0xF30];
	_ =	sdelay $0x1  }
0x134: {  	v8 =	vld [tilespmem:s26+$0xF50];
	_ =	sdelay $0x1  }
0x135: {  	v9 =	vld [tilespmem:s26+$0xF70]  }
0x136: {  	v0 =	vadd.f32 v7, v0;
	_ =	sdelay $0x1  }
0x137: {  	v0 =	vadd.f32 v8, v0;
	_ =	sdelay $0x1  }
0x138: {  	v0 =	vadd.f32 v9, v0;
	_ =	sdelay $0x1  }
0x139: {  	[tilespmem:s17+$0x14B50] =	vst v0  }
0x13a: {  	v0 =	vld [tilespmem:s26+$0xF80]  }
0x13b: {  	v10 =	vld [tilespmem:s26+$0xFA0];
	_ =	sdelay $0x1  }
0x13c: {  	v11 =	vld [tilespmem:s26+$0xFC0];
	_ =	sdelay $0x1  }
0x13d: {  	v12 =	vld [tilespmem:s26+$0xFE0]  }
0x13e: {  	v0 =	vadd.f32 v10, v0;
	_ =	sdelay $0x1  }
0x13f: {  	v0 =	vadd.f32 v11, v0;
	_ =	sdelay $0x1  }
0x140: {  	v0 =	vadd.f32 v12, v0;
	_ =	sdelay $0x1  }
0x141: {  	[tilespmem:s17+$0x14B60] =	vst v0  }
0x142: {  	v0 =	vld [tilespmem:s26+$0xF90]  }
0x143: {  	v13 =	vld [tilespmem:s26+$0xFB0];
	_ =	sdelay $0x1  }
0x144: {  	v14 =	vld [tilespmem:s26+$0xFD0];
	_ =	sdelay $0x1  }
0x145: {  	v15 =	vld [tilespmem:s26+$0xFF0]  }
0x146: {  	v0 =	vadd.f32 v13, v0;
	_ =	sdelay $0x1  }
0x147: {  	v0 =	vadd.f32 v14, v0;
	_ =	sdelay $0x1  }
0x148: {  	v0 =	vadd.f32 v15, v0;
	_ =	sdelay $0x1  }
0x149: {  	[tilespmem:s17+$0x14B70] =	vst v0  }
0x14a: {  	v0 =	vld [tilespmem:s26+$0x1000]  }
0x14b: {  	v16 =	vld [tilespmem:s26+$0x1020];
	_ =	sdelay $0x1  }
0x14c: {  	v17 =	vld [tilespmem:s26+$0x1040];
	_ =	sdelay $0x1  }
0x14d: {  	v18 =	vld [tilespmem:s26+$0x1060]  }
0x14e: {  	v0 =	vadd.f32 v16, v0;
	_ =	sdelay $0x1  }
0x14f: {  	v0 =	vadd.f32 v17, v0;
	_ =	sdelay $0x1  }
0x150: {  	v0 =	vadd.f32 v18, v0;
	_ =	sdelay $0x1  }
0x151: {  	[tilespmem:s17+$0x14B80] =	vst v0  }
0x152: {  	v0 =	vld [tilespmem:s26+$0x1010]  }
0x153: {  	v19 =	vld [tilespmem:s26+$0x1030];
	_ =	sdelay $0x1  }
0x154: {  	v20 =	vld [tilespmem:s26+$0x1050];
	_ =	sdelay $0x1  }
0x155: {  	v21 =	vld [tilespmem:s26+$0x1070]  }
0x156: {  	v0 =	vadd.f32 v19, v0;
	_ =	sdelay $0x1  }
0x157: {  	v0 =	vadd.f32 v20, v0;
	_ =	sdelay $0x1  }
0x158: {  	v0 =	vadd.f32 v21, v0;
	_ =	sdelay $0x1  }
0x159: {  	[tilespmem:s17+$0x14B90] =	vst v0  }
0x15a: {  	v0 =	vld [tilespmem:s26+$0x1080]  }
0x15b: {  	v22 =	vld [tilespmem:s26+$0x10A0];
	_ =	sdelay $0x1  }
0x15c: {  	v23 =	vld [tilespmem:s26+$0x10C0];
	_ =	sdelay $0x1  }
0x15d: {  	v24 =	vld [tilespmem:s26+$0x10E0]  }
0x15e: {  	v0 =	vadd.f32 v22, v0;
	_ =	sdelay $0x1  }
0x15f: {  	v0 =	vadd.f32 v23, v0;
	_ =	sdelay $0x1  }
0x160: {  	v0 =	vadd.f32 v24, v0;
	_ =	sdelay $0x1  }
0x161: {  	[tilespmem:s17+$0x14BA0] =	vst v0  }
0x162: {  	v0 =	vld [tilespmem:s26+$0x1090]  }
0x163: {  	v25 =	vld [tilespmem:s26+$0x10B0];
	_ =	sdelay $0x1  }
0x164: {  	v26 =	vld [tilespmem:s26+$0x10D0];
	_ =	sdelay $0x1  }
0x165: {  	v27 =	vld [tilespmem:s26+$0x10F0]  }
0x166: {  	v0 =	vadd.f32 v25, v0;
	_ =	sdelay $0x1  }
0x167: {  	v0 =	vadd.f32 v26, v0;
	_ =	sdelay $0x1  }
0x168: {  	v0 =	vadd.f32 v27, v0;
	_ =	sdelay $0x1  }
0x169: {  	[tilespmem:s17+$0x14BB0] =	vst v0  }
0x16a: {  	v0 =	vld [tilespmem:s26+$0x1100]  }
0x16b: {  	v28 =	vld [tilespmem:s26+$0x1120];
	_ =	sdelay $0x1  }
0x16c: {  	v29 =	vld [tilespmem:s26+$0x1140];
	_ =	sdelay $0x1  }
0x16d: {  	v30 =	vld [tilespmem:s26+$0x1160]  }
0x16e: {  	v0 =	vadd.f32 v28, v0;
	_ =	sdelay $0x1  }
0x16f: {  	v0 =	vadd.f32 v29, v0;
	_ =	sdelay $0x1  }
0x170: {  	v0 =	vadd.f32 v30, v0;
	_ =	sdelay $0x1  }
0x171: {  	[tilespmem:s17+$0x14BC0] =	vst v0  }
0x172: {  	v0 =	vld [tilespmem:s26+$0x1110]  }
0x173: {  	v31 =	vld [tilespmem:s26+$0x1130];
	_ =	sdelay $0x1  }
0x174: {  	v32 =	vld [tilespmem:s26+$0x1150];
	_ =	sdelay $0x1  }
0x175: {  	v33 =	vld [tilespmem:s26+$0x1170]  }
0x176: {  	v0 =	vadd.f32 v31, v0;
	_ =	sdelay $0x1  }
0x177: {  	v0 =	vadd.f32 v32, v0;
	_ =	sdelay $0x1  }
0x178: {  	v0 =	vadd.f32 v33, v0;
	_ =	sdelay $0x1  }
0x179: {  	[tilespmem:s17+$0x14BD0] =	vst v0  }
0x17a: {  	v0 =	vld [tilespmem:s26+$0x1180]  }
0x17b: {  	v34 =	vld [tilespmem:s26+$0x11A0];
	_ =	sdelay $0x1  }
0x17c: {  	v35 =	vld [tilespmem:s26+$0x11C0];
	_ =	sdelay $0x1  }
0x17d: {  	v36 =	vld [tilespmem:s26+$0x11E0]  }
0x17e: {  	v0 =	vadd.f32 v34, v0;
	_ =	sdelay $0x1  }
0x17f: {  	v0 =	vadd.f32 v35, v0;
	_ =	sdelay $0x1  }
0x180: {  	v0 =	vadd.f32 v36, v0;
	_ =	sdelay $0x1  }
0x181: {  	[tilespmem:s17+$0x14BE0] =	vst v0  }
0x182: {  	v0 =	vld [tilespmem:s26+$0x1190]  }
0x183: {  	v37 =	vld [tilespmem:s26+$0x11B0];
	_ =	sdelay $0x1  }
0x184: {  	v38 =	vld [tilespmem:s26+$0x11D0];
	_ =	sdelay $0x1  }
0x185: {  	v39 =	vld [tilespmem:s26+$0x11F0]  }
0x186: {  	v0 =	vadd.f32 v37, v0;
	_ =	sdelay $0x1  }
0x187: {  	v0 =	vadd.f32 v38, v0;
	_ =	sdelay $0x1  }
0x188: {  	v0 =	vadd.f32 v39, v0;
	_ =	sdelay $0x1  }
0x189: {  	[tilespmem:s17+$0x14BF0] =	vst v0  }
0x18a: {  	v0 =	vld [tilespmem:s26+$0x1200]  }
0x18b: {  	v40 =	vld [tilespmem:s26+$0x1220];
	_ =	sdelay $0x1  }
0x18c: {  	v41 =	vld [tilespmem:s26+$0x1240];
	_ =	sdelay $0x1  }
0x18d: {  	v42 =	vld [tilespmem:s26+$0x1260]  }
0x18e: {  	v0 =	vadd.f32 v40, v0;
	_ =	sdelay $0x1  }
0x18f: {  	v0 =	vadd.f32 v41, v0;
	_ =	sdelay $0x1  }
0x190: {  	v0 =	vadd.f32 v42, v0;
	_ =	sdelay $0x1  }
0x191: {  	[tilespmem:s17+$0x14C00] =	vst v0  }
0x192: {  	v0 =	vld [tilespmem:s26+$0x1210]  }
0x193: {  	v43 =	vld [tilespmem:s26+$0x1230];
	_ =	sdelay $0x1  }
0x194: {  	v44 =	vld [tilespmem:s26+$0x1250];
	_ =	sdelay $0x1  }
0x195: {  	v45 =	vld [tilespmem:s26+$0x1270]  }
0x196: {  	v0 =	vadd.f32 v43, v0;
	_ =	sdelay $0x1  }
0x197: {  	v0 =	vadd.f32 v44, v0;
	_ =	sdelay $0x1  }
0x198: {  	v0 =	vadd.f32 v45, v0;
	_ =	sdelay $0x1  }
0x199: {  	[tilespmem:s17+$0x14C10] =	vst v0  }
0x19a: {  	v0 =	vld [tilespmem:s26+$0x1280]  }
0x19b: {  	v46 =	vld [tilespmem:s26+$0x12A0];
	_ =	sdelay $0x1  }
0x19c: {  	v47 =	vld [tilespmem:s26+$0x12C0];
	_ =	sdelay $0x1  }
0x19d: {  	v48 =	vld [tilespmem:s26+$0x12E0]  }
0x19e: {  	v0 =	vadd.f32 v46, v0;
	_ =	sdelay $0x1  }
0x19f: {  	v0 =	vadd.f32 v47, v0;
	_ =	sdelay $0x1  }
0x1a0: {  	v0 =	vadd.f32 v48, v0;
	_ =	sdelay $0x1  }
0x1a1: {  	[tilespmem:s17+$0x14C20] =	vst v0  }
0x1a2: {  	v0 =	vld [tilespmem:s26+$0x1290]  }
0x1a3: {  	v49 =	vld [tilespmem:s26+$0x12B0];
	_ =	sdelay $0x1  }
0x1a4: {  	v50 =	vld [tilespmem:s26+$0x12D0];
	_ =	sdelay $0x1  }
0x1a5: {  	v51 =	vld [tilespmem:s26+$0x12F0]  }
0x1a6: {  	v0 =	vadd.f32 v49, v0;
	_ =	sdelay $0x1  }
0x1a7: {  	v0 =	vadd.f32 v50, v0;
	_ =	sdelay $0x1  }
0x1a8: {  	v0 =	vadd.f32 v51, v0;
	_ =	sdelay $0x1  }
0x1a9: {  	[tilespmem:s17+$0x14C30] =	vst v0  }
0x1aa: {  	v0 =	vld [tilespmem:s26+$0x1300]  }
0x1ab: {  	v52 =	vld [tilespmem:s26+$0x1320];
	_ =	sdelay $0x1  }
0x1ac: {  	v53 =	vld [tilespmem:s26+$0x1340];
	_ =	sdelay $0x1  }
0x1ad: {  	v54 =	vld [tilespmem:s26+$0x1360]  }
0x1ae: {  	v0 =	vadd.f32 v52, v0;
	_ =	sdelay $0x1  }
0x1af: {  	v0 =	vadd.f32 v53, v0;
	_ =	sdelay $0x1  }
0x1b0: {  	v0 =	vadd.f32 v54, v0;
	_ =	sdelay $0x1  }
0x1b1: {  	[tilespmem:s17+$0x14C40] =	vst v0  }
0x1b2: {  	v0 =	vld [tilespmem:s26+$0x1310]  }
0x1b3: {  	v55 =	vld [tilespmem:s26+$0x1330];
	_ =	sdelay $0x1  }
0x1b4: {  	v56 =	vld [tilespmem:s26+$0x1350];
	_ =	sdelay $0x1  }
0x1b5: {  	v57 =	vld [tilespmem:s26+$0x1370]  }
0x1b6: {  	v0 =	vadd.f32 v55, v0;
	_ =	sdelay $0x1  }
0x1b7: {  	v0 =	vadd.f32 v56, v0;
	_ =	sdelay $0x1  }
0x1b8: {  	v0 =	vadd.f32 v57, v0;
	_ =	sdelay $0x1  }
0x1b9: {  	[tilespmem:s17+$0x14C50] =	vst v0  }
0x1ba: {  	v0 =	vld [tilespmem:s26+$0x1380]  }
0x1bb: {  	v58 =	vld [tilespmem:s26+$0x13A0];
	_ =	sdelay $0x1  }
0x1bc: {  	v59 =	vld [tilespmem:s26+$0x13C0];
	_ =	sdelay $0x1  }
0x1bd: {  	v60 =	vld [tilespmem:s26+$0x13E0]  }
0x1be: {  	v0 =	vadd.f32 v58, v0;
	_ =	sdelay $0x1  }
0x1bf: {  	v0 =	vadd.f32 v59, v0;
	_ =	sdelay $0x1  }
0x1c0: {  	v0 =	vadd.f32 v60, v0;
	_ =	sdelay $0x1  }
0x1c1: {  	[tilespmem:s17+$0x14C60] =	vst v0  }
0x1c2: {  	v0 =	vld [tilespmem:s26+$0x1390]  }
0x1c3: {  	v61 =	vld [tilespmem:s26+$0x13B0];
	_ =	sdelay $0x1  }
0x1c4: {  	v62 =	vld [tilespmem:s26+$0x13D0];
	_ =	sdelay $0x1  }
0x1c5: {  	v63 =	vld [tilespmem:s26+$0x13F0]  }
0x1c6: {  	v0 =	vadd.f32 v61, v0  }
0x1c7: {  	p1 =	sne.s32 s25, $0xF  }
.Ltmp0:
0x1c8: {  	v0 =	vadd.f32 v62, v0;
	(pc) =	sbr.rel @p1 .LBB2_3-.Ltmp0, $3  }
0x1c9: {  	_ = 	snop  }
0x1ca: {  	v0 =	vadd.f32 v63, v0;
	_ =	sdelay $0x1  }
0x1cb: {  	s25 =	sadd.s32 $0x1, s25;
	[tilespmem:s17+$0x14C70] =	vst v0  }
0x1cc: {  	s16 =	smul.u32 $0x520, s16  }
0x1cd: {  	_ =	swait.ge [sflag:s15], $0x100;
	s12 =	smul.u32 $0x500, s12  }
0x1ce: {  	s17 =	simm.s32 $0x14A00;
	[sflag:s15] =	ssyncset.done $0x0  }
0x1cf: {  	[sflag:s15] =	ssyncadd.s32 $0xFFFFFF00;
	s16 =	sadd.s32 s2, s16;
	s12 =	sshrl.u32 s12, $0x3  }
0x1d0: {  	[hbm4b:s16+s3] =	stream.linear.scatter [tilespmem:s17], [sflag:$0x5], $0x2900, $0x38;
	[tilespmem:$0x19C00] =	vst v63  }
0x1d1: {  	s12 =	sadd.s32 s4, s12  }
0x1d2: {  	s12 =	sadd.s32 $0x140, s12  }
0x1d3: {  	[tilespmem:s3], [sflag:$0x7] =	stream.linear.gather [hbm4b:s12+s3], $0x500, $0x38;
	[tilespmem:$0x19C00] =	vst v63  }
0x1d4: {  	_ =	swait.ge [sflag:s10], $0x500  }
0x1d5: {  	[sflag:s10] =	ssyncset.done $0x0  }
0x1d6: {  	s25 =	simm.s32 $0xA00;
	[sflag:s10] =	ssyncadd.s32 $0xFFFFFB00  }
0x1d7: {  	[tilespmem:s25], [sflag:$0x1] =	stream.indirect.gather [hbm4b:s6+s11], $0x20, s3, s11, $0xb8;
	[tilespmem:$0x19C00] =	vst v63  }
0x1d8: {  	s26 =	simm.s32 $0x1A00  }
0x1d9: {  	[tilespmem:s26], [sflag:$0x1] =	stream.indirect.gather [hbm4b:s6+s11], $0x20, s11, s11, $0xb8;
	[tilespmem:$0x19C00] =	vst v63  }
0x1da: {  	s16 =	simm.s32 $0x100;
	s17 =	simm.s32 $0x2A00  }
0x1db: {  	[tilespmem:s17], [sflag:$0x1] =	stream.indirect.gather [hbm4b:s6+s11], $0x20, s16, s11, $0xb8;
	[tilespmem:$0x19C00] =	vst v63  }
0x1dc: {  	s25 =	simm.s32 $0x180;
	s26 =	simm.s32 $0x3A00  }
0x1dd: {  	[tilespmem:s26], [sflag:$0x1] =	stream.indirect.gather [hbm4b:s6+s11], $0x20, s25, s11, $0xb8;
	[tilespmem:$0x19C00] =	vst v63  }
0x1de: {  	s16 =	simm.s32 $0x200;
	s17 =	simm.s32 $0x4A00  }
0x1df: {  	[tilespmem:s17], [sflag:$0x1] =	stream.indirect.gather [hbm4b:s6+s11], $0x20, s16, s11, $0xb8;
	[tilespmem:$0x19C00] =	vst v63  }
0x1e0: {  	s25 =	simm.s32 $0x280;
	s26 =	simm.s32 $0x5A00  }
0x1e1: {  	[tilespmem:s26], [sflag:$0x1] =	stream.indirect.gather [hbm4b:s6+s11], $0x20, s25, s11, $0xb8;
	[tilespmem:$0x19C00] =	vst v63  }
0x1e2: {  	s16 =	simm.s32 $0x300;
	s17 =	simm.s32 $0x6A00  }
0x1e3: {  	[tilespmem:s17], [sflag:$0x1] =	stream.indirect.gather [hbm4b:s6+s11], $0x20, s16, s11, $0xb8;
	[tilespmem:$0x19C00] =	vst v63  }
0x1e4: {  	s25 =	simm.s32 $0x380;
	s26 =	simm.s32 $0x7A00  }
0x1e5: {  	[tilespmem:s26], [sflag:$0x1] =	stream.indirect.gather [hbm4b:s6+s11], $0x20, s25, s11, $0xb8;
	[tilespmem:$0x19C00] =	vst v63  }
0x1e6: {  	s16 =	simm.s32 $0x400;
	s17 =	simm.s32 $0x8A00  }
0x1e7: {  	[tilespmem:s17], [sflag:$0x1] =	stream.indirect.gather [hbm4b:s6+s11], $0x20, s16, s11, $0xb8;
	[tilespmem:$0x19C00] =	vst v63  }
0x1e8: {  	s25 =	simm.s32 $0x480;
	s26 =	simm.s32 $0x9A00  }
0x1e9: {  	[tilespmem:s26], [sflag:$0x1] =	stream.indirect.gather [hbm4b:s6+s11], $0x20, s25, s11, $0xb8;
	[tilespmem:$0x19C00] =	vst v63  }
0x1ea: {  	_ =	swait.ge [sflag:s9], $0x1000  }
0x1eb: {  	[sflag:s9] =	ssyncset.done $0x0  }
0x1ec: {  	[sflag:s9] =	ssyncadd.s32 $0xFFFFF000  }
0x1ed: {  	_ =	swait.ge [sflag:s9], $0x1000  }
0x1ee: {  	[sflag:s9] =	ssyncset.done $0x0  }
0x1ef: {  	[sflag:s9] =	ssyncadd.s32 $0xFFFFF000  }
0x1f0: {  	_ =	swait.ge [sflag:s9], $0x1000  }
0x1f1: {  	[sflag:s9] =	ssyncset.done $0x0  }
0x1f2: {  	[sflag:s9] =	ssyncadd.s32 $0xFFFFF000  }
0x1f3: {  	_ =	swait.ge [sflag:s9], $0x1000  }
0x1f4: {  	[sflag:s9] =	ssyncset.done $0x0  }
0x1f5: {  	[sflag:s9] =	ssyncadd.s32 $0xFFFFF000  }
0x1f6: {  	_ =	swait.ge [sflag:s9], $0x1000  }
0x1f7: {  	[sflag:s9] =	ssyncset.done $0x0  }
0x1f8: {  	[sflag:s9] =	ssyncadd.s32 $0xFFFFF000  }
0x1f9: {  	_ =	swait.ge [sflag:s9], $0x1000  }
0x1fa: {  	[sflag:s9] =	ssyncset.done $0x0  }
0x1fb: {  	[sflag:s9] =	ssyncadd.s32 $0xFFFFF000  }
0x1fc: {  	_ =	swait.ge [sflag:s9], $0x1000  }
0x1fd: {  	[sflag:s9] =	ssyncset.done $0x0  }
0x1fe: {  	[sflag:s9] =	ssyncadd.s32 $0xFFFFF000  }
0x1ff: {  	_ =	swait.ge [sflag:s9], $0x1000  }
0x200: {  	[sflag:s9] =	ssyncset.done $0x0  }
0x201: {  	[sflag:s9] =	ssyncadd.s32 $0xFFFFF000  }
0x202: {  	_ =	swait.ge [sflag:s9], $0x1000  }
0x203: {  	[sflag:s9] =	ssyncset.done $0x0  }
0x204: {  	[sflag:s9] =	ssyncadd.s32 $0xFFFFF000  }
0x205: {  	_ =	swait.ge [sflag:s9], $0x1000  }
0x206: {  	[sflag:s9] =	ssyncset.done $0x0  }
0x207: {  	s12 =	simm.s32 @!p0 $0x6;
	[sflag:s9] =	ssyncadd.s32 $0xFFFFF000  }
0x208: {  	s17 =	sshll.u32 s24, $0x5;
	_ =	swait.ge @!p0 [sflag:s12], $0x2900  }
0x209: {  	s16 =	sand.u32 $0x1FFFFFE0, s17;
	s25 =	simm.s32 $0x17580;
	[sflag:s12] =	ssyncset.done @!p0 $0x0  }
0x20a: {  	[sflag:s12] =	ssyncadd.s32 @!p0 $0xFFFFD700;
	s12 =	sadd.s32 s5, s16;
	s16 =	simm.s32 $0x0  }
0x20b: {  	[tilespmem:s25], [sflag:$0x4] =	stream.linear.gather [hbm4b:s12+s16], $0x10, $0x38;
	[tilespmem:$0x19C00] =	vst v63  }
0x20c: {  	s26 =	sadd.s32 $0x2, s12;
	s25 =	simm.s32 $0x17810  }
0x20d: {  	[tilespmem:s25], [sflag:$0x4] =	stream.linear.gather [hbm4b:s26+s16], $0x10, $0x38;
	[tilespmem:$0x19C00] =	vst v63  }
0x20e: {  	s25 =	sadd.s32 $0x4, s12;
	s26 =	simm.s32 $0x17AA0  }
0x20f: {  	[tilespmem:s26], [sflag:$0x4] =	stream.linear.gather [hbm4b:s25+s16], $0x10, $0x38;
	[tilespmem:$0x19C00] =	vst v63  }
0x210: {  	s25 =	sadd.s32 $0x6, s12;
	s26 =	simm.s32 $0x17D30  }
0x211: {  	[tilespmem:s26], [sflag:$0x4] =	stream.linear.gather [hbm4b:s25+s16], $0x10, $0x38;
	[tilespmem:$0x19C00] =	vst v63  }
0x212: {  	s25 =	sadd.s32 $0x8, s12;
	s26 =	simm.s32 $0x17FC0  }
0x213: {  	[tilespmem:s26], [sflag:$0x4] =	stream.linear.gather [hbm4b:s25+s16], $0x10, $0x38;
	[tilespmem:$0x19C00] =	vst v63  }
0x214: {  	s25 =	sadd.s32 $0xA, s12;
	s26 =	simm.s32 $0x18250  }
0x215: {  	[tilespmem:s26], [sflag:$0x4] =	stream.linear.gather [hbm4b:s25+s16], $0x10, $0x38;
	[tilespmem:$0x19C00] =	vst v63  }
0x216: {  	s26 =	sadd.s32 $0xC, s12  }
0x217: {  	[tilespmem:s28], [sflag:$0x4] =	stream.linear.gather [hbm4b:s26+s16], $0x10, $0x38;
	[tilespmem:$0x19C00] =	vst v63  }
0x218: {  	s25 =	sadd.s32 $0xE, s12  }
0x219: {  	[tilespmem:s0], [sflag:$0x4] =	stream.linear.gather [hbm4b:s25+s16], $0x10, $0x38;
	[tilespmem:$0x19C00] =	vst v63  }
0x21a: {  	s26 =	sadd.s32 $0x10, s12  }
0x21b: {  	[tilespmem:s29], [sflag:$0x4] =	stream.linear.gather [hbm4b:s26+s16], $0x10, $0x38;
	[tilespmem:$0x19C00] =	vst v63  }
0x21c: {  	s25 =	sadd.s32 $0x12, s12  }
0x21d: {  	[tilespmem:s18], [sflag:$0x4] =	stream.linear.gather [hbm4b:s25+s16], $0x10, $0x38;
	[tilespmem:$0x19C00] =	vst v63  }
0x21e: {  	s26 =	sadd.s32 $0x14, s12  }
0x21f: {  	[tilespmem:s30], [sflag:$0x4] =	stream.linear.gather [hbm4b:s26+s16], $0x10, $0x38;
	[tilespmem:$0x19C00] =	vst v63  }
0x220: {  	s25 =	sadd.s32 $0x16, s12  }
0x221: {  	[tilespmem:s13], [sflag:$0x4] =	stream.linear.gather [hbm4b:s25+s16], $0x10, $0x38;
	[tilespmem:$0x19C00] =	vst v63  }
0x222: {  	s26 =	sadd.s32 $0x18, s12  }
0x223: {  	[tilespmem:s19], [sflag:$0x4] =	stream.linear.gather [hbm4b:s26+s16], $0x10, $0x38;
	[tilespmem:$0x19C00] =	vst v63  }
0x224: {  	s25 =	sadd.s32 $0x1A, s12  }
0x225: {  	[tilespmem:s20], [sflag:$0x4] =	stream.linear.gather [hbm4b:s25+s16], $0x10, $0x38;
	[tilespmem:$0x19C00] =	vst v63  }
0x226: {  	s26 =	sadd.s32 $0x1C, s12  }
0x227: {  	[tilespmem:s14], [sflag:$0x4] =	stream.linear.gather [hbm4b:s26+s16], $0x10, $0x38;
	[tilespmem:$0x19C00] =	vst v63  }
0x228: {  	s12 =	sadd.s32 $0x1E, s12  }
0x229: {  	[tilespmem:s21], [sflag:$0x4] =	stream.linear.gather [hbm4b:s12+s16], $0x10, $0x38;
	[tilespmem:$0x19C00] =	vst v63  }
.LBB2_5:
0x22a: {  	s12 =	smul.u32 $0x2800, s16;
	_ =	sdelay $0x1  }
0x22b: {  	s12 =	sshra.s32 s12, $0x2  }
0x22c: {  	v0 =	vld [tilespmem:s12+$0xAA00]  }
0x22d: {  	v1 =	vld [tilespmem:s12+$0xAA20];
	_ =	sdelay $0x1  }
0x22e: {  	v2 =	vld [tilespmem:s12+$0xAA40];
	_ =	sdelay $0x1  }
0x22f: {  	v3 =	vld [tilespmem:s12+$0xAA60]  }
0x230: {  	v0 =	vadd.f32 v1, v0;
	_ =	sdelay $0x1  }
0x231: {  	v0 =	vadd.f32 v2, v0  }
0x232: {  	s17 =	smul.u32 $0xA40, s16  }
0x233: {  	v0 =	vadd.f32 v3, v0  }
0x234: {  	s17 =	sshra.s32 s17, $0x2  }
0x235: {  	[tilespmem:s17+$0x17300] =	vst v0  }
0x236: {  	v0 =	vld [tilespmem:s12+$0xAA10]  }
0x237: {  	v63 =	vld [tilespmem:s12+$0xAA30];
	_ =	sdelay $0x1  }
0x238: {  	v6 =	vld [tilespmem:s12+$0xAA50];
	_ =	sdelay $0x1  }
0x239: {  	v7 =	vld [tilespmem:s12+$0xAA70]  }
0x23a: {  	v0 =	vadd.f32 v63, v0;
	_ =	sdelay $0x1  }
0x23b: {  	v0 =	vadd.f32 v6, v0;
	_ =	sdelay $0x1  }
0x23c: {  	v0 =	vadd.f32 v7, v0;
	_ =	sdelay $0x1  }
0x23d: {  	[tilespmem:s17+$0x17310] =	vst v0  }
0x23e: {  	v0 =	vld [tilespmem:s12+$0xAA80]  }
0x23f: {  	v8 =	vld [tilespmem:s12+$0xAAA0];
	_ =	sdelay $0x1  }
0x240: {  	v9 =	vld [tilespmem:s12+$0xAAC0];
	_ =	sdelay $0x1  }
0x241: {  	v10 =	vld [tilespmem:s12+$0xAAE0]  }
0x242: {  	v0 =	vadd.f32 v8, v0;
	_ =	sdelay $0x1  }
0x243: {  	v0 =	vadd.f32 v9, v0;
	_ =	sdelay $0x1  }
0x244: {  	v0 =	vadd.f32 v10, v0;
	_ =	sdelay $0x1  }
0x245: {  	[tilespmem:s17+$0x17320] =	vst v0  }
0x246: {  	v0 =	vld [tilespmem:s12+$0xAA90]  }
0x247: {  	v11 =	vld [tilespmem:s12+$0xAAB0];
	_ =	sdelay $0x1  }
0x248: {  	v12 =	vld [tilespmem:s12+$0xAAD0];
	_ =	sdelay $0x1  }
0x249: {  	v13 =	vld [tilespmem:s12+$0xAAF0]  }
0x24a: {  	v0 =	vadd.f32 v11, v0;
	_ =	sdelay $0x1  }
0x24b: {  	v0 =	vadd.f32 v12, v0;
	_ =	sdelay $0x1  }
0x24c: {  	v0 =	vadd.f32 v13, v0;
	_ =	sdelay $0x1  }
0x24d: {  	[tilespmem:s17+$0x17330] =	vst v0  }
0x24e: {  	v0 =	vld [tilespmem:s12+$0xAB00]  }
0x24f: {  	v14 =	vld [tilespmem:s12+$0xAB20];
	_ =	sdelay $0x1  }
0x250: {  	v15 =	vld [tilespmem:s12+$0xAB40];
	_ =	sdelay $0x1  }
0x251: {  	v16 =	vld [tilespmem:s12+$0xAB60]  }
0x252: {  	v0 =	vadd.f32 v14, v0;
	_ =	sdelay $0x1  }
0x253: {  	v0 =	vadd.f32 v15, v0;
	_ =	sdelay $0x1  }
0x254: {  	v0 =	vadd.f32 v16, v0;
	_ =	sdelay $0x1  }
0x255: {  	[tilespmem:s17+$0x17340] =	vst v0  }
0x256: {  	v0 =	vld [tilespmem:s12+$0xAB10]  }
0x257: {  	v17 =	vld [tilespmem:s12+$0xAB30];
	_ =	sdelay $0x1  }
0x258: {  	v18 =	vld [tilespmem:s12+$0xAB50];
	_ =	sdelay $0x1  }
0x259: {  	v19 =	vld [tilespmem:s12+$0xAB70]  }
0x25a: {  	v0 =	vadd.f32 v17, v0;
	_ =	sdelay $0x1  }
0x25b: {  	v0 =	vadd.f32 v18, v0;
	_ =	sdelay $0x1  }
0x25c: {  	v0 =	vadd.f32 v19, v0;
	_ =	sdelay $0x1  }
0x25d: {  	[tilespmem:s17+$0x17350] =	vst v0  }
0x25e: {  	v0 =	vld [tilespmem:s12+$0xAB80]  }
0x25f: {  	v20 =	vld [tilespmem:s12+$0xABA0];
	_ =	sdelay $0x1  }
0x260: {  	v21 =	vld [tilespmem:s12+$0xABC0];
	_ =	sdelay $0x1  }
0x261: {  	v22 =	vld [tilespmem:s12+$0xABE0]  }
0x262: {  	v0 =	vadd.f32 v20, v0;
	_ =	sdelay $0x1  }
0x263: {  	v0 =	vadd.f32 v21, v0;
	_ =	sdelay $0x1  }
0x264: {  	v0 =	vadd.f32 v22, v0;
	_ =	sdelay $0x1  }
0x265: {  	[tilespmem:s17+$0x17360] =	vst v0  }
0x266: {  	v0 =	vld [tilespmem:s12+$0xAB90]  }
0x267: {  	v23 =	vld [tilespmem:s12+$0xABB0];
	_ =	sdelay $0x1  }
0x268: {  	v24 =	vld [tilespmem:s12+$0xABD0];
	_ =	sdelay $0x1  }
0x269: {  	v25 =	vld [tilespmem:s12+$0xABF0]  }
0x26a: {  	v0 =	vadd.f32 v23, v0;
	_ =	sdelay $0x1  }
0x26b: {  	v0 =	vadd.f32 v24, v0;
	_ =	sdelay $0x1  }
0x26c: {  	v0 =	vadd.f32 v25, v0;
	_ =	sdelay $0x1  }
0x26d: {  	[tilespmem:s17+$0x17370] =	vst v0  }
0x26e: {  	v0 =	vld [tilespmem:s12+$0xAC00]  }
0x26f: {  	v26 =	vld [tilespmem:s12+$0xAC20];
	_ =	sdelay $0x1  }
0x270: {  	v27 =	vld [tilespmem:s12+$0xAC40];
	_ =	sdelay $0x1  }
0x271: {  	v28 =	vld [tilespmem:s12+$0xAC60]  }
0x272: {  	v0 =	vadd.f32 v26, v0;
	_ =	sdelay $0x1  }
0x273: {  	v0 =	vadd.f32 v27, v0;
	_ =	sdelay $0x1  }
0x274: {  	v0 =	vadd.f32 v28, v0;
	_ =	sdelay $0x1  }
0x275: {  	[tilespmem:s17+$0x17380] =	vst v0  }
0x276: {  	v0 =	vld [tilespmem:s12+$0xAC10]  }
0x277: {  	v29 =	vld [tilespmem:s12+$0xAC30];
	_ =	sdelay $0x1  }
0x278: {  	v30 =	vld [tilespmem:s12+$0xAC50];
	_ =	sdelay $0x1  }
0x279: {  	v31 =	vld [tilespmem:s12+$0xAC70]  }
0x27a: {  	v0 =	vadd.f32 v29, v0;
	_ =	sdelay $0x1  }
0x27b: {  	v0 =	vadd.f32 v30, v0;
	_ =	sdelay $0x1  }
0x27c: {  	v0 =	vadd.f32 v31, v0;
	_ =	sdelay $0x1  }
0x27d: {  	[tilespmem:s17+$0x17390] =	vst v0  }
0x27e: {  	v0 =	vld [tilespmem:s12+$0xAC80]  }
0x27f: {  	v32 =	vld [tilespmem:s12+$0xACA0];
	_ =	sdelay $0x1  }
0x280: {  	v33 =	vld [tilespmem:s12+$0xACC0];
	_ =	sdelay $0x1  }
0x281: {  	v34 =	vld [tilespmem:s12+$0xACE0]  }
0x282: {  	v0 =	vadd.f32 v32, v0;
	_ =	sdelay $0x1  }
0x283: {  	v0 =	vadd.f32 v33, v0;
	_ =	sdelay $0x1  }
0x284: {  	v0 =	vadd.f32 v34, v0;
	_ =	sdelay $0x1  }
0x285: {  	[tilespmem:s17+$0x173A0] =	vst v0  }
0x286: {  	v0 =	vld [tilespmem:s12+$0xAC90]  }
0x287: {  	v35 =	vld [tilespmem:s12+$0xACB0];
	_ =	sdelay $0x1  }
0x288: {  	v36 =	vld [tilespmem:s12+$0xACD0];
	_ =	sdelay $0x1  }
0x289: {  	v37 =	vld [tilespmem:s12+$0xACF0]  }
0x28a: {  	v0 =	vadd.f32 v35, v0;
	_ =	sdelay $0x1  }
0x28b: {  	v0 =	vadd.f32 v36, v0;
	_ =	sdelay $0x1  }
0x28c: {  	v0 =	vadd.f32 v37, v0;
	_ =	sdelay $0x1  }
0x28d: {  	[tilespmem:s17+$0x173B0] =	vst v0  }
0x28e: {  	v0 =	vld [tilespmem:s12+$0xAD00]  }
0x28f: {  	v38 =	vld [tilespmem:s12+$0xAD20];
	_ =	sdelay $0x1  }
0x290: {  	v39 =	vld [tilespmem:s12+$0xAD40];
	_ =	sdelay $0x1  }
0x291: {  	v40 =	vld [tilespmem:s12+$0xAD60]  }
0x292: {  	v0 =	vadd.f32 v38, v0;
	_ =	sdelay $0x1  }
0x293: {  	v0 =	vadd.f32 v39, v0;
	_ =	sdelay $0x1  }
0x294: {  	v0 =	vadd.f32 v40, v0;
	_ =	sdelay $0x1  }
0x295: {  	[tilespmem:s17+$0x173C0] =	vst v0  }
0x296: {  	v0 =	vld [tilespmem:s12+$0xAD10]  }
0x297: {  	v41 =	vld [tilespmem:s12+$0xAD30];
	_ =	sdelay $0x1  }
0x298: {  	v42 =	vld [tilespmem:s12+$0xAD50];
	_ =	sdelay $0x1  }
0x299: {  	v43 =	vld [tilespmem:s12+$0xAD70]  }
0x29a: {  	v0 =	vadd.f32 v41, v0;
	_ =	sdelay $0x1  }
0x29b: {  	v0 =	vadd.f32 v42, v0;
	_ =	sdelay $0x1  }
0x29c: {  	v0 =	vadd.f32 v43, v0;
	_ =	sdelay $0x1  }
0x29d: {  	[tilespmem:s17+$0x173D0] =	vst v0  }
0x29e: {  	v0 =	vld [tilespmem:s12+$0xAD80]  }
0x29f: {  	v44 =	vld [tilespmem:s12+$0xADA0];
	_ =	sdelay $0x1  }
0x2a0: {  	v45 =	vld [tilespmem:s12+$0xADC0];
	_ =	sdelay $0x1  }
0x2a1: {  	v46 =	vld [tilespmem:s12+$0xADE0]  }
0x2a2: {  	v0 =	vadd.f32 v44, v0;
	_ =	sdelay $0x1  }
0x2a3: {  	v0 =	vadd.f32 v45, v0;
	_ =	sdelay $0x1  }
0x2a4: {  	v0 =	vadd.f32 v46, v0;
	_ =	sdelay $0x1  }
0x2a5: {  	[tilespmem:s17+$0x173E0] =	vst v0  }
0x2a6: {  	v0 =	vld [tilespmem:s12+$0xAD90]  }
0x2a7: {  	v47 =	vld [tilespmem:s12+$0xADB0];
	_ =	sdelay $0x1  }
0x2a8: {  	v48 =	vld [tilespmem:s12+$0xADD0];
	_ =	sdelay $0x1  }
0x2a9: {  	v49 =	vld [tilespmem:s12+$0xADF0]  }
0x2aa: {  	v0 =	vadd.f32 v47, v0;
	_ =	sdelay $0x1  }
0x2ab: {  	v0 =	vadd.f32 v48, v0;
	_ =	sdelay $0x1  }
0x2ac: {  	v0 =	vadd.f32 v49, v0;
	_ =	sdelay $0x1  }
0x2ad: {  	[tilespmem:s17+$0x173F0] =	vst v0  }
0x2ae: {  	v0 =	vld [tilespmem:s12+$0xAE00]  }
0x2af: {  	v50 =	vld [tilespmem:s12+$0xAE20];
	_ =	sdelay $0x1  }
0x2b0: {  	v51 =	vld [tilespmem:s12+$0xAE40];
	_ =	sdelay $0x1  }
0x2b1: {  	v52 =	vld [tilespmem:s12+$0xAE60]  }
0x2b2: {  	v0 =	vadd.f32 v50, v0;
	_ =	sdelay $0x1  }
0x2b3: {  	v0 =	vadd.f32 v51, v0;
	_ =	sdelay $0x1  }
0x2b4: {  	v0 =	vadd.f32 v52, v0;
	_ =	sdelay $0x1  }
0x2b5: {  	[tilespmem:s17+$0x17400] =	vst v0  }
0x2b6: {  	v0 =	vld [tilespmem:s12+$0xAE10]  }
0x2b7: {  	v53 =	vld [tilespmem:s12+$0xAE30];
	_ =	sdelay $0x1  }
0x2b8: {  	v54 =	vld [tilespmem:s12+$0xAE50];
	_ =	sdelay $0x1  }
0x2b9: {  	v55 =	vld [tilespmem:s12+$0xAE70]  }
0x2ba: {  	v0 =	vadd.f32 v53, v0;
	_ =	sdelay $0x1  }
0x2bb: {  	v0 =	vadd.f32 v54, v0;
	_ =	sdelay $0x1  }
0x2bc: {  	v0 =	vadd.f32 v55, v0;
	_ =	sdelay $0x1  }
0x2bd: {  	[tilespmem:s17+$0x17410] =	vst v0  }
0x2be: {  	v0 =	vld [tilespmem:s12+$0xAE80]  }
0x2bf: {  	v56 =	vld [tilespmem:s12+$0xAEA0];
	_ =	sdelay $0x1  }
0x2c0: {  	v57 =	vld [tilespmem:s12+$0xAEC0];
	_ =	sdelay $0x1  }
0x2c1: {  	v58 =	vld [tilespmem:s12+$0xAEE0]  }
0x2c2: {  	v0 =	vadd.f32 v56, v0;
	_ =	sdelay $0x1  }
0x2c3: {  	v0 =	vadd.f32 v57, v0;
	_ =	sdelay $0x1  }
0x2c4: {  	v0 =	vadd.f32 v58, v0;
	_ =	sdelay $0x1  }
0x2c5: {  	[tilespmem:s17+$0x17420] =	vst v0  }
0x2c6: {  	v0 =	vld [tilespmem:s12+$0xAE90]  }
0x2c7: {  	v59 =	vld [tilespmem:s12+$0xAEB0];
	_ =	sdelay $0x1  }
0x2c8: {  	v60 =	vld [tilespmem:s12+$0xAED0];
	_ =	sdelay $0x1  }
0x2c9: {  	v61 =	vld [tilespmem:s12+$0xAEF0]  }
0x2ca: {  	v0 =	vadd.f32 v59, v0;
	_ =	sdelay $0x1  }
0x2cb: {  	v0 =	vadd.f32 v60, v0;
	_ =	sdelay $0x1  }
0x2cc: {  	v0 =	vadd.f32 v61, v0;
	_ =	sdelay $0x1  }
0x2cd: {  	[tilespmem:s17+$0x17430] =	vst v0  }
0x2ce: {  	v0 =	vld [tilespmem:s12+$0xAF00]  }
0x2cf: {  	v62 =	vld [tilespmem:s12+$0xAF20];
	_ =	sdelay $0x1  }
0x2d0: {  	v63 =	vld [tilespmem:s12+$0xAF40];
	_ =	sdelay $0x1  }
0x2d1: {  	v6 =	vld [tilespmem:s12+$0xAF60]  }
0x2d2: {  	v0 =	vadd.f32 v62, v0;
	_ =	sdelay $0x1  }
0x2d3: {  	v0 =	vadd.f32 v63, v0;
	_ =	sdelay $0x1  }
0x2d4: {  	v0 =	vadd.f32 v6, v0;
	_ =	sdelay $0x1  }
0x2d5: {  	[tilespmem:s17+$0x17440] =	vst v0  }
0x2d6: {  	v0 =	vld [tilespmem:s12+$0xAF10]  }
0x2d7: {  	v7 =	vld [tilespmem:s12+$0xAF30];
	_ =	sdelay $0x1  }
0x2d8: {  	v8 =	vld [tilespmem:s12+$0xAF50];
	_ =	sdelay $0x1  }
0x2d9: {  	v9 =	vld [tilespmem:s12+$0xAF70]  }
0x2da: {  	v0 =	vadd.f32 v7, v0;
	_ =	sdelay $0x1  }
0x2db: {  	v0 =	vadd.f32 v8, v0;
	_ =	sdelay $0x1  }
0x2dc: {  	v0 =	vadd.f32 v9, v0;
	_ =	sdelay $0x1  }
0x2dd: {  	[tilespmem:s17+$0x17450] =	vst v0  }
0x2de: {  	v0 =	vld [tilespmem:s12+$0xAF80]  }
0x2df: {  	v10 =	vld [tilespmem:s12+$0xAFA0];
	_ =	sdelay $0x1  }
0x2e0: {  	v11 =	vld [tilespmem:s12+$0xAFC0];
	_ =	sdelay $0x1  }
0x2e1: {  	v12 =	vld [tilespmem:s12+$0xAFE0]  }
0x2e2: {  	v0 =	vadd.f32 v10, v0;
	_ =	sdelay $0x1  }
0x2e3: {  	v0 =	vadd.f32 v11, v0;
	_ =	sdelay $0x1  }
0x2e4: {  	v0 =	vadd.f32 v12, v0;
	_ =	sdelay $0x1  }
0x2e5: {  	[tilespmem:s17+$0x17460] =	vst v0  }
0x2e6: {  	v0 =	vld [tilespmem:s12+$0xAF90]  }
0x2e7: {  	v13 =	vld [tilespmem:s12+$0xAFB0];
	_ =	sdelay $0x1  }
0x2e8: {  	v14 =	vld [tilespmem:s12+$0xAFD0];
	_ =	sdelay $0x1  }
0x2e9: {  	v15 =	vld [tilespmem:s12+$0xAFF0]  }
0x2ea: {  	v0 =	vadd.f32 v13, v0;
	_ =	sdelay $0x1  }
0x2eb: {  	v0 =	vadd.f32 v14, v0;
	_ =	sdelay $0x1  }
0x2ec: {  	v0 =	vadd.f32 v15, v0;
	_ =	sdelay $0x1  }
0x2ed: {  	[tilespmem:s17+$0x17470] =	vst v0  }
0x2ee: {  	v0 =	vld [tilespmem:s12+$0xB000]  }
0x2ef: {  	v16 =	vld [tilespmem:s12+$0xB020];
	_ =	sdelay $0x1  }
0x2f0: {  	v17 =	vld [tilespmem:s12+$0xB040];
	_ =	sdelay $0x1  }
0x2f1: {  	v18 =	vld [tilespmem:s12+$0xB060]  }
0x2f2: {  	v0 =	vadd.f32 v16, v0;
	_ =	sdelay $0x1  }
0x2f3: {  	v0 =	vadd.f32 v17, v0;
	_ =	sdelay $0x1  }
0x2f4: {  	v0 =	vadd.f32 v18, v0;
	_ =	sdelay $0x1  }
0x2f5: {  	[tilespmem:s17+$0x17480] =	vst v0  }
0x2f6: {  	v0 =	vld [tilespmem:s12+$0xB010]  }
0x2f7: {  	v19 =	vld [tilespmem:s12+$0xB030];
	_ =	sdelay $0x1  }
0x2f8: {  	v20 =	vld [tilespmem:s12+$0xB050];
	_ =	sdelay $0x1  }
0x2f9: {  	v21 =	vld [tilespmem:s12+$0xB070]  }
0x2fa: {  	v0 =	vadd.f32 v19, v0;
	_ =	sdelay $0x1  }
0x2fb: {  	v0 =	vadd.f32 v20, v0;
	_ =	sdelay $0x1  }
0x2fc: {  	v0 =	vadd.f32 v21, v0;
	_ =	sdelay $0x1  }
0x2fd: {  	[tilespmem:s17+$0x17490] =	vst v0  }
0x2fe: {  	v0 =	vld [tilespmem:s12+$0xB080]  }
0x2ff: {  	v22 =	vld [tilespmem:s12+$0xB0A0];
	_ =	sdelay $0x1  }
0x300: {  	v23 =	vld [tilespmem:s12+$0xB0C0];
	_ =	sdelay $0x1  }
0x301: {  	v24 =	vld [tilespmem:s12+$0xB0E0]  }
0x302: {  	v0 =	vadd.f32 v22, v0;
	_ =	sdelay $0x1  }
0x303: {  	v0 =	vadd.f32 v23, v0;
	_ =	sdelay $0x1  }
0x304: {  	v0 =	vadd.f32 v24, v0;
	_ =	sdelay $0x1  }
0x305: {  	[tilespmem:s17+$0x174A0] =	vst v0  }
0x306: {  	v0 =	vld [tilespmem:s12+$0xB090]  }
0x307: {  	v25 =	vld [tilespmem:s12+$0xB0B0];
	_ =	sdelay $0x1  }
0x308: {  	v26 =	vld [tilespmem:s12+$0xB0D0];
	_ =	sdelay $0x1  }
0x309: {  	v27 =	vld [tilespmem:s12+$0xB0F0]  }
0x30a: {  	v0 =	vadd.f32 v25, v0;
	_ =	sdelay $0x1  }
0x30b: {  	v0 =	vadd.f32 v26, v0;
	_ =	sdelay $0x1  }
0x30c: {  	v0 =	vadd.f32 v27, v0;
	_ =	sdelay $0x1  }
0x30d: {  	[tilespmem:s17+$0x174B0] =	vst v0  }
0x30e: {  	v0 =	vld [tilespmem:s12+$0xB100]  }
0x30f: {  	v28 =	vld [tilespmem:s12+$0xB120];
	_ =	sdelay $0x1  }
0x310: {  	v29 =	vld [tilespmem:s12+$0xB140];
	_ =	sdelay $0x1  }
0x311: {  	v30 =	vld [tilespmem:s12+$0xB160]  }
0x312: {  	v0 =	vadd.f32 v28, v0;
	_ =	sdelay $0x1  }
0x313: {  	v0 =	vadd.f32 v29, v0;
	_ =	sdelay $0x1  }
0x314: {  	v0 =	vadd.f32 v30, v0;
	_ =	sdelay $0x1  }
0x315: {  	[tilespmem:s17+$0x174C0] =	vst v0  }
0x316: {  	v0 =	vld [tilespmem:s12+$0xB110]  }
0x317: {  	v31 =	vld [tilespmem:s12+$0xB130];
	_ =	sdelay $0x1  }
0x318: {  	v32 =	vld [tilespmem:s12+$0xB150];
	_ =	sdelay $0x1  }
0x319: {  	v33 =	vld [tilespmem:s12+$0xB170]  }
0x31a: {  	v0 =	vadd.f32 v31, v0;
	_ =	sdelay $0x1  }
0x31b: {  	v0 =	vadd.f32 v32, v0;
	_ =	sdelay $0x1  }
0x31c: {  	v0 =	vadd.f32 v33, v0;
	_ =	sdelay $0x1  }
0x31d: {  	[tilespmem:s17+$0x174D0] =	vst v0  }
0x31e: {  	v0 =	vld [tilespmem:s12+$0xB180]  }
0x31f: {  	v34 =	vld [tilespmem:s12+$0xB1A0];
	_ =	sdelay $0x1  }
0x320: {  	v35 =	vld [tilespmem:s12+$0xB1C0];
	_ =	sdelay $0x1  }
0x321: {  	v36 =	vld [tilespmem:s12+$0xB1E0]  }
0x322: {  	v0 =	vadd.f32 v34, v0;
	_ =	sdelay $0x1  }
0x323: {  	v0 =	vadd.f32 v35, v0;
	_ =	sdelay $0x1  }
0x324: {  	v0 =	vadd.f32 v36, v0;
	_ =	sdelay $0x1  }
0x325: {  	[tilespmem:s17+$0x174E0] =	vst v0  }
0x326: {  	v0 =	vld [tilespmem:s12+$0xB190]  }
0x327: {  	v37 =	vld [tilespmem:s12+$0xB1B0];
	_ =	sdelay $0x1  }
0x328: {  	v38 =	vld [tilespmem:s12+$0xB1D0];
	_ =	sdelay $0x1  }
0x329: {  	v39 =	vld [tilespmem:s12+$0xB1F0]  }
0x32a: {  	v0 =	vadd.f32 v37, v0;
	_ =	sdelay $0x1  }
0x32b: {  	v0 =	vadd.f32 v38, v0;
	_ =	sdelay $0x1  }
0x32c: {  	v0 =	vadd.f32 v39, v0;
	_ =	sdelay $0x1  }
0x32d: {  	[tilespmem:s17+$0x174F0] =	vst v0  }
0x32e: {  	v0 =	vld [tilespmem:s12+$0xB200]  }
0x32f: {  	v40 =	vld [tilespmem:s12+$0xB220];
	_ =	sdelay $0x1  }
0x330: {  	v41 =	vld [tilespmem:s12+$0xB240];
	_ =	sdelay $0x1  }
0x331: {  	v42 =	vld [tilespmem:s12+$0xB260]  }
0x332: {  	v0 =	vadd.f32 v40, v0;
	_ =	sdelay $0x1  }
0x333: {  	v0 =	vadd.f32 v41, v0;
	_ =	sdelay $0x1  }
0x334: {  	v0 =	vadd.f32 v42, v0;
	_ =	sdelay $0x1  }
0x335: {  	[tilespmem:s17+$0x17500] =	vst v0  }
0x336: {  	v0 =	vld [tilespmem:s12+$0xB210]  }
0x337: {  	v43 =	vld [tilespmem:s12+$0xB230];
	_ =	sdelay $0x1  }
0x338: {  	v44 =	vld [tilespmem:s12+$0xB250];
	_ =	sdelay $0x1  }
0x339: {  	v45 =	vld [tilespmem:s12+$0xB270]  }
0x33a: {  	v0 =	vadd.f32 v43, v0;
	_ =	sdelay $0x1  }
0x33b: {  	v0 =	vadd.f32 v44, v0;
	_ =	sdelay $0x1  }
0x33c: {  	v0 =	vadd.f32 v45, v0;
	_ =	sdelay $0x1  }
0x33d: {  	[tilespmem:s17+$0x17510] =	vst v0  }
0x33e: {  	v0 =	vld [tilespmem:s12+$0xB280]  }
0x33f: {  	v46 =	vld [tilespmem:s12+$0xB2A0];
	_ =	sdelay $0x1  }
0x340: {  	v47 =	vld [tilespmem:s12+$0xB2C0];
	_ =	sdelay $0x1  }
0x341: {  	v48 =	vld [tilespmem:s12+$0xB2E0]  }
0x342: {  	v0 =	vadd.f32 v46, v0;
	_ =	sdelay $0x1  }
0x343: {  	v0 =	vadd.f32 v47, v0;
	_ =	sdelay $0x1  }
0x344: {  	v0 =	vadd.f32 v48, v0;
	_ =	sdelay $0x1  }
0x345: {  	[tilespmem:s17+$0x17520] =	vst v0  }
0x346: {  	v0 =	vld [tilespmem:s12+$0xB290]  }
0x347: {  	v49 =	vld [tilespmem:s12+$0xB2B0];
	_ =	sdelay $0x1  }
0x348: {  	v50 =	vld [tilespmem:s12+$0xB2D0];
	_ =	sdelay $0x1  }
0x349: {  	v51 =	vld [tilespmem:s12+$0xB2F0]  }
0x34a: {  	v0 =	vadd.f32 v49, v0;
	_ =	sdelay $0x1  }
0x34b: {  	v0 =	vadd.f32 v50, v0;
	_ =	sdelay $0x1  }
0x34c: {  	v0 =	vadd.f32 v51, v0;
	_ =	sdelay $0x1  }
0x34d: {  	[tilespmem:s17+$0x17530] =	vst v0  }
0x34e: {  	v0 =	vld [tilespmem:s12+$0xB300]  }
0x34f: {  	v52 =	vld [tilespmem:s12+$0xB320];
	_ =	sdelay $0x1  }
0x350: {  	v53 =	vld [tilespmem:s12+$0xB340];
	_ =	sdelay $0x1  }
0x351: {  	v54 =	vld [tilespmem:s12+$0xB360]  }
0x352: {  	v0 =	vadd.f32 v52, v0;
	_ =	sdelay $0x1  }
0x353: {  	v0 =	vadd.f32 v53, v0;
	_ =	sdelay $0x1  }
0x354: {  	v0 =	vadd.f32 v54, v0;
	_ =	sdelay $0x1  }
0x355: {  	[tilespmem:s17+$0x17540] =	vst v0  }
0x356: {  	v0 =	vld [tilespmem:s12+$0xB310]  }
0x357: {  	v55 =	vld [tilespmem:s12+$0xB330];
	_ =	sdelay $0x1  }
0x358: {  	v56 =	vld [tilespmem:s12+$0xB350];
	_ =	sdelay $0x1  }
0x359: {  	v57 =	vld [tilespmem:s12+$0xB370]  }
0x35a: {  	v0 =	vadd.f32 v55, v0;
	_ =	sdelay $0x1  }
0x35b: {  	v0 =	vadd.f32 v56, v0;
	_ =	sdelay $0x1  }
0x35c: {  	v0 =	vadd.f32 v57, v0;
	_ =	sdelay $0x1  }
0x35d: {  	[tilespmem:s17+$0x17550] =	vst v0  }
0x35e: {  	v0 =	vld [tilespmem:s12+$0xB380]  }
0x35f: {  	v58 =	vld [tilespmem:s12+$0xB3A0];
	_ =	sdelay $0x1  }
0x360: {  	v59 =	vld [tilespmem:s12+$0xB3C0];
	_ =	sdelay $0x1  }
0x361: {  	v60 =	vld [tilespmem:s12+$0xB3E0]  }
0x362: {  	v0 =	vadd.f32 v58, v0;
	_ =	sdelay $0x1  }
0x363: {  	v0 =	vadd.f32 v59, v0;
	_ =	sdelay $0x1  }
0x364: {  	v0 =	vadd.f32 v60, v0;
	_ =	sdelay $0x1  }
0x365: {  	[tilespmem:s17+$0x17560] =	vst v0  }
0x366: {  	v0 =	vld [tilespmem:s12+$0xB390]  }
0x367: {  	v61 =	vld [tilespmem:s12+$0xB3B0];
	_ =	sdelay $0x1  }
0x368: {  	v62 =	vld [tilespmem:s12+$0xB3D0];
	_ =	sdelay $0x1  }
0x369: {  	v63 =	vld [tilespmem:s12+$0xB3F0]  }
0x36a: {  	v0 =	vadd.f32 v61, v0  }
0x36b: {  	p0 =	sne.s32 s16, $0xF  }
.Ltmp1:
0x36c: {  	v0 =	vadd.f32 v62, v0;
	(pc) =	sbr.rel @p0 .LBB2_5-.Ltmp1, $3  }
0x36d: {  	_ = 	snop  }
0x36e: {  	v0 =	vadd.f32 v63, v0;
	_ =	sdelay $0x1  }
0x36f: {  	s16 =	sadd.s32 $0x1, s16;
	[tilespmem:s17+$0x17570] =	vst v0  }
0x370: {  	s23 =	sadd.s32 $0x1, s23  }
0x371: {  	p0 =	sne.s32 s23, $0x32  }
.Ltmp2:
0x372: {  	_ = 	snop;
	(pc) =	sbr.rel @p0 .LBB2_2-.Ltmp2, $4  }
0x373: {  	_ =	swait.ge [sflag:s8], $0x100;
	s12 =	smul.u32 $0x520, s24  }
0x374: {  	[sflag:s8] =	ssyncset.done $0x0  }
0x375: {  	[sflag:s8] =	ssyncadd.s32 $0xFFFFFF00;
	s12 =	sadd.s32 s2, s12  }
0x376: {  	[hbm4b:s12+s3] =	stream.linear.scatter [tilespmem:s22], [sflag:$0x6], $0x2900, $0x38;
	[tilespmem:$0x19C00] =	vst v63  }
0x377: {  	_ =	swait.ge [sflag:s1], $0x1000  }
0x378: {  	[sflag:s1] =	ssyncset.done $0x0  }
0x379: {  	[sflag:s1] =	ssyncadd.s32 $0xFFFFF000  }
0x37a: {  	_ =	swait.ge [sflag:s1], $0x1000  }
0x37b: {  	[sflag:s1] =	ssyncset.done $0x0  }
0x37c: {  	[sflag:s1] =	ssyncadd.s32 $0xFFFFF000  }
0x37d: {  	_ =	swait.ge [sflag:s1], $0x1000  }
0x37e: {  	[sflag:s1] =	ssyncset.done $0x0  }
0x37f: {  	[sflag:s1] =	ssyncadd.s32 $0xFFFFF000  }
0x380: {  	_ =	swait.ge [sflag:s1], $0x1000  }
0x381: {  	[sflag:s1] =	ssyncset.done $0x0  }
0x382: {  	[sflag:s1] =	ssyncadd.s32 $0xFFFFF000  }
0x383: {  	_ =	swait.ge [sflag:s1], $0x1000  }
0x384: {  	[sflag:s1] =	ssyncset.done $0x0  }
0x385: {  	[sflag:s1] =	ssyncadd.s32 $0xFFFFF000  }
0x386: {  	_ =	swait.ge [sflag:s1], $0x1000  }
0x387: {  	[sflag:s1] =	ssyncset.done $0x0  }
0x388: {  	[sflag:s1] =	ssyncadd.s32 $0xFFFFF000  }
0x389: {  	_ =	swait.ge [sflag:s1], $0x1000  }
0x38a: {  	[sflag:s1] =	ssyncset.done $0x0  }
0x38b: {  	[sflag:s1] =	ssyncadd.s32 $0xFFFFF000  }
0x38c: {  	_ =	swait.ge [sflag:s1], $0x1000  }
0x38d: {  	[sflag:s1] =	ssyncset.done $0x0  }
0x38e: {  	[sflag:s1] =	ssyncadd.s32 $0xFFFFF000  }
0x38f: {  	_ =	swait.ge [sflag:s1], $0x1000  }
0x390: {  	[sflag:s1] =	ssyncset.done $0x0  }
0x391: {  	[sflag:s1] =	ssyncadd.s32 $0xFFFFF000  }
0x392: {  	_ =	swait.ge [sflag:s1], $0x1000  }
0x393: {  	[sflag:s1] =	ssyncset.done $0x0  }
0x394: {  	s12 =	simm.s32 $0x5;
	[sflag:s1] =	ssyncadd.s32 $0xFFFFF000  }
0x395: {  	_ =	swait.ge [sflag:s12], $0x2900  }
0x396: {  	[sflag:s12] =	ssyncset.done $0x0  }
0x397: {  	s16 =	simm.s32 $0x6;
	[sflag:s12] =	ssyncadd.s32 $0xFFFFD700  }
0x398: {  	_ =	swait.ge [sflag:s16], $0x2900  }
0x399: {  	s17 =	rddreg [dreg:$0x5]  }
0x39a: {  	s26 =	rddreg [dreg:$0x4];
	s17 =	sadd.s32 $0x1, s17  }
0x39b: {  	p0 =	sne.s32 s17, s26  }
.Ltmp3:
0x39c: {  	_ = 	snop;
	(pc) =	sbr.rel @p0 .LBB2_1-.Ltmp3, $3  }
0x39d: {  	_ =	sdelay $0x1  }
0x39e: {  	[sflag:s16] =	ssyncset.done $0x0  }
0x39f: {  	[sflag:s16] =	ssyncadd.s32 $0xFFFFD700  }
0x3a0: {  	_ =	sfence.sel $0x180000  }
0x3a1: {  	[bflag:$0x0] =	sbarrier.arrive $0xFFFF  }
0x3a2: {  	_ =	strace $0x90000047  }
0x3a3: {  	s0 =	stileid.u32;
	[bflag:$0x2] =	sbarrier.arrive $0xFFFF  }
0x3a4: {  	p0 =	sne.s32 s0, $0x0;
	s0 =	rddreg [dreg:$0x2]  }
0x3a5: {  	s0 =	sadd.s32 @!p0 $0x100000, s0  }
0x3a6: {  	[sflag:s0] =	ssyncadd.tile.s32 @!p0 $0x1;
	_ =	shalt  }
.Lfunc_end2:
_tile_overlayer_lowered:
.L_overlay_start_2:
0x3a7: {  	(tag) =	ssettag $0x2  }
0x3a8: {  	s0 =	rddreg [dreg:$0x0];
	s2 =	stileid.u32  }
0x3a9: {  	s1 =	rddreg [dreg:$0x1];
	p0 =	sne.s32 s2, $0x0  }
0x3aa: {  	s3 =	rddreg [dreg:$0x2];
	[bflag:$0x3] =	sbarrier.arrive $0xFFFF;
	s2 =	simm.s32 @!p0 $0x1C07  }
0x3ab: {  	[timem:s3], [sflag:s2] =	dma.local @!p0 [hbm:s0], s1  }
0x3ac: {  	s0 =	simm.s32 @!p0 $0x7  }
0x3ad: {  	_ =	swait.ge @!p0 [sflag:s0], s1  }
0x3ae: {  	s1 =	ssub.s32 @!p0 $0x0, s1;
	[sflag:s0] =	ssyncset.done @!p0 $0x0  }
0x3af: {  	[sflag:s0] =	ssyncadd.s32 @!p0 s1  }
0x3b0: {  	[bflag:$0x3] =	sbarrier.arrive $0xFFFF  }
0x3b1: {  	_ =	shalt  }

// kernel: sparse-core-data-format-call.cloned.1.call-start
scs
called_computation_lowered:
.L_overlay_start_0:
0x0: {  	s2 =	sld [smem:$0x3FD9]  }
0x1: {  	s3 =	sld [smem:$0x3FFE];
	_ =	sdelay $0x1  }
0x2: {  	s1 =	srdreg.scid  }
0x3: {  	s0 =	sand.u32 $0x1, s1  }
0x4: {  	s18 =	sshll.u32 s0, $0xA;
	s2 =	sadd.s32 s3, s2  }
0x5: {  	s2 =	sadd.s32 s2, s18  }
0x6: {  	[smem:$0x3FC6] =	sst s2  }
0x7: {  	_ = 	snop  }
0x8: {  	s2 =	sld [smem:$0x3FD0];
	(tm) =	ssettm $0x1  }
0x9: {  	s19 =	sld [smem:$0x3FFB];
	_ =	sdelay $0x3  }
0xa: {  	_ =	strace s19  }
0xb: {  	s3 =	sld [smem:$0x3FFC];
	_ =	sdelay $0x3  }
0xc: {  	_ =	strace s3  }
0xd: {  	s3 =	sld [smem:$0x3FFD];
	_ =	sdelay $0x3  }
0xe: {  	_ =	strace s3  }
0xf: {  	_ =	strace $0x8FFFFFFF  }
0x10: {  	s20 =	sld [smem:$0x3FDB];
	_ =	sdelay $0x1  }
0x11: {  	s4 =	simm.s32 $_scs_section_size  }
0x12: {  	s5 =	simm.s32 $_size__tile_overlayer_lowered;
	s6 =	simm.s32 $_tile_overlayer_lowered  }
0x13: {  	s23 =	simm.s32 $0x1BFF;
	s22 =	sshll.u32 s6, $0x1;
	s3 =	sadd.s32 s4, s20  }
0x14: {  	s7 =	simm.s32 $0x0;
	s21 =	sshll.u32 s5, $0x1;
	s5 =	sadd.s32 s22, s3  }
0x15: {  	[timem:s7], [sflag:s23] =	dma.local [hbm:s5], s21  }
0x16: {  	_ =	swait.ge [sflag:s23], s21  }
0x17: {  	s4 =	ssub.s32 $0x0, s21;
	[sflag:s23] =	ssyncset.done $0x0  }
0x18: {  	[sflag:s23] =	ssyncadd.s32 s4;
	_ =	sdelay $0x1  }
0x19: {  	s24 =	simm.s32 $0x1B8B  }
0x1a: {  	_ =	swait.ge [sflag:s24], $0x1  }
0x1b: {  	[sflag:s24] =	ssyncset.done $0x0  }
0x1c: {  	s26 =	simm.s32 $0x1B8E;
	s25 =	sld [smem:$0x3FFE];
	[sflag:s24] =	ssyncadd.s32 $0xFFFFFFFF  }
0x1d: {  	s27 =	simm.s32 $execute0_lowered;
	[smem:$0x3FD2] =	sst s26  }
0x1e: {  	s5 =	sshll.u32 s27, $0x1;
	_ =	strace $0x80000049;
	[dreg:$0x1] =	wrdreg $0xFFFFFFFF  }
0x1f: {  	s28 =	simm.s32 $_size_execute0_lowered;
	s3 =	sadd.s32 s3, s5;
	[dreg:$0x0] =	wrdreg $0x0  }
0x20: {  	s5 =	sshll.u32 s28, $0x1;
	[dreg:$0x2] =	wrdreg s3  }
0x21: {  	[dreg:$0x3] =	wrdreg s5  }
0x22: {  	[dreg:$0x4] =	wrdreg $0xC0  }
0x23: {  	_ =	task [dreg:s7], $0x5FFFF  }
0x24: {  	[dreg:$0x1] =	wrdreg $0xFFFFFFFF  }
0x25: {  	[dreg:$0x0] =	wrdreg $0x60  }
0x26: {  	[dreg:$0x2] =	wrdreg s25  }
0x27: {  	[dreg:$0x3] =	wrdreg s2  }
0x28: {  	[dreg:$0x4] =	wrdreg $0x9  }
0x29: {  	_ =	task.clear_ibuf [dreg:s7], $0x5FFFF;
	_ =	strace $0x90000049  }
0x2a: {  	s29 =	simm.s32 $0x9;
	_ =	strace $0x8000004B  }
0x2b: {  	_ =	swait.ge [sflag:s29], $0x1  }
0x2c: {  	[sflag:s29] =	ssyncadd.s32 $0xFFFFFFFF  }
0x2d: {  	_ =	strace $0x9000004B  }
0x2e: {  	_ =	sfence  }
0x2f: {  	s30 =	sld [smem:$0x0];
	_ =	sdelay $0x2  }
0x30: {  	s31 =	sshll.u32 s1, $0xD;
	s1 =	sshrl.u32 s1, $0x2  }
0x31: {  	s3 =	sand.u32 $0x4000, s31;
	s1 =	sadd.s32 s1, s30  }
0x32: {  	s0 =	sor.u32 s3, s0;
	s1 =	sshll.u32 s1, $0x11  }
0x33: {  	s0 =	sor.u32 s1, s0  }
0x34: {  	s0 =	sadd.s32 $0x8F2B, s0  }
0x35: {  	[sflag:s0] =	ssyncadd.remote.s32 $0x1  }
0x36: {  	_ =	sfence.sel $0xFFFF  }
0x37: {  	[dreg:$0x0] =	wrdreg $0xFFFFFFFF;
	(pc) =	sbr.abs _section_cstart, $3  }
0x38: {  	[dreg:$0x1] =	wrdreg $0xFFFFFFFF  }
0x39: {  	_ =	task.clear_ibuf [dreg:s7], $0x2FFFF;
	_ =	strace $0x9FFFFFFF  }
0x3a: {  	(tm) =	ssettm $0x7FFFFFFF  }
0x3b: {  	_ =	shalt  }
tec
execute0_lowered:
.L_overlay_start_1:
0x0: {  	(tag) =	ssettag $0x1  }
0x1: {  	s0 =	stileid.u32  }
0x2: {  	s1 =	srdreg.scid;
	s7 =	rddreg [dreg:$0x0]  }
0x3: {  	s8 =	simm.s32 $0x2;
	s17 =	simm.s32 $0x0;
	s2 =	sshll.u32 s0, $0x7  }
0x4: {  	s9 =	simm.s32 $0x2000;
	s3 =	sshll.u32 s1, $0x4;
	s1 =	sand.u32 $0x380, s2  }
0x5: {  	s19 =	simm.s32 $0x0;
	s30 =	sand.u32 $0x10, s3;
	s31 =	ssub.s32 $0x400, s1  }
0x6: {  	s18 =	simm.s32 $0x0;
	s2 =	sor.u32 s0, s30;
	s4 =	sand.u32 $0x380, s31  }
0x7: {  	s2 =	sshrl.u32 s2, $0x3;
	p0 =	sne.s32 s4, $0x0;
	s4 =	simm.s32 $0x1  }
0x8: {  	s3 =	sshrl.u32 s31, $0xA;
	s5 =	ssub.s32 $0x35, s2;
	s4 =	simm.s32 @!p0 $0x0  }
0x9: {  	s10 =	simm.s32 $0x0;
	s5 =	sshrl.u32 s5, $0x2;
	s3 =	sadd.s32 s4, s3  }
0xa: {  	s11 =	simm.s32 $0x0;
	s12 =	simm.s32 $0x0;
	s6 =	smul.u32 s3, s5  }
.Ltmp0:
0xb: {  	s13 =	simm.s32 $0x0;
	s4 =	rddreg [dreg:$0x1];
	(pc) =	sbr.rel .LBB1_1-.Ltmp0, $4  }
0xc: {  	s16 =	simm.s32 $0x0;
	s7 =	sadd.s32 $0xC00, s7;
	s3 =	rddreg [dreg:$0x2]  }
0xd: {  	_ =	strace $0x8000004A;
	s5 =	simm.s32 $0x1;
	s6 =	smul.u32 $0x6, s6  }
0xe: {  	s15 =	smov.u32 s1;
	s14 =	smov.u32 s2;
	[sflag:s5] =	ssyncpa.u1 $0x0  }
0xf: {  	p0 =	por $0x0, $0x0;
	[sflag:s8] =	ssyncpa.u1 $0x0;
	s8 =	sor.u32 $0x1, s6  }
.LBB1_4:
0x10: {  	s25 =	sshll.u32 s10, $0xA;
	s24 =	sshra.s32 s24, $0x2;
	s26 =	sshll.u32 s12, $0x3  }
0x11: {  	p1 =	sgt.s32 s11, $0x31;
	s27 =	smov.u32 s11;
	s28 =	sshra.s32 s11, $0x1F  }
0x12: {  	p2 =	sgt.s32 s12, $0x380;
	s31 =	sshra.s32 s12, $0x1F;
	s25 =	sand.u32 $0xFFFFE000, s25  }
0x13: {  	s26 =	sand.u32 $0xFFFFFC00, s26;
	s27 =	simm.s32 @!p1 $0x31;
	s28 =	sand.u32 s28, s11  }
0x14: {  	[tilespmem:s22+$0x2040 ss:$0x81] =	vst.msk $0xffff, v4;
	s23 =	sadd.s32 s24, s23;
	s29 =	sadd.s32 s26, s25;
	s25 =	ssub.s32 s27, s28  }
0x15: {  	[tilespmem:s22+$0x2850 ss:$0x81] =	vst.msk $0xffff, v3;
	s27 =	smov.u32 s12;
	s28 =	smov.u32 s10;
	s26 =	sand.u32 s31, s12  }
0x16: {  	[tilespmem:s22+$0x3060 ss:$0x81] =	vst.msk $0xffff, v2;
	s24 =	sshrl.u32 s29, $0xA;
	s30 =	sadd.s32 $0xFFFFFFCF, s25;
	s27 =	simm.s32 @!p2 $0x380  }
0x17: {  	v5 =	vld [tilespmem:s21+$0xFFFFFFD0];
	[tilespmem:s22+$0x0 ss:$0x81] =	vst.msk $0xffff, v1;
	p2 =	sgt.s32 s10, $0x210;
	s29 =	sshra.s32 s10, $0x1F;
	s22 =	ssub.s32 $0x32, s25  }
0x18: {  	v58 =	vld [tilespmem:s21+$0xFFFFFFE0];
	p1 =	sgt.s32 s30, $0x0;
	s28 =	simm.s32 @!p2 $0x210;
	s29 =	sand.u32 s29, s10  }
0x19: {  	v59 =	vld [tilespmem:s21+$0xFFFFFFF0];
	s26 =	ssub.s32 s27, s26;
	s27 =	smulhi.u32 $0x63E707, s24;
	s28 =	ssub.s32 s28, s29  }
0x1a: {  	v60 =	vld [tilespmem:s21+$0x0];
	s30 =	sadd.s32 $0xFFFFFC80, s26;
	s25 =	ssub.s32 $0x400, s26;
	s22 =	simm.s32 @p1 $0x0  }
0x1b: {  	v61 =	vld [tilespmem:s21+$0x10];
	[tilespmem:s23+$0x3870 ss:$0x81] =	vst.msk $0xffff, v0;
	s29 =	sand.u32 $0x78, s12;
	p2 =	sgt.s32 s30, $0x7F;
	s31 =	sadd.s32 $0xFFFFFDF0, s28  }
0x1c: {  	v62 =	vld [tilespmem:s21+$0x20];
	[tilespmem:s23+$0x810 ss:$0x81] =	vst.msk $0xffff, v5;
	s27 =	smul.u32 $0x290, s27;
	s30 =	sshll.u32 s10, $0x7;
	s28 =	ssub.s32 $0x290, s28  }
0x1d: {  	v63 =	vld [tilespmem:s21+$0xFFFFFFC0];
	[tilespmem:s23+$0x1020 ss:$0x81] =	vst.msk $0xffff, v58;
	s25 =	simm.s32 @p2 $0x0;
	p1 =	sgt.s32 s31, $0x7F;
	s31 =	smul.u32 $0x14800, s11  }
0x1e: {  	[tilespmem:s23+$0x1830 ss:$0x81] =	vst.msk $0xffff, v59;
	s21 =	sand.u32 $0x380, s30;
	s22 =	smul.u32 s25, s22;
	s28 =	simm.s32 @p1 $0x0  }
0x1f: {  	[tilespmem:s23+$0x2040 ss:$0x81] =	vst.msk $0xffff, v60;
	s21 =	sor.u32 s29, s21;
	s24 =	ssub.s32 s24, s27;
	s29 =	sand.u32 $0x7, s12  }
0x20: {  	[tilespmem:s23+$0x2850 ss:$0x81] =	vst.msk $0xffff, v61;
	s21 =	sshrl.u32 s21, $0x3;
	s25 =	sadd.s32 s4, s31;
	s22 =	smul.u32 s28, s22  }
0x21: {  	[tilespmem:s23+$0x3060 ss:$0x81] =	vst.msk $0xffff, v62;
	s24 =	sshll.u32 s24, $0x7;
	s30 =	sshll.u32 s29, $0x12;
	s21 =	sadd.s32 s21, s25  }
0x22: {  	[tilespmem:s23+$0x0 ss:$0x81] =	vst.msk $0xffff, v63;
	s31 =	sor.u32 $0x400, s30;
	s21 =	sadd.s32 s24, s21;
	s22 =	sand.u32 $0x3FFFFFFF, s22  }
0x23: {  	[hbm4b:s21+s31] =	stream.strided.scatter [tilespmem:s20], [sflag:$0x2], s22, s9, s31, $0x20;
	[tilespmem:$0x10100] =	vst v63  }
.LBB1_5:
0x24: {  	p1 =	slt.u32 s16, $0x2  }
0x25: {  	p2 =	sgt.s32 @!p1 s19, $0x31  }
0x26: {  	s20 =	smov.u32 s19;
	s21 =	sshra.s32 @!p1 s19, $0x1F;
	p2 =	por !p2, p1  }
0x27: {  	s19 =	sand.u32 @!p1 s21, s19;
	s20 =	simm.s32 @p2 $0x31  }
0x28: {  	p3 =	sgt.s32 @!p1 s18, $0x380;
	s19 =	ssub.s32 @!p1 s20, s19  }
0x29: {  	p3 =	por !p3, p1;
	s21 =	sshra.s32 @!p1 s18, $0x1F;
	s20 =	sadd.s32 @!p1 $0xFFFFFFCF, s19  }
0x2a: {  	s19 =	ssub.s32 @!p1 $0x32, s19;
	p2 =	sgt.s32 @!p1 s20, $0x0;
	s20 =	smov.u32 s18  }
0x2b: {  	s18 =	sand.u32 @!p1 s21, s18;
	s20 =	simm.s32 @p3 $0x380;
	p3 =	sgt.s32 @!p1 s17, $0x210  }
0x2c: {  	s21 =	smov.u32 s17;
	p2 =	por !p2, p1;
	p3 =	por !p3, p1  }
0x2d: {  	s18 =	ssub.s32 @!p1 s20, s18;
	s20 =	sshra.s32 @!p1 s17, $0x1F;
	s19 =	simm.s32 @!p2 $0x0  }
0x2e: {  	s21 =	simm.s32 @p3 $0x210;
	s17 =	sand.u32 @!p1 s20, s17;
	s20 =	sadd.s32 @!p1 $0xFFFFFC80, s18  }
0x2f: {  	s18 =	ssub.s32 @!p1 $0x400, s18;
	s17 =	ssub.s32 @!p1 s21, s17;
	p2 =	sgt.s32 @!p1 s20, $0x7F  }
0x30: {  	s21 =	smov.u32 s14;
	s20 =	sadd.s32 @!p1 $0xFFFFFDF0, s17;
	p2 =	por !p2, p1  }
0x31: {  	s17 =	ssub.s32 @!p1 $0x290, s17;
	p3 =	sgt.s32 @!p1 s20, $0x7F;
	s18 =	simm.s32 @!p2 $0x0  }
0x32: {  	s20 =	sadd.s32 $0x80, s13;
	p2 =	por !p3, p1;
	s18 =	smul.u32 @!p1 s18, s19  }
0x33: {  	s19 =	sadd.s32 $0x4, s14;
	s17 =	simm.s32 @!p2 $0x0;
	p2 =	sgt.s32 s20, $0x28F  }
0x34: {  	s22 =	smov.u32 s15;
	s21 =	smov.u32 @p2 s19  }
0x35: {  	s17 =	smul.u32 @!p1 s17, s18;
	s18 =	sadd.s32 $0x400, s15;
	p3 =	sgt.s32 s21, $0x31  }
0x36: {  	p0 =	por !p0, !p0;
	s23 =	simm.s32 @!p1 $0x2;
	s22 =	smov.u32 @p3 s18  }
0x37: {  	s20 =	simm.s32 @p2 $0x0;
	s19 =	smov.u32 s11;
	p2 =	sgt.s32 s22, $0x3FF  }
0x38: {  	s11 =	smov.u32 s14;
	s22 =	smov.u32 @p2 s1;
	p2 =	sne.s32 s16, s8  }
.Ltmp1:
0x39: {  	s17 =	sand.u32 @!p1 $0x3FFFFFFF, s17;
	s21 =	smov.u32 @p3 s2;
	(pc) =	sbr.rel @!p2 .LBB1_6-.Ltmp1, $4  }
0x3a: {  	s18 =	smov.u32 s12;
	s12 =	smov.u32 s15;
	_ =	swait.ge @!p1 [sflag:s23], s17  }
0x3b: {  	s24 =	ssub.s32 @!p1 $0x0, s17;
	s17 =	smov.u32 s10;
	s10 =	smov.u32 s13  }
0x3c: {  	s13 =	smov.u32 s20;
	s14 =	smov.u32 s21;
	[sflag:s23] =	ssyncset.done @!p1 $0x0  }
0x3d: {  	s16 =	sadd.s32 $0x1, s16;
	[sflag:s23] =	ssyncadd.s32 @!p1 s24;
	s15 =	smov.u32 s22  }
.LBB1_1:
0x3e: {  	p1 =	sge.u32 s16, s6  }
0x3f: {  	s20 =	sshrl.u32 @!p1 s14, $0x3  }
0x40: {  	s21 =	sshll.u32 @!p1 s13, $0x3;
	s20 =	smul.u32 @!p1 $0x1800, s20  }
0x41: {  	s22 =	sshll.u32 @!p1 s14, $0x7;
	s21 =	sand.u32 @!p1 $0xFFFFFC00, s21  }
0x42: {  	s20 =	sadd.s32 @!p1 s20, s21;
	s21 =	sand.u32 @!p1 $0x380, s22  }
0x43: {  	s20 =	sor.u32 @!p1 s21, s20  }
0x44: {  	s21 =	sand.u32 @!p1 $0x7F, s13;
	s22 =	smulhi.u32 @!p1 $0xAAAAAAAB, s20  }
0x45: {  	s20 =	sor.u32 @!p1 s21, s20  }
0x46: {  	s21 =	smulhi.u32 @!p1 $0xAAAAAAAB, s20;
	s22 =	sshrl.u32 @!p1 s22, $0x9  }
0x47: {  	s23 =	smulhi.u32 @!p1 $0x4924925, s22;
	_ =	sdelay $0x1  }
0x48: {  	s21 =	sshrl.u32 @!p1 s21, $0x9;
	s23 =	smul.u32 @!p1 $0x38, s23  }
0x49: {  	s31 =	sadd.s32 $0xFFFFFFFF, s16;
	s21 =	smul.u32 @!p1 $0x300, s21  }
0x4a: {  	s24 =	sxor.u32 @!p1 $0xFFFFFFFF, s16;
	s22 =	ssub.s32 @!p1 s22, s23;
	s23 =	smul.u32 @!p1 $0x1500, s15  }
0x4b: {  	s24 =	sshll.u32 @!p1 s24, $0xE;
	s20 =	ssub.s32 @!p1 s20, s21;
	s21 =	smul.u32 @!p1 $0x60, s22  }
0x4c: {  	s22 =	sand.u32 @!p1 $0x4000, s24;
	s24 =	sand.u32 @!p1 $0x7, s20;
	s23 =	sadd.s32 @!p1 s7, s23  }
0x4d: {  	s20 =	sshrl.u32 @!p1 s20, $0x3;
	s21 =	sadd.s32 @!p1 s21, s23;
	s23 =	sshll.u32 @!p1 s24, $0x12  }
0x4e: {  	s20 =	sadd.s32 @!p1 s20, s21;
	s21 =	sor.u32 @!p1 $0x80, s23;
	s23 =	simm.s32 @!p1 $0xA800  }
0x4f: {  	[tilespmem:s22], [sflag:$0x1] =	stream.strided.gather @!p1 [hbm4b:s20+s21], $0x4000, s23, s21, $0x38;
	[tilespmem:$0x10100] =	vst v63  }
0x50: {  	p1 =	sge.u32 s31, s6  }
.Ltmp2:
0x51: {  	_ = 	snop;
	(pc) =	sbr.rel @p1 .LBB1_5-.Ltmp2, $1  }
0x52: {  	_ =	sdelay $0x3  }
0x53: {  	s20 =	simm.s32 $0x1  }
0x54: {  	_ =	swait.ge [sflag:s5], $0x4000;
	s20 =	simm.s32 @!p0 $0x0  }
0x55: {  	[sflag:s5] =	ssyncset.done $0x0;
	s21 =	sshll.u32 s20, $0xE  }
0x56: {  	[sflag:s5] =	ssyncadd.s32 $0xFFFFC000;
	s21 =	sor.u32 $0x40, s21  }
0x57: {  	s20 =	smul.u32 $0x10200, s20;
	v0 =	vld [tilespmem:s21+$0x30]  }
0x58: {  	v1 =	vld [tilespmem:s21+$0xFFFFFFD0]  }
0x59: {  	s20 =	sshrl.u32 s20, $0x2;
	v5 =	vld [tilespmem:s21+$0xFFFFFFE0]  }
0x5a: {  	v6 =	vld [tilespmem:s21+$0xFFFFFFF0];
	s23 =	sor.u32 $0x8000, s20  }
0x5b: {  	s31 =	sand.u32 $0x1, s16;
	v4 =	vld [tilespmem:s21+$0x0];
	s22 =	sadd.s32 $0x0, s23  }
0x5c: {  	v3 =	vld [tilespmem:s21+$0x10];
	s20 =	smul.u32 $0x10200, s31;
	[tilespmem:s22+$0x3870 ss:$0x81] =	vst.msk $0xffff, v0  }
0x5d: {  	v2 =	vld [tilespmem:s21+$0x20];
	[tilespmem:s22+$0x810 ss:$0x81] =	vst.msk $0xffff, v1  }
0x5e: {  	s20 =	sshrl.u32 s20, $0x2;
	v1 =	vld [tilespmem:s21+$0xFFFFFFC0];
	[tilespmem:s22+$0x1020 ss:$0x81] =	vst.msk $0xffff, v5;
	s21 =	sadd.s32 $0x80, s21  }
0x5f: {  	s24 =	simm.s32 $0x4;
	s25 =	simm.s32 $0x8;
	s20 =	sor.u32 $0x8000, s20;
	[tilespmem:s22+$0x1830 ss:$0x81] =	vst.msk $0xffff, v6;
	v0 =	vld [tilespmem:s21+$0x30]  }
.LBB1_3:
0x60: {  	p1 =	sne.s32 s25, $0x1FC;
	v5 =	vld [tilespmem:s21+$0xFFFFFFD0];
	[tilespmem:s22+$0x2040 ss:$0x81] =	vst.msk $0xffff, v4  }
0x61: {  	v6 =	vld [tilespmem:s21+$0xFFFFFFE0];
	[tilespmem:s22+$0x2850 ss:$0x81] =	vst.msk $0xffff, v3  }
0x62: {  	s26 =	sshra.s32 s24, $0x2;
	s24 =	smov.u32 s25;
	v7 =	vld [tilespmem:s21+$0xFFFFFFF0];
	[tilespmem:s22+$0x3060 ss:$0x81] =	vst.msk $0xffff, v2  }
.Ltmp3:
0x63: {  	v4 =	vld [tilespmem:s21+$0x0];
	[tilespmem:s22+$0x0 ss:$0x81] =	vst.msk $0xffff, v1;
	s22 =	sadd.s32 s26, s23;
	(pc) =	sbr.rel @p1 .LBB1_3-.Ltmp3, $4  }
0x64: {  	v3 =	vld [tilespmem:s21+$0x10];
	[tilespmem:s22+$0x3870 ss:$0x81] =	vst.msk $0xffff, v0  }
0x65: {  	[tilespmem:s22+$0x810 ss:$0x81] =	vst.msk $0xffff, v5;
	v2 =	vld [tilespmem:s21+$0x20]  }
0x66: {  	v1 =	vld [tilespmem:s21+$0xFFFFFFC0];
	[tilespmem:s22+$0x1020 ss:$0x81] =	vst.msk $0xffff, v6;
	s21 =	sadd.s32 $0x80, s21  }
0x67: {  	s25 =	sadd.s32 $0x4, s25;
	v0 =	vld [tilespmem:s21+$0x30];
	[tilespmem:s22+$0x1830 ss:$0x81] =	vst.msk $0xffff, v7  }
.Ltmp4:
0x68: {  	_ = 	snop;
	(pc) =	sbr.rel .LBB1_4-.Ltmp4, $1  }
0x69: {  	_ =	sdelay $0x3  }
.LBB1_6:
0x6a: {  	_ =	sfence.sel $0x180000  }
0x6b: {  	s1 =	simm.s32 $0x1;
	[bflag:$0x0] =	sbarrier.arrive $0xFFFF  }
0x6c: {  	s31 =	simm.s32 $0x2;
	[sflag:s1] =	ssyncpa.u1 $0x1  }
0x6d: {  	[sflag:s31] =	ssyncpa.u1 $0x1  }
0x6e: {  	p0 =	sne.s32 s0, $0x0;
	_ =	strace $0x9000004A  }
0x6f: {  	s0 =	sadd.s32 @!p0 $0x100000, s3;
	[bflag:$0x2] =	sbarrier.arrive $0xFFFF  }
0x70: {  	[sflag:s0] =	ssyncadd.tile.s32 @!p0 $0x1;
	_ =	shalt  }
.Lfunc_end1:
_tile_overlayer_lowered:
.L_overlay_start_2:
0x71: {  	(tag) =	ssettag $0x2  }
0x72: {  	s0 =	rddreg [dreg:$0x0];
	s2 =	stileid.u32  }
0x73: {  	s1 =	rddreg [dreg:$0x1];
	p0 =	sne.s32 s2, $0x0  }
0x74: {  	s3 =	rddreg [dreg:$0x2];
	[bflag:$0x3] =	sbarrier.arrive $0xFFFF;
	s2 =	simm.s32 @!p0 $0x1C01  }
0x75: {  	[timem:s3], [sflag:s2] =	dma.local @!p0 [hbm:s0], s1  }
0x76: {  	s0 =	simm.s32 @!p0 $0x1  }
0x77: {  	_ =	swait.ge @!p0 [sflag:s0], s1  }
0x78: {  	s1 =	ssub.s32 @!p0 $0x0, s1;
	[sflag:s0] =	ssyncset.done @!p0 $0x0  }
0x79: {  	[sflag:s0] =	ssyncadd.s32 @!p0 s1  }
0x7a: {  	[bflag:$0x3] =	sbarrier.arrive $0xFFFF  }
0x7b: {  	_ =	shalt  }

</sc_bundles>
